<compile_context>
chip_gen: v7x
topology: tpu7x:2x2x1
jax: 0.10.2.dev20260603
libtpu: 0.0.44.dev20260713+nightly
codegen_flags: <defaults>
</compile_context>

<pallas_src>
import functools

import jax
import jax.numpy as jnp
from jax import lax
from jax.experimental import pallas as pl
from jax.experimental.pallas import tpu as pltpu
from jax.experimental.pallas import tpu_sc as plsc

N = 10000
E = 320000
D = 128
DG = 16
NPAD = 10240
NC = 2
NS = 16
EPAD = 322560
CH = 80
TOTCH = EPAD // CH
NB = 3
CPW = 126
RPS = NPAD // NS


def _sc_agg_body(x, ei, zeros, ones16, zeros16, outs, sgi, dgi,
                 rows, zbuf, acc, acc_d, ones_v, dbuf,
                 sems, semi, semz, semd, *, with_deg):
    if with_deg:
        out, out_d = outs
    else:
        out = outs
    cid = lax.axis_index("c")
    sid = lax.axis_index("s")
    cb = (cid * NS + sid) * CPW
    ngrp = CPW // NB
    npair = CPW // (2 * NB)
    base_r = sid * RPS

    pltpu.sync_copy(ei.at[0, pl.ds(cb, NB)], sgi.at[0])
    pltpu.sync_copy(ei.at[1, pl.ds(cb, NB)], dgi.at[0])
    pltpu.make_async_copy(ei.at[0, pl.ds(cb + NB, NB)], sgi.at[1], semi).start()
    pltpu.make_async_copy(ei.at[1, pl.ds(cb + NB, NB)], dgi.at[1], semi).start()
    for b in range(NB):
        pltpu.make_async_copy(x.at[sgi.at[0, b]], rows[b], sems[b]).start()

    pltpu.sync_copy(zeros.at[pl.ds(0, 16)], zbuf)
    if with_deg:
        pltpu.sync_copy(ones16, ones_v)
        pltpu.sync_copy(zeros16, dbuf)
        for i in range(RPS // CH):
            r = base_r + i * CH
            pltpu.make_async_copy(dbuf, acc_d.at[pl.ds(r, CH)], semd).start()
    nz = RPS // 16
    for w in range(0, nz, 8):
        for i in range(w, w + 8):
            r = base_r + i * 16
            pltpu.make_async_copy(zbuf, acc.at[pl.ds(r, 16)], semz).start()
        for i in range(w, w + 8):
            r = base_r + i * 16
            pltpu.make_async_copy(zbuf, acc.at[pl.ds(r, 16)], semz).wait()
    if with_deg:
        for i in range(RPS // CH):
            r = base_r + i * CH
            pltpu.make_async_copy(dbuf, acc_d.at[pl.ds(r, CH)], semd).wait()
    plsc.subcore_barrier()

    def pair(p, carry):
        for sl in range(2):
            g = 2 * p + sl
            nsl = 1 - sl

            @pl.when(g + 1 < ngrp)
            def _():
                pltpu.make_async_copy(
                    ei.at[0, pl.ds(cb + (g + 1) * NB, NB)], sgi.at[nsl],
                    semi).wait()
                pltpu.make_async_copy(
                    ei.at[1, pl.ds(cb + (g + 1) * NB, NB)], dgi.at[nsl],
                    semi).wait()

            for b in range(NB):
                pltpu.make_async_copy(
                    x.at[sgi.at[sl, b]], rows[b], sems[b]).wait()
                pltpu.sync_copy(rows[b], acc.at[dgi.at[sl, b]], add=True)
                if with_deg:
                    pltpu.sync_copy(ones_v, acc_d.at[dgi.at[sl, b]],
                                    add=True)

                @pl.when(g + 1 < ngrp)
                def _():
                    pltpu.make_async_copy(
                        x.at[sgi.at[nsl, b]], rows[b], sems[b]).start()

            @pl.when(g + 2 < ngrp)
            def _():
                pltpu.make_async_copy(
                    ei.at[0, pl.ds(cb + (g + 2) * NB, NB)], sgi.at[sl],
                    semi).start()
                pltpu.make_async_copy(
                    ei.at[1, pl.ds(cb + (g + 2) * NB, NB)], dgi.at[sl],
                    semi).start()

        return carry

    lax.fori_loop(0, npair, pair, 0)
    plsc.subcore_barrier()

    nwb = RPS // CH
    for i in range(nwb):
        b = i % NB
        if i >= NB:
            pltpu.make_async_copy(
                rows[b], out.at[cid, pl.ds(base_r + (i - NB) * CH, CH)],
                sems[b]).wait()
        pltpu.sync_copy(acc.at[pl.ds(base_r + i * CH, CH)], rows[b])
        pltpu.make_async_copy(
            rows[b], out.at[cid, pl.ds(base_r + i * CH, CH)],
            sems[b]).start()
    if with_deg:
        dbs = (dbuf, ones_v)
        dsems = (semd, semz)
        for i in range(nwb):
            b = i % 2
            if i >= 2:
                pltpu.make_async_copy(
                    dbs[b], out_d.at[cid, pl.ds(base_r + (i - 2) * CH, CH)],
                    dsems[b]).wait()
            pltpu.sync_copy(acc_d.at[pl.ds(base_r + i * CH, CH)], dbs[b])
            pltpu.make_async_copy(
                dbs[b], out_d.at[cid, pl.ds(base_r + i * CH, CH)],
                dsems[b]).start()
        for i in range(nwb - 2, nwb):
            b = i % 2
            pltpu.make_async_copy(
                dbs[b], out_d.at[cid, pl.ds(base_r + i * CH, CH)],
                dsems[b]).wait()
    for i in range(nwb - NB, nwb):
        b = i % NB
        pltpu.make_async_copy(
            rows[b], out.at[cid, pl.ds(base_r + i * CH, CH)],
            sems[b]).wait()


def _sc_agg_body_deg(x, ei, zeros, ones16, zeros16, out, out_d, sgi,
                     dgi, *rest):
    rows, zbuf, acc, acc_d, ones_v, dbuf = rest[:NB], rest[NB], rest[NB + 1], rest[NB + 2], rest[NB + 3], rest[NB + 4]
    sems, semi, semz, semd = rest[NB + 5:2 * NB + 5], rest[2 * NB + 5], rest[2 * NB + 6], rest[2 * NB + 7]
    _sc_agg_body(x, ei, zeros, ones16, zeros16, (out, out_d), sgi,
                 dgi, rows, zbuf, acc, acc_d, ones_v, dbuf,
                 sems, semi, semz, semd, with_deg=True)


def _sc_agg_body_nodeg(x, ei, zeros, out, sgi, dgi, *rest):
    rows, zbuf, acc = rest[:NB], rest[NB], rest[NB + 1]
    sems, semi, semz = rest[NB + 2:2 * NB + 2], rest[2 * NB + 2], rest[2 * NB + 3]
    _sc_agg_body(x, ei, zeros, None, None, out, sgi, dgi, rows,
                 zbuf, acc, None, None, None, sems, semi, semz, None,
                 with_deg=False)


_sc_agg_deg = functools.partial(
    pl.kernel,
    mesh=plsc.VectorSubcoreMesh(core_axis_name="c", subcore_axis_name="s"),
    out_type=(jax.ShapeDtypeStruct((NC, NPAD, D), jnp.float32),
              jax.ShapeDtypeStruct((NC, NPAD, DG), jnp.float32)),
    scratch_types=[
        pltpu.VMEM((2, NB, CH), jnp.int32),
        pltpu.VMEM((2, NB, CH), jnp.int32),
    ] + [pltpu.VMEM((CH, D), jnp.float32) for _ in range(NB)] + [
        pltpu.VMEM((16, D), jnp.float32),
        pltpu.VMEM_SHARED((NPAD, D), jnp.float32),
        pltpu.VMEM_SHARED((NPAD, DG), jnp.float32),
        pltpu.VMEM((CH, DG), jnp.float32),
        pltpu.VMEM((CH, DG), jnp.float32),
    ] + [pltpu.SemaphoreType.DMA for _ in range(NB + 3)],
    compiler_params=pltpu.CompilerParams(use_tc_tiling_on_sc=False),
)(_sc_agg_body_deg)

_sc_agg_nodeg = functools.partial(
    pl.kernel,
    mesh=plsc.VectorSubcoreMesh(core_axis_name="c", subcore_axis_name="s"),
    out_type=jax.ShapeDtypeStruct((NC, NPAD, D), jnp.float32),
    scratch_types=[
        pltpu.VMEM((2, NB, CH), jnp.int32),
        pltpu.VMEM((2, NB, CH), jnp.int32),
    ] + [pltpu.VMEM((CH, D), jnp.float32) for _ in range(NB)] + [
        pltpu.VMEM((16, D), jnp.float32),
        pltpu.VMEM_SHARED((NPAD, D), jnp.float32),
    ] + [pltpu.SemaphoreType.DMA for _ in range(NB + 2)],
    compiler_params=pltpu.CompilerParams(use_tc_tiling_on_sc=False),
)(_sc_agg_body_nodeg)


def _self_body(x_ref, b_ref, bias_ref, out_ref):
    out_ref[:] = jnp.dot(
        x_ref[:], b_ref[:], preferred_element_type=jnp.float32) + bias_ref[:]


def _self_matmul(x, b_w, bias):
    br = 1000
    return pl.pallas_call(
        _self_body,
        grid=(N // br,),
        in_specs=[
            pl.BlockSpec((br, D), lambda i: (i, 0)),
            pl.BlockSpec((D, D), lambda i: (0, 0)),
            pl.BlockSpec((1, D), lambda i: (0, 0)),
        ],
        out_specs=pl.BlockSpec((br, D), lambda i: (i, 0)),
        out_shape=jax.ShapeDtypeStruct((N, D), jnp.float32),
    )(x, b_w, bias)


def _comb_body(sums_ref, degs_ref, self_ref, a_ref, out_ref, *, relu):
    s = sums_ref[0] + sums_ref[1]
    deg = jnp.maximum(degs_ref[0, :, :1] + degs_ref[1, :, :1], 1.0)
    y = jnp.dot(s / deg, a_ref[:], preferred_element_type=jnp.float32)
    y = y + self_ref[:]
    if relu:
        y = jnp.maximum(y, 0.0)
    out_ref[:] = y


def _dense_layer(sums, degs, x_self, a_w, relu):
    br = 1000
    return pl.pallas_call(
        functools.partial(_comb_body, relu=relu),
        grid=(N // br,),
        in_specs=[
            pl.BlockSpec((NC, br, D), lambda i: (0, i, 0)),
            pl.BlockSpec((NC, br, DG), lambda i: (0, i, 0)),
            pl.BlockSpec((br, D), lambda i: (i, 0)),
            pl.BlockSpec((D, D), lambda i: (0, 0)),
        ],
        out_specs=pl.BlockSpec((br, D), lambda i: (i, 0)),
        out_shape=jax.ShapeDtypeStruct((N, D), jnp.float32),
    )(sums, degs, x_self, a_w)


def kernel(x, edge_index, W0l, W0r, b0, bn_gamma, bn_beta, bn_mean, bn_var, W1l, W1r, b1):
    g = bn_gamma / jnp.sqrt(bn_var + 1e-5)
    c = bn_beta - bn_mean * g
    a0 = W0l.T * g
    b0w = W0r.T * g
    bias0 = (b0 * g + c)[None, :]
    a1 = W1l.T
    b1w = W1r.T
    bias1 = b1[None, :]

    zeros = jnp.zeros((CH, D), jnp.float32)
    ones16 = jnp.ones((CH, DG), jnp.float32)
    zeros16 = jnp.zeros((CH, DG), jnp.float32)

    pad_e = EPAD - E
    pad_src = jnp.arange(pad_e, dtype=jnp.int32) % N
    pad_dst = N + (jnp.arange(pad_e, dtype=jnp.int32) % (NPAD - N))
    ei = jnp.concatenate(
        [edge_index, jnp.stack([pad_src, pad_dst])], axis=1
    ).reshape(2, TOTCH, CH)

    self0 = _self_matmul(x, b0w, bias0)
    sums0, degs = _sc_agg_deg(x, ei, zeros, ones16, zeros16)
    h = _dense_layer(sums0, degs, self0, a0, relu=True)
    self1 = _self_matmul(h, b1w, bias1)
    sums1 = _sc_agg_nodeg(h, ei, zeros)
    logit = _dense_layer(sums1, degs, self1, a1, relu=False)

    return (logit, h)

# --- scband reference (transcript-rebuilt; emitter-appended) ---
"""Pipeline reference for scband-sage-33182917328949 (READ-ONLY COPY).

The authoritative reference and input builder live on the scoring server;
editing this copy changes nothing except your own understanding.
"""

import jax, jax.numpy as jnp
import numpy as np

N = 10000
E = 320000
D_IN = 128
D_HID = 128
D_OUT = 128
BN_EPS = 1e-5


def setup_inputs(seed: int = 0) -> dict:
    key = jax.random.key(seed)
    ks = jax.random.split(key, 12)
    x = jax.random.normal(ks[0], (N, D_IN), dtype=jnp.float32)
    edge_index = jax.random.randint(ks[1], (2, E), 0, N, dtype=jnp.int32)
    s0 = 1.0 / np.sqrt(D_IN)
    s1 = 1.0 / np.sqrt(D_HID)
    return {
        "x": x,
        "edge_index": edge_index,
        "W0l": jax.random.uniform(ks[2], (D_HID, D_IN), jnp.float32, -s0, s0),
        "W0r": jax.random.uniform(ks[3], (D_HID, D_IN), jnp.float32, -s0, s0),
        "b0": jax.random.uniform(ks[4], (D_HID,), jnp.float32, -s0, s0),
        "bn_gamma": jnp.ones((D_HID,), jnp.float32),
        "bn_beta": jnp.zeros((D_HID,), jnp.float32),
        "bn_mean": jnp.zeros((D_HID,), jnp.float32),
        "bn_var": jnp.ones((D_HID,), jnp.float32),
        "W1l": jax.random.uniform(ks[5], (D_OUT, D_HID), jnp.float32, -s1, s1),
        "W1r": jax.random.uniform(ks[6], (D_OUT, D_HID), jnp.float32, -s1, s1),
        "b1": jax.random.uniform(ks[7], (D_OUT,), jnp.float32, -s1, s1),
    }


def _sage_conv(x, edge_index, Wl, Wr, b):
    # PyG SAGEConv with mean aggregation:
    #   out = lin_l(mean_{j in N(i)} x_j) + lin_r(x_i)
    src = edge_index[0]
    dst = edge_index[1]
    msg = jnp.take(x, src, axis=0)                      # gather [E, d]
    agg = jax.ops.segment_sum(msg, dst, num_segments=N)  # scatter-add [N, d]
    deg = jax.ops.segment_sum(jnp.ones((msg.shape[0],), x.dtype), dst, num_segments=N)
    agg = agg / jnp.maximum(deg, 1.0)[:, None]
    return agg @ Wl.T + b + x @ Wr.T


def reference(x, edge_index, W0l, W0r, b0, bn_gamma, bn_beta, bn_mean, bn_var, W1l, W1r, b1):
    # Layer 0: SAGEConv -> BatchNorm1d (eval mode, running stats) -> ReLU -> dropout (eval: identity)
    h = _sage_conv(x, edge_index, W0l, W0r, b0)
    h = (h - bn_mean) / jnp.sqrt(bn_var + BN_EPS) * bn_gamma + bn_beta
    h = jax.nn.relu(h)
    # Layer 1: SAGEConv -> logits
    logit = _sage_conv(h, edge_index, W1l, W1r, b1)
    return (logit, h)

if __name__ == "__main__":
    import jax
    _d = setup_inputs()
    print(jax.jit(kernel)(*tuple(_d.values())))

</pallas_src>

<mosaic_0001>
#map = affine_map<(d0, d1) -> (0, 0)>
#map1 = affine_map<(d0, d1) -> (0, 0, 0)>
module attributes {stable_mosaic.version = 14 : i64} {
  func.func @_sc_agg_body_nodeg(%arg0: i32, %arg1: i32, %arg2: memref<10000x128xf32, #tpu.memory_space<hbm>>, %arg3: memref<2x4032x80xi32, #tpu.memory_space<hbm>>, %arg4: memref<80x128xf32, #tpu.memory_space<hbm>>, %arg5: memref<2x10240x128xf32, #tpu.memory_space<hbm>>, %arg6: memref<2x3x80xi32, #tpu.memory_space<vmem>>, %arg7: memref<2x3x80xi32, #tpu.memory_space<vmem>>, %arg8: memref<80x128xf32, #tpu.memory_space<vmem>>, %arg9: memref<80x128xf32, #tpu.memory_space<vmem>>, %arg10: memref<80x128xf32, #tpu.memory_space<vmem>>, %arg11: memref<16x128xf32, #tpu.memory_space<vmem>>, %arg12: memref<10240x128xf32, #tpu.memory_space<vmem_shared>>, %arg13: memref<!tpu.dma_semaphore, #tpu.memory_space<semaphore_mem>>, %arg14: memref<!tpu.dma_semaphore, #tpu.memory_space<semaphore_mem>>, %arg15: memref<!tpu.dma_semaphore, #tpu.memory_space<semaphore_mem>>, %arg16: memref<!tpu.dma_semaphore, #tpu.memory_space<semaphore_mem>>, %arg17: memref<!tpu.dma_semaphore, #tpu.memory_space<semaphore_mem>>) attributes {dimension_semantics = [#tpu.dimension_semantics<core_parallel>, #tpu.dimension_semantics<subcore_parallel>], iteration_bounds = array<i64: 2, 16>, scalar_prefetch = 0 : i64, scratch_operands = 12 : i64, tpu.core_type = #tpu.core_type<sc_vector_subcore>, window_params = [{transform_indices = #map}, {transform_indices = #map1}, {transform_indices = #map}, {transform_indices = #map1}]} {
    %mul3A = arith.constant 16 : i32
    %mul3A_0 = arith.muli %arg0, %mul3A : i32
    %add3A = arith.addi %mul3A_0, %arg1 : i32
    %mul3A_1 = arith.constant 126 : i32
    %mul3A_2 = arith.muli %add3A, %mul3A_1 : i32
    %mul3A_3 = arith.constant 640 : i32
    %mul3A_4 = arith.muli %arg1, %mul3A_3 : i32
    %run_scoped3A = arith.constant 0 : i32
    %run_scoped3A_5 = arith.constant 0 : i32
    "tpu.region"() ({
      %run_scoped3A_696 = tpu.sem_alloc : memref<!tpu.dma_semaphore, #tpu.memory_space<semaphore_mem>>
      %dma_start3A_697 = arith.constant 0 : i32
      %dma_start3A_698 = arith.constant 0 : i32
      %dma_start3A_699 = tpu.memref_slice %arg6[%run_scoped3A_5, %dma_start3A_697, %dma_start3A_698] : memref<2x3x80xi32, #tpu.memory_space<vmem>> -> memref<1x3x80xi32, #tpu.memory_space<vmem>>
      %dma_start3A_700 = tpu.memref_squeeze %dma_start3A_699 : memref<1x3x80xi32, #tpu.memory_space<vmem>> -> memref<3x80xi32, #tpu.memory_space<vmem>>
      %dma_start3A_701 = arith.constant 0 : i32
      %dma_start3A_702 = tpu.memref_slice %arg3[%run_scoped3A, %mul3A_2, %dma_start3A_701] : memref<2x4032x80xi32, #tpu.memory_space<hbm>> -> memref<1x3x80xi32, #tpu.memory_space<hbm>>
      %dma_start3A_703 = tpu.memref_squeeze %dma_start3A_702 : memref<1x3x80xi32, #tpu.memory_space<hbm>> -> memref<3x80xi32, #tpu.memory_space<hbm>>
      %dma_start3A_704 = arith.constant 0 : i32
      %dma_start3A_705 = arith.constant 0 : i32
      %dma_start3A_706 = tpu.memref_slice %arg6[%run_scoped3A_5, %dma_start3A_704, %dma_start3A_705] : memref<2x3x80xi32, #tpu.memory_space<vmem>> -> memref<1x3x80xi32, #tpu.memory_space<vmem>>
      %dma_start3A_707 = tpu.memref_squeeze %dma_start3A_706 : memref<1x3x80xi32, #tpu.memory_space<vmem>> -> memref<3x80xi32, #tpu.memory_space<vmem>>
      %dma_start3A_708 = arith.constant 0 : i32
      %dma_start3A_709 = tpu.memref_slice %arg3[%run_scoped3A, %mul3A_2, %dma_start3A_708] : memref<2x4032x80xi32, #tpu.memory_space<hbm>> -> memref<1x3x80xi32, #tpu.memory_space<hbm>>
      %dma_start3A_710 = tpu.memref_squeeze %dma_start3A_709 : memref<1x3x80xi32, #tpu.memory_space<hbm>> -> memref<3x80xi32, #tpu.memory_space<hbm>>
      tpu.enqueue_dma source(%dma_start3A_710 : memref<3x80xi32, #tpu.memory_space<hbm>>) target(%dma_start3A_707 : memref<3x80xi32, #tpu.memory_space<vmem>>) target_semaphore(%run_scoped3A_696 : memref<!tpu.dma_semaphore, #tpu.memory_space<semaphore_mem>>)
      %dma_wait3A_711 = arith.constant 0 : i32
      %dma_wait3A_712 = arith.constant 0 : i32
      %dma_wait3A_713 = tpu.memref_slice %arg6[%run_scoped3A_5, %dma_wait3A_711, %dma_wait3A_712] : memref<2x3x80xi32, #tpu.memory_space<vmem>> -> memref<1x3x80xi32, #tpu.memory_space<vmem>>
      %dma_wait3A_714 = tpu.memref_squeeze %dma_wait3A_713 : memref<1x3x80xi32, #tpu.memory_space<vmem>> -> memref<3x80xi32, #tpu.memory_space<vmem>>
      %dma_wait3A_715 = arith.constant 0 : i32
      %dma_wait3A_716 = tpu.memref_slice %arg3[%run_scoped3A, %mul3A_2, %dma_wait3A_715] : memref<2x4032x80xi32, #tpu.memory_space<hbm>> -> memref<1x3x80xi32, #tpu.memory_space<hbm>>
      %dma_wait3A_717 = tpu.memref_squeeze %dma_wait3A_716 : memref<1x3x80xi32, #tpu.memory_space<hbm>> -> memref<3x80xi32, #tpu.memory_space<hbm>>
      %dma_wait3A_718 = arith.constant 0 : i32
      %dma_wait3A_719 = arith.constant 0 : i32
      %dma_wait3A_720 = tpu.memref_slice %arg6[%run_scoped3A_5, %dma_wait3A_718, %dma_wait3A_719] : memref<2x3x80xi32, #tpu.memory_space<vmem>> -> memref<1x3x80xi32, #tpu.memory_space<vmem>>
      %dma_wait3A_721 = tpu.memref_squeeze %dma_wait3A_720 : memref<1x3x80xi32, #tpu.memory_space<vmem>> -> memref<3x80xi32, #tpu.memory_space<vmem>>
      %dma_wait3A_722 = arith.constant 0 : i32
      %dma_wait3A_723 = tpu.memref_slice %arg3[%run_scoped3A, %mul3A_2, %dma_wait3A_722] : memref<2x4032x80xi32, #tpu.memory_space<hbm>> -> memref<1x3x80xi32, #tpu.memory_space<hbm>>
      %dma_wait3A_724 = tpu.memref_squeeze %dma_wait3A_723 : memref<1x3x80xi32, #tpu.memory_space<hbm>> -> memref<3x80xi32, #tpu.memory_space<hbm>>
      tpu.wait_dma2 semaphore(%run_scoped3A_696 : memref<!tpu.dma_semaphore, #tpu.memory_space<semaphore_mem>>) src(%dma_wait3A_724 : memref<3x80xi32, #tpu.memory_space<hbm>>) dst(%dma_wait3A_721 : memref<3x80xi32, #tpu.memory_space<vmem>>)
      tpu.yield
    }) : () -> ()
    %run_scoped3A_6 = arith.constant 1 : i32
    %run_scoped3A_7 = arith.constant 0 : i32
    "tpu.region"() ({
      %run_scoped3A_696 = tpu.sem_alloc : memref<!tpu.dma_semaphore, #tpu.memory_space<semaphore_mem>>
      %dma_start3A_697 = arith.constant 0 : i32
      %dma_start3A_698 = arith.constant 0 : i32
      %dma_start3A_699 = tpu.memref_slice %arg7[%run_scoped3A_7, %dma_start3A_697, %dma_start3A_698] : memref<2x3x80xi32, #tpu.memory_space<vmem>> -> memref<1x3x80xi32, #tpu.memory_space<vmem>>
      %dma_start3A_700 = tpu.memref_squeeze %dma_start3A_699 : memref<1x3x80xi32, #tpu.memory_space<vmem>> -> memref<3x80xi32, #tpu.memory_space<vmem>>
      %dma_start3A_701 = arith.constant 0 : i32
      %dma_start3A_702 = tpu.memref_slice %arg3[%run_scoped3A_6, %mul3A_2, %dma_start3A_701] : memref<2x4032x80xi32, #tpu.memory_space<hbm>> -> memref<1x3x80xi32, #tpu.memory_space<hbm>>
      %dma_start3A_703 = tpu.memref_squeeze %dma_start3A_702 : memref<1x3x80xi32, #tpu.memory_space<hbm>> -> memref<3x80xi32, #tpu.memory_space<hbm>>
      %dma_start3A_704 = arith.constant 0 : i32
      %dma_start3A_705 = arith.constant 0 : i32
      %dma_start3A_706 = tpu.memref_slice %arg7[%run_scoped3A_7, %dma_start3A_704, %dma_start3A_705] : memref<2x3x80xi32, #tpu.memory_space<vmem>> -> memref<1x3x80xi32, #tpu.memory_space<vmem>>
      %dma_start3A_707 = tpu.memref_squeeze %dma_start3A_706 : memref<1x3x80xi32, #tpu.memory_space<vmem>> -> memref<3x80xi32, #tpu.memory_space<vmem>>
      %dma_start3A_708 = arith.constant 0 : i32
      %dma_start3A_709 = tpu.memref_slice %arg3[%run_scoped3A_6, %mul3A_2, %dma_start3A_708] : memref<2x4032x80xi32, #tpu.memory_space<hbm>> -> memref<1x3x80xi32, #tpu.memory_space<hbm>>
      %dma_start3A_710 = tpu.memref_squeeze %dma_start3A_709 : memref<1x3x80xi32, #tpu.memory_space<hbm>> -> memref<3x80xi32, #tpu.memory_space<hbm>>
      tpu.enqueue_dma source(%dma_start3A_710 : memref<3x80xi32, #tpu.memory_space<hbm>>) target(%dma_start3A_707 : memref<3x80xi32, #tpu.memory_space<vmem>>) target_semaphore(%run_scoped3A_696 : memref<!tpu.dma_semaphore, #tpu.memory_space<semaphore_mem>>)
      %dma_wait3A_711 = arith.constant 0 : i32
      %dma_wait3A_712 = arith.constant 0 : i32
      %dma_wait3A_713 = tpu.memref_slice %arg7[%run_scoped3A_7, %dma_wait3A_711, %dma_wait3A_712] : memref<2x3x80xi32, #tpu.memory_space<vmem>> -> memref<1x3x80xi32, #tpu.memory_space<vmem>>
      %dma_wait3A_714 = tpu.memref_squeeze %dma_wait3A_713 : memref<1x3x80xi32, #tpu.memory_space<vmem>> -> memref<3x80xi32, #tpu.memory_space<vmem>>
      %dma_wait3A_715 = arith.constant 0 : i32
      %dma_wait3A_716 = tpu.memref_slice %arg3[%run_scoped3A_6, %mul3A_2, %dma_wait3A_715] : memref<2x4032x80xi32, #tpu.memory_space<hbm>> -> memref<1x3x80xi32, #tpu.memory_space<hbm>>
      %dma_wait3A_717 = tpu.memref_squeeze %dma_wait3A_716 : memref<1x3x80xi32, #tpu.memory_space<hbm>> -> memref<3x80xi32, #tpu.memory_space<hbm>>
      %dma_wait3A_718 = arith.constant 0 : i32
      %dma_wait3A_719 = arith.constant 0 : i32
      %dma_wait3A_720 = tpu.memref_slice %arg7[%run_scoped3A_7, %dma_wait3A_718, %dma_wait3A_719] : memref<2x3x80xi32, #tpu.memory_space<vmem>> -> memref<1x3x80xi32, #tpu.memory_space<vmem>>
      %dma_wait3A_721 = tpu.memref_squeeze %dma_wait3A_720 : memref<1x3x80xi32, #tpu.memory_space<vmem>> -> memref<3x80xi32, #tpu.memory_space<vmem>>
      %dma_wait3A_722 = arith.constant 0 : i32
      %dma_wait3A_723 = tpu.memref_slice %arg3[%run_scoped3A_6, %mul3A_2, %dma_wait3A_722] : memref<2x4032x80xi32, #tpu.memory_space<hbm>> -> memref<1x3x80xi32, #tpu.memory_space<hbm>>
      %dma_wait3A_724 = tpu.memref_squeeze %dma_wait3A_723 : memref<1x3x80xi32, #tpu.memory_space<hbm>> -> memref<3x80xi32, #tpu.memory_space<hbm>>
      tpu.wait_dma2 semaphore(%run_scoped3A_696 : memref<!tpu.dma_semaphore, #tpu.memory_space<semaphore_mem>>) src(%dma_wait3A_724 : memref<3x80xi32, #tpu.memory_space<hbm>>) dst(%dma_wait3A_721 : memref<3x80xi32, #tpu.memory_space<vmem>>)
      tpu.yield
    }) : () -> ()
    %add3A_8 = arith.constant 3 : i32
    %add3A_9 = arith.addi %mul3A_2, %add3A_8 : i32
    %dma_start3A = arith.constant 0 : i32
    %dma_start3A_10 = arith.constant 1 : i32
    %dma_start3A_11 = arith.constant 0 : i32
    %dma_start3A_12 = arith.constant 0 : i32
    %dma_start3A_13 = tpu.memref_slice %arg6[%dma_start3A_10, %dma_start3A_11, %dma_start3A_12] : memref<2x3x80xi32, #tpu.memory_space<vmem>> -> memref<1x3x80xi32, #tpu.memory_space<vmem>>
    %dma_start3A_14 = tpu.memref_squeeze %dma_start3A_13 : memref<1x3x80xi32, #tpu.memory_space<vmem>> -> memref<3x80xi32, #tpu.memory_space<vmem>>
    %dma_start3A_15 = arith.constant 0 : i32
    %dma_start3A_16 = tpu.memref_slice %arg3[%dma_start3A, %add3A_9, %dma_start3A_15] : memref<2x4032x80xi32, #tpu.memory_space<hbm>> -> memref<1x3x80xi32, #tpu.memory_space<hbm>>
    %dma_start3A_17 = tpu.memref_squeeze %dma_start3A_16 : memref<1x3x80xi32, #tpu.memory_space<hbm>> -> memref<3x80xi32, #tpu.memory_space<hbm>>
    %dma_start3A_18 = arith.constant 0 : i32
    %dma_start3A_19 = arith.constant 0 : i32
    %dma_start3A_20 = tpu.memref_slice %arg6[%dma_start3A_10, %dma_start3A_18, %dma_start3A_19] : memref<2x3x80xi32, #tpu.memory_space<vmem>> -> memref<1x3x80xi32, #tpu.memory_space<vmem>>
    %dma_start3A_21 = tpu.memref_squeeze %dma_start3A_20 : memref<1x3x80xi32, #tpu.memory_space<vmem>> -> memref<3x80xi32, #tpu.memory_space<vmem>>
    %dma_start3A_22 = arith.constant 0 : i32
    %dma_start3A_23 = tpu.memref_slice %arg3[%dma_start3A, %add3A_9, %dma_start3A_22] : memref<2x4032x80xi32, #tpu.memory_space<hbm>> -> memref<1x3x80xi32, #tpu.memory_space<hbm>>
    %dma_start3A_24 = tpu.memref_squeeze %dma_start3A_23 : memref<1x3x80xi32, #tpu.memory_space<hbm>> -> memref<3x80xi32, #tpu.memory_space<hbm>>
    tpu.enqueue_dma source(%dma_start3A_24 : memref<3x80xi32, #tpu.memory_space<hbm>>) target(%dma_start3A_21 : memref<3x80xi32, #tpu.memory_space<vmem>>) target_semaphore(%arg16 : memref<!tpu.dma_semaphore, #tpu.memory_space<semaphore_mem>>)
    %add3A_25 = arith.constant 3 : i32
    %add3A_26 = arith.addi %mul3A_2, %add3A_25 : i32
    %dma_start3A_27 = arith.constant 1 : i32
    %dma_start3A_28 = arith.constant 1 : i32
    %dma_start3A_29 = arith.constant 0 : i32
    %dma_start3A_30 = arith.constant 0 : i32
    %dma_start3A_31 = tpu.memref_slice %arg7[%dma_start3A_28, %dma_start3A_29, %dma_start3A_30] : memref<2x3x80xi32, #tpu.memory_space<vmem>> -> memref<1x3x80xi32, #tpu.memory_space<vmem>>
    %dma_start3A_32 = tpu.memref_squeeze %dma_start3A_31 : memref<1x3x80xi32, #tpu.memory_space<vmem>> -> memref<3x80xi32, #tpu.memory_space<vmem>>
    %dma_start3A_33 = arith.constant 0 : i32
    %dma_start3A_34 = tpu.memref_slice %arg3[%dma_start3A_27, %add3A_26, %dma_start3A_33] : memref<2x4032x80xi32, #tpu.memory_space<hbm>> -> memref<1x3x80xi32, #tpu.memory_space<hbm>>
    %dma_start3A_35 = tpu.memref_squeeze %dma_start3A_34 : memref<1x3x80xi32, #tpu.memory_space<hbm>> -> memref<3x80xi32, #tpu.memory_space<hbm>>
    %dma_start3A_36 = arith.constant 0 : i32
    %dma_start3A_37 = arith.constant 0 : i32
    %dma_start3A_38 = tpu.memref_slice %arg7[%dma_start3A_28, %dma_start3A_36, %dma_start3A_37] : memref<2x3x80xi32, #tpu.memory_space<vmem>> -> memref<1x3x80xi32, #tpu.memory_space<vmem>>
    %dma_start3A_39 = tpu.memref_squeeze %dma_start3A_38 : memref<1x3x80xi32, #tpu.memory_space<vmem>> -> memref<3x80xi32, #tpu.memory_space<vmem>>
    %dma_start3A_40 = arith.constant 0 : i32
    %dma_start3A_41 = tpu.memref_slice %arg3[%dma_start3A_27, %add3A_26, %dma_start3A_40] : memref<2x4032x80xi32, #tpu.memory_space<hbm>> -> memref<1x3x80xi32, #tpu.memory_space<hbm>>
    %dma_start3A_42 = tpu.memref_squeeze %dma_start3A_41 : memref<1x3x80xi32, #tpu.memory_space<hbm>> -> memref<3x80xi32, #tpu.memory_space<hbm>>
    tpu.enqueue_dma source(%dma_start3A_42 : memref<3x80xi32, #tpu.memory_space<hbm>>) target(%dma_start3A_39 : memref<3x80xi32, #tpu.memory_space<vmem>>) target_semaphore(%arg16 : memref<!tpu.dma_semaphore, #tpu.memory_space<semaphore_mem>>)
    %dma_start3A_43 = arith.constant 0 : i32
    %dma_start3A_44 = arith.constant 0 : i32
    %dma_start3A_45 = arith.constant 0 : i32
    %dma_start3A_46 = tpu.memref_slice %arg6[%dma_start3A_43, %dma_start3A_44, %dma_start3A_45] : memref<2x3x80xi32, #tpu.memory_space<vmem>> -> memref<1x1x80xi32, #tpu.memory_space<vmem>>
    %dma_start3A_47 = tpu.memref_squeeze %dma_start3A_46 : memref<1x1x80xi32, #tpu.memory_space<vmem>> -> memref<80xi32, #tpu.memory_space<vmem>>
    %dma_start3A_48 = arith.constant 0 : i32
    %dma_start3A_49 = arith.constant 0 : i32
    %dma_start3A_50 = tpu.memref_slice %arg2[%dma_start3A_48, %dma_start3A_49] : memref<10000x128xf32, #tpu.memory_space<hbm>> -> memref<10000x128xf32, #tpu.memory_space<hbm>>
    tpu.enqueue_indirect_dma source(%dma_start3A_50 : memref<10000x128xf32, #tpu.memory_space<hbm>>) target(%arg8 : memref<80x128xf32, #tpu.memory_space<vmem>>) offsets(%dma_start3A_47 : memref<80xi32, #tpu.memory_space<vmem>>) semaphore(%arg13 : memref<!tpu.dma_semaphore, #tpu.memory_space<semaphore_mem>>)
    %dma_start3A_51 = arith.constant 0 : i32
    %dma_start3A_52 = arith.constant 1 : i32
    %dma_start3A_53 = arith.constant 0 : i32
    %dma_start3A_54 = tpu.memref_slice %arg6[%dma_start3A_51, %dma_start3A_52, %dma_start3A_53] : memref<2x3x80xi32, #tpu.memory_space<vmem>> -> memref<1x1x80xi32, #tpu.memory_space<vmem>>
    %dma_start3A_55 = tpu.memref_squeeze %dma_start3A_54 : memref<1x1x80xi32, #tpu.memory_space<vmem>> -> memref<80xi32, #tpu.memory_space<vmem>>
    %dma_start3A_56 = arith.constant 0 : i32
    %dma_start3A_57 = arith.constant 0 : i32
    %dma_start3A_58 = tpu.memref_slice %arg2[%dma_start3A_56, %dma_start3A_57] : memref<10000x128xf32, #tpu.memory_space<hbm>> -> memref<10000x128xf32, #tpu.memory_space<hbm>>
    tpu.enqueue_indirect_dma source(%dma_start3A_58 : memref<10000x128xf32, #tpu.memory_space<hbm>>) target(%arg9 : memref<80x128xf32, #tpu.memory_space<vmem>>) offsets(%dma_start3A_55 : memref<80xi32, #tpu.memory_space<vmem>>) semaphore(%arg14 : memref<!tpu.dma_semaphore, #tpu.memory_space<semaphore_mem>>)
    %dma_start3A_59 = arith.constant 0 : i32
    %dma_start3A_60 = arith.constant 2 : i32
    %dma_start3A_61 = arith.constant 0 : i32
    %dma_start3A_62 = tpu.memref_slice %arg6[%dma_start3A_59, %dma_start3A_60, %dma_start3A_61] : memref<2x3x80xi32, #tpu.memory_space<vmem>> -> memref<1x1x80xi32, #tpu.memory_space<vmem>>
    %dma_start3A_63 = tpu.memref_squeeze %dma_start3A_62 : memref<1x1x80xi32, #tpu.memory_space<vmem>> -> memref<80xi32, #tpu.memory_space<vmem>>
    %dma_start3A_64 = arith.constant 0 : i32
    %dma_start3A_65 = arith.constant 0 : i32
    %dma_start3A_66 = tpu.memref_slice %arg2[%dma_start3A_64, %dma_start3A_65] : memref<10000x128xf32, #tpu.memory_space<hbm>> -> memref<10000x128xf32, #tpu.memory_space<hbm>>
    tpu.enqueue_indirect_dma source(%dma_start3A_66 : memref<10000x128xf32, #tpu.memory_space<hbm>>) target(%arg10 : memref<80x128xf32, #tpu.memory_space<vmem>>) offsets(%dma_start3A_63 : memref<80xi32, #tpu.memory_space<vmem>>) semaphore(%arg15 : memref<!tpu.dma_semaphore, #tpu.memory_space<semaphore_mem>>)
    "tpu.region"() ({
      %run_scoped3A_696 = tpu.sem_alloc : memref<!tpu.dma_semaphore, #tpu.memory_space<semaphore_mem>>
      %dma_start3A_697 = arith.constant 0 : i32
      %dma_start3A_698 = arith.constant 0 : i32
      %dma_start3A_699 = tpu.memref_slice %arg4[%dma_start3A_697, %dma_start3A_698] : memref<80x128xf32, #tpu.memory_space<hbm>> -> memref<16x128xf32, #tpu.memory_space<hbm>>
      %dma_start3A_700 = arith.constant 0 : i32
      %dma_start3A_701 = arith.constant 0 : i32
      %dma_start3A_702 = tpu.memref_slice %arg4[%dma_start3A_700, %dma_start3A_701] : memref<80x128xf32, #tpu.memory_space<hbm>> -> memref<16x128xf32, #tpu.memory_space<hbm>>
      tpu.enqueue_dma source(%dma_start3A_702 : memref<16x128xf32, #tpu.memory_space<hbm>>) target(%arg11 : memref<16x128xf32, #tpu.memory_space<vmem>>) target_semaphore(%run_scoped3A_696 : memref<!tpu.dma_semaphore, #tpu.memory_space<semaphore_mem>>)
      %dma_wait3A_703 = arith.constant 0 : i32
      %dma_wait3A_704 = arith.constant 0 : i32
      %dma_wait3A_705 = tpu.memref_slice %arg4[%dma_wait3A_703, %dma_wait3A_704] : memref<80x128xf32, #tpu.memory_space<hbm>> -> memref<16x128xf32, #tpu.memory_space<hbm>>
      %dma_wait3A_706 = arith.constant 0 : i32
      %dma_wait3A_707 = arith.constant 0 : i32
      %dma_wait3A_708 = tpu.memref_slice %arg4[%dma_wait3A_706, %dma_wait3A_707] : memref<80x128xf32, #tpu.memory_space<hbm>> -> memref<16x128xf32, #tpu.memory_space<hbm>>
      tpu.wait_dma2 semaphore(%run_scoped3A_696 : memref<!tpu.dma_semaphore, #tpu.memory_space<semaphore_mem>>) src(%dma_wait3A_708 : memref<16x128xf32, #tpu.memory_space<hbm>>) dst(%arg11 : memref<16x128xf32, #tpu.memory_space<vmem>>)
      tpu.yield
    }) : () -> ()
    %add3A_67 = arith.constant 0 : i32
    %add3A_68 = arith.addi %mul3A_4, %add3A_67 : i32
    %dma_start3A_69 = arith.constant 0 : i32
    %dma_start3A_70 = tpu.memref_slice %arg12[%add3A_68, %dma_start3A_69] : memref<10240x128xf32, #tpu.memory_space<vmem_shared>> -> memref<16x128xf32, #tpu.memory_space<vmem_shared>>
    %dma_start3A_71 = arith.constant 0 : i32
    %dma_start3A_72 = tpu.memref_slice %arg12[%add3A_68, %dma_start3A_71] : memref<10240x128xf32, #tpu.memory_space<vmem_shared>> -> memref<16x128xf32, #tpu.memory_space<vmem_shared>>
    tpu.enqueue_dma source(%arg11 : memref<16x128xf32, #tpu.memory_space<vmem>>) target(%dma_start3A_72 : memref<16x128xf32, #tpu.memory_space<vmem_shared>>) target_semaphore(%arg17 : memref<!tpu.dma_semaphore, #tpu.memory_space<semaphore_mem>>)
    %add3A_73 = arith.constant 16 : i32
    %add3A_74 = arith.addi %mul3A_4, %add3A_73 : i32
    %dma_start3A_75 = arith.constant 0 : i32
    %dma_start3A_76 = tpu.memref_slice %arg12[%add3A_74, %dma_start3A_75] : memref<10240x128xf32, #tpu.memory_space<vmem_shared>> -> memref<16x128xf32, #tpu.memory_space<vmem_shared>>
    %dma_start3A_77 = arith.constant 0 : i32
    %dma_start3A_78 = tpu.memref_slice %arg12[%add3A_74, %dma_start3A_77] : memref<10240x128xf32, #tpu.memory_space<vmem_shared>> -> memref<16x128xf32, #tpu.memory_space<vmem_shared>>
    tpu.enqueue_dma source(%arg11 : memref<16x128xf32, #tpu.memory_space<vmem>>) target(%dma_start3A_78 : memref<16x128xf32, #tpu.memory_space<vmem_shared>>) target_semaphore(%arg17 : memref<!tpu.dma_semaphore, #tpu.memory_space<semaphore_mem>>)
    %add3A_79 = arith.constant 32 : i32
    %add3A_80 = arith.addi %mul3A_4, %add3A_79 : i32
    %dma_start3A_81 = arith.constant 0 : i32
    %dma_start3A_82 = tpu.memref_slice %arg12[%add3A_80, %dma_start3A_81] : memref<10240x128xf32, #tpu.memory_space<vmem_shared>> -> memref<16x128xf32, #tpu.memory_space<vmem_shared>>
    %dma_start3A_83 = arith.constant 0 : i32
    %dma_start3A_84 = tpu.memref_slice %arg12[%add3A_80, %dma_start3A_83] : memref<10240x128xf32, #tpu.memory_space<vmem_shared>> -> memref<16x128xf32, #tpu.memory_space<vmem_shared>>
    tpu.enqueue_dma source(%arg11 : memref<16x128xf32, #tpu.memory_space<vmem>>) target(%dma_start3A_84 : memref<16x128xf32, #tpu.memory_space<vmem_shared>>) target_semaphore(%arg17 : memref<!tpu.dma_semaphore, #tpu.memory_space<semaphore_mem>>)
    %add3A_85 = arith.constant 48 : i32
    %add3A_86 = arith.addi %mul3A_4, %add3A_85 : i32
    %dma_start3A_87 = arith.constant 0 : i32
    %dma_start3A_88 = tpu.memref_slice %arg12[%add3A_86, %dma_start3A_87] : memref<10240x128xf32, #tpu.memory_space<vmem_shared>> -> memref<16x128xf32, #tpu.memory_space<vmem_shared>>
    %dma_start3A_89 = arith.constant 0 : i32
    %dma_start3A_90 = tpu.memref_slice %arg12[%add3A_86, %dma_start3A_89] : memref<10240x128xf32, #tpu.memory_space<vmem_shared>> -> memref<16x128xf32, #tpu.memory_space<vmem_shared>>
    tpu.enqueue_dma source(%arg11 : memref<16x128xf32, #tpu.memory_space<vmem>>) target(%dma_start3A_90 : memref<16x128xf32, #tpu.memory_space<vmem_shared>>) target_semaphore(%arg17 : memref<!tpu.dma_semaphore, #tpu.memory_space<semaphore_mem>>)
    %add3A_91 = arith.constant 64 : i32
    %add3A_92 = arith.addi %mul3A_4, %add3A_91 : i32
    %dma_start3A_93 = arith.constant 0 : i32
    %dma_start3A_94 = tpu.memref_slice %arg12[%add3A_92, %dma_start3A_93] : memref<10240x128xf32, #tpu.memory_space<vmem_shared>> -> memref<16x128xf32, #tpu.memory_space<vmem_shared>>
    %dma_start3A_95 = arith.constant 0 : i32
    %dma_start3A_96 = tpu.memref_slice %arg12[%add3A_92, %dma_start3A_95] : memref<10240x128xf32, #tpu.memory_space<vmem_shared>> -> memref<16x128xf32, #tpu.memory_space<vmem_shared>>
    tpu.enqueue_dma source(%arg11 : memref<16x128xf32, #tpu.memory_space<vmem>>) target(%dma_start3A_96 : memref<16x128xf32, #tpu.memory_space<vmem_shared>>) target_semaphore(%arg17 : memref<!tpu.dma_semaphore, #tpu.memory_space<semaphore_mem>>)
    %add3A_97 = arith.constant 80 : i32
    %add3A_98 = arith.addi %mul3A_4, %add3A_97 : i32
    %dma_start3A_99 = arith.constant 0 : i32
    %dma_start3A_100 = tpu.memref_slice %arg12[%add3A_98, %dma_start3A_99] : memref<10240x128xf32, #tpu.memory_space<vmem_shared>> -> memref<16x128xf32, #tpu.memory_space<vmem_shared>>
    %dma_start3A_101 = arith.constant 0 : i32
    %dma_start3A_102 = tpu.memref_slice %arg12[%add3A_98, %dma_start3A_101] : memref<10240x128xf32, #tpu.memory_space<vmem_shared>> -> memref<16x128xf32, #tpu.memory_space<vmem_shared>>
    tpu.enqueue_dma source(%arg11 : memref<16x128xf32, #tpu.memory_space<vmem>>) target(%dma_start3A_102 : memref<16x128xf32, #tpu.memory_space<vmem_shared>>) target_semaphore(%arg17 : memref<!tpu.dma_semaphore, #tpu.memory_space<semaphore_mem>>)
    %add3A_103 = arith.constant 96 : i32
    %add3A_104 = arith.addi %mul3A_4, %add3A_103 : i32
    %dma_start3A_105 = arith.constant 0 : i32
    %dma_start3A_106 = tpu.memref_slice %arg12[%add3A_104, %dma_start3A_105] : memref<10240x128xf32, #tpu.memory_space<vmem_shared>> -> memref<16x128xf32, #tpu.memory_space<vmem_shared>>
    %dma_start3A_107 = arith.constant 0 : i32
    %dma_start3A_108 = tpu.memref_slice %arg12[%add3A_104, %dma_start3A_107] : memref<10240x128xf32, #tpu.memory_space<vmem_shared>> -> memref<16x128xf32, #tpu.memory_space<vmem_shared>>
    tpu.enqueue_dma source(%arg11 : memref<16x128xf32, #tpu.memory_space<vmem>>) target(%dma_start3A_108 : memref<16x128xf32, #tpu.memory_space<vmem_shared>>) target_semaphore(%arg17 : memref<!tpu.dma_semaphore, #tpu.memory_space<semaphore_mem>>)
    %add3A_109 = arith.constant 112 : i32
    %add3A_110 = arith.addi %mul3A_4, %add3A_109 : i32
    %dma_start3A_111 = arith.constant 0 : i32
    %dma_start3A_112 = tpu.memref_slice %arg12[%add3A_110, %dma_start3A_111] : memref<10240x128xf32, #tpu.memory_space<vmem_shared>> -> memref<16x128xf32, #tpu.memory_space<vmem_shared>>
    %dma_start3A_113 = arith.constant 0 : i32
    %dma_start3A_114 = tpu.memref_slice %arg12[%add3A_110, %dma_start3A_113] : memref<10240x128xf32, #tpu.memory_space<vmem_shared>> -> memref<16x128xf32, #tpu.memory_space<vmem_shared>>
    tpu.enqueue_dma source(%arg11 : memref<16x128xf32, #tpu.memory_space<vmem>>) target(%dma_start3A_114 : memref<16x128xf32, #tpu.memory_space<vmem_shared>>) target_semaphore(%arg17 : memref<!tpu.dma_semaphore, #tpu.memory_space<semaphore_mem>>)
    %add3A_115 = arith.constant 0 : i32
    %add3A_116 = arith.addi %mul3A_4, %add3A_115 : i32
    %dma_wait3A = arith.constant 0 : i32
    %dma_wait3A_117 = tpu.memref_slice %arg12[%add3A_116, %dma_wait3A] : memref<10240x128xf32, #tpu.memory_space<vmem_shared>> -> memref<16x128xf32, #tpu.memory_space<vmem_shared>>
    %dma_wait3A_118 = arith.constant 0 : i32
    %dma_wait3A_119 = tpu.memref_slice %arg12[%add3A_116, %dma_wait3A_118] : memref<10240x128xf32, #tpu.memory_space<vmem_shared>> -> memref<16x128xf32, #tpu.memory_space<vmem_shared>>
    tpu.wait_dma2 semaphore(%arg17 : memref<!tpu.dma_semaphore, #tpu.memory_space<semaphore_mem>>) src(%arg11 : memref<16x128xf32, #tpu.memory_space<vmem>>) dst(%dma_wait3A_119 : memref<16x128xf32, #tpu.memory_space<vmem_shared>>)
    %add3A_120 = arith.constant 16 : i32
    %add3A_121 = arith.addi %mul3A_4, %add3A_120 : i32
    %dma_wait3A_122 = arith.constant 0 : i32
    %dma_wait3A_123 = tpu.memref_slice %arg12[%add3A_121, %dma_wait3A_122] : memref<10240x128xf32, #tpu.memory_space<vmem_shared>> -> memref<16x128xf32, #tpu.memory_space<vmem_shared>>
    %dma_wait3A_124 = arith.constant 0 : i32
    %dma_wait3A_125 = tpu.memref_slice %arg12[%add3A_121, %dma_wait3A_124] : memref<10240x128xf32, #tpu.memory_space<vmem_shared>> -> memref<16x128xf32, #tpu.memory_space<vmem_shared>>
    tpu.wait_dma2 semaphore(%arg17 : memref<!tpu.dma_semaphore, #tpu.memory_space<semaphore_mem>>) src(%arg11 : memref<16x128xf32, #tpu.memory_space<vmem>>) dst(%dma_wait3A_125 : memref<16x128xf32, #tpu.memory_space<vmem_shared>>)
    %add3A_126 = arith.constant 32 : i32
    %add3A_127 = arith.addi %mul3A_4, %add3A_126 : i32
    %dma_wait3A_128 = arith.constant 0 : i32
    %dma_wait3A_129 = tpu.memref_slice %arg12[%add3A_127, %dma_wait3A_128] : memref<10240x128xf32, #tpu.memory_space<vmem_shared>> -> memref<16x128xf32, #tpu.memory_space<vmem_shared>>
    %dma_wait3A_130 = arith.constant 0 : i32
    %dma_wait3A_131 = tpu.memref_slice %arg12[%add3A_127, %dma_wait3A_130] : memref<10240x128xf32, #tpu.memory_space<vmem_shared>> -> memref<16x128xf32, #tpu.memory_space<vmem_shared>>
    tpu.wait_dma2 semaphore(%arg17 : memref<!tpu.dma_semaphore, #tpu.memory_space<semaphore_mem>>) src(%arg11 : memref<16x128xf32, #tpu.memory_space<vmem>>) dst(%dma_wait3A_131 : memref<16x128xf32, #tpu.memory_space<vmem_shared>>)
    %add3A_132 = arith.constant 48 : i32
    %add3A_133 = arith.addi %mul3A_4, %add3A_132 : i32
    %dma_wait3A_134 = arith.constant 0 : i32
    %dma_wait3A_135 = tpu.memref_slice %arg12[%add3A_133, %dma_wait3A_134] : memref<10240x128xf32, #tpu.memory_space<vmem_shared>> -> memref<16x128xf32, #tpu.memory_space<vmem_shared>>
    %dma_wait3A_136 = arith.constant 0 : i32
    %dma_wait3A_137 = tpu.memref_slice %arg12[%add3A_133, %dma_wait3A_136] : memref<10240x128xf32, #tpu.memory_space<vmem_shared>> -> memref<16x128xf32, #tpu.memory_space<vmem_shared>>
    tpu.wait_dma2 semaphore(%arg17 : memref<!tpu.dma_semaphore, #tpu.memory_space<semaphore_mem>>) src(%arg11 : memref<16x128xf32, #tpu.memory_space<vmem>>) dst(%dma_wait3A_137 : memref<16x128xf32, #tpu.memory_space<vmem_shared>>)
    %add3A_138 = arith.constant 64 : i32
    %add3A_139 = arith.addi %mul3A_4, %add3A_138 : i32
    %dma_wait3A_140 = arith.constant 0 : i32
    %dma_wait3A_141 = tpu.memref_slice %arg12[%add3A_139, %dma_wait3A_140] : memref<10240x128xf32, #tpu.memory_space<vmem_shared>> -> memref<16x128xf32, #tpu.memory_space<vmem_shared>>
    %dma_wait3A_142 = arith.constant 0 : i32
    %dma_wait3A_143 = tpu.memref_slice %arg12[%add3A_139, %dma_wait3A_142] : memref<10240x128xf32, #tpu.memory_space<vmem_shared>> -> memref<16x128xf32, #tpu.memory_space<vmem_shared>>
    tpu.wait_dma2 semaphore(%arg17 : memref<!tpu.dma_semaphore, #tpu.memory_space<semaphore_mem>>) src(%arg11 : memref<16x128xf32, #tpu.memory_space<vmem>>) dst(%dma_wait3A_143 : memref<16x128xf32, #tpu.memory_space<vmem_shared>>)
    %add3A_144 = arith.constant 80 : i32
    %add3A_145 = arith.addi %mul3A_4, %add3A_144 : i32
    %dma_wait3A_146 = arith.constant 0 : i32
    %dma_wait3A_147 = tpu.memref_slice %arg12[%add3A_145, %dma_wait3A_146] : memref<10240x128xf32, #tpu.memory_space<vmem_shared>> -> memref<16x128xf32, #tpu.memory_space<vmem_shared>>
    %dma_wait3A_148 = arith.constant 0 : i32
    %dma_wait3A_149 = tpu.memref_slice %arg12[%add3A_145, %dma_wait3A_148] : memref<10240x128xf32, #tpu.memory_space<vmem_shared>> -> memref<16x128xf32, #tpu.memory_space<vmem_shared>>
    tpu.wait_dma2 semaphore(%arg17 : memref<!tpu.dma_semaphore, #tpu.memory_space<semaphore_mem>>) src(%arg11 : memref<16x128xf32, #tpu.memory_space<vmem>>) dst(%dma_wait3A_149 : memref<16x128xf32, #tpu.memory_space<vmem_shared>>)
    %add3A_150 = arith.constant 96 : i32
    %add3A_151 = arith.addi %mul3A_4, %add3A_150 : i32
    %dma_wait3A_152 = arith.constant 0 : i32
    %dma_wait3A_153 = tpu.memref_slice %arg12[%add3A_151, %dma_wait3A_152] : memref<10240x128xf32, #tpu.memory_space<vmem_shared>> -> memref<16x128xf32, #tpu.memory_space<vmem_shared>>
    %dma_wait3A_154 = arith.constant 0 : i32
    %dma_wait3A_155 = tpu.memref_slice %arg12[%add3A_151, %dma_wait3A_154] : memref<10240x128xf32, #tpu.memory_space<vmem_shared>> -> memref<16x128xf32, #tpu.memory_space<vmem_shared>>
    tpu.wait_dma2 semaphore(%arg17 : memref<!tpu.dma_semaphore, #tpu.memory_space<semaphore_mem>>) src(%arg11 : memref<16x128xf32, #tpu.memory_space<vmem>>) dst(%dma_wait3A_155 : memref<16x128xf32, #tpu.memory_space<vmem_shared>>)
    %add3A_156 = arith.constant 112 : i32
    %add3A_157 = arith.addi %mul3A_4, %add3A_156 : i32
    %dma_wait3A_158 = arith.constant 0 : i32
    %dma_wait3A_159 = tpu.memref_slice %arg12[%add3A_157, %dma_wait3A_158] : memref<10240x128xf32, #tpu.memory_space<vmem_shared>> -> memref<16x128xf32, #tpu.memory_space<vmem_shared>>
    %dma_wait3A_160 = arith.constant 0 : i32
    %dma_wait3A_161 = tpu.memref_slice %arg12[%add3A_157, %dma_wait3A_160] : memref<10240x128xf32, #tpu.memory_space<vmem_shared>> -> memref<16x128xf32, #tpu.memory_space<vmem_shared>>
    tpu.wait_dma2 semaphore(%arg17 : memref<!tpu.dma_semaphore, #tpu.memory_space<semaphore_mem>>) src(%arg11 : memref<16x128xf32, #tpu.memory_space<vmem>>) dst(%dma_wait3A_161 : memref<16x128xf32, #tpu.memory_space<vmem_shared>>)
    %add3A_162 = arith.constant 128 : i32
    %add3A_163 = arith.addi %mul3A_4, %add3A_162 : i32
    %dma_start3A_164 = arith.constant 0 : i32
    %dma_start3A_165 = tpu.memref_slice %arg12[%add3A_163, %dma_start3A_164] : memref<10240x128xf32, #tpu.memory_space<vmem_shared>> -> memref<16x128xf32, #tpu.memory_space<vmem_shared>>
    %dma_start3A_166 = arith.constant 0 : i32
    %dma_start3A_167 = tpu.memref_slice %arg12[%add3A_163, %dma_start3A_166] : memref<10240x128xf32, #tpu.memory_space<vmem_shared>> -> memref<16x128xf32, #tpu.memory_space<vmem_shared>>
    tpu.enqueue_dma source(%arg11 : memref<16x128xf32, #tpu.memory_space<vmem>>) target(%dma_start3A_167 : memref<16x128xf32, #tpu.memory_space<vmem_shared>>) target_semaphore(%arg17 : memref<!tpu.dma_semaphore, #tpu.memory_space<semaphore_mem>>)
    %add3A_168 = arith.constant 144 : i32
    %add3A_169 = arith.addi %mul3A_4, %add3A_168 : i32
    %dma_start3A_170 = arith.constant 0 : i32
    %dma_start3A_171 = tpu.memref_slice %arg12[%add3A_169, %dma_start3A_170] : memref<10240x128xf32, #tpu.memory_space<vmem_shared>> -> memref<16x128xf32, #tpu.memory_space<vmem_shared>>
    %dma_start3A_172 = arith.constant 0 : i32
    %dma_start3A_173 = tpu.memref_slice %arg12[%add3A_169, %dma_start3A_172] : memref<10240x128xf32, #tpu.memory_space<vmem_shared>> -> memref<16x128xf32, #tpu.memory_space<vmem_shared>>
    tpu.enqueue_dma source(%arg11 : memref<16x128xf32, #tpu.memory_space<vmem>>) target(%dma_start3A_173 : memref<16x128xf32, #tpu.memory_space<vmem_shared>>) target_semaphore(%arg17 : memref<!tpu.dma_semaphore, #tpu.memory_space<semaphore_mem>>)
    %add3A_174 = arith.constant 160 : i32
    %add3A_175 = arith.addi %mul3A_4, %add3A_174 : i32
    %dma_start3A_176 = arith.constant 0 : i32
    %dma_start3A_177 = tpu.memref_slice %arg12[%add3A_175, %dma_start3A_176] : memref<10240x128xf32, #tpu.memory_space<vmem_shared>> -> memref<16x128xf32, #tpu.memory_space<vmem_shared>>
    %dma_start3A_178 = arith.constant 0 : i32
    %dma_start3A_179 = tpu.memref_slice %arg12[%add3A_175, %dma_start3A_178] : memref<10240x128xf32, #tpu.memory_space<vmem_shared>> -> memref<16x128xf32, #tpu.memory_space<vmem_shared>>
    tpu.enqueue_dma source(%arg11 : memref<16x128xf32, #tpu.memory_space<vmem>>) target(%dma_start3A_179 : memref<16x128xf32, #tpu.memory_space<vmem_shared>>) target_semaphore(%arg17 : memref<!tpu.dma_semaphore, #tpu.memory_space<semaphore_mem>>)
    %add3A_180 = arith.constant 176 : i32
    %add3A_181 = arith.addi %mul3A_4, %add3A_180 : i32
    %dma_start3A_182 = arith.constant 0 : i32
    %dma_start3A_183 = tpu.memref_slice %arg12[%add3A_181, %dma_start3A_182] : memref<10240x128xf32, #tpu.memory_space<vmem_shared>> -> memref<16x128xf32, #tpu.memory_space<vmem_shared>>
    %dma_start3A_184 = arith.constant 0 : i32
    %dma_start3A_185 = tpu.memref_slice %arg12[%add3A_181, %dma_start3A_184] : memref<10240x128xf32, #tpu.memory_space<vmem_shared>> -> memref<16x128xf32, #tpu.memory_space<vmem_shared>>
    tpu.enqueue_dma source(%arg11 : memref<16x128xf32, #tpu.memory_space<vmem>>) target(%dma_start3A_185 : memref<16x128xf32, #tpu.memory_space<vmem_shared>>) target_semaphore(%arg17 : memref<!tpu.dma_semaphore, #tpu.memory_space<semaphore_mem>>)
    %add3A_186 = arith.constant 192 : i32
    %add3A_187 = arith.addi %mul3A_4, %add3A_186 : i32
    %dma_start3A_188 = arith.constant 0 : i32
    %dma_start3A_189 = tpu.memref_slice %arg12[%add3A_187, %dma_start3A_188] : memref<10240x128xf32, #tpu.memory_space<vmem_shared>> -> memref<16x128xf32, #tpu.memory_space<vmem_shared>>
    %dma_start3A_190 = arith.constant 0 : i32
    %dma_start3A_191 = tpu.memref_slice %arg12[%add3A_187, %dma_start3A_190] : memref<10240x128xf32, #tpu.memory_space<vmem_shared>> -> memref<16x128xf32, #tpu.memory_space<vmem_shared>>
    tpu.enqueue_dma source(%arg11 : memref<16x128xf32, #tpu.memory_space<vmem>>) target(%dma_start3A_191 : memref<16x128xf32, #tpu.memory_space<vmem_shared>>) target_semaphore(%arg17 : memref<!tpu.dma_semaphore, #tpu.memory_space<semaphore_mem>>)
    %add3A_192 = arith.constant 208 : i32
    %add3A_193 = arith.addi %mul3A_4, %add3A_192 : i32
    %dma_start3A_194 = arith.constant 0 : i32
    %dma_start3A_195 = tpu.memref_slice %arg12[%add3A_193, %dma_start3A_194] : memref<10240x128xf32, #tpu.memory_space<vmem_shared>> -> memref<16x128xf32, #tpu.memory_space<vmem_shared>>
    %dma_start3A_196 = arith.constant 0 : i32
    %dma_start3A_197 = tpu.memref_slice %arg12[%add3A_193, %dma_start3A_196] : memref<10240x128xf32, #tpu.memory_space<vmem_shared>> -> memref<16x128xf32, #tpu.memory_space<vmem_shared>>
    tpu.enqueue_dma source(%arg11 : memref<16x128xf32, #tpu.memory_space<vmem>>) target(%dma_start3A_197 : memref<16x128xf32, #tpu.memory_space<vmem_shared>>) target_semaphore(%arg17 : memref<!tpu.dma_semaphore, #tpu.memory_space<semaphore_mem>>)
    %add3A_198 = arith.constant 224 : i32
    %add3A_199 = arith.addi %mul3A_4, %add3A_198 : i32
    %dma_start3A_200 = arith.constant 0 : i32
    %dma_start3A_201 = tpu.memref_slice %arg12[%add3A_199, %dma_start3A_200] : memref<10240x128xf32, #tpu.memory_space<vmem_shared>> -> memref<16x128xf32, #tpu.memory_space<vmem_shared>>
    %dma_start3A_202 = arith.constant 0 : i32
    %dma_start3A_203 = tpu.memref_slice %arg12[%add3A_199, %dma_start3A_202] : memref<10240x128xf32, #tpu.memory_space<vmem_shared>> -> memref<16x128xf32, #tpu.memory_space<vmem_shared>>
    tpu.enqueue_dma source(%arg11 : memref<16x128xf32, #tpu.memory_space<vmem>>) target(%dma_start3A_203 : memref<16x128xf32, #tpu.memory_space<vmem_shared>>) target_semaphore(%arg17 : memref<!tpu.dma_semaphore, #tpu.memory_space<semaphore_mem>>)
    %add3A_204 = arith.constant 240 : i32
    %add3A_205 = arith.addi %mul3A_4, %add3A_204 : i32
    %dma_start3A_206 = arith.constant 0 : i32
    %dma_start3A_207 = tpu.memref_slice %arg12[%add3A_205, %dma_start3A_206] : memref<10240x128xf32, #tpu.memory_space<vmem_shared>> -> memref<16x128xf32, #tpu.memory_space<vmem_shared>>
    %dma_start3A_208 = arith.constant 0 : i32
    %dma_start3A_209 = tpu.memref_slice %arg12[%add3A_205, %dma_start3A_208] : memref<10240x128xf32, #tpu.memory_space<vmem_shared>> -> memref<16x128xf32, #tpu.memory_space<vmem_shared>>
    tpu.enqueue_dma source(%arg11 : memref<16x128xf32, #tpu.memory_space<vmem>>) target(%dma_start3A_209 : memref<16x128xf32, #tpu.memory_space<vmem_shared>>) target_semaphore(%arg17 : memref<!tpu.dma_semaphore, #tpu.memory_space<semaphore_mem>>)
    %add3A_210 = arith.constant 128 : i32
    %add3A_211 = arith.addi %mul3A_4, %add3A_210 : i32
    %dma_wait3A_212 = arith.constant 0 : i32
    %dma_wait3A_213 = tpu.memref_slice %arg12[%add3A_211, %dma_wait3A_212] : memref<10240x128xf32, #tpu.memory_space<vmem_shared>> -> memref<16x128xf32, #tpu.memory_space<vmem_shared>>
    %dma_wait3A_214 = arith.constant 0 : i32
    %dma_wait3A_215 = tpu.memref_slice %arg12[%add3A_211, %dma_wait3A_214] : memref<10240x128xf32, #tpu.memory_space<vmem_shared>> -> memref<16x128xf32, #tpu.memory_space<vmem_shared>>
    tpu.wait_dma2 semaphore(%arg17 : memref<!tpu.dma_semaphore, #tpu.memory_space<semaphore_mem>>) src(%arg11 : memref<16x128xf32, #tpu.memory_space<vmem>>) dst(%dma_wait3A_215 : memref<16x128xf32, #tpu.memory_space<vmem_shared>>)
    %add3A_216 = arith.constant 144 : i32
    %add3A_217 = arith.addi %mul3A_4, %add3A_216 : i32
    %dma_wait3A_218 = arith.constant 0 : i32
    %dma_wait3A_219 = tpu.memref_slice %arg12[%add3A_217, %dma_wait3A_218] : memref<10240x128xf32, #tpu.memory_space<vmem_shared>> -> memref<16x128xf32, #tpu.memory_space<vmem_shared>>
    %dma_wait3A_220 = arith.constant 0 : i32
    %dma_wait3A_221 = tpu.memref_slice %arg12[%add3A_217, %dma_wait3A_220] : memref<10240x128xf32, #tpu.memory_space<vmem_shared>> -> memref<16x128xf32, #tpu.memory_space<vmem_shared>>
    tpu.wait_dma2 semaphore(%arg17 : memref<!tpu.dma_semaphore, #tpu.memory_space<semaphore_mem>>) src(%arg11 : memref<16x128xf32, #tpu.memory_space<vmem>>) dst(%dma_wait3A_221 : memref<16x128xf32, #tpu.memory_space<vmem_shared>>)
    %add3A_222 = arith.constant 160 : i32
    %add3A_223 = arith.addi %mul3A_4, %add3A_222 : i32
    %dma_wait3A_224 = arith.constant 0 : i32
    %dma_wait3A_225 = tpu.memref_slice %arg12[%add3A_223, %dma_wait3A_224] : memref<10240x128xf32, #tpu.memory_space<vmem_shared>> -> memref<16x128xf32, #tpu.memory_space<vmem_shared>>
    %dma_wait3A_226 = arith.constant 0 : i32
    %dma_wait3A_227 = tpu.memref_slice %arg12[%add3A_223, %dma_wait3A_226] : memref<10240x128xf32, #tpu.memory_space<vmem_shared>> -> memref<16x128xf32, #tpu.memory_space<vmem_shared>>
    tpu.wait_dma2 semaphore(%arg17 : memref<!tpu.dma_semaphore, #tpu.memory_space<semaphore_mem>>) src(%arg11 : memref<16x128xf32, #tpu.memory_space<vmem>>) dst(%dma_wait3A_227 : memref<16x128xf32, #tpu.memory_space<vmem_shared>>)
    %add3A_228 = arith.constant 176 : i32
    %add3A_229 = arith.addi %mul3A_4, %add3A_228 : i32
    %dma_wait3A_230 = arith.constant 0 : i32
    %dma_wait3A_231 = tpu.memref_slice %arg12[%add3A_229, %dma_wait3A_230] : memref<10240x128xf32, #tpu.memory_space<vmem_shared>> -> memref<16x128xf32, #tpu.memory_space<vmem_shared>>
    %dma_wait3A_232 = arith.constant 0 : i32
    %dma_wait3A_233 = tpu.memref_slice %arg12[%add3A_229, %dma_wait3A_232] : memref<10240x128xf32, #tpu.memory_space<vmem_shared>> -> memref<16x128xf32, #tpu.memory_space<vmem_shared>>
    tpu.wait_dma2 semaphore(%arg17 : memref<!tpu.dma_semaphore, #tpu.memory_space<semaphore_mem>>) src(%arg11 : memref<16x128xf32, #tpu.memory_space<vmem>>) dst(%dma_wait3A_233 : memref<16x128xf32, #tpu.memory_space<vmem_shared>>)
    %add3A_234 = arith.constant 192 : i32
    %add3A_235 = arith.addi %mul3A_4, %add3A_234 : i32
    %dma_wait3A_236 = arith.constant 0 : i32
    %dma_wait3A_237 = tpu.memref_slice %arg12[%add3A_235, %dma_wait3A_236] : memref<10240x128xf32, #tpu.memory_space<vmem_shared>> -> memref<16x128xf32, #tpu.memory_space<vmem_shared>>
    %dma_wait3A_238 = arith.constant 0 : i32
    %dma_wait3A_239 = tpu.memref_slice %arg12[%add3A_235, %dma_wait3A_238] : memref<10240x128xf32, #tpu.memory_space<vmem_shared>> -> memref<16x128xf32, #tpu.memory_space<vmem_shared>>
    tpu.wait_dma2 semaphore(%arg17 : memref<!tpu.dma_semaphore, #tpu.memory_space<semaphore_mem>>) src(%arg11 : memref<16x128xf32, #tpu.memory_space<vmem>>) dst(%dma_wait3A_239 : memref<16x128xf32, #tpu.memory_space<vmem_shared>>)
    %add3A_240 = arith.constant 208 : i32
    %add3A_241 = arith.addi %mul3A_4, %add3A_240 : i32
    %dma_wait3A_242 = arith.constant 0 : i32
    %dma_wait3A_243 = tpu.memref_slice %arg12[%add3A_241, %dma_wait3A_242] : memref<10240x128xf32, #tpu.memory_space<vmem_shared>> -> memref<16x128xf32, #tpu.memory_space<vmem_shared>>
    %dma_wait3A_244 = arith.constant 0 : i32
    %dma_wait3A_245 = tpu.memref_slice %arg12[%add3A_241, %dma_wait3A_244] : memref<10240x128xf32, #tpu.memory_space<vmem_shared>> -> memref<16x128xf32, #tpu.memory_space<vmem_shared>>
    tpu.wait_dma2 semaphore(%arg17 : memref<!tpu.dma_semaphore, #tpu.memory_space<semaphore_mem>>) src(%arg11 : memref<16x128xf32, #tpu.memory_space<vmem>>) dst(%dma_wait3A_245 : memref<16x128xf32, #tpu.memory_space<vmem_shared>>)
    %add3A_246 = arith.constant 224 : i32
    %add3A_247 = arith.addi %mul3A_4, %add3A_246 : i32
    %dma_wait3A_248 = arith.constant 0 : i32
    %dma_wait3A_249 = tpu.memref_slice %arg12[%add3A_247, %dma_wait3A_248] : memref<10240x128xf32, #tpu.memory_space<vmem_shared>> -> memref<16x128xf32, #tpu.memory_space<vmem_shared>>
    %dma_wait3A_250 = arith.constant 0 : i32
    %dma_wait3A_251 = tpu.memref_slice %arg12[%add3A_247, %dma_wait3A_250] : memref<10240x128xf32, #tpu.memory_space<vmem_shared>> -> memref<16x128xf32, #tpu.memory_space<vmem_shared>>
    tpu.wait_dma2 semaphore(%arg17 : memref<!tpu.dma_semaphore, #tpu.memory_space<semaphore_mem>>) src(%arg11 : memref<16x128xf32, #tpu.memory_space<vmem>>) dst(%dma_wait3A_251 : memref<16x128xf32, #tpu.memory_space<vmem_shared>>)
    %add3A_252 = arith.constant 240 : i32
    %add3A_253 = arith.addi %mul3A_4, %add3A_252 : i32
    %dma_wait3A_254 = arith.constant 0 : i32
    %dma_wait3A_255 = tpu.memref_slice %arg12[%add3A_253, %dma_wait3A_254] : memref<10240x128xf32, #tpu.memory_space<vmem_shared>> -> memref<16x128xf32, #tpu.memory_space<vmem_shared>>
    %dma_wait3A_256 = arith.constant 0 : i32
    %dma_wait3A_257 = tpu.memref_slice %arg12[%add3A_253, %dma_wait3A_256] : memref<10240x128xf32, #tpu.memory_space<vmem_shared>> -> memref<16x128xf32, #tpu.memory_space<vmem_shared>>
    tpu.wait_dma2 semaphore(%arg17 : memref<!tpu.dma_semaphore, #tpu.memory_space<semaphore_mem>>) src(%arg11 : memref<16x128xf32, #tpu.memory_space<vmem>>) dst(%dma_wait3A_257 : memref<16x128xf32, #tpu.memory_space<vmem_shared>>)
    %add3A_258 = arith.constant 256 : i32
    %add3A_259 = arith.addi %mul3A_4, %add3A_258 : i32
    %dma_start3A_260 = arith.constant 0 : i32
    %dma_start3A_261 = tpu.memref_slice %arg12[%add3A_259, %dma_start3A_260] : memref<10240x128xf32, #tpu.memory_space<vmem_shared>> -> memref<16x128xf32, #tpu.memory_space<vmem_shared>>
    %dma_start3A_262 = arith.constant 0 : i32
    %dma_start3A_263 = tpu.memref_slice %arg12[%add3A_259, %dma_start3A_262] : memref<10240x128xf32, #tpu.memory_space<vmem_shared>> -> memref<16x128xf32, #tpu.memory_space<vmem_shared>>
    tpu.enqueue_dma source(%arg11 : memref<16x128xf32, #tpu.memory_space<vmem>>) target(%dma_start3A_263 : memref<16x128xf32, #tpu.memory_space<vmem_shared>>) target_semaphore(%arg17 : memref<!tpu.dma_semaphore, #tpu.memory_space<semaphore_mem>>)
    %add3A_264 = arith.constant 272 : i32
    %add3A_265 = arith.addi %mul3A_4, %add3A_264 : i32
    %dma_start3A_266 = arith.constant 0 : i32
    %dma_start3A_267 = tpu.memref_slice %arg12[%add3A_265, %dma_start3A_266] : memref<10240x128xf32, #tpu.memory_space<vmem_shared>> -> memref<16x128xf32, #tpu.memory_space<vmem_shared>>
    %dma_start3A_268 = arith.constant 0 : i32
    %dma_start3A_269 = tpu.memref_slice %arg12[%add3A_265, %dma_start3A_268] : memref<10240x128xf32, #tpu.memory_space<vmem_shared>> -> memref<16x128xf32, #tpu.memory_space<vmem_shared>>
    tpu.enqueue_dma source(%arg11 : memref<16x128xf32, #tpu.memory_space<vmem>>) target(%dma_start3A_269 : memref<16x128xf32, #tpu.memory_space<vmem_shared>>) target_semaphore(%arg17 : memref<!tpu.dma_semaphore, #tpu.memory_space<semaphore_mem>>)
    %add3A_270 = arith.constant 288 : i32
    %add3A_271 = arith.addi %mul3A_4, %add3A_270 : i32
    %dma_start3A_272 = arith.constant 0 : i32
    %dma_start3A_273 = tpu.memref_slice %arg12[%add3A_271, %dma_start3A_272] : memref<10240x128xf32, #tpu.memory_space<vmem_shared>> -> memref<16x128xf32, #tpu.memory_space<vmem_shared>>
    %dma_start3A_274 = arith.constant 0 : i32
    %dma_start3A_275 = tpu.memref_slice %arg12[%add3A_271, %dma_start3A_274] : memref<10240x128xf32, #tpu.memory_space<vmem_shared>> -> memref<16x128xf32, #tpu.memory_space<vmem_shared>>
    tpu.enqueue_dma source(%arg11 : memref<16x128xf32, #tpu.memory_space<vmem>>) target(%dma_start3A_275 : memref<16x128xf32, #tpu.memory_space<vmem_shared>>) target_semaphore(%arg17 : memref<!tpu.dma_semaphore, #tpu.memory_space<semaphore_mem>>)
    %add3A_276 = arith.constant 304 : i32
    %add3A_277 = arith.addi %mul3A_4, %add3A_276 : i32
    %dma_start3A_278 = arith.constant 0 : i32
    %dma_start3A_279 = tpu.memref_slice %arg12[%add3A_277, %dma_start3A_278] : memref<10240x128xf32, #tpu.memory_space<vmem_shared>> -> memref<16x128xf32, #tpu.memory_space<vmem_shared>>
    %dma_start3A_280 = arith.constant 0 : i32
    %dma_start3A_281 = tpu.memref_slice %arg12[%add3A_277, %dma_start3A_280] : memref<10240x128xf32, #tpu.memory_space<vmem_shared>> -> memref<16x128xf32, #tpu.memory_space<vmem_shared>>
    tpu.enqueue_dma source(%arg11 : memref<16x128xf32, #tpu.memory_space<vmem>>) target(%dma_start3A_281 : memref<16x128xf32, #tpu.memory_space<vmem_shared>>) target_semaphore(%arg17 : memref<!tpu.dma_semaphore, #tpu.memory_space<semaphore_mem>>)
    %add3A_282 = arith.constant 320 : i32
    %add3A_283 = arith.addi %mul3A_4, %add3A_282 : i32
    %dma_start3A_284 = arith.constant 0 : i32
    %dma_start3A_285 = tpu.memref_slice %arg12[%add3A_283, %dma_start3A_284] : memref<10240x128xf32, #tpu.memory_space<vmem_shared>> -> memref<16x128xf32, #tpu.memory_space<vmem_shared>>
    %dma_start3A_286 = arith.constant 0 : i32
    %dma_start3A_287 = tpu.memref_slice %arg12[%add3A_283, %dma_start3A_286] : memref<10240x128xf32, #tpu.memory_space<vmem_shared>> -> memref<16x128xf32, #tpu.memory_space<vmem_shared>>
    tpu.enqueue_dma source(%arg11 : memref<16x128xf32, #tpu.memory_space<vmem>>) target(%dma_start3A_287 : memref<16x128xf32, #tpu.memory_space<vmem_shared>>) target_semaphore(%arg17 : memref<!tpu.dma_semaphore, #tpu.memory_space<semaphore_mem>>)
    %add3A_288 = arith.constant 336 : i32
    %add3A_289 = arith.addi %mul3A_4, %add3A_288 : i32
    %dma_start3A_290 = arith.constant 0 : i32
    %dma_start3A_291 = tpu.memref_slice %arg12[%add3A_289, %dma_start3A_290] : memref<10240x128xf32, #tpu.memory_space<vmem_shared>> -> memref<16x128xf32, #tpu.memory_space<vmem_shared>>
    %dma_start3A_292 = arith.constant 0 : i32
    %dma_start3A_293 = tpu.memref_slice %arg12[%add3A_289, %dma_start3A_292] : memref<10240x128xf32, #tpu.memory_space<vmem_shared>> -> memref<16x128xf32, #tpu.memory_space<vmem_shared>>
    tpu.enqueue_dma source(%arg11 : memref<16x128xf32, #tpu.memory_space<vmem>>) target(%dma_start3A_293 : memref<16x128xf32, #tpu.memory_space<vmem_shared>>) target_semaphore(%arg17 : memref<!tpu.dma_semaphore, #tpu.memory_space<semaphore_mem>>)
    %add3A_294 = arith.constant 352 : i32
    %add3A_295 = arith.addi %mul3A_4, %add3A_294 : i32
    %dma_start3A_296 = arith.constant 0 : i32
    %dma_start3A_297 = tpu.memref_slice %arg12[%add3A_295, %dma_start3A_296] : memref<10240x128xf32, #tpu.memory_space<vmem_shared>> -> memref<16x128xf32, #tpu.memory_space<vmem_shared>>
    %dma_start3A_298 = arith.constant 0 : i32
    %dma_start3A_299 = tpu.memref_slice %arg12[%add3A_295, %dma_start3A_298] : memref<10240x128xf32, #tpu.memory_space<vmem_shared>> -> memref<16x128xf32, #tpu.memory_space<vmem_shared>>
    tpu.enqueue_dma source(%arg11 : memref<16x128xf32, #tpu.memory_space<vmem>>) target(%dma_start3A_299 : memref<16x128xf32, #tpu.memory_space<vmem_shared>>) target_semaphore(%arg17 : memref<!tpu.dma_semaphore, #tpu.memory_space<semaphore_mem>>)
    %add3A_300 = arith.constant 368 : i32
    %add3A_301 = arith.addi %mul3A_4, %add3A_300 : i32
    %dma_start3A_302 = arith.constant 0 : i32
    %dma_start3A_303 = tpu.memref_slice %arg12[%add3A_301, %dma_start3A_302] : memref<10240x128xf32, #tpu.memory_space<vmem_shared>> -> memref<16x128xf32, #tpu.memory_space<vmem_shared>>
    %dma_start3A_304 = arith.constant 0 : i32
    %dma_start3A_305 = tpu.memref_slice %arg12[%add3A_301, %dma_start3A_304] : memref<10240x128xf32, #tpu.memory_space<vmem_shared>> -> memref<16x128xf32, #tpu.memory_space<vmem_shared>>
    tpu.enqueue_dma source(%arg11 : memref<16x128xf32, #tpu.memory_space<vmem>>) target(%dma_start3A_305 : memref<16x128xf32, #tpu.memory_space<vmem_shared>>) target_semaphore(%arg17 : memref<!tpu.dma_semaphore, #tpu.memory_space<semaphore_mem>>)
    %add3A_306 = arith.constant 256 : i32
    %add3A_307 = arith.addi %mul3A_4, %add3A_306 : i32
    %dma_wait3A_308 = arith.constant 0 : i32
    %dma_wait3A_309 = tpu.memref_slice %arg12[%add3A_307, %dma_wait3A_308] : memref<10240x128xf32, #tpu.memory_space<vmem_shared>> -> memref<16x128xf32, #tpu.memory_space<vmem_shared>>
    %dma_wait3A_310 = arith.constant 0 : i32
    %dma_wait3A_311 = tpu.memref_slice %arg12[%add3A_307, %dma_wait3A_310] : memref<10240x128xf32, #tpu.memory_space<vmem_shared>> -> memref<16x128xf32, #tpu.memory_space<vmem_shared>>
    tpu.wait_dma2 semaphore(%arg17 : memref<!tpu.dma_semaphore, #tpu.memory_space<semaphore_mem>>) src(%arg11 : memref<16x128xf32, #tpu.memory_space<vmem>>) dst(%dma_wait3A_311 : memref<16x128xf32, #tpu.memory_space<vmem_shared>>)
    %add3A_312 = arith.constant 272 : i32
    %add3A_313 = arith.addi %mul3A_4, %add3A_312 : i32
    %dma_wait3A_314 = arith.constant 0 : i32
    %dma_wait3A_315 = tpu.memref_slice %arg12[%add3A_313, %dma_wait3A_314] : memref<10240x128xf32, #tpu.memory_space<vmem_shared>> -> memref<16x128xf32, #tpu.memory_space<vmem_shared>>
    %dma_wait3A_316 = arith.constant 0 : i32
    %dma_wait3A_317 = tpu.memref_slice %arg12[%add3A_313, %dma_wait3A_316] : memref<10240x128xf32, #tpu.memory_space<vmem_shared>> -> memref<16x128xf32, #tpu.memory_space<vmem_shared>>
    tpu.wait_dma2 semaphore(%arg17 : memref<!tpu.dma_semaphore, #tpu.memory_space<semaphore_mem>>) src(%arg11 : memref<16x128xf32, #tpu.memory_space<vmem>>) dst(%dma_wait3A_317 : memref<16x128xf32, #tpu.memory_space<vmem_shared>>)
    %add3A_318 = arith.constant 288 : i32
    %add3A_319 = arith.addi %mul3A_4, %add3A_318 : i32
    %dma_wait3A_320 = arith.constant 0 : i32
    %dma_wait3A_321 = tpu.memref_slice %arg12[%add3A_319, %dma_wait3A_320] : memref<10240x128xf32, #tpu.memory_space<vmem_shared>> -> memref<16x128xf32, #tpu.memory_space<vmem_shared>>
    %dma_wait3A_322 = arith.constant 0 : i32
    %dma_wait3A_323 = tpu.memref_slice %arg12[%add3A_319, %dma_wait3A_322] : memref<10240x128xf32, #tpu.memory_space<vmem_shared>> -> memref<16x128xf32, #tpu.memory_space<vmem_shared>>
    tpu.wait_dma2 semaphore(%arg17 : memref<!tpu.dma_semaphore, #tpu.memory_space<semaphore_mem>>) src(%arg11 : memref<16x128xf32, #tpu.memory_space<vmem>>) dst(%dma_wait3A_323 : memref<16x128xf32, #tpu.memory_space<vmem_shared>>)
    %add3A_324 = arith.constant 304 : i32
    %add3A_325 = arith.addi %mul3A_4, %add3A_324 : i32
    %dma_wait3A_326 = arith.constant 0 : i32
    %dma_wait3A_327 = tpu.memref_slice %arg12[%add3A_325, %dma_wait3A_326] : memref<10240x128xf32, #tpu.memory_space<vmem_shared>> -> memref<16x128xf32, #tpu.memory_space<vmem_shared>>
    %dma_wait3A_328 = arith.constant 0 : i32
    %dma_wait3A_329 = tpu.memref_slice %arg12[%add3A_325, %dma_wait3A_328] : memref<10240x128xf32, #tpu.memory_space<vmem_shared>> -> memref<16x128xf32, #tpu.memory_space<vmem_shared>>
    tpu.wait_dma2 semaphore(%arg17 : memref<!tpu.dma_semaphore, #tpu.memory_space<semaphore_mem>>) src(%arg11 : memref<16x128xf32, #tpu.memory_space<vmem>>) dst(%dma_wait3A_329 : memref<16x128xf32, #tpu.memory_space<vmem_shared>>)
    %add3A_330 = arith.constant 320 : i32
    %add3A_331 = arith.addi %mul3A_4, %add3A_330 : i32
    %dma_wait3A_332 = arith.constant 0 : i32
    %dma_wait3A_333 = tpu.memref_slice %arg12[%add3A_331, %dma_wait3A_332] : memref<10240x128xf32, #tpu.memory_space<vmem_shared>> -> memref<16x128xf32, #tpu.memory_space<vmem_shared>>
    %dma_wait3A_334 = arith.constant 0 : i32
    %dma_wait3A_335 = tpu.memref_slice %arg12[%add3A_331, %dma_wait3A_334] : memref<10240x128xf32, #tpu.memory_space<vmem_shared>> -> memref<16x128xf32, #tpu.memory_space<vmem_shared>>
    tpu.wait_dma2 semaphore(%arg17 : memref<!tpu.dma_semaphore, #tpu.memory_space<semaphore_mem>>) src(%arg11 : memref<16x128xf32, #tpu.memory_space<vmem>>) dst(%dma_wait3A_335 : memref<16x128xf32, #tpu.memory_space<vmem_shared>>)
    %add3A_336 = arith.constant 336 : i32
    %add3A_337 = arith.addi %mul3A_4, %add3A_336 : i32
    %dma_wait3A_338 = arith.constant 0 : i32
    %dma_wait3A_339 = tpu.memref_slice %arg12[%add3A_337, %dma_wait3A_338] : memref<10240x128xf32, #tpu.memory_space<vmem_shared>> -> memref<16x128xf32, #tpu.memory_space<vmem_shared>>
    %dma_wait3A_340 = arith.constant 0 : i32
    %dma_wait3A_341 = tpu.memref_slice %arg12[%add3A_337, %dma_wait3A_340] : memref<10240x128xf32, #tpu.memory_space<vmem_shared>> -> memref<16x128xf32, #tpu.memory_space<vmem_shared>>
    tpu.wait_dma2 semaphore(%arg17 : memref<!tpu.dma_semaphore, #tpu.memory_space<semaphore_mem>>) src(%arg11 : memref<16x128xf32, #tpu.memory_space<vmem>>) dst(%dma_wait3A_341 : memref<16x128xf32, #tpu.memory_space<vmem_shared>>)
    %add3A_342 = arith.constant 352 : i32
    %add3A_343 = arith.addi %mul3A_4, %add3A_342 : i32
    %dma_wait3A_344 = arith.constant 0 : i32
    %dma_wait3A_345 = tpu.memref_slice %arg12[%add3A_343, %dma_wait3A_344] : memref<10240x128xf32, #tpu.memory_space<vmem_shared>> -> memref<16x128xf32, #tpu.memory_space<vmem_shared>>
    %dma_wait3A_346 = arith.constant 0 : i32
    %dma_wait3A_347 = tpu.memref_slice %arg12[%add3A_343, %dma_wait3A_346] : memref<10240x128xf32, #tpu.memory_space<vmem_shared>> -> memref<16x128xf32, #tpu.memory_space<vmem_shared>>
    tpu.wait_dma2 semaphore(%arg17 : memref<!tpu.dma_semaphore, #tpu.memory_space<semaphore_mem>>) src(%arg11 : memref<16x128xf32, #tpu.memory_space<vmem>>) dst(%dma_wait3A_347 : memref<16x128xf32, #tpu.memory_space<vmem_shared>>)
    %add3A_348 = arith.constant 368 : i32
    %add3A_349 = arith.addi %mul3A_4, %add3A_348 : i32
    %dma_wait3A_350 = arith.constant 0 : i32
    %dma_wait3A_351 = tpu.memref_slice %arg12[%add3A_349, %dma_wait3A_350] : memref<10240x128xf32, #tpu.memory_space<vmem_shared>> -> memref<16x128xf32, #tpu.memory_space<vmem_shared>>
    %dma_wait3A_352 = arith.constant 0 : i32
    %dma_wait3A_353 = tpu.memref_slice %arg12[%add3A_349, %dma_wait3A_352] : memref<10240x128xf32, #tpu.memory_space<vmem_shared>> -> memref<16x128xf32, #tpu.memory_space<vmem_shared>>
    tpu.wait_dma2 semaphore(%arg17 : memref<!tpu.dma_semaphore, #tpu.memory_space<semaphore_mem>>) src(%arg11 : memref<16x128xf32, #tpu.memory_space<vmem>>) dst(%dma_wait3A_353 : memref<16x128xf32, #tpu.memory_space<vmem_shared>>)
    %add3A_354 = arith.constant 384 : i32
    %add3A_355 = arith.addi %mul3A_4, %add3A_354 : i32
    %dma_start3A_356 = arith.constant 0 : i32
    %dma_start3A_357 = tpu.memref_slice %arg12[%add3A_355, %dma_start3A_356] : memref<10240x128xf32, #tpu.memory_space<vmem_shared>> -> memref<16x128xf32, #tpu.memory_space<vmem_shared>>
    %dma_start3A_358 = arith.constant 0 : i32
    %dma_start3A_359 = tpu.memref_slice %arg12[%add3A_355, %dma_start3A_358] : memref<10240x128xf32, #tpu.memory_space<vmem_shared>> -> memref<16x128xf32, #tpu.memory_space<vmem_shared>>
    tpu.enqueue_dma source(%arg11 : memref<16x128xf32, #tpu.memory_space<vmem>>) target(%dma_start3A_359 : memref<16x128xf32, #tpu.memory_space<vmem_shared>>) target_semaphore(%arg17 : memref<!tpu.dma_semaphore, #tpu.memory_space<semaphore_mem>>)
    %add3A_360 = arith.constant 400 : i32
    %add3A_361 = arith.addi %mul3A_4, %add3A_360 : i32
    %dma_start3A_362 = arith.constant 0 : i32
    %dma_start3A_363 = tpu.memref_slice %arg12[%add3A_361, %dma_start3A_362] : memref<10240x128xf32, #tpu.memory_space<vmem_shared>> -> memref<16x128xf32, #tpu.memory_space<vmem_shared>>
    %dma_start3A_364 = arith.constant 0 : i32
    %dma_start3A_365 = tpu.memref_slice %arg12[%add3A_361, %dma_start3A_364] : memref<10240x128xf32, #tpu.memory_space<vmem_shared>> -> memref<16x128xf32, #tpu.memory_space<vmem_shared>>
    tpu.enqueue_dma source(%arg11 : memref<16x128xf32, #tpu.memory_space<vmem>>) target(%dma_start3A_365 : memref<16x128xf32, #tpu.memory_space<vmem_shared>>) target_semaphore(%arg17 : memref<!tpu.dma_semaphore, #tpu.memory_space<semaphore_mem>>)
    %add3A_366 = arith.constant 416 : i32
    %add3A_367 = arith.addi %mul3A_4, %add3A_366 : i32
    %dma_start3A_368 = arith.constant 0 : i32
    %dma_start3A_369 = tpu.memref_slice %arg12[%add3A_367, %dma_start3A_368] : memref<10240x128xf32, #tpu.memory_space<vmem_shared>> -> memref<16x128xf32, #tpu.memory_space<vmem_shared>>
    %dma_start3A_370 = arith.constant 0 : i32
    %dma_start3A_371 = tpu.memref_slice %arg12[%add3A_367, %dma_start3A_370] : memref<10240x128xf32, #tpu.memory_space<vmem_shared>> -> memref<16x128xf32, #tpu.memory_space<vmem_shared>>
    tpu.enqueue_dma source(%arg11 : memref<16x128xf32, #tpu.memory_space<vmem>>) target(%dma_start3A_371 : memref<16x128xf32, #tpu.memory_space<vmem_shared>>) target_semaphore(%arg17 : memref<!tpu.dma_semaphore, #tpu.memory_space<semaphore_mem>>)
    %add3A_372 = arith.constant 432 : i32
    %add3A_373 = arith.addi %mul3A_4, %add3A_372 : i32
    %dma_start3A_374 = arith.constant 0 : i32
    %dma_start3A_375 = tpu.memref_slice %arg12[%add3A_373, %dma_start3A_374] : memref<10240x128xf32, #tpu.memory_space<vmem_shared>> -> memref<16x128xf32, #tpu.memory_space<vmem_shared>>
    %dma_start3A_376 = arith.constant 0 : i32
    %dma_start3A_377 = tpu.memref_slice %arg12[%add3A_373, %dma_start3A_376] : memref<10240x128xf32, #tpu.memory_space<vmem_shared>> -> memref<16x128xf32, #tpu.memory_space<vmem_shared>>
    tpu.enqueue_dma source(%arg11 : memref<16x128xf32, #tpu.memory_space<vmem>>) target(%dma_start3A_377 : memref<16x128xf32, #tpu.memory_space<vmem_shared>>) target_semaphore(%arg17 : memref<!tpu.dma_semaphore, #tpu.memory_space<semaphore_mem>>)
    %add3A_378 = arith.constant 448 : i32
    %add3A_379 = arith.addi %mul3A_4, %add3A_378 : i32
    %dma_start3A_380 = arith.constant 0 : i32
    %dma_start3A_381 = tpu.memref_slice %arg12[%add3A_379, %dma_start3A_380] : memref<10240x128xf32, #tpu.memory_space<vmem_shared>> -> memref<16x128xf32, #tpu.memory_space<vmem_shared>>
    %dma_start3A_382 = arith.constant 0 : i32
    %dma_start3A_383 = tpu.memref_slice %arg12[%add3A_379, %dma_start3A_382] : memref<10240x128xf32, #tpu.memory_space<vmem_shared>> -> memref<16x128xf32, #tpu.memory_space<vmem_shared>>
    tpu.enqueue_dma source(%arg11 : memref<16x128xf32, #tpu.memory_space<vmem>>) target(%dma_start3A_383 : memref<16x128xf32, #tpu.memory_space<vmem_shared>>) target_semaphore(%arg17 : memref<!tpu.dma_semaphore, #tpu.memory_space<semaphore_mem>>)
    %add3A_384 = arith.constant 464 : i32
    %add3A_385 = arith.addi %mul3A_4, %add3A_384 : i32
    %dma_start3A_386 = arith.constant 0 : i32
    %dma_start3A_387 = tpu.memref_slice %arg12[%add3A_385, %dma_start3A_386] : memref<10240x128xf32, #tpu.memory_space<vmem_shared>> -> memref<16x128xf32, #tpu.memory_space<vmem_shared>>
    %dma_start3A_388 = arith.constant 0 : i32
    %dma_start3A_389 = tpu.memref_slice %arg12[%add3A_385, %dma_start3A_388] : memref<10240x128xf32, #tpu.memory_space<vmem_shared>> -> memref<16x128xf32, #tpu.memory_space<vmem_shared>>
    tpu.enqueue_dma source(%arg11 : memref<16x128xf32, #tpu.memory_space<vmem>>) target(%dma_start3A_389 : memref<16x128xf32, #tpu.memory_space<vmem_shared>>) target_semaphore(%arg17 : memref<!tpu.dma_semaphore, #tpu.memory_space<semaphore_mem>>)
    %add3A_390 = arith.constant 480 : i32
    %add3A_391 = arith.addi %mul3A_4, %add3A_390 : i32
    %dma_start3A_392 = arith.constant 0 : i32
    %dma_start3A_393 = tpu.memref_slice %arg12[%add3A_391, %dma_start3A_392] : memref<10240x128xf32, #tpu.memory_space<vmem_shared>> -> memref<16x128xf32, #tpu.memory_space<vmem_shared>>
    %dma_start3A_394 = arith.constant 0 : i32
    %dma_start3A_395 = tpu.memref_slice %arg12[%add3A_391, %dma_start3A_394] : memref<10240x128xf32, #tpu.memory_space<vmem_shared>> -> memref<16x128xf32, #tpu.memory_space<vmem_shared>>
    tpu.enqueue_dma source(%arg11 : memref<16x128xf32, #tpu.memory_space<vmem>>) target(%dma_start3A_395 : memref<16x128xf32, #tpu.memory_space<vmem_shared>>) target_semaphore(%arg17 : memref<!tpu.dma_semaphore, #tpu.memory_space<semaphore_mem>>)
    %add3A_396 = arith.constant 496 : i32
    %add3A_397 = arith.addi %mul3A_4, %add3A_396 : i32
    %dma_start3A_398 = arith.constant 0 : i32
    %dma_start3A_399 = tpu.memref_slice %arg12[%add3A_397, %dma_start3A_398] : memref<10240x128xf32, #tpu.memory_space<vmem_shared>> -> memref<16x128xf32, #tpu.memory_space<vmem_shared>>
    %dma_start3A_400 = arith.constant 0 : i32
    %dma_start3A_401 = tpu.memref_slice %arg12[%add3A_397, %dma_start3A_400] : memref<10240x128xf32, #tpu.memory_space<vmem_shared>> -> memref<16x128xf32, #tpu.memory_space<vmem_shared>>
    tpu.enqueue_dma source(%arg11 : memref<16x128xf32, #tpu.memory_space<vmem>>) target(%dma_start3A_401 : memref<16x128xf32, #tpu.memory_space<vmem_shared>>) target_semaphore(%arg17 : memref<!tpu.dma_semaphore, #tpu.memory_space<semaphore_mem>>)
    %add3A_402 = arith.constant 384 : i32
    %add3A_403 = arith.addi %mul3A_4, %add3A_402 : i32
    %dma_wait3A_404 = arith.constant 0 : i32
    %dma_wait3A_405 = tpu.memref_slice %arg12[%add3A_403, %dma_wait3A_404] : memref<10240x128xf32, #tpu.memory_space<vmem_shared>> -> memref<16x128xf32, #tpu.memory_space<vmem_shared>>
    %dma_wait3A_406 = arith.constant 0 : i32
    %dma_wait3A_407 = tpu.memref_slice %arg12[%add3A_403, %dma_wait3A_406] : memref<10240x128xf32, #tpu.memory_space<vmem_shared>> -> memref<16x128xf32, #tpu.memory_space<vmem_shared>>
    tpu.wait_dma2 semaphore(%arg17 : memref<!tpu.dma_semaphore, #tpu.memory_space<semaphore_mem>>) src(%arg11 : memref<16x128xf32, #tpu.memory_space<vmem>>) dst(%dma_wait3A_407 : memref<16x128xf32, #tpu.memory_space<vmem_shared>>)
    %add3A_408 = arith.constant 400 : i32
    %add3A_409 = arith.addi %mul3A_4, %add3A_408 : i32
    %dma_wait3A_410 = arith.constant 0 : i32
    %dma_wait3A_411 = tpu.memref_slice %arg12[%add3A_409, %dma_wait3A_410] : memref<10240x128xf32, #tpu.memory_space<vmem_shared>> -> memref<16x128xf32, #tpu.memory_space<vmem_shared>>
    %dma_wait3A_412 = arith.constant 0 : i32
    %dma_wait3A_413 = tpu.memref_slice %arg12[%add3A_409, %dma_wait3A_412] : memref<10240x128xf32, #tpu.memory_space<vmem_shared>> -> memref<16x128xf32, #tpu.memory_space<vmem_shared>>
    tpu.wait_dma2 semaphore(%arg17 : memref<!tpu.dma_semaphore, #tpu.memory_space<semaphore_mem>>) src(%arg11 : memref<16x128xf32, #tpu.memory_space<vmem>>) dst(%dma_wait3A_413 : memref<16x128xf32, #tpu.memory_space<vmem_shared>>)
    %add3A_414 = arith.constant 416 : i32
    %add3A_415 = arith.addi %mul3A_4, %add3A_414 : i32
    %dma_wait3A_416 = arith.constant 0 : i32
    %dma_wait3A_417 = tpu.memref_slice %arg12[%add3A_415, %dma_wait3A_416] : memref<10240x128xf32, #tpu.memory_space<vmem_shared>> -> memref<16x128xf32, #tpu.memory_space<vmem_shared>>
    %dma_wait3A_418 = arith.constant 0 : i32
    %dma_wait3A_419 = tpu.memref_slice %arg12[%add3A_415, %dma_wait3A_418] : memref<10240x128xf32, #tpu.memory_space<vmem_shared>> -> memref<16x128xf32, #tpu.memory_space<vmem_shared>>
    tpu.wait_dma2 semaphore(%arg17 : memref<!tpu.dma_semaphore, #tpu.memory_space<semaphore_mem>>) src(%arg11 : memref<16x128xf32, #tpu.memory_space<vmem>>) dst(%dma_wait3A_419 : memref<16x128xf32, #tpu.memory_space<vmem_shared>>)
    %add3A_420 = arith.constant 432 : i32
    %add3A_421 = arith.addi %mul3A_4, %add3A_420 : i32
    %dma_wait3A_422 = arith.constant 0 : i32
    %dma_wait3A_423 = tpu.memref_slice %arg12[%add3A_421, %dma_wait3A_422] : memref<10240x128xf32, #tpu.memory_space<vmem_shared>> -> memref<16x128xf32, #tpu.memory_space<vmem_shared>>
    %dma_wait3A_424 = arith.constant 0 : i32
    %dma_wait3A_425 = tpu.memref_slice %arg12[%add3A_421, %dma_wait3A_424] : memref<10240x128xf32, #tpu.memory_space<vmem_shared>> -> memref<16x128xf32, #tpu.memory_space<vmem_shared>>
    tpu.wait_dma2 semaphore(%arg17 : memref<!tpu.dma_semaphore, #tpu.memory_space<semaphore_mem>>) src(%arg11 : memref<16x128xf32, #tpu.memory_space<vmem>>) dst(%dma_wait3A_425 : memref<16x128xf32, #tpu.memory_space<vmem_shared>>)
    %add3A_426 = arith.constant 448 : i32
    %add3A_427 = arith.addi %mul3A_4, %add3A_426 : i32
    %dma_wait3A_428 = arith.constant 0 : i32
    %dma_wait3A_429 = tpu.memref_slice %arg12[%add3A_427, %dma_wait3A_428] : memref<10240x128xf32, #tpu.memory_space<vmem_shared>> -> memref<16x128xf32, #tpu.memory_space<vmem_shared>>
    %dma_wait3A_430 = arith.constant 0 : i32
    %dma_wait3A_431 = tpu.memref_slice %arg12[%add3A_427, %dma_wait3A_430] : memref<10240x128xf32, #tpu.memory_space<vmem_shared>> -> memref<16x128xf32, #tpu.memory_space<vmem_shared>>
    tpu.wait_dma2 semaphore(%arg17 : memref<!tpu.dma_semaphore, #tpu.memory_space<semaphore_mem>>) src(%arg11 : memref<16x128xf32, #tpu.memory_space<vmem>>) dst(%dma_wait3A_431 : memref<16x128xf32, #tpu.memory_space<vmem_shared>>)
    %add3A_432 = arith.constant 464 : i32
    %add3A_433 = arith.addi %mul3A_4, %add3A_432 : i32
    %dma_wait3A_434 = arith.constant 0 : i32
    %dma_wait3A_435 = tpu.memref_slice %arg12[%add3A_433, %dma_wait3A_434] : memref<10240x128xf32, #tpu.memory_space<vmem_shared>> -> memref<16x128xf32, #tpu.memory_space<vmem_shared>>
    %dma_wait3A_436 = arith.constant 0 : i32
    %dma_wait3A_437 = tpu.memref_slice %arg12[%add3A_433, %dma_wait3A_436] : memref<10240x128xf32, #tpu.memory_space<vmem_shared>> -> memref<16x128xf32, #tpu.memory_space<vmem_shared>>
    tpu.wait_dma2 semaphore(%arg17 : memref<!tpu.dma_semaphore, #tpu.memory_space<semaphore_mem>>) src(%arg11 : memref<16x128xf32, #tpu.memory_space<vmem>>) dst(%dma_wait3A_437 : memref<16x128xf32, #tpu.memory_space<vmem_shared>>)
    %add3A_438 = arith.constant 480 : i32
    %add3A_439 = arith.addi %mul3A_4, %add3A_438 : i32
    %dma_wait3A_440 = arith.constant 0 : i32
    %dma_wait3A_441 = tpu.memref_slice %arg12[%add3A_439, %dma_wait3A_440] : memref<10240x128xf32, #tpu.memory_space<vmem_shared>> -> memref<16x128xf32, #tpu.memory_space<vmem_shared>>
    %dma_wait3A_442 = arith.constant 0 : i32
    %dma_wait3A_443 = tpu.memref_slice %arg12[%add3A_439, %dma_wait3A_442] : memref<10240x128xf32, #tpu.memory_space<vmem_shared>> -> memref<16x128xf32, #tpu.memory_space<vmem_shared>>
    tpu.wait_dma2 semaphore(%arg17 : memref<!tpu.dma_semaphore, #tpu.memory_space<semaphore_mem>>) src(%arg11 : memref<16x128xf32, #tpu.memory_space<vmem>>) dst(%dma_wait3A_443 : memref<16x128xf32, #tpu.memory_space<vmem_shared>>)
    %add3A_444 = arith.constant 496 : i32
    %add3A_445 = arith.addi %mul3A_4, %add3A_444 : i32
    %dma_wait3A_446 = arith.constant 0 : i32
    %dma_wait3A_447 = tpu.memref_slice %arg12[%add3A_445, %dma_wait3A_446] : memref<10240x128xf32, #tpu.memory_space<vmem_shared>> -> memref<16x128xf32, #tpu.memory_space<vmem_shared>>
    %dma_wait3A_448 = arith.constant 0 : i32
    %dma_wait3A_449 = tpu.memref_slice %arg12[%add3A_445, %dma_wait3A_448] : memref<10240x128xf32, #tpu.memory_space<vmem_shared>> -> memref<16x128xf32, #tpu.memory_space<vmem_shared>>
    tpu.wait_dma2 semaphore(%arg17 : memref<!tpu.dma_semaphore, #tpu.memory_space<semaphore_mem>>) src(%arg11 : memref<16x128xf32, #tpu.memory_space<vmem>>) dst(%dma_wait3A_449 : memref<16x128xf32, #tpu.memory_space<vmem_shared>>)
    %add3A_450 = arith.constant 512 : i32
    %add3A_451 = arith.addi %mul3A_4, %add3A_450 : i32
    %dma_start3A_452 = arith.constant 0 : i32
    %dma_start3A_453 = tpu.memref_slice %arg12[%add3A_451, %dma_start3A_452] : memref<10240x128xf32, #tpu.memory_space<vmem_shared>> -> memref<16x128xf32, #tpu.memory_space<vmem_shared>>
    %dma_start3A_454 = arith.constant 0 : i32
    %dma_start3A_455 = tpu.memref_slice %arg12[%add3A_451, %dma_start3A_454] : memref<10240x128xf32, #tpu.memory_space<vmem_shared>> -> memref<16x128xf32, #tpu.memory_space<vmem_shared>>
    tpu.enqueue_dma source(%arg11 : memref<16x128xf32, #tpu.memory_space<vmem>>) target(%dma_start3A_455 : memref<16x128xf32, #tpu.memory_space<vmem_shared>>) target_semaphore(%arg17 : memref<!tpu.dma_semaphore, #tpu.memory_space<semaphore_mem>>)
    %add3A_456 = arith.constant 528 : i32
    %add3A_457 = arith.addi %mul3A_4, %add3A_456 : i32
    %dma_start3A_458 = arith.constant 0 : i32
    %dma_start3A_459 = tpu.memref_slice %arg12[%add3A_457, %dma_start3A_458] : memref<10240x128xf32, #tpu.memory_space<vmem_shared>> -> memref<16x128xf32, #tpu.memory_space<vmem_shared>>
    %dma_start3A_460 = arith.constant 0 : i32
    %dma_start3A_461 = tpu.memref_slice %arg12[%add3A_457, %dma_start3A_460] : memref<10240x128xf32, #tpu.memory_space<vmem_shared>> -> memref<16x128xf32, #tpu.memory_space<vmem_shared>>
    tpu.enqueue_dma source(%arg11 : memref<16x128xf32, #tpu.memory_space<vmem>>) target(%dma_start3A_461 : memref<16x128xf32, #tpu.memory_space<vmem_shared>>) target_semaphore(%arg17 : memref<!tpu.dma_semaphore, #tpu.memory_space<semaphore_mem>>)
    %add3A_462 = arith.constant 544 : i32
    %add3A_463 = arith.addi %mul3A_4, %add3A_462 : i32
    %dma_start3A_464 = arith.constant 0 : i32
    %dma_start3A_465 = tpu.memref_slice %arg12[%add3A_463, %dma_start3A_464] : memref<10240x128xf32, #tpu.memory_space<vmem_shared>> -> memref<16x128xf32, #tpu.memory_space<vmem_shared>>
    %dma_start3A_466 = arith.constant 0 : i32
    %dma_start3A_467 = tpu.memref_slice %arg12[%add3A_463, %dma_start3A_466] : memref<10240x128xf32, #tpu.memory_space<vmem_shared>> -> memref<16x128xf32, #tpu.memory_space<vmem_shared>>
    tpu.enqueue_dma source(%arg11 : memref<16x128xf32, #tpu.memory_space<vmem>>) target(%dma_start3A_467 : memref<16x128xf32, #tpu.memory_space<vmem_shared>>) target_semaphore(%arg17 : memref<!tpu.dma_semaphore, #tpu.memory_space<semaphore_mem>>)
    %add3A_468 = arith.constant 560 : i32
    %add3A_469 = arith.addi %mul3A_4, %add3A_468 : i32
    %dma_start3A_470 = arith.constant 0 : i32
    %dma_start3A_471 = tpu.memref_slice %arg12[%add3A_469, %dma_start3A_470] : memref<10240x128xf32, #tpu.memory_space<vmem_shared>> -> memref<16x128xf32, #tpu.memory_space<vmem_shared>>
    %dma_start3A_472 = arith.constant 0 : i32
    %dma_start3A_473 = tpu.memref_slice %arg12[%add3A_469, %dma_start3A_472] : memref<10240x128xf32, #tpu.memory_space<vmem_shared>> -> memref<16x128xf32, #tpu.memory_space<vmem_shared>>
    tpu.enqueue_dma source(%arg11 : memref<16x128xf32, #tpu.memory_space<vmem>>) target(%dma_start3A_473 : memref<16x128xf32, #tpu.memory_space<vmem_shared>>) target_semaphore(%arg17 : memref<!tpu.dma_semaphore, #tpu.memory_space<semaphore_mem>>)
    %add3A_474 = arith.constant 576 : i32
    %add3A_475 = arith.addi %mul3A_4, %add3A_474 : i32
    %dma_start3A_476 = arith.constant 0 : i32
    %dma_start3A_477 = tpu.memref_slice %arg12[%add3A_475, %dma_start3A_476] : memref<10240x128xf32, #tpu.memory_space<vmem_shared>> -> memref<16x128xf32, #tpu.memory_space<vmem_shared>>
    %dma_start3A_478 = arith.constant 0 : i32
    %dma_start3A_479 = tpu.memref_slice %arg12[%add3A_475, %dma_start3A_478] : memref<10240x128xf32, #tpu.memory_space<vmem_shared>> -> memref<16x128xf32, #tpu.memory_space<vmem_shared>>
    tpu.enqueue_dma source(%arg11 : memref<16x128xf32, #tpu.memory_space<vmem>>) target(%dma_start3A_479 : memref<16x128xf32, #tpu.memory_space<vmem_shared>>) target_semaphore(%arg17 : memref<!tpu.dma_semaphore, #tpu.memory_space<semaphore_mem>>)
    %add3A_480 = arith.constant 592 : i32
    %add3A_481 = arith.addi %mul3A_4, %add3A_480 : i32
    %dma_start3A_482 = arith.constant 0 : i32
    %dma_start3A_483 = tpu.memref_slice %arg12[%add3A_481, %dma_start3A_482] : memref<10240x128xf32, #tpu.memory_space<vmem_shared>> -> memref<16x128xf32, #tpu.memory_space<vmem_shared>>
    %dma_start3A_484 = arith.constant 0 : i32
    %dma_start3A_485 = tpu.memref_slice %arg12[%add3A_481, %dma_start3A_484] : memref<10240x128xf32, #tpu.memory_space<vmem_shared>> -> memref<16x128xf32, #tpu.memory_space<vmem_shared>>
    tpu.enqueue_dma source(%arg11 : memref<16x128xf32, #tpu.memory_space<vmem>>) target(%dma_start3A_485 : memref<16x128xf32, #tpu.memory_space<vmem_shared>>) target_semaphore(%arg17 : memref<!tpu.dma_semaphore, #tpu.memory_space<semaphore_mem>>)
    %add3A_486 = arith.constant 608 : i32
    %add3A_487 = arith.addi %mul3A_4, %add3A_486 : i32
    %dma_start3A_488 = arith.constant 0 : i32
    %dma_start3A_489 = tpu.memref_slice %arg12[%add3A_487, %dma_start3A_488] : memref<10240x128xf32, #tpu.memory_space<vmem_shared>> -> memref<16x128xf32, #tpu.memory_space<vmem_shared>>
    %dma_start3A_490 = arith.constant 0 : i32
    %dma_start3A_491 = tpu.memref_slice %arg12[%add3A_487, %dma_start3A_490] : memref<10240x128xf32, #tpu.memory_space<vmem_shared>> -> memref<16x128xf32, #tpu.memory_space<vmem_shared>>
    tpu.enqueue_dma source(%arg11 : memref<16x128xf32, #tpu.memory_space<vmem>>) target(%dma_start3A_491 : memref<16x128xf32, #tpu.memory_space<vmem_shared>>) target_semaphore(%arg17 : memref<!tpu.dma_semaphore, #tpu.memory_space<semaphore_mem>>)
    %add3A_492 = arith.constant 624 : i32
    %add3A_493 = arith.addi %mul3A_4, %add3A_492 : i32
    %dma_start3A_494 = arith.constant 0 : i32
    %dma_start3A_495 = tpu.memref_slice %arg12[%add3A_493, %dma_start3A_494] : memref<10240x128xf32, #tpu.memory_space<vmem_shared>> -> memref<16x128xf32, #tpu.memory_space<vmem_shared>>
    %dma_start3A_496 = arith.constant 0 : i32
    %dma_start3A_497 = tpu.memref_slice %arg12[%add3A_493, %dma_start3A_496] : memref<10240x128xf32, #tpu.memory_space<vmem_shared>> -> memref<16x128xf32, #tpu.memory_space<vmem_shared>>
    tpu.enqueue_dma source(%arg11 : memref<16x128xf32, #tpu.memory_space<vmem>>) target(%dma_start3A_497 : memref<16x128xf32, #tpu.memory_space<vmem_shared>>) target_semaphore(%arg17 : memref<!tpu.dma_semaphore, #tpu.memory_space<semaphore_mem>>)
    %add3A_498 = arith.constant 512 : i32
    %add3A_499 = arith.addi %mul3A_4, %add3A_498 : i32
    %dma_wait3A_500 = arith.constant 0 : i32
    %dma_wait3A_501 = tpu.memref_slice %arg12[%add3A_499, %dma_wait3A_500] : memref<10240x128xf32, #tpu.memory_space<vmem_shared>> -> memref<16x128xf32, #tpu.memory_space<vmem_shared>>
    %dma_wait3A_502 = arith.constant 0 : i32
    %dma_wait3A_503 = tpu.memref_slice %arg12[%add3A_499, %dma_wait3A_502] : memref<10240x128xf32, #tpu.memory_space<vmem_shared>> -> memref<16x128xf32, #tpu.memory_space<vmem_shared>>
    tpu.wait_dma2 semaphore(%arg17 : memref<!tpu.dma_semaphore, #tpu.memory_space<semaphore_mem>>) src(%arg11 : memref<16x128xf32, #tpu.memory_space<vmem>>) dst(%dma_wait3A_503 : memref<16x128xf32, #tpu.memory_space<vmem_shared>>)
    %add3A_504 = arith.constant 528 : i32
    %add3A_505 = arith.addi %mul3A_4, %add3A_504 : i32
    %dma_wait3A_506 = arith.constant 0 : i32
    %dma_wait3A_507 = tpu.memref_slice %arg12[%add3A_505, %dma_wait3A_506] : memref<10240x128xf32, #tpu.memory_space<vmem_shared>> -> memref<16x128xf32, #tpu.memory_space<vmem_shared>>
    %dma_wait3A_508 = arith.constant 0 : i32
    %dma_wait3A_509 = tpu.memref_slice %arg12[%add3A_505, %dma_wait3A_508] : memref<10240x128xf32, #tpu.memory_space<vmem_shared>> -> memref<16x128xf32, #tpu.memory_space<vmem_shared>>
    tpu.wait_dma2 semaphore(%arg17 : memref<!tpu.dma_semaphore, #tpu.memory_space<semaphore_mem>>) src(%arg11 : memref<16x128xf32, #tpu.memory_space<vmem>>) dst(%dma_wait3A_509 : memref<16x128xf32, #tpu.memory_space<vmem_shared>>)
    %add3A_510 = arith.constant 544 : i32
    %add3A_511 = arith.addi %mul3A_4, %add3A_510 : i32
    %dma_wait3A_512 = arith.constant 0 : i32
    %dma_wait3A_513 = tpu.memref_slice %arg12[%add3A_511, %dma_wait3A_512] : memref<10240x128xf32, #tpu.memory_space<vmem_shared>> -> memref<16x128xf32, #tpu.memory_space<vmem_shared>>
    %dma_wait3A_514 = arith.constant 0 : i32
    %dma_wait3A_515 = tpu.memref_slice %arg12[%add3A_511, %dma_wait3A_514] : memref<10240x128xf32, #tpu.memory_space<vmem_shared>> -> memref<16x128xf32, #tpu.memory_space<vmem_shared>>
    tpu.wait_dma2 semaphore(%arg17 : memref<!tpu.dma_semaphore, #tpu.memory_space<semaphore_mem>>) src(%arg11 : memref<16x128xf32, #tpu.memory_space<vmem>>) dst(%dma_wait3A_515 : memref<16x128xf32, #tpu.memory_space<vmem_shared>>)
    %add3A_516 = arith.constant 560 : i32
    %add3A_517 = arith.addi %mul3A_4, %add3A_516 : i32
    %dma_wait3A_518 = arith.constant 0 : i32
    %dma_wait3A_519 = tpu.memref_slice %arg12[%add3A_517, %dma_wait3A_518] : memref<10240x128xf32, #tpu.memory_space<vmem_shared>> -> memref<16x128xf32, #tpu.memory_space<vmem_shared>>
    %dma_wait3A_520 = arith.constant 0 : i32
    %dma_wait3A_521 = tpu.memref_slice %arg12[%add3A_517, %dma_wait3A_520] : memref<10240x128xf32, #tpu.memory_space<vmem_shared>> -> memref<16x128xf32, #tpu.memory_space<vmem_shared>>
    tpu.wait_dma2 semaphore(%arg17 : memref<!tpu.dma_semaphore, #tpu.memory_space<semaphore_mem>>) src(%arg11 : memref<16x128xf32, #tpu.memory_space<vmem>>) dst(%dma_wait3A_521 : memref<16x128xf32, #tpu.memory_space<vmem_shared>>)
    %add3A_522 = arith.constant 576 : i32
    %add3A_523 = arith.addi %mul3A_4, %add3A_522 : i32
    %dma_wait3A_524 = arith.constant 0 : i32
    %dma_wait3A_525 = tpu.memref_slice %arg12[%add3A_523, %dma_wait3A_524] : memref<10240x128xf32, #tpu.memory_space<vmem_shared>> -> memref<16x128xf32, #tpu.memory_space<vmem_shared>>
    %dma_wait3A_526 = arith.constant 0 : i32
    %dma_wait3A_527 = tpu.memref_slice %arg12[%add3A_523, %dma_wait3A_526] : memref<10240x128xf32, #tpu.memory_space<vmem_shared>> -> memref<16x128xf32, #tpu.memory_space<vmem_shared>>
    tpu.wait_dma2 semaphore(%arg17 : memref<!tpu.dma_semaphore, #tpu.memory_space<semaphore_mem>>) src(%arg11 : memref<16x128xf32, #tpu.memory_space<vmem>>) dst(%dma_wait3A_527 : memref<16x128xf32, #tpu.memory_space<vmem_shared>>)
    %add3A_528 = arith.constant 592 : i32
    %add3A_529 = arith.addi %mul3A_4, %add3A_528 : i32
    %dma_wait3A_530 = arith.constant 0 : i32
    %dma_wait3A_531 = tpu.memref_slice %arg12[%add3A_529, %dma_wait3A_530] : memref<10240x128xf32, #tpu.memory_space<vmem_shared>> -> memref<16x128xf32, #tpu.memory_space<vmem_shared>>
    %dma_wait3A_532 = arith.constant 0 : i32
    %dma_wait3A_533 = tpu.memref_slice %arg12[%add3A_529, %dma_wait3A_532] : memref<10240x128xf32, #tpu.memory_space<vmem_shared>> -> memref<16x128xf32, #tpu.memory_space<vmem_shared>>
    tpu.wait_dma2 semaphore(%arg17 : memref<!tpu.dma_semaphore, #tpu.memory_space<semaphore_mem>>) src(%arg11 : memref<16x128xf32, #tpu.memory_space<vmem>>) dst(%dma_wait3A_533 : memref<16x128xf32, #tpu.memory_space<vmem_shared>>)
    %add3A_534 = arith.constant 608 : i32
    %add3A_535 = arith.addi %mul3A_4, %add3A_534 : i32
    %dma_wait3A_536 = arith.constant 0 : i32
    %dma_wait3A_537 = tpu.memref_slice %arg12[%add3A_535, %dma_wait3A_536] : memref<10240x128xf32, #tpu.memory_space<vmem_shared>> -> memref<16x128xf32, #tpu.memory_space<vmem_shared>>
    %dma_wait3A_538 = arith.constant 0 : i32
    %dma_wait3A_539 = tpu.memref_slice %arg12[%add3A_535, %dma_wait3A_538] : memref<10240x128xf32, #tpu.memory_space<vmem_shared>> -> memref<16x128xf32, #tpu.memory_space<vmem_shared>>
    tpu.wait_dma2 semaphore(%arg17 : memref<!tpu.dma_semaphore, #tpu.memory_space<semaphore_mem>>) src(%arg11 : memref<16x128xf32, #tpu.memory_space<vmem>>) dst(%dma_wait3A_539 : memref<16x128xf32, #tpu.memory_space<vmem_shared>>)
    %add3A_540 = arith.constant 624 : i32
    %add3A_541 = arith.addi %mul3A_4, %add3A_540 : i32
    %dma_wait3A_542 = arith.constant 0 : i32
    %dma_wait3A_543 = tpu.memref_slice %arg12[%add3A_541, %dma_wait3A_542] : memref<10240x128xf32, #tpu.memory_space<vmem_shared>> -> memref<16x128xf32, #tpu.memory_space<vmem_shared>>
    %dma_wait3A_544 = arith.constant 0 : i32
    %dma_wait3A_545 = tpu.memref_slice %arg12[%add3A_541, %dma_wait3A_544] : memref<10240x128xf32, #tpu.memory_space<vmem_shared>> -> memref<16x128xf32, #tpu.memory_space<vmem_shared>>
    tpu.wait_dma2 semaphore(%arg17 : memref<!tpu.dma_semaphore, #tpu.memory_space<semaphore_mem>>) src(%arg11 : memref<16x128xf32, #tpu.memory_space<vmem>>) dst(%dma_wait3A_545 : memref<16x128xf32, #tpu.memory_space<vmem_shared>>)
    %barrier3A = arith.constant 0 : index
    tpu.barrier barrier_id(%barrier3A)
    %scan3A = arith.constant 0 : i32
    %scan3A_546 = arith.constant 0 : i32
    %scan3A_547 = arith.constant 21 : i32
    %scan3A_548 = arith.addi %scan3A_546, %scan3A_547 : i32
    %scan3A_549 = arith.constant 1 : i32
    scf.for %scan3A_696 = %scan3A_546 to %scan3A_548 step %scan3A_549  : i32 {
      %mul3A_697 = arith.constant 2 : i32
      %mul3A_698 = arith.muli %mul3A_697, %scan3A_696 : i32
      %add3A_699 = arith.constant 0 : i32
      %add3A_700 = arith.addi %mul3A_698, %add3A_699 : i32
      %add3A_701 = arith.constant 1 : i32
      %add3A_702 = arith.addi %add3A_700, %add3A_701 : i32
      %lt3A = arith.constant 42 : i32
      %lt3A_703 = arith.cmpi slt, %add3A_702, %lt3A : i32
      %convert_element_type3A = arith.extui %lt3A_703 : i1 to i32
      %cond3A = arith.constant 0 : i32
      %cond3A_704 = arith.cmpi ne, %convert_element_type3A, %cond3A : i32
      scf.if %cond3A_704 {
        %add3A_832 = arith.constant 1 : i32
        %add3A_833 = arith.addi %add3A_700, %add3A_832 : i32
        %mul3A_834 = arith.constant 3 : i32
        %mul3A_835 = arith.muli %add3A_833, %mul3A_834 : i32
        %add3A_836 = arith.addi %mul3A_2, %mul3A_835 : i32
        %dma_wait3A_837 = arith.constant 0 : i32
        %dma_wait3A_838 = arith.constant 1 : i32
        %dma_wait3A_839 = arith.constant 0 : i32
        %dma_wait3A_840 = arith.constant 0 : i32
        %dma_wait3A_841 = tpu.memref_slice %arg6[%dma_wait3A_838, %dma_wait3A_839, %dma_wait3A_840] : memref<2x3x80xi32, #tpu.memory_space<vmem>> -> memref<1x3x80xi32, #tpu.memory_space<vmem>>
        %dma_wait3A_842 = tpu.memref_squeeze %dma_wait3A_841 : memref<1x3x80xi32, #tpu.memory_space<vmem>> -> memref<3x80xi32, #tpu.memory_space<vmem>>
        %dma_wait3A_843 = arith.constant 0 : i32
        %dma_wait3A_844 = tpu.memref_slice %arg3[%dma_wait3A_837, %add3A_836, %dma_wait3A_843] : memref<2x4032x80xi32, #tpu.memory_space<hbm>> -> memref<1x3x80xi32, #tpu.memory_space<hbm>>
        %dma_wait3A_845 = tpu.memref_squeeze %dma_wait3A_844 : memref<1x3x80xi32, #tpu.memory_space<hbm>> -> memref<3x80xi32, #tpu.memory_space<hbm>>
        %dma_wait3A_846 = arith.constant 0 : i32
        %dma_wait3A_847 = arith.constant 0 : i32
        %dma_wait3A_848 = tpu.memref_slice %arg6[%dma_wait3A_838, %dma_wait3A_846, %dma_wait3A_847] : memref<2x3x80xi32, #tpu.memory_space<vmem>> -> memref<1x3x80xi32, #tpu.memory_space<vmem>>
        %dma_wait3A_849 = tpu.memref_squeeze %dma_wait3A_848 : memref<1x3x80xi32, #tpu.memory_space<vmem>> -> memref<3x80xi32, #tpu.memory_space<vmem>>
        %dma_wait3A_850 = arith.constant 0 : i32
        %dma_wait3A_851 = tpu.memref_slice %arg3[%dma_wait3A_837, %add3A_836, %dma_wait3A_850] : memref<2x4032x80xi32, #tpu.memory_space<hbm>> -> memref<1x3x80xi32, #tpu.memory_space<hbm>>
        %dma_wait3A_852 = tpu.memref_squeeze %dma_wait3A_851 : memref<1x3x80xi32, #tpu.memory_space<hbm>> -> memref<3x80xi32, #tpu.memory_space<hbm>>
        tpu.wait_dma2 semaphore(%arg16 : memref<!tpu.dma_semaphore, #tpu.memory_space<semaphore_mem>>) src(%dma_wait3A_852 : memref<3x80xi32, #tpu.memory_space<hbm>>) dst(%dma_wait3A_849 : memref<3x80xi32, #tpu.memory_space<vmem>>)
        %add3A_853 = arith.constant 1 : i32
        %add3A_854 = arith.addi %add3A_700, %add3A_853 : i32
        %mul3A_855 = arith.constant 3 : i32
        %mul3A_856 = arith.muli %add3A_854, %mul3A_855 : i32
        %add3A_857 = arith.addi %mul3A_2, %mul3A_856 : i32
        %dma_wait3A_858 = arith.constant 1 : i32
        %dma_wait3A_859 = arith.constant 1 : i32
        %dma_wait3A_860 = arith.constant 0 : i32
        %dma_wait3A_861 = arith.constant 0 : i32
        %dma_wait3A_862 = tpu.memref_slice %arg7[%dma_wait3A_859, %dma_wait3A_860, %dma_wait3A_861] : memref<2x3x80xi32, #tpu.memory_space<vmem>> -> memref<1x3x80xi32, #tpu.memory_space<vmem>>
        %dma_wait3A_863 = tpu.memref_squeeze %dma_wait3A_862 : memref<1x3x80xi32, #tpu.memory_space<vmem>> -> memref<3x80xi32, #tpu.memory_space<vmem>>
        %dma_wait3A_864 = arith.constant 0 : i32
        %dma_wait3A_865 = tpu.memref_slice %arg3[%dma_wait3A_858, %add3A_857, %dma_wait3A_864] : memref<2x4032x80xi32, #tpu.memory_space<hbm>> -> memref<1x3x80xi32, #tpu.memory_space<hbm>>
        %dma_wait3A_866 = tpu.memref_squeeze %dma_wait3A_865 : memref<1x3x80xi32, #tpu.memory_space<hbm>> -> memref<3x80xi32, #tpu.memory_space<hbm>>
        %dma_wait3A_867 = arith.constant 0 : i32
        %dma_wait3A_868 = arith.constant 0 : i32
        %dma_wait3A_869 = tpu.memref_slice %arg7[%dma_wait3A_859, %dma_wait3A_867, %dma_wait3A_868] : memref<2x3x80xi32, #tpu.memory_space<vmem>> -> memref<1x3x80xi32, #tpu.memory_space<vmem>>
        %dma_wait3A_870 = tpu.memref_squeeze %dma_wait3A_869 : memref<1x3x80xi32, #tpu.memory_space<vmem>> -> memref<3x80xi32, #tpu.memory_space<vmem>>
        %dma_wait3A_871 = arith.constant 0 : i32
        %dma_wait3A_872 = tpu.memref_slice %arg3[%dma_wait3A_858, %add3A_857, %dma_wait3A_871] : memref<2x4032x80xi32, #tpu.memory_space<hbm>> -> memref<1x3x80xi32, #tpu.memory_space<hbm>>
        %dma_wait3A_873 = tpu.memref_squeeze %dma_wait3A_872 : memref<1x3x80xi32, #tpu.memory_space<hbm>> -> memref<3x80xi32, #tpu.memory_space<hbm>>
        tpu.wait_dma2 semaphore(%arg16 : memref<!tpu.dma_semaphore, #tpu.memory_space<semaphore_mem>>) src(%dma_wait3A_873 : memref<3x80xi32, #tpu.memory_space<hbm>>) dst(%dma_wait3A_870 : memref<3x80xi32, #tpu.memory_space<vmem>>)
      } else {
      }
      %dma_wait3A_705 = arith.constant 0 : i32
      %dma_wait3A_706 = arith.constant 0 : i32
      %dma_wait3A_707 = arith.constant 0 : i32
      %dma_wait3A_708 = tpu.memref_slice %arg6[%dma_wait3A_705, %dma_wait3A_706, %dma_wait3A_707] : memref<2x3x80xi32, #tpu.memory_space<vmem>> -> memref<1x1x80xi32, #tpu.memory_space<vmem>>
      %dma_wait3A_709 = tpu.memref_squeeze %dma_wait3A_708 : memref<1x1x80xi32, #tpu.memory_space<vmem>> -> memref<80xi32, #tpu.memory_space<vmem>>
      %dma_wait3A_710 = arith.constant 0 : i32
      %dma_wait3A_711 = arith.constant 0 : i32
      %dma_wait3A_712 = tpu.memref_slice %arg2[%dma_wait3A_710, %dma_wait3A_711] : memref<10000x128xf32, #tpu.memory_space<hbm>> -> memref<10000x128xf32, #tpu.memory_space<hbm>>
      tpu.wait_indirect_dma semaphore(%arg13 : memref<!tpu.dma_semaphore, #tpu.memory_space<semaphore_mem>>) src(%dma_wait3A_712 : memref<10000x128xf32, #tpu.memory_space<hbm>>) dst(%arg8 : memref<80x128xf32, #tpu.memory_space<vmem>>)
      %run_scoped3A_713 = arith.constant 0 : i32
      %run_scoped3A_714 = arith.constant 0 : i32
      "tpu.region"() ({
        %run_scoped3A_832 = tpu.sem_alloc : memref<!tpu.dma_semaphore, #tpu.memory_space<semaphore_mem>>
        %dma_start3A_833 = arith.constant 0 : i32
        %dma_start3A_834 = tpu.memref_slice %arg7[%run_scoped3A_713, %run_scoped3A_714, %dma_start3A_833] : memref<2x3x80xi32, #tpu.memory_space<vmem>> -> memref<1x1x80xi32, #tpu.memory_space<vmem>>
        %dma_start3A_835 = tpu.memref_squeeze %dma_start3A_834 : memref<1x1x80xi32, #tpu.memory_space<vmem>> -> memref<80xi32, #tpu.memory_space<vmem>>
        %dma_start3A_836 = arith.constant 0 : i32
        %dma_start3A_837 = arith.constant 0 : i32
        %dma_start3A_838 = tpu.memref_slice %arg12[%dma_start3A_836, %dma_start3A_837] : memref<10240x128xf32, #tpu.memory_space<vmem_shared>> -> memref<10240x128xf32, #tpu.memory_space<vmem_shared>>
        tpu.enqueue_indirect_dma source(%arg8 : memref<80x128xf32, #tpu.memory_space<vmem>>) target(%dma_start3A_838 : memref<10240x128xf32, #tpu.memory_space<vmem_shared>>) offsets(%dma_start3A_835 : memref<80xi32, #tpu.memory_space<vmem>>) semaphore(%run_scoped3A_832 : memref<!tpu.dma_semaphore, #tpu.memory_space<semaphore_mem>>) {add = true}
        %dma_wait3A_839 = arith.constant 0 : i32
        %dma_wait3A_840 = tpu.memref_slice %arg7[%run_scoped3A_713, %run_scoped3A_714, %dma_wait3A_839] : memref<2x3x80xi32, #tpu.memory_space<vmem>> -> memref<1x1x80xi32, #tpu.memory_space<vmem>>
        %dma_wait3A_841 = tpu.memref_squeeze %dma_wait3A_840 : memref<1x1x80xi32, #tpu.memory_space<vmem>> -> memref<80xi32, #tpu.memory_space<vmem>>
        %dma_wait3A_842 = arith.constant 0 : i32
        %dma_wait3A_843 = arith.constant 0 : i32
        %dma_wait3A_844 = tpu.memref_slice %arg12[%dma_wait3A_842, %dma_wait3A_843] : memref<10240x128xf32, #tpu.memory_space<vmem_shared>> -> memref<10240x128xf32, #tpu.memory_space<vmem_shared>>
        tpu.wait_indirect_dma semaphore(%run_scoped3A_832 : memref<!tpu.dma_semaphore, #tpu.memory_space<semaphore_mem>>) src(%arg8 : memref<80x128xf32, #tpu.memory_space<vmem>>) dst(%dma_wait3A_844 : memref<10240x128xf32, #tpu.memory_space<vmem_shared>>)
        tpu.yield
      }) : () -> ()
      %add3A_715 = arith.constant 1 : i32
      %add3A_716 = arith.addi %add3A_700, %add3A_715 : i32
      %lt3A_717 = arith.constant 42 : i32
      %lt3A_718 = arith.cmpi slt, %add3A_716, %lt3A_717 : i32
      %convert_element_type3A_719 = arith.extui %lt3A_718 : i1 to i32
      %cond3A_720 = arith.constant 0 : i32
      %cond3A_721 = arith.cmpi ne, %convert_element_type3A_719, %cond3A_720 : i32
      scf.if %cond3A_721 {
        %dma_start3A_832 = arith.constant 1 : i32
        %dma_start3A_833 = arith.constant 0 : i32
        %dma_start3A_834 = arith.constant 0 : i32
        %dma_start3A_835 = tpu.memref_slice %arg6[%dma_start3A_832, %dma_start3A_833, %dma_start3A_834] : memref<2x3x80xi32, #tpu.memory_space<vmem>> -> memref<1x1x80xi32, #tpu.memory_space<vmem>>
        %dma_start3A_836 = tpu.memref_squeeze %dma_start3A_835 : memref<1x1x80xi32, #tpu.memory_space<vmem>> -> memref<80xi32, #tpu.memory_space<vmem>>
        %dma_start3A_837 = arith.constant 0 : i32
        %dma_start3A_838 = arith.constant 0 : i32
        %dma_start3A_839 = tpu.memref_slice %arg2[%dma_start3A_837, %dma_start3A_838] : memref<10000x128xf32, #tpu.memory_space<hbm>> -> memref<10000x128xf32, #tpu.memory_space<hbm>>
        tpu.enqueue_indirect_dma source(%dma_start3A_839 : memref<10000x128xf32, #tpu.memory_space<hbm>>) target(%arg8 : memref<80x128xf32, #tpu.memory_space<vmem>>) offsets(%dma_start3A_836 : memref<80xi32, #tpu.memory_space<vmem>>) semaphore(%arg13 : memref<!tpu.dma_semaphore, #tpu.memory_space<semaphore_mem>>)
      } else {
      }
      %dma_wait3A_722 = arith.constant 0 : i32
      %dma_wait3A_723 = arith.constant 1 : i32
      %dma_wait3A_724 = arith.constant 0 : i32
      %dma_wait3A_725 = tpu.memref_slice %arg6[%dma_wait3A_722, %dma_wait3A_723, %dma_wait3A_724] : memref<2x3x80xi32, #tpu.memory_space<vmem>> -> memref<1x1x80xi32, #tpu.memory_space<vmem>>
      %dma_wait3A_726 = tpu.memref_squeeze %dma_wait3A_725 : memref<1x1x80xi32, #tpu.memory_space<vmem>> -> memref<80xi32, #tpu.memory_space<vmem>>
      %dma_wait3A_727 = arith.constant 0 : i32
      %dma_wait3A_728 = arith.constant 0 : i32
      %dma_wait3A_729 = tpu.memref_slice %arg2[%dma_wait3A_727, %dma_wait3A_728] : memref<10000x128xf32, #tpu.memory_space<hbm>> -> memref<10000x128xf32, #tpu.memory_space<hbm>>
      tpu.wait_indirect_dma semaphore(%arg14 : memref<!tpu.dma_semaphore, #tpu.memory_space<semaphore_mem>>) src(%dma_wait3A_729 : memref<10000x128xf32, #tpu.memory_space<hbm>>) dst(%arg9 : memref<80x128xf32, #tpu.memory_space<vmem>>)
      %run_scoped3A_730 = arith.constant 0 : i32
      %run_scoped3A_731 = arith.constant 1 : i32
      "tpu.region"() ({
        %run_scoped3A_832 = tpu.sem_alloc : memref<!tpu.dma_semaphore, #tpu.memory_space<semaphore_mem>>
        %dma_start3A_833 = arith.constant 0 : i32
        %dma_start3A_834 = tpu.memref_slice %arg7[%run_scoped3A_730, %run_scoped3A_731, %dma_start3A_833] : memref<2x3x80xi32, #tpu.memory_space<vmem>> -> memref<1x1x80xi32, #tpu.memory_space<vmem>>
        %dma_start3A_835 = tpu.memref_squeeze %dma_start3A_834 : memref<1x1x80xi32, #tpu.memory_space<vmem>> -> memref<80xi32, #tpu.memory_space<vmem>>
        %dma_start3A_836 = arith.constant 0 : i32
        %dma_start3A_837 = arith.constant 0 : i32
        %dma_start3A_838 = tpu.memref_slice %arg12[%dma_start3A_836, %dma_start3A_837] : memref<10240x128xf32, #tpu.memory_space<vmem_shared>> -> memref<10240x128xf32, #tpu.memory_space<vmem_shared>>
        tpu.enqueue_indirect_dma source(%arg9 : memref<80x128xf32, #tpu.memory_space<vmem>>) target(%dma_start3A_838 : memref<10240x128xf32, #tpu.memory_space<vmem_shared>>) offsets(%dma_start3A_835 : memref<80xi32, #tpu.memory_space<vmem>>) semaphore(%run_scoped3A_832 : memref<!tpu.dma_semaphore, #tpu.memory_space<semaphore_mem>>) {add = true}
        %dma_wait3A_839 = arith.constant 0 : i32
        %dma_wait3A_840 = tpu.memref_slice %arg7[%run_scoped3A_730, %run_scoped3A_731, %dma_wait3A_839] : memref<2x3x80xi32, #tpu.memory_space<vmem>> -> memref<1x1x80xi32, #tpu.memory_space<vmem>>
        %dma_wait3A_841 = tpu.memref_squeeze %dma_wait3A_840 : memref<1x1x80xi32, #tpu.memory_space<vmem>> -> memref<80xi32, #tpu.memory_space<vmem>>
        %dma_wait3A_842 = arith.constant 0 : i32
        %dma_wait3A_843 = arith.constant 0 : i32
        %dma_wait3A_844 = tpu.memref_slice %arg12[%dma_wait3A_842, %dma_wait3A_843] : memref<10240x128xf32, #tpu.memory_space<vmem_shared>> -> memref<10240x128xf32, #tpu.memory_space<vmem_shared>>
        tpu.wait_indirect_dma semaphore(%run_scoped3A_832 : memref<!tpu.dma_semaphore, #tpu.memory_space<semaphore_mem>>) src(%arg9 : memref<80x128xf32, #tpu.memory_space<vmem>>) dst(%dma_wait3A_844 : memref<10240x128xf32, #tpu.memory_space<vmem_shared>>)
        tpu.yield
      }) : () -> ()
      %add3A_732 = arith.constant 1 : i32
      %add3A_733 = arith.addi %add3A_700, %add3A_732 : i32
      %lt3A_734 = arith.constant 42 : i32
      %lt3A_735 = arith.cmpi slt, %add3A_733, %lt3A_734 : i32
      %convert_element_type3A_736 = arith.extui %lt3A_735 : i1 to i32
      %cond3A_737 = arith.constant 0 : i32
      %cond3A_738 = arith.cmpi ne, %convert_element_type3A_736, %cond3A_737 : i32
      scf.if %cond3A_738 {
        %dma_start3A_832 = arith.constant 1 : i32
        %dma_start3A_833 = arith.constant 1 : i32
        %dma_start3A_834 = arith.constant 0 : i32
        %dma_start3A_835 = tpu.memref_slice %arg6[%dma_start3A_832, %dma_start3A_833, %dma_start3A_834] : memref<2x3x80xi32, #tpu.memory_space<vmem>> -> memref<1x1x80xi32, #tpu.memory_space<vmem>>
        %dma_start3A_836 = tpu.memref_squeeze %dma_start3A_835 : memref<1x1x80xi32, #tpu.memory_space<vmem>> -> memref<80xi32, #tpu.memory_space<vmem>>
        %dma_start3A_837 = arith.constant 0 : i32
        %dma_start3A_838 = arith.constant 0 : i32
        %dma_start3A_839 = tpu.memref_slice %arg2[%dma_start3A_837, %dma_start3A_838] : memref<10000x128xf32, #tpu.memory_space<hbm>> -> memref<10000x128xf32, #tpu.memory_space<hbm>>
        tpu.enqueue_indirect_dma source(%dma_start3A_839 : memref<10000x128xf32, #tpu.memory_space<hbm>>) target(%arg9 : memref<80x128xf32, #tpu.memory_space<vmem>>) offsets(%dma_start3A_836 : memref<80xi32, #tpu.memory_space<vmem>>) semaphore(%arg14 : memref<!tpu.dma_semaphore, #tpu.memory_space<semaphore_mem>>)
      } else {
      }
      %dma_wait3A_739 = arith.constant 0 : i32
      %dma_wait3A_740 = arith.constant 2 : i32
      %dma_wait3A_741 = arith.constant 0 : i32
      %dma_wait3A_742 = tpu.memref_slice %arg6[%dma_wait3A_739, %dma_wait3A_740, %dma_wait3A_741] : memref<2x3x80xi32, #tpu.memory_space<vmem>> -> memref<1x1x80xi32, #tpu.memory_space<vmem>>
      %dma_wait3A_743 = tpu.memref_squeeze %dma_wait3A_742 : memref<1x1x80xi32, #tpu.memory_space<vmem>> -> memref<80xi32, #tpu.memory_space<vmem>>
      %dma_wait3A_744 = arith.constant 0 : i32
      %dma_wait3A_745 = arith.constant 0 : i32
      %dma_wait3A_746 = tpu.memref_slice %arg2[%dma_wait3A_744, %dma_wait3A_745] : memref<10000x128xf32, #tpu.memory_space<hbm>> -> memref<10000x128xf32, #tpu.memory_space<hbm>>
      tpu.wait_indirect_dma semaphore(%arg15 : memref<!tpu.dma_semaphore, #tpu.memory_space<semaphore_mem>>) src(%dma_wait3A_746 : memref<10000x128xf32, #tpu.memory_space<hbm>>) dst(%arg10 : memref<80x128xf32, #tpu.memory_space<vmem>>)
      %run_scoped3A_747 = arith.constant 0 : i32
      %run_scoped3A_748 = arith.constant 2 : i32
      "tpu.region"() ({
        %run_scoped3A_832 = tpu.sem_alloc : memref<!tpu.dma_semaphore, #tpu.memory_space<semaphore_mem>>
        %dma_start3A_833 = arith.constant 0 : i32
        %dma_start3A_834 = tpu.memref_slice %arg7[%run_scoped3A_747, %run_scoped3A_748, %dma_start3A_833] : memref<2x3x80xi32, #tpu.memory_space<vmem>> -> memref<1x1x80xi32, #tpu.memory_space<vmem>>
        %dma_start3A_835 = tpu.memref_squeeze %dma_start3A_834 : memref<1x1x80xi32, #tpu.memory_space<vmem>> -> memref<80xi32, #tpu.memory_space<vmem>>
        %dma_start3A_836 = arith.constant 0 : i32
        %dma_start3A_837 = arith.constant 0 : i32
        %dma_start3A_838 = tpu.memref_slice %arg12[%dma_start3A_836, %dma_start3A_837] : memref<10240x128xf32, #tpu.memory_space<vmem_shared>> -> memref<10240x128xf32, #tpu.memory_space<vmem_shared>>
        tpu.enqueue_indirect_dma source(%arg10 : memref<80x128xf32, #tpu.memory_space<vmem>>) target(%dma_start3A_838 : memref<10240x128xf32, #tpu.memory_space<vmem_shared>>) offsets(%dma_start3A_835 : memref<80xi32, #tpu.memory_space<vmem>>) semaphore(%run_scoped3A_832 : memref<!tpu.dma_semaphore, #tpu.memory_space<semaphore_mem>>) {add = true}
        %dma_wait3A_839 = arith.constant 0 : i32
        %dma_wait3A_840 = tpu.memref_slice %arg7[%run_scoped3A_747, %run_scoped3A_748, %dma_wait3A_839] : memref<2x3x80xi32, #tpu.memory_space<vmem>> -> memref<1x1x80xi32, #tpu.memory_space<vmem>>
        %dma_wait3A_841 = tpu.memref_squeeze %dma_wait3A_840 : memref<1x1x80xi32, #tpu.memory_space<vmem>> -> memref<80xi32, #tpu.memory_space<vmem>>
        %dma_wait3A_842 = arith.constant 0 : i32
        %dma_wait3A_843 = arith.constant 0 : i32
        %dma_wait3A_844 = tpu.memref_slice %arg12[%dma_wait3A_842, %dma_wait3A_843] : memref<10240x128xf32, #tpu.memory_space<vmem_shared>> -> memref<10240x128xf32, #tpu.memory_space<vmem_shared>>
        tpu.wait_indirect_dma semaphore(%run_scoped3A_832 : memref<!tpu.dma_semaphore, #tpu.memory_space<semaphore_mem>>) src(%arg10 : memref<80x128xf32, #tpu.memory_space<vmem>>) dst(%dma_wait3A_844 : memref<10240x128xf32, #tpu.memory_space<vmem_shared>>)
        tpu.yield
      }) : () -> ()
      %add3A_749 = arith.constant 1 : i32
      %add3A_750 = arith.addi %add3A_700, %add3A_749 : i32
      %lt3A_751 = arith.constant 42 : i32
      %lt3A_752 = arith.cmpi slt, %add3A_750, %lt3A_751 : i32
      %convert_element_type3A_753 = arith.extui %lt3A_752 : i1 to i32
      %cond3A_754 = arith.constant 0 : i32
      %cond3A_755 = arith.cmpi ne, %convert_element_type3A_753, %cond3A_754 : i32
      scf.if %cond3A_755 {
        %dma_start3A_832 = arith.constant 1 : i32
        %dma_start3A_833 = arith.constant 2 : i32
        %dma_start3A_834 = arith.constant 0 : i32
        %dma_start3A_835 = tpu.memref_slice %arg6[%dma_start3A_832, %dma_start3A_833, %dma_start3A_834] : memref<2x3x80xi32, #tpu.memory_space<vmem>> -> memref<1x1x80xi32, #tpu.memory_space<vmem>>
        %dma_start3A_836 = tpu.memref_squeeze %dma_start3A_835 : memref<1x1x80xi32, #tpu.memory_space<vmem>> -> memref<80xi32, #tpu.memory_space<vmem>>
        %dma_start3A_837 = arith.constant 0 : i32
        %dma_start3A_838 = arith.constant 0 : i32
        %dma_start3A_839 = tpu.memref_slice %arg2[%dma_start3A_837, %dma_start3A_838] : memref<10000x128xf32, #tpu.memory_space<hbm>> -> memref<10000x128xf32, #tpu.memory_space<hbm>>
        tpu.enqueue_indirect_dma source(%dma_start3A_839 : memref<10000x128xf32, #tpu.memory_space<hbm>>) target(%arg10 : memref<80x128xf32, #tpu.memory_space<vmem>>) offsets(%dma_start3A_836 : memref<80xi32, #tpu.memory_space<vmem>>) semaphore(%arg15 : memref<!tpu.dma_semaphore, #tpu.memory_space<semaphore_mem>>)
      } else {
      }
      %add3A_756 = arith.constant 2 : i32
      %add3A_757 = arith.addi %add3A_700, %add3A_756 : i32
      %lt3A_758 = arith.constant 42 : i32
      %lt3A_759 = arith.cmpi slt, %add3A_757, %lt3A_758 : i32
      %convert_element_type3A_760 = arith.extui %lt3A_759 : i1 to i32
      %cond3A_761 = arith.constant 0 : i32
      %cond3A_762 = arith.cmpi ne, %convert_element_type3A_760, %cond3A_761 : i32
      scf.if %cond3A_762 {
        %add3A_832 = arith.constant 2 : i32
        %add3A_833 = arith.addi %add3A_700, %add3A_832 : i32
        %mul3A_834 = arith.constant 3 : i32
        %mul3A_835 = arith.muli %add3A_833, %mul3A_834 : i32
        %add3A_836 = arith.addi %mul3A_2, %mul3A_835 : i32
        %dma_start3A_837 = arith.constant 0 : i32
        %dma_start3A_838 = arith.constant 0 : i32
        %dma_start3A_839 = arith.constant 0 : i32
        %dma_start3A_840 = arith.constant 0 : i32
        %dma_start3A_841 = tpu.memref_slice %arg6[%dma_start3A_838, %dma_start3A_839, %dma_start3A_840] : memref<2x3x80xi32, #tpu.memory_space<vmem>> -> memref<1x3x80xi32, #tpu.memory_space<vmem>>
        %dma_start3A_842 = tpu.memref_squeeze %dma_start3A_841 : memref<1x3x80xi32, #tpu.memory_space<vmem>> -> memref<3x80xi32, #tpu.memory_space<vmem>>
        %dma_start3A_843 = arith.constant 0 : i32
        %dma_start3A_844 = tpu.memref_slice %arg3[%dma_start3A_837, %add3A_836, %dma_start3A_843] : memref<2x4032x80xi32, #tpu.memory_space<hbm>> -> memref<1x3x80xi32, #tpu.memory_space<hbm>>
        %dma_start3A_845 = tpu.memref_squeeze %dma_start3A_844 : memref<1x3x80xi32, #tpu.memory_space<hbm>> -> memref<3x80xi32, #tpu.memory_space<hbm>>
        %dma_start3A_846 = arith.constant 0 : i32
        %dma_start3A_847 = arith.constant 0 : i32
        %dma_start3A_848 = tpu.memref_slice %arg6[%dma_start3A_838, %dma_start3A_846, %dma_start3A_847] : memref<2x3x80xi32, #tpu.memory_space<vmem>> -> memref<1x3x80xi32, #tpu.memory_space<vmem>>
        %dma_start3A_849 = tpu.memref_squeeze %dma_start3A_848 : memref<1x3x80xi32, #tpu.memory_space<vmem>> -> memref<3x80xi32, #tpu.memory_space<vmem>>
        %dma_start3A_850 = arith.constant 0 : i32
        %dma_start3A_851 = tpu.memref_slice %arg3[%dma_start3A_837, %add3A_836, %dma_start3A_850] : memref<2x4032x80xi32, #tpu.memory_space<hbm>> -> memref<1x3x80xi32, #tpu.memory_space<hbm>>
        %dma_start3A_852 = tpu.memref_squeeze %dma_start3A_851 : memref<1x3x80xi32, #tpu.memory_space<hbm>> -> memref<3x80xi32, #tpu.memory_space<hbm>>
        tpu.enqueue_dma source(%dma_start3A_852 : memref<3x80xi32, #tpu.memory_space<hbm>>) target(%dma_start3A_849 : memref<3x80xi32, #tpu.memory_space<vmem>>) target_semaphore(%arg16 : memref<!tpu.dma_semaphore, #tpu.memory_space<semaphore_mem>>)
        %add3A_853 = arith.constant 2 : i32
        %add3A_854 = arith.addi %add3A_700, %add3A_853 : i32
        %mul3A_855 = arith.constant 3 : i32
        %mul3A_856 = arith.muli %add3A_854, %mul3A_855 : i32
        %add3A_857 = arith.addi %mul3A_2, %mul3A_856 : i32
        %dma_start3A_858 = arith.constant 1 : i32
        %dma_start3A_859 = arith.constant 0 : i32
        %dma_start3A_860 = arith.constant 0 : i32
        %dma_start3A_861 = arith.constant 0 : i32
        %dma_start3A_862 = tpu.memref_slice %arg7[%dma_start3A_859, %dma_start3A_860, %dma_start3A_861] : memref<2x3x80xi32, #tpu.memory_space<vmem>> -> memref<1x3x80xi32, #tpu.memory_space<vmem>>
        %dma_start3A_863 = tpu.memref_squeeze %dma_start3A_862 : memref<1x3x80xi32, #tpu.memory_space<vmem>> -> memref<3x80xi32, #tpu.memory_space<vmem>>
        %dma_start3A_864 = arith.constant 0 : i32
        %dma_start3A_865 = tpu.memref_slice %arg3[%dma_start3A_858, %add3A_857, %dma_start3A_864] : memref<2x4032x80xi32, #tpu.memory_space<hbm>> -> memref<1x3x80xi32, #tpu.memory_space<hbm>>
        %dma_start3A_866 = tpu.memref_squeeze %dma_start3A_865 : memref<1x3x80xi32, #tpu.memory_space<hbm>> -> memref<3x80xi32, #tpu.memory_space<hbm>>
        %dma_start3A_867 = arith.constant 0 : i32
        %dma_start3A_868 = arith.constant 0 : i32
        %dma_start3A_869 = tpu.memref_slice %arg7[%dma_start3A_859, %dma_start3A_867, %dma_start3A_868] : memref<2x3x80xi32, #tpu.memory_space<vmem>> -> memref<1x3x80xi32, #tpu.memory_space<vmem>>
        %dma_start3A_870 = tpu.memref_squeeze %dma_start3A_869 : memref<1x3x80xi32, #tpu.memory_space<vmem>> -> memref<3x80xi32, #tpu.memory_space<vmem>>
        %dma_start3A_871 = arith.constant 0 : i32
        %dma_start3A_872 = tpu.memref_slice %arg3[%dma_start3A_858, %add3A_857, %dma_start3A_871] : memref<2x4032x80xi32, #tpu.memory_space<hbm>> -> memref<1x3x80xi32, #tpu.memory_space<hbm>>
        %dma_start3A_873 = tpu.memref_squeeze %dma_start3A_872 : memref<1x3x80xi32, #tpu.memory_space<hbm>> -> memref<3x80xi32, #tpu.memory_space<hbm>>
        tpu.enqueue_dma source(%dma_start3A_873 : memref<3x80xi32, #tpu.memory_space<hbm>>) target(%dma_start3A_870 : memref<3x80xi32, #tpu.memory_space<vmem>>) target_semaphore(%arg16 : memref<!tpu.dma_semaphore, #tpu.memory_space<semaphore_mem>>)
      } else {
      }
      %mul3A_763 = arith.constant 2 : i32
      %mul3A_764 = arith.muli %mul3A_763, %scan3A_696 : i32
      %add3A_765 = arith.constant 1 : i32
      %add3A_766 = arith.addi %mul3A_764, %add3A_765 : i32
      %add3A_767 = arith.constant 1 : i32
      %add3A_768 = arith.addi %add3A_766, %add3A_767 : i32
      %lt3A_769 = arith.constant 42 : i32
      %lt3A_770 = arith.cmpi slt, %add3A_768, %lt3A_769 : i32
      %convert_element_type3A_771 = arith.extui %lt3A_770 : i1 to i32
      %cond3A_772 = arith.constant 0 : i32
      %cond3A_773 = arith.cmpi ne, %convert_element_type3A_771, %cond3A_772 : i32
      scf.if %cond3A_773 {
        %add3A_832 = arith.constant 1 : i32
        %add3A_833 = arith.addi %add3A_766, %add3A_832 : i32
        %mul3A_834 = arith.constant 3 : i32
        %mul3A_835 = arith.muli %add3A_833, %mul3A_834 : i32
        %add3A_836 = arith.addi %mul3A_2, %mul3A_835 : i32
        %dma_wait3A_837 = arith.constant 0 : i32
        %dma_wait3A_838 = arith.constant 0 : i32
        %dma_wait3A_839 = arith.constant 0 : i32
        %dma_wait3A_840 = arith.constant 0 : i32
        %dma_wait3A_841 = tpu.memref_slice %arg6[%dma_wait3A_838, %dma_wait3A_839, %dma_wait3A_840] : memref<2x3x80xi32, #tpu.memory_space<vmem>> -> memref<1x3x80xi32, #tpu.memory_space<vmem>>
        %dma_wait3A_842 = tpu.memref_squeeze %dma_wait3A_841 : memref<1x3x80xi32, #tpu.memory_space<vmem>> -> memref<3x80xi32, #tpu.memory_space<vmem>>
        %dma_wait3A_843 = arith.constant 0 : i32
        %dma_wait3A_844 = tpu.memref_slice %arg3[%dma_wait3A_837, %add3A_836, %dma_wait3A_843] : memref<2x4032x80xi32, #tpu.memory_space<hbm>> -> memref<1x3x80xi32, #tpu.memory_space<hbm>>
        %dma_wait3A_845 = tpu.memref_squeeze %dma_wait3A_844 : memref<1x3x80xi32, #tpu.memory_space<hbm>> -> memref<3x80xi32, #tpu.memory_space<hbm>>
        %dma_wait3A_846 = arith.constant 0 : i32
        %dma_wait3A_847 = arith.constant 0 : i32
        %dma_wait3A_848 = tpu.memref_slice %arg6[%dma_wait3A_838, %dma_wait3A_846, %dma_wait3A_847] : memref<2x3x80xi32, #tpu.memory_space<vmem>> -> memref<1x3x80xi32, #tpu.memory_space<vmem>>
        %dma_wait3A_849 = tpu.memref_squeeze %dma_wait3A_848 : memref<1x3x80xi32, #tpu.memory_space<vmem>> -> memref<3x80xi32, #tpu.memory_space<vmem>>
        %dma_wait3A_850 = arith.constant 0 : i32
        %dma_wait3A_851 = tpu.memref_slice %arg3[%dma_wait3A_837, %add3A_836, %dma_wait3A_850] : memref<2x4032x80xi32, #tpu.memory_space<hbm>> -> memref<1x3x80xi32, #tpu.memory_space<hbm>>
        %dma_wait3A_852 = tpu.memref_squeeze %dma_wait3A_851 : memref<1x3x80xi32, #tpu.memory_space<hbm>> -> memref<3x80xi32, #tpu.memory_space<hbm>>
        tpu.wait_dma2 semaphore(%arg16 : memref<!tpu.dma_semaphore, #tpu.memory_space<semaphore_mem>>) src(%dma_wait3A_852 : memref<3x80xi32, #tpu.memory_space<hbm>>) dst(%dma_wait3A_849 : memref<3x80xi32, #tpu.memory_space<vmem>>)
        %add3A_853 = arith.constant 1 : i32
        %add3A_854 = arith.addi %add3A_766, %add3A_853 : i32
        %mul3A_855 = arith.constant 3 : i32
        %mul3A_856 = arith.muli %add3A_854, %mul3A_855 : i32
        %add3A_857 = arith.addi %mul3A_2, %mul3A_856 : i32
        %dma_wait3A_858 = arith.constant 1 : i32
        %dma_wait3A_859 = arith.constant 0 : i32
        %dma_wait3A_860 = arith.constant 0 : i32
        %dma_wait3A_861 = arith.constant 0 : i32
        %dma_wait3A_862 = tpu.memref_slice %arg7[%dma_wait3A_859, %dma_wait3A_860, %dma_wait3A_861] : memref<2x3x80xi32, #tpu.memory_space<vmem>> -> memref<1x3x80xi32, #tpu.memory_space<vmem>>
        %dma_wait3A_863 = tpu.memref_squeeze %dma_wait3A_862 : memref<1x3x80xi32, #tpu.memory_space<vmem>> -> memref<3x80xi32, #tpu.memory_space<vmem>>
        %dma_wait3A_864 = arith.constant 0 : i32
        %dma_wait3A_865 = tpu.memref_slice %arg3[%dma_wait3A_858, %add3A_857, %dma_wait3A_864] : memref<2x4032x80xi32, #tpu.memory_space<hbm>> -> memref<1x3x80xi32, #tpu.memory_space<hbm>>
        %dma_wait3A_866 = tpu.memref_squeeze %dma_wait3A_865 : memref<1x3x80xi32, #tpu.memory_space<hbm>> -> memref<3x80xi32, #tpu.memory_space<hbm>>
        %dma_wait3A_867 = arith.constant 0 : i32
        %dma_wait3A_868 = arith.constant 0 : i32
        %dma_wait3A_869 = tpu.memref_slice %arg7[%dma_wait3A_859, %dma_wait3A_867, %dma_wait3A_868] : memref<2x3x80xi32, #tpu.memory_space<vmem>> -> memref<1x3x80xi32, #tpu.memory_space<vmem>>
        %dma_wait3A_870 = tpu.memref_squeeze %dma_wait3A_869 : memref<1x3x80xi32, #tpu.memory_space<vmem>> -> memref<3x80xi32, #tpu.memory_space<vmem>>
        %dma_wait3A_871 = arith.constant 0 : i32
        %dma_wait3A_872 = tpu.memref_slice %arg3[%dma_wait3A_858, %add3A_857, %dma_wait3A_871] : memref<2x4032x80xi32, #tpu.memory_space<hbm>> -> memref<1x3x80xi32, #tpu.memory_space<hbm>>
        %dma_wait3A_873 = tpu.memref_squeeze %dma_wait3A_872 : memref<1x3x80xi32, #tpu.memory_space<hbm>> -> memref<3x80xi32, #tpu.memory_space<hbm>>
        tpu.wait_dma2 semaphore(%arg16 : memref<!tpu.dma_semaphore, #tpu.memory_space<semaphore_mem>>) src(%dma_wait3A_873 : memref<3x80xi32, #tpu.memory_space<hbm>>) dst(%dma_wait3A_870 : memref<3x80xi32, #tpu.memory_space<vmem>>)
      } else {
      }
      %dma_wait3A_774 = arith.constant 1 : i32
      %dma_wait3A_775 = arith.constant 0 : i32
      %dma_wait3A_776 = arith.constant 0 : i32
      %dma_wait3A_777 = tpu.memref_slice %arg6[%dma_wait3A_774, %dma_wait3A_775, %dma_wait3A_776] : memref<2x3x80xi32, #tpu.memory_space<vmem>> -> memref<1x1x80xi32, #tpu.memory_space<vmem>>
      %dma_wait3A_778 = tpu.memref_squeeze %dma_wait3A_777 : memref<1x1x80xi32, #tpu.memory_space<vmem>> -> memref<80xi32, #tpu.memory_space<vmem>>
      %dma_wait3A_779 = arith.constant 0 : i32
      %dma_wait3A_780 = arith.constant 0 : i32
      %dma_wait3A_781 = tpu.memref_slice %arg2[%dma_wait3A_779, %dma_wait3A_780] : memref<10000x128xf32, #tpu.memory_space<hbm>> -> memref<10000x128xf32, #tpu.memory_space<hbm>>
      tpu.wait_indirect_dma semaphore(%arg13 : memref<!tpu.dma_semaphore, #tpu.memory_space<semaphore_mem>>) src(%dma_wait3A_781 : memref<10000x128xf32, #tpu.memory_space<hbm>>) dst(%arg8 : memref<80x128xf32, #tpu.memory_space<vmem>>)
      %run_scoped3A_782 = arith.constant 1 : i32
      %run_scoped3A_783 = arith.constant 0 : i32
      "tpu.region"() ({
        %run_scoped3A_832 = tpu.sem_alloc : memref<!tpu.dma_semaphore, #tpu.memory_space<semaphore_mem>>
        %dma_start3A_833 = arith.constant 0 : i32
        %dma_start3A_834 = tpu.memref_slice %arg7[%run_scoped3A_782, %run_scoped3A_783, %dma_start3A_833] : memref<2x3x80xi32, #tpu.memory_space<vmem>> -> memref<1x1x80xi32, #tpu.memory_space<vmem>>
        %dma_start3A_835 = tpu.memref_squeeze %dma_start3A_834 : memref<1x1x80xi32, #tpu.memory_space<vmem>> -> memref<80xi32, #tpu.memory_space<vmem>>
        %dma_start3A_836 = arith.constant 0 : i32
        %dma_start3A_837 = arith.constant 0 : i32
        %dma_start3A_838 = tpu.memref_slice %arg12[%dma_start3A_836, %dma_start3A_837] : memref<10240x128xf32, #tpu.memory_space<vmem_shared>> -> memref<10240x128xf32, #tpu.memory_space<vmem_shared>>
        tpu.enqueue_indirect_dma source(%arg8 : memref<80x128xf32, #tpu.memory_space<vmem>>) target(%dma_start3A_838 : memref<10240x128xf32, #tpu.memory_space<vmem_shared>>) offsets(%dma_start3A_835 : memref<80xi32, #tpu.memory_space<vmem>>) semaphore(%run_scoped3A_832 : memref<!tpu.dma_semaphore, #tpu.memory_space<semaphore_mem>>) {add = true}
        %dma_wait3A_839 = arith.constant 0 : i32
        %dma_wait3A_840 = tpu.memref_slice %arg7[%run_scoped3A_782, %run_scoped3A_783, %dma_wait3A_839] : memref<2x3x80xi32, #tpu.memory_space<vmem>> -> memref<1x1x80xi32, #tpu.memory_space<vmem>>
        %dma_wait3A_841 = tpu.memref_squeeze %dma_wait3A_840 : memref<1x1x80xi32, #tpu.memory_space<vmem>> -> memref<80xi32, #tpu.memory_space<vmem>>
        %dma_wait3A_842 = arith.constant 0 : i32
        %dma_wait3A_843 = arith.constant 0 : i32
        %dma_wait3A_844 = tpu.memref_slice %arg12[%dma_wait3A_842, %dma_wait3A_843] : memref<10240x128xf32, #tpu.memory_space<vmem_shared>> -> memref<10240x128xf32, #tpu.memory_space<vmem_shared>>
        tpu.wait_indirect_dma semaphore(%run_scoped3A_832 : memref<!tpu.dma_semaphore, #tpu.memory_space<semaphore_mem>>) src(%arg8 : memref<80x128xf32, #tpu.memory_space<vmem>>) dst(%dma_wait3A_844 : memref<10240x128xf32, #tpu.memory_space<vmem_shared>>)
        tpu.yield
      }) : () -> ()
      %add3A_784 = arith.constant 1 : i32
      %add3A_785 = arith.addi %add3A_766, %add3A_784 : i32
      %lt3A_786 = arith.constant 42 : i32
      %lt3A_787 = arith.cmpi slt, %add3A_785, %lt3A_786 : i32
      %convert_element_type3A_788 = arith.extui %lt3A_787 : i1 to i32
      %cond3A_789 = arith.constant 0 : i32
      %cond3A_790 = arith.cmpi ne, %convert_element_type3A_788, %cond3A_789 : i32
      scf.if %cond3A_790 {
        %dma_start3A_832 = arith.constant 0 : i32
        %dma_start3A_833 = arith.constant 0 : i32
        %dma_start3A_834 = arith.constant 0 : i32
        %dma_start3A_835 = tpu.memref_slice %arg6[%dma_start3A_832, %dma_start3A_833, %dma_start3A_834] : memref<2x3x80xi32, #tpu.memory_space<vmem>> -> memref<1x1x80xi32, #tpu.memory_space<vmem>>
        %dma_start3A_836 = tpu.memref_squeeze %dma_start3A_835 : memref<1x1x80xi32, #tpu.memory_space<vmem>> -> memref<80xi32, #tpu.memory_space<vmem>>
        %dma_start3A_837 = arith.constant 0 : i32
        %dma_start3A_838 = arith.constant 0 : i32
        %dma_start3A_839 = tpu.memref_slice %arg2[%dma_start3A_837, %dma_start3A_838] : memref<10000x128xf32, #tpu.memory_space<hbm>> -> memref<10000x128xf32, #tpu.memory_space<hbm>>
        tpu.enqueue_indirect_dma source(%dma_start3A_839 : memref<10000x128xf32, #tpu.memory_space<hbm>>) target(%arg8 : memref<80x128xf32, #tpu.memory_space<vmem>>) offsets(%dma_start3A_836 : memref<80xi32, #tpu.memory_space<vmem>>) semaphore(%arg13 : memref<!tpu.dma_semaphore, #tpu.memory_space<semaphore_mem>>)
      } else {
      }
      %dma_wait3A_791 = arith.constant 1 : i32
      %dma_wait3A_792 = arith.constant 1 : i32
      %dma_wait3A_793 = arith.constant 0 : i32
      %dma_wait3A_794 = tpu.memref_slice %arg6[%dma_wait3A_791, %dma_wait3A_792, %dma_wait3A_793] : memref<2x3x80xi32, #tpu.memory_space<vmem>> -> memref<1x1x80xi32, #tpu.memory_space<vmem>>
      %dma_wait3A_795 = tpu.memref_squeeze %dma_wait3A_794 : memref<1x1x80xi32, #tpu.memory_space<vmem>> -> memref<80xi32, #tpu.memory_space<vmem>>
      %dma_wait3A_796 = arith.constant 0 : i32
      %dma_wait3A_797 = arith.constant 0 : i32
      %dma_wait3A_798 = tpu.memref_slice %arg2[%dma_wait3A_796, %dma_wait3A_797] : memref<10000x128xf32, #tpu.memory_space<hbm>> -> memref<10000x128xf32, #tpu.memory_space<hbm>>
      tpu.wait_indirect_dma semaphore(%arg14 : memref<!tpu.dma_semaphore, #tpu.memory_space<semaphore_mem>>) src(%dma_wait3A_798 : memref<10000x128xf32, #tpu.memory_space<hbm>>) dst(%arg9 : memref<80x128xf32, #tpu.memory_space<vmem>>)
      %run_scoped3A_799 = arith.constant 1 : i32
      %run_scoped3A_800 = arith.constant 1 : i32
      "tpu.region"() ({
        %run_scoped3A_832 = tpu.sem_alloc : memref<!tpu.dma_semaphore, #tpu.memory_space<semaphore_mem>>
        %dma_start3A_833 = arith.constant 0 : i32
        %dma_start3A_834 = tpu.memref_slice %arg7[%run_scoped3A_799, %run_scoped3A_800, %dma_start3A_833] : memref<2x3x80xi32, #tpu.memory_space<vmem>> -> memref<1x1x80xi32, #tpu.memory_space<vmem>>
        %dma_start3A_835 = tpu.memref_squeeze %dma_start3A_834 : memref<1x1x80xi32, #tpu.memory_space<vmem>> -> memref<80xi32, #tpu.memory_space<vmem>>
        %dma_start3A_836 = arith.constant 0 : i32
        %dma_start3A_837 = arith.constant 0 : i32
        %dma_start3A_838 = tpu.memref_slice %arg12[%dma_start3A_836, %dma_start3A_837] : memref<10240x128xf32, #tpu.memory_space<vmem_shared>> -> memref<10240x128xf32, #tpu.memory_space<vmem_shared>>
        tpu.enqueue_indirect_dma source(%arg9 : memref<80x128xf32, #tpu.memory_space<vmem>>) target(%dma_start3A_838 : memref<10240x128xf32, #tpu.memory_space<vmem_shared>>) offsets(%dma_start3A_835 : memref<80xi32, #tpu.memory_space<vmem>>) semaphore(%run_scoped3A_832 : memref<!tpu.dma_semaphore, #tpu.memory_space<semaphore_mem>>) {add = true}
        %dma_wait3A_839 = arith.constant 0 : i32
        %dma_wait3A_840 = tpu.memref_slice %arg7[%run_scoped3A_799, %run_scoped3A_800, %dma_wait3A_839] : memref<2x3x80xi32, #tpu.memory_space<vmem>> -> memref<1x1x80xi32, #tpu.memory_space<vmem>>
        %dma_wait3A_841 = tpu.memref_squeeze %dma_wait3A_840 : memref<1x1x80xi32, #tpu.memory_space<vmem>> -> memref<80xi32, #tpu.memory_space<vmem>>
        %dma_wait3A_842 = arith.constant 0 : i32
        %dma_wait3A_843 = arith.constant 0 : i32
        %dma_wait3A_844 = tpu.memref_slice %arg12[%dma_wait3A_842, %dma_wait3A_843] : memref<10240x128xf32, #tpu.memory_space<vmem_shared>> -> memref<10240x128xf32, #tpu.memory_space<vmem_shared>>
        tpu.wait_indirect_dma semaphore(%run_scoped3A_832 : memref<!tpu.dma_semaphore, #tpu.memory_space<semaphore_mem>>) src(%arg9 : memref<80x128xf32, #tpu.memory_space<vmem>>) dst(%dma_wait3A_844 : memref<10240x128xf32, #tpu.memory_space<vmem_shared>>)
        tpu.yield
      }) : () -> ()
      %add3A_801 = arith.constant 1 : i32
      %add3A_802 = arith.addi %add3A_766, %add3A_801 : i32
      %lt3A_803 = arith.constant 42 : i32
      %lt3A_804 = arith.cmpi slt, %add3A_802, %lt3A_803 : i32
      %convert_element_type3A_805 = arith.extui %lt3A_804 : i1 to i32
      %cond3A_806 = arith.constant 0 : i32
      %cond3A_807 = arith.cmpi ne, %convert_element_type3A_805, %cond3A_806 : i32
      scf.if %cond3A_807 {
        %dma_start3A_832 = arith.constant 0 : i32
        %dma_start3A_833 = arith.constant 1 : i32
        %dma_start3A_834 = arith.constant 0 : i32
        %dma_start3A_835 = tpu.memref_slice %arg6[%dma_start3A_832, %dma_start3A_833, %dma_start3A_834] : memref<2x3x80xi32, #tpu.memory_space<vmem>> -> memref<1x1x80xi32, #tpu.memory_space<vmem>>
        %dma_start3A_836 = tpu.memref_squeeze %dma_start3A_835 : memref<1x1x80xi32, #tpu.memory_space<vmem>> -> memref<80xi32, #tpu.memory_space<vmem>>
        %dma_start3A_837 = arith.constant 0 : i32
        %dma_start3A_838 = arith.constant 0 : i32
        %dma_start3A_839 = tpu.memref_slice %arg2[%dma_start3A_837, %dma_start3A_838] : memref<10000x128xf32, #tpu.memory_space<hbm>> -> memref<10000x128xf32, #tpu.memory_space<hbm>>
        tpu.enqueue_indirect_dma source(%dma_start3A_839 : memref<10000x128xf32, #tpu.memory_space<hbm>>) target(%arg9 : memref<80x128xf32, #tpu.memory_space<vmem>>) offsets(%dma_start3A_836 : memref<80xi32, #tpu.memory_space<vmem>>) semaphore(%arg14 : memref<!tpu.dma_semaphore, #tpu.memory_space<semaphore_mem>>)
      } else {
      }
      %dma_wait3A_808 = arith.constant 1 : i32
      %dma_wait3A_809 = arith.constant 2 : i32
      %dma_wait3A_810 = arith.constant 0 : i32
      %dma_wait3A_811 = tpu.memref_slice %arg6[%dma_wait3A_808, %dma_wait3A_809, %dma_wait3A_810] : memref<2x3x80xi32, #tpu.memory_space<vmem>> -> memref<1x1x80xi32, #tpu.memory_space<vmem>>
      %dma_wait3A_812 = tpu.memref_squeeze %dma_wait3A_811 : memref<1x1x80xi32, #tpu.memory_space<vmem>> -> memref<80xi32, #tpu.memory_space<vmem>>
      %dma_wait3A_813 = arith.constant 0 : i32
      %dma_wait3A_814 = arith.constant 0 : i32
      %dma_wait3A_815 = tpu.memref_slice %arg2[%dma_wait3A_813, %dma_wait3A_814] : memref<10000x128xf32, #tpu.memory_space<hbm>> -> memref<10000x128xf32, #tpu.memory_space<hbm>>
      tpu.wait_indirect_dma semaphore(%arg15 : memref<!tpu.dma_semaphore, #tpu.memory_space<semaphore_mem>>) src(%dma_wait3A_815 : memref<10000x128xf32, #tpu.memory_space<hbm>>) dst(%arg10 : memref<80x128xf32, #tpu.memory_space<vmem>>)
      %run_scoped3A_816 = arith.constant 1 : i32
      %run_scoped3A_817 = arith.constant 2 : i32
      "tpu.region"() ({
        %run_scoped3A_832 = tpu.sem_alloc : memref<!tpu.dma_semaphore, #tpu.memory_space<semaphore_mem>>
        %dma_start3A_833 = arith.constant 0 : i32
        %dma_start3A_834 = tpu.memref_slice %arg7[%run_scoped3A_816, %run_scoped3A_817, %dma_start3A_833] : memref<2x3x80xi32, #tpu.memory_space<vmem>> -> memref<1x1x80xi32, #tpu.memory_space<vmem>>
        %dma_start3A_835 = tpu.memref_squeeze %dma_start3A_834 : memref<1x1x80xi32, #tpu.memory_space<vmem>> -> memref<80xi32, #tpu.memory_space<vmem>>
        %dma_start3A_836 = arith.constant 0 : i32
        %dma_start3A_837 = arith.constant 0 : i32
        %dma_start3A_838 = tpu.memref_slice %arg12[%dma_start3A_836, %dma_start3A_837] : memref<10240x128xf32, #tpu.memory_space<vmem_shared>> -> memref<10240x128xf32, #tpu.memory_space<vmem_shared>>
        tpu.enqueue_indirect_dma source(%arg10 : memref<80x128xf32, #tpu.memory_space<vmem>>) target(%dma_start3A_838 : memref<10240x128xf32, #tpu.memory_space<vmem_shared>>) offsets(%dma_start3A_835 : memref<80xi32, #tpu.memory_space<vmem>>) semaphore(%run_scoped3A_832 : memref<!tpu.dma_semaphore, #tpu.memory_space<semaphore_mem>>) {add = true}
        %dma_wait3A_839 = arith.constant 0 : i32
        %dma_wait3A_840 = tpu.memref_slice %arg7[%run_scoped3A_816, %run_scoped3A_817, %dma_wait3A_839] : memref<2x3x80xi32, #tpu.memory_space<vmem>> -> memref<1x1x80xi32, #tpu.memory_space<vmem>>
        %dma_wait3A_841 = tpu.memref_squeeze %dma_wait3A_840 : memref<1x1x80xi32, #tpu.memory_space<vmem>> -> memref<80xi32, #tpu.memory_space<vmem>>
        %dma_wait3A_842 = arith.constant 0 : i32
        %dma_wait3A_843 = arith.constant 0 : i32
        %dma_wait3A_844 = tpu.memref_slice %arg12[%dma_wait3A_842, %dma_wait3A_843] : memref<10240x128xf32, #tpu.memory_space<vmem_shared>> -> memref<10240x128xf32, #tpu.memory_space<vmem_shared>>
        tpu.wait_indirect_dma semaphore(%run_scoped3A_832 : memref<!tpu.dma_semaphore, #tpu.memory_space<semaphore_mem>>) src(%arg10 : memref<80x128xf32, #tpu.memory_space<vmem>>) dst(%dma_wait3A_844 : memref<10240x128xf32, #tpu.memory_space<vmem_shared>>)
        tpu.yield
      }) : () -> ()
      %add3A_818 = arith.constant 1 : i32
      %add3A_819 = arith.addi %add3A_766, %add3A_818 : i32
      %lt3A_820 = arith.constant 42 : i32
      %lt3A_821 = arith.cmpi slt, %add3A_819, %lt3A_820 : i32
      %convert_element_type3A_822 = arith.extui %lt3A_821 : i1 to i32
      %cond3A_823 = arith.constant 0 : i32
      %cond3A_824 = arith.cmpi ne, %convert_element_type3A_822, %cond3A_823 : i32
      scf.if %cond3A_824 {
        %dma_start3A_832 = arith.constant 0 : i32
        %dma_start3A_833 = arith.constant 2 : i32
        %dma_start3A_834 = arith.constant 0 : i32
        %dma_start3A_835 = tpu.memref_slice %arg6[%dma_start3A_832, %dma_start3A_833, %dma_start3A_834] : memref<2x3x80xi32, #tpu.memory_space<vmem>> -> memref<1x1x80xi32, #tpu.memory_space<vmem>>
        %dma_start3A_836 = tpu.memref_squeeze %dma_start3A_835 : memref<1x1x80xi32, #tpu.memory_space<vmem>> -> memref<80xi32, #tpu.memory_space<vmem>>
        %dma_start3A_837 = arith.constant 0 : i32
        %dma_start3A_838 = arith.constant 0 : i32
        %dma_start3A_839 = tpu.memref_slice %arg2[%dma_start3A_837, %dma_start3A_838] : memref<10000x128xf32, #tpu.memory_space<hbm>> -> memref<10000x128xf32, #tpu.memory_space<hbm>>
        tpu.enqueue_indirect_dma source(%dma_start3A_839 : memref<10000x128xf32, #tpu.memory_space<hbm>>) target(%arg10 : memref<80x128xf32, #tpu.memory_space<vmem>>) offsets(%dma_start3A_836 : memref<80xi32, #tpu.memory_space<vmem>>) semaphore(%arg15 : memref<!tpu.dma_semaphore, #tpu.memory_space<semaphore_mem>>)
      } else {
      }
      %add3A_825 = arith.constant 2 : i32
      %add3A_826 = arith.addi %add3A_766, %add3A_825 : i32
      %lt3A_827 = arith.constant 42 : i32
      %lt3A_828 = arith.cmpi slt, %add3A_826, %lt3A_827 : i32
      %convert_element_type3A_829 = arith.extui %lt3A_828 : i1 to i32
      %cond3A_830 = arith.constant 0 : i32
      %cond3A_831 = arith.cmpi ne, %convert_element_type3A_829, %cond3A_830 : i32
      scf.if %cond3A_831 {
        %add3A_832 = arith.constant 2 : i32
        %add3A_833 = arith.addi %add3A_766, %add3A_832 : i32
        %mul3A_834 = arith.constant 3 : i32
        %mul3A_835 = arith.muli %add3A_833, %mul3A_834 : i32
        %add3A_836 = arith.addi %mul3A_2, %mul3A_835 : i32
        %dma_start3A_837 = arith.constant 0 : i32
        %dma_start3A_838 = arith.constant 1 : i32
        %dma_start3A_839 = arith.constant 0 : i32
        %dma_start3A_840 = arith.constant 0 : i32
        %dma_start3A_841 = tpu.memref_slice %arg6[%dma_start3A_838, %dma_start3A_839, %dma_start3A_840] : memref<2x3x80xi32, #tpu.memory_space<vmem>> -> memref<1x3x80xi32, #tpu.memory_space<vmem>>
        %dma_start3A_842 = tpu.memref_squeeze %dma_start3A_841 : memref<1x3x80xi32, #tpu.memory_space<vmem>> -> memref<3x80xi32, #tpu.memory_space<vmem>>
        %dma_start3A_843 = arith.constant 0 : i32
        %dma_start3A_844 = tpu.memref_slice %arg3[%dma_start3A_837, %add3A_836, %dma_start3A_843] : memref<2x4032x80xi32, #tpu.memory_space<hbm>> -> memref<1x3x80xi32, #tpu.memory_space<hbm>>
        %dma_start3A_845 = tpu.memref_squeeze %dma_start3A_844 : memref<1x3x80xi32, #tpu.memory_space<hbm>> -> memref<3x80xi32, #tpu.memory_space<hbm>>
        %dma_start3A_846 = arith.constant 0 : i32
        %dma_start3A_847 = arith.constant 0 : i32
        %dma_start3A_848 = tpu.memref_slice %arg6[%dma_start3A_838, %dma_start3A_846, %dma_start3A_847] : memref<2x3x80xi32, #tpu.memory_space<vmem>> -> memref<1x3x80xi32, #tpu.memory_space<vmem>>
        %dma_start3A_849 = tpu.memref_squeeze %dma_start3A_848 : memref<1x3x80xi32, #tpu.memory_space<vmem>> -> memref<3x80xi32, #tpu.memory_space<vmem>>
        %dma_start3A_850 = arith.constant 0 : i32
        %dma_start3A_851 = tpu.memref_slice %arg3[%dma_start3A_837, %add3A_836, %dma_start3A_850] : memref<2x4032x80xi32, #tpu.memory_space<hbm>> -> memref<1x3x80xi32, #tpu.memory_space<hbm>>
        %dma_start3A_852 = tpu.memref_squeeze %dma_start3A_851 : memref<1x3x80xi32, #tpu.memory_space<hbm>> -> memref<3x80xi32, #tpu.memory_space<hbm>>
        tpu.enqueue_dma source(%dma_start3A_852 : memref<3x80xi32, #tpu.memory_space<hbm>>) target(%dma_start3A_849 : memref<3x80xi32, #tpu.memory_space<vmem>>) target_semaphore(%arg16 : memref<!tpu.dma_semaphore, #tpu.memory_space<semaphore_mem>>)
        %add3A_853 = arith.constant 2 : i32
        %add3A_854 = arith.addi %add3A_766, %add3A_853 : i32
        %mul3A_855 = arith.constant 3 : i32
        %mul3A_856 = arith.muli %add3A_854, %mul3A_855 : i32
        %add3A_857 = arith.addi %mul3A_2, %mul3A_856 : i32
        %dma_start3A_858 = arith.constant 1 : i32
        %dma_start3A_859 = arith.constant 1 : i32
        %dma_start3A_860 = arith.constant 0 : i32
        %dma_start3A_861 = arith.constant 0 : i32
        %dma_start3A_862 = tpu.memref_slice %arg7[%dma_start3A_859, %dma_start3A_860, %dma_start3A_861] : memref<2x3x80xi32, #tpu.memory_space<vmem>> -> memref<1x3x80xi32, #tpu.memory_space<vmem>>
        %dma_start3A_863 = tpu.memref_squeeze %dma_start3A_862 : memref<1x3x80xi32, #tpu.memory_space<vmem>> -> memref<3x80xi32, #tpu.memory_space<vmem>>
        %dma_start3A_864 = arith.constant 0 : i32
        %dma_start3A_865 = tpu.memref_slice %arg3[%dma_start3A_858, %add3A_857, %dma_start3A_864] : memref<2x4032x80xi32, #tpu.memory_space<hbm>> -> memref<1x3x80xi32, #tpu.memory_space<hbm>>
        %dma_start3A_866 = tpu.memref_squeeze %dma_start3A_865 : memref<1x3x80xi32, #tpu.memory_space<hbm>> -> memref<3x80xi32, #tpu.memory_space<hbm>>
        %dma_start3A_867 = arith.constant 0 : i32
        %dma_start3A_868 = arith.constant 0 : i32
        %dma_start3A_869 = tpu.memref_slice %arg7[%dma_start3A_859, %dma_start3A_867, %dma_start3A_868] : memref<2x3x80xi32, #tpu.memory_space<vmem>> -> memref<1x3x80xi32, #tpu.memory_space<vmem>>
        %dma_start3A_870 = tpu.memref_squeeze %dma_start3A_869 : memref<1x3x80xi32, #tpu.memory_space<vmem>> -> memref<3x80xi32, #tpu.memory_space<vmem>>
        %dma_start3A_871 = arith.constant 0 : i32
        %dma_start3A_872 = tpu.memref_slice %arg3[%dma_start3A_858, %add3A_857, %dma_start3A_871] : memref<2x4032x80xi32, #tpu.memory_space<hbm>> -> memref<1x3x80xi32, #tpu.memory_space<hbm>>
        %dma_start3A_873 = tpu.memref_squeeze %dma_start3A_872 : memref<1x3x80xi32, #tpu.memory_space<hbm>> -> memref<3x80xi32, #tpu.memory_space<hbm>>
        tpu.enqueue_dma source(%dma_start3A_873 : memref<3x80xi32, #tpu.memory_space<hbm>>) target(%dma_start3A_870 : memref<3x80xi32, #tpu.memory_space<vmem>>) target_semaphore(%arg16 : memref<!tpu.dma_semaphore, #tpu.memory_space<semaphore_mem>>)
      } else {
      }
    }
    %scan3A_550 = arith.constant 21 : i32
    %barrier3A_551 = arith.constant 0 : index
    tpu.barrier barrier_id(%barrier3A_551)
    %add3A_552 = arith.constant 0 : i32
    %add3A_553 = arith.addi %mul3A_4, %add3A_552 : i32
    "tpu.region"() ({
      %run_scoped3A_696 = tpu.sem_alloc : memref<!tpu.dma_semaphore, #tpu.memory_space<semaphore_mem>>
      %dma_start3A_697 = arith.constant 0 : i32
      %dma_start3A_698 = tpu.memref_slice %arg12[%add3A_553, %dma_start3A_697] : memref<10240x128xf32, #tpu.memory_space<vmem_shared>> -> memref<80x128xf32, #tpu.memory_space<vmem_shared>>
      %dma_start3A_699 = arith.constant 0 : i32
      %dma_start3A_700 = tpu.memref_slice %arg12[%add3A_553, %dma_start3A_699] : memref<10240x128xf32, #tpu.memory_space<vmem_shared>> -> memref<80x128xf32, #tpu.memory_space<vmem_shared>>
      tpu.enqueue_dma source(%dma_start3A_700 : memref<80x128xf32, #tpu.memory_space<vmem_shared>>) target(%arg8 : memref<80x128xf32, #tpu.memory_space<vmem>>) target_semaphore(%run_scoped3A_696 : memref<!tpu.dma_semaphore, #tpu.memory_space<semaphore_mem>>)
      %dma_wait3A_701 = arith.constant 0 : i32
      %dma_wait3A_702 = tpu.memref_slice %arg12[%add3A_553, %dma_wait3A_701] : memref<10240x128xf32, #tpu.memory_space<vmem_shared>> -> memref<80x128xf32, #tpu.memory_space<vmem_shared>>
      %dma_wait3A_703 = arith.constant 0 : i32
      %dma_wait3A_704 = tpu.memref_slice %arg12[%add3A_553, %dma_wait3A_703] : memref<10240x128xf32, #tpu.memory_space<vmem_shared>> -> memref<80x128xf32, #tpu.memory_space<vmem_shared>>
      tpu.wait_dma2 semaphore(%run_scoped3A_696 : memref<!tpu.dma_semaphore, #tpu.memory_space<semaphore_mem>>) src(%dma_wait3A_704 : memref<80x128xf32, #tpu.memory_space<vmem_shared>>) dst(%arg8 : memref<80x128xf32, #tpu.memory_space<vmem>>)
      tpu.yield
    }) : () -> ()
    %add3A_554 = arith.constant 0 : i32
    %add3A_555 = arith.addi %mul3A_4, %add3A_554 : i32
    %dma_start3A_556 = arith.constant 0 : i32
    %dma_start3A_557 = tpu.memref_slice %arg5[%arg0, %add3A_555, %dma_start3A_556] : memref<2x10240x128xf32, #tpu.memory_space<hbm>> -> memref<1x80x128xf32, #tpu.memory_space<hbm>>
    %dma_start3A_558 = tpu.memref_squeeze %dma_start3A_557 : memref<1x80x128xf32, #tpu.memory_space<hbm>> -> memref<80x128xf32, #tpu.memory_space<hbm>>
    %dma_start3A_559 = arith.constant 0 : i32
    %dma_start3A_560 = tpu.memref_slice %arg5[%arg0, %add3A_555, %dma_start3A_559] : memref<2x10240x128xf32, #tpu.memory_space<hbm>> -> memref<1x80x128xf32, #tpu.memory_space<hbm>>
    %dma_start3A_561 = tpu.memref_squeeze %dma_start3A_560 : memref<1x80x128xf32, #tpu.memory_space<hbm>> -> memref<80x128xf32, #tpu.memory_space<hbm>>
    tpu.enqueue_dma source(%arg8 : memref<80x128xf32, #tpu.memory_space<vmem>>) target(%dma_start3A_561 : memref<80x128xf32, #tpu.memory_space<hbm>>) target_semaphore(%arg13 : memref<!tpu.dma_semaphore, #tpu.memory_space<semaphore_mem>>)
    %add3A_562 = arith.constant 80 : i32
    %add3A_563 = arith.addi %mul3A_4, %add3A_562 : i32
    "tpu.region"() ({
      %run_scoped3A_696 = tpu.sem_alloc : memref<!tpu.dma_semaphore, #tpu.memory_space<semaphore_mem>>
      %dma_start3A_697 = arith.constant 0 : i32
      %dma_start3A_698 = tpu.memref_slice %arg12[%add3A_563, %dma_start3A_697] : memref<10240x128xf32, #tpu.memory_space<vmem_shared>> -> memref<80x128xf32, #tpu.memory_space<vmem_shared>>
      %dma_start3A_699 = arith.constant 0 : i32
      %dma_start3A_700 = tpu.memref_slice %arg12[%add3A_563, %dma_start3A_699] : memref<10240x128xf32, #tpu.memory_space<vmem_shared>> -> memref<80x128xf32, #tpu.memory_space<vmem_shared>>
      tpu.enqueue_dma source(%dma_start3A_700 : memref<80x128xf32, #tpu.memory_space<vmem_shared>>) target(%arg9 : memref<80x128xf32, #tpu.memory_space<vmem>>) target_semaphore(%run_scoped3A_696 : memref<!tpu.dma_semaphore, #tpu.memory_space<semaphore_mem>>)
      %dma_wait3A_701 = arith.constant 0 : i32
      %dma_wait3A_702 = tpu.memref_slice %arg12[%add3A_563, %dma_wait3A_701] : memref<10240x128xf32, #tpu.memory_space<vmem_shared>> -> memref<80x128xf32, #tpu.memory_space<vmem_shared>>
      %dma_wait3A_703 = arith.constant 0 : i32
      %dma_wait3A_704 = tpu.memref_slice %arg12[%add3A_563, %dma_wait3A_703] : memref<10240x128xf32, #tpu.memory_space<vmem_shared>> -> memref<80x128xf32, #tpu.memory_space<vmem_shared>>
      tpu.wait_dma2 semaphore(%run_scoped3A_696 : memref<!tpu.dma_semaphore, #tpu.memory_space<semaphore_mem>>) src(%dma_wait3A_704 : memref<80x128xf32, #tpu.memory_space<vmem_shared>>) dst(%arg9 : memref<80x128xf32, #tpu.memory_space<vmem>>)
      tpu.yield
    }) : () -> ()
    %add3A_564 = arith.constant 80 : i32
    %add3A_565 = arith.addi %mul3A_4, %add3A_564 : i32
    %dma_start3A_566 = arith.constant 0 : i32
    %dma_start3A_567 = tpu.memref_slice %arg5[%arg0, %add3A_565, %dma_start3A_566] : memref<2x10240x128xf32, #tpu.memory_space<hbm>> -> memref<1x80x128xf32, #tpu.memory_space<hbm>>
    %dma_start3A_568 = tpu.memref_squeeze %dma_start3A_567 : memref<1x80x128xf32, #tpu.memory_space<hbm>> -> memref<80x128xf32, #tpu.memory_space<hbm>>
    %dma_start3A_569 = arith.constant 0 : i32
    %dma_start3A_570 = tpu.memref_slice %arg5[%arg0, %add3A_565, %dma_start3A_569] : memref<2x10240x128xf32, #tpu.memory_space<hbm>> -> memref<1x80x128xf32, #tpu.memory_space<hbm>>
    %dma_start3A_571 = tpu.memref_squeeze %dma_start3A_570 : memref<1x80x128xf32, #tpu.memory_space<hbm>> -> memref<80x128xf32, #tpu.memory_space<hbm>>
    tpu.enqueue_dma source(%arg9 : memref<80x128xf32, #tpu.memory_space<vmem>>) target(%dma_start3A_571 : memref<80x128xf32, #tpu.memory_space<hbm>>) target_semaphore(%arg14 : memref<!tpu.dma_semaphore, #tpu.memory_space<semaphore_mem>>)
    %add3A_572 = arith.constant 160 : i32
    %add3A_573 = arith.addi %mul3A_4, %add3A_572 : i32
    "tpu.region"() ({
      %run_scoped3A_696 = tpu.sem_alloc : memref<!tpu.dma_semaphore, #tpu.memory_space<semaphore_mem>>
      %dma_start3A_697 = arith.constant 0 : i32
      %dma_start3A_698 = tpu.memref_slice %arg12[%add3A_573, %dma_start3A_697] : memref<10240x128xf32, #tpu.memory_space<vmem_shared>> -> memref<80x128xf32, #tpu.memory_space<vmem_shared>>
      %dma_start3A_699 = arith.constant 0 : i32
      %dma_start3A_700 = tpu.memref_slice %arg12[%add3A_573, %dma_start3A_699] : memref<10240x128xf32, #tpu.memory_space<vmem_shared>> -> memref<80x128xf32, #tpu.memory_space<vmem_shared>>
      tpu.enqueue_dma source(%dma_start3A_700 : memref<80x128xf32, #tpu.memory_space<vmem_shared>>) target(%arg10 : memref<80x128xf32, #tpu.memory_space<vmem>>) target_semaphore(%run_scoped3A_696 : memref<!tpu.dma_semaphore, #tpu.memory_space<semaphore_mem>>)
      %dma_wait3A_701 = arith.constant 0 : i32
      %dma_wait3A_702 = tpu.memref_slice %arg12[%add3A_573, %dma_wait3A_701] : memref<10240x128xf32, #tpu.memory_space<vmem_shared>> -> memref<80x128xf32, #tpu.memory_space<vmem_shared>>
      %dma_wait3A_703 = arith.constant 0 : i32
      %dma_wait3A_704 = tpu.memref_slice %arg12[%add3A_573, %dma_wait3A_703] : memref<10240x128xf32, #tpu.memory_space<vmem_shared>> -> memref<80x128xf32, #tpu.memory_space<vmem_shared>>
      tpu.wait_dma2 semaphore(%run_scoped3A_696 : memref<!tpu.dma_semaphore, #tpu.memory_space<semaphore_mem>>) src(%dma_wait3A_704 : memref<80x128xf32, #tpu.memory_space<vmem_shared>>) dst(%arg10 : memref<80x128xf32, #tpu.memory_space<vmem>>)
      tpu.yield
    }) : () -> ()
    %add3A_574 = arith.constant 160 : i32
    %add3A_575 = arith.addi %mul3A_4, %add3A_574 : i32
    %dma_start3A_576 = arith.constant 0 : i32
    %dma_start3A_577 = tpu.memref_slice %arg5[%arg0, %add3A_575, %dma_start3A_576] : memref<2x10240x128xf32, #tpu.memory_space<hbm>> -> memref<1x80x128xf32, #tpu.memory_space<hbm>>
    %dma_start3A_578 = tpu.memref_squeeze %dma_start3A_577 : memref<1x80x128xf32, #tpu.memory_space<hbm>> -> memref<80x128xf32, #tpu.memory_space<hbm>>
    %dma_start3A_579 = arith.constant 0 : i32
    %dma_start3A_580 = tpu.memref_slice %arg5[%arg0, %add3A_575, %dma_start3A_579] : memref<2x10240x128xf32, #tpu.memory_space<hbm>> -> memref<1x80x128xf32, #tpu.memory_space<hbm>>
    %dma_start3A_581 = tpu.memref_squeeze %dma_start3A_580 : memref<1x80x128xf32, #tpu.memory_space<hbm>> -> memref<80x128xf32, #tpu.memory_space<hbm>>
    tpu.enqueue_dma source(%arg10 : memref<80x128xf32, #tpu.memory_space<vmem>>) target(%dma_start3A_581 : memref<80x128xf32, #tpu.memory_space<hbm>>) target_semaphore(%arg15 : memref<!tpu.dma_semaphore, #tpu.memory_space<semaphore_mem>>)
    %add3A_582 = arith.constant 0 : i32
    %add3A_583 = arith.addi %mul3A_4, %add3A_582 : i32
    %dma_wait3A_584 = arith.constant 0 : i32
    %dma_wait3A_585 = tpu.memref_slice %arg5[%arg0, %add3A_583, %dma_wait3A_584] : memref<2x10240x128xf32, #tpu.memory_space<hbm>> -> memref<1x80x128xf32, #tpu.memory_space<hbm>>
    %dma_wait3A_586 = tpu.memref_squeeze %dma_wait3A_585 : memref<1x80x128xf32, #tpu.memory_space<hbm>> -> memref<80x128xf32, #tpu.memory_space<hbm>>
    %dma_wait3A_587 = arith.constant 0 : i32
    %dma_wait3A_588 = tpu.memref_slice %arg5[%arg0, %add3A_583, %dma_wait3A_587] : memref<2x10240x128xf32, #tpu.memory_space<hbm>> -> memref<1x80x128xf32, #tpu.memory_space<hbm>>
    %dma_wait3A_589 = tpu.memref_squeeze %dma_wait3A_588 : memref<1x80x128xf32, #tpu.memory_space<hbm>> -> memref<80x128xf32, #tpu.memory_space<hbm>>
    tpu.wait_dma2 semaphore(%arg13 : memref<!tpu.dma_semaphore, #tpu.memory_space<semaphore_mem>>) src(%arg8 : memref<80x128xf32, #tpu.memory_space<vmem>>) dst(%dma_wait3A_589 : memref<80x128xf32, #tpu.memory_space<hbm>>)
    %add3A_590 = arith.constant 240 : i32
    %add3A_591 = arith.addi %mul3A_4, %add3A_590 : i32
    "tpu.region"() ({
      %run_scoped3A_696 = tpu.sem_alloc : memref<!tpu.dma_semaphore, #tpu.memory_space<semaphore_mem>>
      %dma_start3A_697 = arith.constant 0 : i32
      %dma_start3A_698 = tpu.memref_slice %arg12[%add3A_591, %dma_start3A_697] : memref<10240x128xf32, #tpu.memory_space<vmem_shared>> -> memref<80x128xf32, #tpu.memory_space<vmem_shared>>
      %dma_start3A_699 = arith.constant 0 : i32
      %dma_start3A_700 = tpu.memref_slice %arg12[%add3A_591, %dma_start3A_699] : memref<10240x128xf32, #tpu.memory_space<vmem_shared>> -> memref<80x128xf32, #tpu.memory_space<vmem_shared>>
      tpu.enqueue_dma source(%dma_start3A_700 : memref<80x128xf32, #tpu.memory_space<vmem_shared>>) target(%arg8 : memref<80x128xf32, #tpu.memory_space<vmem>>) target_semaphore(%run_scoped3A_696 : memref<!tpu.dma_semaphore, #tpu.memory_space<semaphore_mem>>)
      %dma_wait3A_701 = arith.constant 0 : i32
      %dma_wait3A_702 = tpu.memref_slice %arg12[%add3A_591, %dma_wait3A_701] : memref<10240x128xf32, #tpu.memory_space<vmem_shared>> -> memref<80x128xf32, #tpu.memory_space<vmem_shared>>
      %dma_wait3A_703 = arith.constant 0 : i32
      %dma_wait3A_704 = tpu.memref_slice %arg12[%add3A_591, %dma_wait3A_703] : memref<10240x128xf32, #tpu.memory_space<vmem_shared>> -> memref<80x128xf32, #tpu.memory_space<vmem_shared>>
      tpu.wait_dma2 semaphore(%run_scoped3A_696 : memref<!tpu.dma_semaphore, #tpu.memory_space<semaphore_mem>>) src(%dma_wait3A_704 : memref<80x128xf32, #tpu.memory_space<vmem_shared>>) dst(%arg8 : memref<80x128xf32, #tpu.memory_space<vmem>>)
      tpu.yield
    }) : () -> ()
    %add3A_592 = arith.constant 240 : i32
    %add3A_593 = arith.addi %mul3A_4, %add3A_592 : i32
    %dma_start3A_594 = arith.constant 0 : i32
    %dma_start3A_595 = tpu.memref_slice %arg5[%arg0, %add3A_593, %dma_start3A_594] : memref<2x10240x128xf32, #tpu.memory_space<hbm>> -> memref<1x80x128xf32, #tpu.memory_space<hbm>>
    %dma_start3A_596 = tpu.memref_squeeze %dma_start3A_595 : memref<1x80x128xf32, #tpu.memory_space<hbm>> -> memref<80x128xf32, #tpu.memory_space<hbm>>
    %dma_start3A_597 = arith.constant 0 : i32
    %dma_start3A_598 = tpu.memref_slice %arg5[%arg0, %add3A_593, %dma_start3A_597] : memref<2x10240x128xf32, #tpu.memory_space<hbm>> -> memref<1x80x128xf32, #tpu.memory_space<hbm>>
    %dma_start3A_599 = tpu.memref_squeeze %dma_start3A_598 : memref<1x80x128xf32, #tpu.memory_space<hbm>> -> memref<80x128xf32, #tpu.memory_space<hbm>>
    tpu.enqueue_dma source(%arg8 : memref<80x128xf32, #tpu.memory_space<vmem>>) target(%dma_start3A_599 : memref<80x128xf32, #tpu.memory_space<hbm>>) target_semaphore(%arg13 : memref<!tpu.dma_semaphore, #tpu.memory_space<semaphore_mem>>)
    %add3A_600 = arith.constant 80 : i32
    %add3A_601 = arith.addi %mul3A_4, %add3A_600 : i32
    %dma_wait3A_602 = arith.constant 0 : i32
    %dma_wait3A_603 = tpu.memref_slice %arg5[%arg0, %add3A_601, %dma_wait3A_602] : memref<2x10240x128xf32, #tpu.memory_space<hbm>> -> memref<1x80x128xf32, #tpu.memory_space<hbm>>
    %dma_wait3A_604 = tpu.memref_squeeze %dma_wait3A_603 : memref<1x80x128xf32, #tpu.memory_space<hbm>> -> memref<80x128xf32, #tpu.memory_space<hbm>>
    %dma_wait3A_605 = arith.constant 0 : i32
    %dma_wait3A_606 = tpu.memref_slice %arg5[%arg0, %add3A_601, %dma_wait3A_605] : memref<2x10240x128xf32, #tpu.memory_space<hbm>> -> memref<1x80x128xf32, #tpu.memory_space<hbm>>
    %dma_wait3A_607 = tpu.memref_squeeze %dma_wait3A_606 : memref<1x80x128xf32, #tpu.memory_space<hbm>> -> memref<80x128xf32, #tpu.memory_space<hbm>>
    tpu.wait_dma2 semaphore(%arg14 : memref<!tpu.dma_semaphore, #tpu.memory_space<semaphore_mem>>) src(%arg9 : memref<80x128xf32, #tpu.memory_space<vmem>>) dst(%dma_wait3A_607 : memref<80x128xf32, #tpu.memory_space<hbm>>)
    %add3A_608 = arith.constant 320 : i32
    %add3A_609 = arith.addi %mul3A_4, %add3A_608 : i32
    "tpu.region"() ({
      %run_scoped3A_696 = tpu.sem_alloc : memref<!tpu.dma_semaphore, #tpu.memory_space<semaphore_mem>>
      %dma_start3A_697 = arith.constant 0 : i32
      %dma_start3A_698 = tpu.memref_slice %arg12[%add3A_609, %dma_start3A_697] : memref<10240x128xf32, #tpu.memory_space<vmem_shared>> -> memref<80x128xf32, #tpu.memory_space<vmem_shared>>
      %dma_start3A_699 = arith.constant 0 : i32
      %dma_start3A_700 = tpu.memref_slice %arg12[%add3A_609, %dma_start3A_699] : memref<10240x128xf32, #tpu.memory_space<vmem_shared>> -> memref<80x128xf32, #tpu.memory_space<vmem_shared>>
      tpu.enqueue_dma source(%dma_start3A_700 : memref<80x128xf32, #tpu.memory_space<vmem_shared>>) target(%arg9 : memref<80x128xf32, #tpu.memory_space<vmem>>) target_semaphore(%run_scoped3A_696 : memref<!tpu.dma_semaphore, #tpu.memory_space<semaphore_mem>>)
      %dma_wait3A_701 = arith.constant 0 : i32
      %dma_wait3A_702 = tpu.memref_slice %arg12[%add3A_609, %dma_wait3A_701] : memref<10240x128xf32, #tpu.memory_space<vmem_shared>> -> memref<80x128xf32, #tpu.memory_space<vmem_shared>>
      %dma_wait3A_703 = arith.constant 0 : i32
      %dma_wait3A_704 = tpu.memref_slice %arg12[%add3A_609, %dma_wait3A_703] : memref<10240x128xf32, #tpu.memory_space<vmem_shared>> -> memref<80x128xf32, #tpu.memory_space<vmem_shared>>
      tpu.wait_dma2 semaphore(%run_scoped3A_696 : memref<!tpu.dma_semaphore, #tpu.memory_space<semaphore_mem>>) src(%dma_wait3A_704 : memref<80x128xf32, #tpu.memory_space<vmem_shared>>) dst(%arg9 : memref<80x128xf32, #tpu.memory_space<vmem>>)
      tpu.yield
    }) : () -> ()
    %add3A_610 = arith.constant 320 : i32
    %add3A_611 = arith.addi %mul3A_4, %add3A_610 : i32
    %dma_start3A_612 = arith.constant 0 : i32
    %dma_start3A_613 = tpu.memref_slice %arg5[%arg0, %add3A_611, %dma_start3A_612] : memref<2x10240x128xf32, #tpu.memory_space<hbm>> -> memref<1x80x128xf32, #tpu.memory_space<hbm>>
    %dma_start3A_614 = tpu.memref_squeeze %dma_start3A_613 : memref<1x80x128xf32, #tpu.memory_space<hbm>> -> memref<80x128xf32, #tpu.memory_space<hbm>>
    %dma_start3A_615 = arith.constant 0 : i32
    %dma_start3A_616 = tpu.memref_slice %arg5[%arg0, %add3A_611, %dma_start3A_615] : memref<2x10240x128xf32, #tpu.memory_space<hbm>> -> memref<1x80x128xf32, #tpu.memory_space<hbm>>
    %dma_start3A_617 = tpu.memref_squeeze %dma_start3A_616 : memref<1x80x128xf32, #tpu.memory_space<hbm>> -> memref<80x128xf32, #tpu.memory_space<hbm>>
    tpu.enqueue_dma source(%arg9 : memref<80x128xf32, #tpu.memory_space<vmem>>) target(%dma_start3A_617 : memref<80x128xf32, #tpu.memory_space<hbm>>) target_semaphore(%arg14 : memref<!tpu.dma_semaphore, #tpu.memory_space<semaphore_mem>>)
    %add3A_618 = arith.constant 160 : i32
    %add3A_619 = arith.addi %mul3A_4, %add3A_618 : i32
    %dma_wait3A_620 = arith.constant 0 : i32
    %dma_wait3A_621 = tpu.memref_slice %arg5[%arg0, %add3A_619, %dma_wait3A_620] : memref<2x10240x128xf32, #tpu.memory_space<hbm>> -> memref<1x80x128xf32, #tpu.memory_space<hbm>>
    %dma_wait3A_622 = tpu.memref_squeeze %dma_wait3A_621 : memref<1x80x128xf32, #tpu.memory_space<hbm>> -> memref<80x128xf32, #tpu.memory_space<hbm>>
    %dma_wait3A_623 = arith.constant 0 : i32
    %dma_wait3A_624 = tpu.memref_slice %arg5[%arg0, %add3A_619, %dma_wait3A_623] : memref<2x10240x128xf32, #tpu.memory_space<hbm>> -> memref<1x80x128xf32, #tpu.memory_space<hbm>>
    %dma_wait3A_625 = tpu.memref_squeeze %dma_wait3A_624 : memref<1x80x128xf32, #tpu.memory_space<hbm>> -> memref<80x128xf32, #tpu.memory_space<hbm>>
    tpu.wait_dma2 semaphore(%arg15 : memref<!tpu.dma_semaphore, #tpu.memory_space<semaphore_mem>>) src(%arg10 : memref<80x128xf32, #tpu.memory_space<vmem>>) dst(%dma_wait3A_625 : memref<80x128xf32, #tpu.memory_space<hbm>>)
    %add3A_626 = arith.constant 400 : i32
    %add3A_627 = arith.addi %mul3A_4, %add3A_626 : i32
    "tpu.region"() ({
      %run_scoped3A_696 = tpu.sem_alloc : memref<!tpu.dma_semaphore, #tpu.memory_space<semaphore_mem>>
      %dma_start3A_697 = arith.constant 0 : i32
      %dma_start3A_698 = tpu.memref_slice %arg12[%add3A_627, %dma_start3A_697] : memref<10240x128xf32, #tpu.memory_space<vmem_shared>> -> memref<80x128xf32, #tpu.memory_space<vmem_shared>>
      %dma_start3A_699 = arith.constant 0 : i32
      %dma_start3A_700 = tpu.memref_slice %arg12[%add3A_627, %dma_start3A_699] : memref<10240x128xf32, #tpu.memory_space<vmem_shared>> -> memref<80x128xf32, #tpu.memory_space<vmem_shared>>
      tpu.enqueue_dma source(%dma_start3A_700 : memref<80x128xf32, #tpu.memory_space<vmem_shared>>) target(%arg10 : memref<80x128xf32, #tpu.memory_space<vmem>>) target_semaphore(%run_scoped3A_696 : memref<!tpu.dma_semaphore, #tpu.memory_space<semaphore_mem>>)
      %dma_wait3A_701 = arith.constant 0 : i32
      %dma_wait3A_702 = tpu.memref_slice %arg12[%add3A_627, %dma_wait3A_701] : memref<10240x128xf32, #tpu.memory_space<vmem_shared>> -> memref<80x128xf32, #tpu.memory_space<vmem_shared>>
      %dma_wait3A_703 = arith.constant 0 : i32
      %dma_wait3A_704 = tpu.memref_slice %arg12[%add3A_627, %dma_wait3A_703] : memref<10240x128xf32, #tpu.memory_space<vmem_shared>> -> memref<80x128xf32, #tpu.memory_space<vmem_shared>>
      tpu.wait_dma2 semaphore(%run_scoped3A_696 : memref<!tpu.dma_semaphore, #tpu.memory_space<semaphore_mem>>) src(%dma_wait3A_704 : memref<80x128xf32, #tpu.memory_space<vmem_shared>>) dst(%arg10 : memref<80x128xf32, #tpu.memory_space<vmem>>)
      tpu.yield
    }) : () -> ()
    %add3A_628 = arith.constant 400 : i32
    %add3A_629 = arith.addi %mul3A_4, %add3A_628 : i32
    %dma_start3A_630 = arith.constant 0 : i32
    %dma_start3A_631 = tpu.memref_slice %arg5[%arg0, %add3A_629, %dma_start3A_630] : memref<2x10240x128xf32, #tpu.memory_space<hbm>> -> memref<1x80x128xf32, #tpu.memory_space<hbm>>
    %dma_start3A_632 = tpu.memref_squeeze %dma_start3A_631 : memref<1x80x128xf32, #tpu.memory_space<hbm>> -> memref<80x128xf32, #tpu.memory_space<hbm>>
    %dma_start3A_633 = arith.constant 0 : i32
    %dma_start3A_634 = tpu.memref_slice %arg5[%arg0, %add3A_629, %dma_start3A_633] : memref<2x10240x128xf32, #tpu.memory_space<hbm>> -> memref<1x80x128xf32, #tpu.memory_space<hbm>>
    %dma_start3A_635 = tpu.memref_squeeze %dma_start3A_634 : memref<1x80x128xf32, #tpu.memory_space<hbm>> -> memref<80x128xf32, #tpu.memory_space<hbm>>
    tpu.enqueue_dma source(%arg10 : memref<80x128xf32, #tpu.memory_space<vmem>>) target(%dma_start3A_635 : memref<80x128xf32, #tpu.memory_space<hbm>>) target_semaphore(%arg15 : memref<!tpu.dma_semaphore, #tpu.memory_space<semaphore_mem>>)
    %add3A_636 = arith.constant 240 : i32
    %add3A_637 = arith.addi %mul3A_4, %add3A_636 : i32
    %dma_wait3A_638 = arith.constant 0 : i32
    %dma_wait3A_639 = tpu.memref_slice %arg5[%arg0, %add3A_637, %dma_wait3A_638] : memref<2x10240x128xf32, #tpu.memory_space<hbm>> -> memref<1x80x128xf32, #tpu.memory_space<hbm>>
    %dma_wait3A_640 = tpu.memref_squeeze %dma_wait3A_639 : memref<1x80x128xf32, #tpu.memory_space<hbm>> -> memref<80x128xf32, #tpu.memory_space<hbm>>
    %dma_wait3A_641 = arith.constant 0 : i32
    %dma_wait3A_642 = tpu.memref_slice %arg5[%arg0, %add3A_637, %dma_wait3A_641] : memref<2x10240x128xf32, #tpu.memory_space<hbm>> -> memref<1x80x128xf32, #tpu.memory_space<hbm>>
    %dma_wait3A_643 = tpu.memref_squeeze %dma_wait3A_642 : memref<1x80x128xf32, #tpu.memory_space<hbm>> -> memref<80x128xf32, #tpu.memory_space<hbm>>
    tpu.wait_dma2 semaphore(%arg13 : memref<!tpu.dma_semaphore, #tpu.memory_space<semaphore_mem>>) src(%arg8 : memref<80x128xf32, #tpu.memory_space<vmem>>) dst(%dma_wait3A_643 : memref<80x128xf32, #tpu.memory_space<hbm>>)
    %add3A_644 = arith.constant 480 : i32
    %add3A_645 = arith.addi %mul3A_4, %add3A_644 : i32
    "tpu.region"() ({
      %run_scoped3A_696 = tpu.sem_alloc : memref<!tpu.dma_semaphore, #tpu.memory_space<semaphore_mem>>
      %dma_start3A_697 = arith.constant 0 : i32
      %dma_start3A_698 = tpu.memref_slice %arg12[%add3A_645, %dma_start3A_697] : memref<10240x128xf32, #tpu.memory_space<vmem_shared>> -> memref<80x128xf32, #tpu.memory_space<vmem_shared>>
      %dma_start3A_699 = arith.constant 0 : i32
      %dma_start3A_700 = tpu.memref_slice %arg12[%add3A_645, %dma_start3A_699] : memref<10240x128xf32, #tpu.memory_space<vmem_shared>> -> memref<80x128xf32, #tpu.memory_space<vmem_shared>>
      tpu.enqueue_dma source(%dma_start3A_700 : memref<80x128xf32, #tpu.memory_space<vmem_shared>>) target(%arg8 : memref<80x128xf32, #tpu.memory_space<vmem>>) target_semaphore(%run_scoped3A_696 : memref<!tpu.dma_semaphore, #tpu.memory_space<semaphore_mem>>)
      %dma_wait3A_701 = arith.constant 0 : i32
      %dma_wait3A_702 = tpu.memref_slice %arg12[%add3A_645, %dma_wait3A_701] : memref<10240x128xf32, #tpu.memory_space<vmem_shared>> -> memref<80x128xf32, #tpu.memory_space<vmem_shared>>
      %dma_wait3A_703 = arith.constant 0 : i32
      %dma_wait3A_704 = tpu.memref_slice %arg12[%add3A_645, %dma_wait3A_703] : memref<10240x128xf32, #tpu.memory_space<vmem_shared>> -> memref<80x128xf32, #tpu.memory_space<vmem_shared>>
      tpu.wait_dma2 semaphore(%run_scoped3A_696 : memref<!tpu.dma_semaphore, #tpu.memory_space<semaphore_mem>>) src(%dma_wait3A_704 : memref<80x128xf32, #tpu.memory_space<vmem_shared>>) dst(%arg8 : memref<80x128xf32, #tpu.memory_space<vmem>>)
      tpu.yield
    }) : () -> ()
    %add3A_646 = arith.constant 480 : i32
    %add3A_647 = arith.addi %mul3A_4, %add3A_646 : i32
    %dma_start3A_648 = arith.constant 0 : i32
    %dma_start3A_649 = tpu.memref_slice %arg5[%arg0, %add3A_647, %dma_start3A_648] : memref<2x10240x128xf32, #tpu.memory_space<hbm>> -> memref<1x80x128xf32, #tpu.memory_space<hbm>>
    %dma_start3A_650 = tpu.memref_squeeze %dma_start3A_649 : memref<1x80x128xf32, #tpu.memory_space<hbm>> -> memref<80x128xf32, #tpu.memory_space<hbm>>
    %dma_start3A_651 = arith.constant 0 : i32
    %dma_start3A_652 = tpu.memref_slice %arg5[%arg0, %add3A_647, %dma_start3A_651] : memref<2x10240x128xf32, #tpu.memory_space<hbm>> -> memref<1x80x128xf32, #tpu.memory_space<hbm>>
    %dma_start3A_653 = tpu.memref_squeeze %dma_start3A_652 : memref<1x80x128xf32, #tpu.memory_space<hbm>> -> memref<80x128xf32, #tpu.memory_space<hbm>>
    tpu.enqueue_dma source(%arg8 : memref<80x128xf32, #tpu.memory_space<vmem>>) target(%dma_start3A_653 : memref<80x128xf32, #tpu.memory_space<hbm>>) target_semaphore(%arg13 : memref<!tpu.dma_semaphore, #tpu.memory_space<semaphore_mem>>)
    %add3A_654 = arith.constant 320 : i32
    %add3A_655 = arith.addi %mul3A_4, %add3A_654 : i32
    %dma_wait3A_656 = arith.constant 0 : i32
    %dma_wait3A_657 = tpu.memref_slice %arg5[%arg0, %add3A_655, %dma_wait3A_656] : memref<2x10240x128xf32, #tpu.memory_space<hbm>> -> memref<1x80x128xf32, #tpu.memory_space<hbm>>
    %dma_wait3A_658 = tpu.memref_squeeze %dma_wait3A_657 : memref<1x80x128xf32, #tpu.memory_space<hbm>> -> memref<80x128xf32, #tpu.memory_space<hbm>>
    %dma_wait3A_659 = arith.constant 0 : i32
    %dma_wait3A_660 = tpu.memref_slice %arg5[%arg0, %add3A_655, %dma_wait3A_659] : memref<2x10240x128xf32, #tpu.memory_space<hbm>> -> memref<1x80x128xf32, #tpu.memory_space<hbm>>
    %dma_wait3A_661 = tpu.memref_squeeze %dma_wait3A_660 : memref<1x80x128xf32, #tpu.memory_space<hbm>> -> memref<80x128xf32, #tpu.memory_space<hbm>>
    tpu.wait_dma2 semaphore(%arg14 : memref<!tpu.dma_semaphore, #tpu.memory_space<semaphore_mem>>) src(%arg9 : memref<80x128xf32, #tpu.memory_space<vmem>>) dst(%dma_wait3A_661 : memref<80x128xf32, #tpu.memory_space<hbm>>)
    %add3A_662 = arith.constant 560 : i32
    %add3A_663 = arith.addi %mul3A_4, %add3A_662 : i32
    "tpu.region"() ({
      %run_scoped3A_696 = tpu.sem_alloc : memref<!tpu.dma_semaphore, #tpu.memory_space<semaphore_mem>>
      %dma_start3A_697 = arith.constant 0 : i32
      %dma_start3A_698 = tpu.memref_slice %arg12[%add3A_663, %dma_start3A_697] : memref<10240x128xf32, #tpu.memory_space<vmem_shared>> -> memref<80x128xf32, #tpu.memory_space<vmem_shared>>
      %dma_start3A_699 = arith.constant 0 : i32
      %dma_start3A_700 = tpu.memref_slice %arg12[%add3A_663, %dma_start3A_699] : memref<10240x128xf32, #tpu.memory_space<vmem_shared>> -> memref<80x128xf32, #tpu.memory_space<vmem_shared>>
      tpu.enqueue_dma source(%dma_start3A_700 : memref<80x128xf32, #tpu.memory_space<vmem_shared>>) target(%arg9 : memref<80x128xf32, #tpu.memory_space<vmem>>) target_semaphore(%run_scoped3A_696 : memref<!tpu.dma_semaphore, #tpu.memory_space<semaphore_mem>>)
      %dma_wait3A_701 = arith.constant 0 : i32
      %dma_wait3A_702 = tpu.memref_slice %arg12[%add3A_663, %dma_wait3A_701] : memref<10240x128xf32, #tpu.memory_space<vmem_shared>> -> memref<80x128xf32, #tpu.memory_space<vmem_shared>>
      %dma_wait3A_703 = arith.constant 0 : i32
      %dma_wait3A_704 = tpu.memref_slice %arg12[%add3A_663, %dma_wait3A_703] : memref<10240x128xf32, #tpu.memory_space<vmem_shared>> -> memref<80x128xf32, #tpu.memory_space<vmem_shared>>
      tpu.wait_dma2 semaphore(%run_scoped3A_696 : memref<!tpu.dma_semaphore, #tpu.memory_space<semaphore_mem>>) src(%dma_wait3A_704 : memref<80x128xf32, #tpu.memory_space<vmem_shared>>) dst(%arg9 : memref<80x128xf32, #tpu.memory_space<vmem>>)
      tpu.yield
    }) : () -> ()
    %add3A_664 = arith.constant 560 : i32
    %add3A_665 = arith.addi %mul3A_4, %add3A_664 : i32
    %dma_start3A_666 = arith.constant 0 : i32
    %dma_start3A_667 = tpu.memref_slice %arg5[%arg0, %add3A_665, %dma_start3A_666] : memref<2x10240x128xf32, #tpu.memory_space<hbm>> -> memref<1x80x128xf32, #tpu.memory_space<hbm>>
    %dma_start3A_668 = tpu.memref_squeeze %dma_start3A_667 : memref<1x80x128xf32, #tpu.memory_space<hbm>> -> memref<80x128xf32, #tpu.memory_space<hbm>>
    %dma_start3A_669 = arith.constant 0 : i32
    %dma_start3A_670 = tpu.memref_slice %arg5[%arg0, %add3A_665, %dma_start3A_669] : memref<2x10240x128xf32, #tpu.memory_space<hbm>> -> memref<1x80x128xf32, #tpu.memory_space<hbm>>
    %dma_start3A_671 = tpu.memref_squeeze %dma_start3A_670 : memref<1x80x128xf32, #tpu.memory_space<hbm>> -> memref<80x128xf32, #tpu.memory_space<hbm>>
    tpu.enqueue_dma source(%arg9 : memref<80x128xf32, #tpu.memory_space<vmem>>) target(%dma_start3A_671 : memref<80x128xf32, #tpu.memory_space<hbm>>) target_semaphore(%arg14 : memref<!tpu.dma_semaphore, #tpu.memory_space<semaphore_mem>>)
    %add3A_672 = arith.constant 400 : i32
    %add3A_673 = arith.addi %mul3A_4, %add3A_672 : i32
    %dma_wait3A_674 = arith.constant 0 : i32
    %dma_wait3A_675 = tpu.memref_slice %arg5[%arg0, %add3A_673, %dma_wait3A_674] : memref<2x10240x128xf32, #tpu.memory_space<hbm>> -> memref<1x80x128xf32, #tpu.memory_space<hbm>>
    %dma_wait3A_676 = tpu.memref_squeeze %dma_wait3A_675 : memref<1x80x128xf32, #tpu.memory_space<hbm>> -> memref<80x128xf32, #tpu.memory_space<hbm>>
    %dma_wait3A_677 = arith.constant 0 : i32
    %dma_wait3A_678 = tpu.memref_slice %arg5[%arg0, %add3A_673, %dma_wait3A_677] : memref<2x10240x128xf32, #tpu.memory_space<hbm>> -> memref<1x80x128xf32, #tpu.memory_space<hbm>>
    %dma_wait3A_679 = tpu.memref_squeeze %dma_wait3A_678 : memref<1x80x128xf32, #tpu.memory_space<hbm>> -> memref<80x128xf32, #tpu.memory_space<hbm>>
    tpu.wait_dma2 semaphore(%arg15 : memref<!tpu.dma_semaphore, #tpu.memory_space<semaphore_mem>>) src(%arg10 : memref<80x128xf32, #tpu.memory_space<vmem>>) dst(%dma_wait3A_679 : memref<80x128xf32, #tpu.memory_space<hbm>>)
    %add3A_680 = arith.constant 480 : i32
    %add3A_681 = arith.addi %mul3A_4, %add3A_680 : i32
    %dma_wait3A_682 = arith.constant 0 : i32
    %dma_wait3A_683 = tpu.memref_slice %arg5[%arg0, %add3A_681, %dma_wait3A_682] : memref<2x10240x128xf32, #tpu.memory_space<hbm>> -> memref<1x80x128xf32, #tpu.memory_space<hbm>>
    %dma_wait3A_684 = tpu.memref_squeeze %dma_wait3A_683 : memref<1x80x128xf32, #tpu.memory_space<hbm>> -> memref<80x128xf32, #tpu.memory_space<hbm>>
    %dma_wait3A_685 = arith.constant 0 : i32
    %dma_wait3A_686 = tpu.memref_slice %arg5[%arg0, %add3A_681, %dma_wait3A_685] : memref<2x10240x128xf32, #tpu.memory_space<hbm>> -> memref<1x80x128xf32, #tpu.memory_space<hbm>>
    %dma_wait3A_687 = tpu.memref_squeeze %dma_wait3A_686 : memref<1x80x128xf32, #tpu.memory_space<hbm>> -> memref<80x128xf32, #tpu.memory_space<hbm>>
    tpu.wait_dma2 semaphore(%arg13 : memref<!tpu.dma_semaphore, #tpu.memory_space<semaphore_mem>>) src(%arg8 : memref<80x128xf32, #tpu.memory_space<vmem>>) dst(%dma_wait3A_687 : memref<80x128xf32, #tpu.memory_space<hbm>>)
    %add3A_688 = arith.constant 560 : i32
    %add3A_689 = arith.addi %mul3A_4, %add3A_688 : i32
    %dma_wait3A_690 = arith.constant 0 : i32
    %dma_wait3A_691 = tpu.memref_slice %arg5[%arg0, %add3A_689, %dma_wait3A_690] : memref<2x10240x128xf32, #tpu.memory_space<hbm>> -> memref<1x80x128xf32, #tpu.memory_space<hbm>>
    %dma_wait3A_692 = tpu.memref_squeeze %dma_wait3A_691 : memref<1x80x128xf32, #tpu.memory_space<hbm>> -> memref<80x128xf32, #tpu.memory_space<hbm>>
    %dma_wait3A_693 = arith.constant 0 : i32
    %dma_wait3A_694 = tpu.memref_slice %arg5[%arg0, %add3A_689, %dma_wait3A_693] : memref<2x10240x128xf32, #tpu.memory_space<hbm>> -> memref<1x80x128xf32, #tpu.memory_space<hbm>>
    %dma_wait3A_695 = tpu.memref_squeeze %dma_wait3A_694 : memref<1x80x128xf32, #tpu.memory_space<hbm>> -> memref<80x128xf32, #tpu.memory_space<hbm>>
    tpu.wait_dma2 semaphore(%arg14 : memref<!tpu.dma_semaphore, #tpu.memory_space<semaphore_mem>>) src(%arg9 : memref<80x128xf32, #tpu.memory_space<vmem>>) dst(%dma_wait3A_695 : memref<80x128xf32, #tpu.memory_space<hbm>>)
    return
  }
}

#map = affine_map<(d0, d1) -> (0, 0)>
#map1 = affine_map<(d0, d1) -> (0, 0, 0)>
module attributes {stable_mosaic.version = 14 : i64} {
  func.func @_sc_agg_body_deg(%arg0: i32, %arg1: i32, %arg2: memref<10000x128xf32, #tpu.memory_space<hbm>>, %arg3: memref<2x4032x80xi32, #tpu.memory_space<hbm>>, %arg4: memref<80x128xf32, #tpu.memory_space<hbm>>, %arg5: memref<80x16xf32, #tpu.memory_space<hbm>>, %arg6: memref<80x16xf32, #tpu.memory_space<hbm>>, %arg7: memref<2x10240x128xf32, #tpu.memory_space<hbm>>, %arg8: memref<2x10240x16xf32, #tpu.memory_space<hbm>>, %arg9: memref<2x3x80xi32, #tpu.memory_space<vmem>>, %arg10: memref<2x3x80xi32, #tpu.memory_space<vmem>>, %arg11: memref<80x128xf32, #tpu.memory_space<vmem>>, %arg12: memref<80x128xf32, #tpu.memory_space<vmem>>, %arg13: memref<80x128xf32, #tpu.memory_space<vmem>>, %arg14: memref<16x128xf32, #tpu.memory_space<vmem>>, %arg15: memref<10240x128xf32, #tpu.memory_space<vmem_shared>>, %arg16: memref<10240x16xf32, #tpu.memory_space<vmem_shared>>, %arg17: memref<80x16xf32, #tpu.memory_space<vmem>>, %arg18: memref<80x16xf32, #tpu.memory_space<vmem>>, %arg19: memref<!tpu.dma_semaphore, #tpu.memory_space<semaphore_mem>>, %arg20: memref<!tpu.dma_semaphore, #tpu.memory_space<semaphore_mem>>, %arg21: memref<!tpu.dma_semaphore, #tpu.memory_space<semaphore_mem>>, %arg22: memref<!tpu.dma_semaphore, #tpu.memory_space<semaphore_mem>>, %arg23: memref<!tpu.dma_semaphore, #tpu.memory_space<semaphore_mem>>, %arg24: memref<!tpu.dma_semaphore, #tpu.memory_space<semaphore_mem>>) attributes {dimension_semantics = [#tpu.dimension_semantics<core_parallel>, #tpu.dimension_semantics<subcore_parallel>], iteration_bounds = array<i64: 2, 16>, scalar_prefetch = 0 : i64, scratch_operands = 16 : i64, tpu.core_type = #tpu.core_type<sc_vector_subcore>, window_params = [{transform_indices = #map}, {transform_indices = #map1}, {transform_indices = #map}, {transform_indices = #map}, {transform_indices = #map}, {transform_indices = #map1}, {transform_indices = #map1}]} {
    %mul3A = arith.constant 16 : i32
    %mul3A_0 = arith.muli %arg0, %mul3A : i32
    %add3A = arith.addi %mul3A_0, %arg1 : i32
    %mul3A_1 = arith.constant 126 : i32
    %mul3A_2 = arith.muli %add3A, %mul3A_1 : i32
    %mul3A_3 = arith.constant 640 : i32
    %mul3A_4 = arith.muli %arg1, %mul3A_3 : i32
    %run_scoped3A = arith.constant 0 : i32
    %run_scoped3A_5 = arith.constant 0 : i32
    "tpu.region"() ({
      %run_scoped3A_936 = tpu.sem_alloc : memref<!tpu.dma_semaphore, #tpu.memory_space<semaphore_mem>>
      %dma_start3A_937 = arith.constant 0 : i32
      %dma_start3A_938 = arith.constant 0 : i32
      %dma_start3A_939 = tpu.memref_slice %arg9[%run_scoped3A_5, %dma_start3A_937, %dma_start3A_938] : memref<2x3x80xi32, #tpu.memory_space<vmem>> -> memref<1x3x80xi32, #tpu.memory_space<vmem>>
      %dma_start3A_940 = tpu.memref_squeeze %dma_start3A_939 : memref<1x3x80xi32, #tpu.memory_space<vmem>> -> memref<3x80xi32, #tpu.memory_space<vmem>>
      %dma_start3A_941 = arith.constant 0 : i32
      %dma_start3A_942 = tpu.memref_slice %arg3[%run_scoped3A, %mul3A_2, %dma_start3A_941] : memref<2x4032x80xi32, #tpu.memory_space<hbm>> -> memref<1x3x80xi32, #tpu.memory_space<hbm>>
      %dma_start3A_943 = tpu.memref_squeeze %dma_start3A_942 : memref<1x3x80xi32, #tpu.memory_space<hbm>> -> memref<3x80xi32, #tpu.memory_space<hbm>>
      %dma_start3A_944 = arith.constant 0 : i32
      %dma_start3A_945 = arith.constant 0 : i32
      %dma_start3A_946 = tpu.memref_slice %arg9[%run_scoped3A_5, %dma_start3A_944, %dma_start3A_945] : memref<2x3x80xi32, #tpu.memory_space<vmem>> -> memref<1x3x80xi32, #tpu.memory_space<vmem>>
      %dma_start3A_947 = tpu.memref_squeeze %dma_start3A_946 : memref<1x3x80xi32, #tpu.memory_space<vmem>> -> memref<3x80xi32, #tpu.memory_space<vmem>>
      %dma_start3A_948 = arith.constant 0 : i32
      %dma_start3A_949 = tpu.memref_slice %arg3[%run_scoped3A, %mul3A_2, %dma_start3A_948] : memref<2x4032x80xi32, #tpu.memory_space<hbm>> -> memref<1x3x80xi32, #tpu.memory_space<hbm>>
      %dma_start3A_950 = tpu.memref_squeeze %dma_start3A_949 : memref<1x3x80xi32, #tpu.memory_space<hbm>> -> memref<3x80xi32, #tpu.memory_space<hbm>>
      tpu.enqueue_dma source(%dma_start3A_950 : memref<3x80xi32, #tpu.memory_space<hbm>>) target(%dma_start3A_947 : memref<3x80xi32, #tpu.memory_space<vmem>>) target_semaphore(%run_scoped3A_936 : memref<!tpu.dma_semaphore, #tpu.memory_space<semaphore_mem>>)
      %dma_wait3A_951 = arith.constant 0 : i32
      %dma_wait3A_952 = arith.constant 0 : i32
      %dma_wait3A_953 = tpu.memref_slice %arg9[%run_scoped3A_5, %dma_wait3A_951, %dma_wait3A_952] : memref<2x3x80xi32, #tpu.memory_space<vmem>> -> memref<1x3x80xi32, #tpu.memory_space<vmem>>
      %dma_wait3A_954 = tpu.memref_squeeze %dma_wait3A_953 : memref<1x3x80xi32, #tpu.memory_space<vmem>> -> memref<3x80xi32, #tpu.memory_space<vmem>>
      %dma_wait3A_955 = arith.constant 0 : i32
      %dma_wait3A_956 = tpu.memref_slice %arg3[%run_scoped3A, %mul3A_2, %dma_wait3A_955] : memref<2x4032x80xi32, #tpu.memory_space<hbm>> -> memref<1x3x80xi32, #tpu.memory_space<hbm>>
      %dma_wait3A_957 = tpu.memref_squeeze %dma_wait3A_956 : memref<1x3x80xi32, #tpu.memory_space<hbm>> -> memref<3x80xi32, #tpu.memory_space<hbm>>
      %dma_wait3A_958 = arith.constant 0 : i32
      %dma_wait3A_959 = arith.constant 0 : i32
      %dma_wait3A_960 = tpu.memref_slice %arg9[%run_scoped3A_5, %dma_wait3A_958, %dma_wait3A_959] : memref<2x3x80xi32, #tpu.memory_space<vmem>> -> memref<1x3x80xi32, #tpu.memory_space<vmem>>
      %dma_wait3A_961 = tpu.memref_squeeze %dma_wait3A_960 : memref<1x3x80xi32, #tpu.memory_space<vmem>> -> memref<3x80xi32, #tpu.memory_space<vmem>>
      %dma_wait3A_962 = arith.constant 0 : i32
      %dma_wait3A_963 = tpu.memref_slice %arg3[%run_scoped3A, %mul3A_2, %dma_wait3A_962] : memref<2x4032x80xi32, #tpu.memory_space<hbm>> -> memref<1x3x80xi32, #tpu.memory_space<hbm>>
      %dma_wait3A_964 = tpu.memref_squeeze %dma_wait3A_963 : memref<1x3x80xi32, #tpu.memory_space<hbm>> -> memref<3x80xi32, #tpu.memory_space<hbm>>
      tpu.wait_dma2 semaphore(%run_scoped3A_936 : memref<!tpu.dma_semaphore, #tpu.memory_space<semaphore_mem>>) src(%dma_wait3A_964 : memref<3x80xi32, #tpu.memory_space<hbm>>) dst(%dma_wait3A_961 : memref<3x80xi32, #tpu.memory_space<vmem>>)
      tpu.yield
    }) : () -> ()
    %run_scoped3A_6 = arith.constant 1 : i32
    %run_scoped3A_7 = arith.constant 0 : i32
    "tpu.region"() ({
      %run_scoped3A_936 = tpu.sem_alloc : memref<!tpu.dma_semaphore, #tpu.memory_space<semaphore_mem>>
      %dma_start3A_937 = arith.constant 0 : i32
      %dma_start3A_938 = arith.constant 0 : i32
      %dma_start3A_939 = tpu.memref_slice %arg10[%run_scoped3A_7, %dma_start3A_937, %dma_start3A_938] : memref<2x3x80xi32, #tpu.memory_space<vmem>> -> memref<1x3x80xi32, #tpu.memory_space<vmem>>
      %dma_start3A_940 = tpu.memref_squeeze %dma_start3A_939 : memref<1x3x80xi32, #tpu.memory_space<vmem>> -> memref<3x80xi32, #tpu.memory_space<vmem>>
      %dma_start3A_941 = arith.constant 0 : i32
      %dma_start3A_942 = tpu.memref_slice %arg3[%run_scoped3A_6, %mul3A_2, %dma_start3A_941] : memref<2x4032x80xi32, #tpu.memory_space<hbm>> -> memref<1x3x80xi32, #tpu.memory_space<hbm>>
      %dma_start3A_943 = tpu.memref_squeeze %dma_start3A_942 : memref<1x3x80xi32, #tpu.memory_space<hbm>> -> memref<3x80xi32, #tpu.memory_space<hbm>>
      %dma_start3A_944 = arith.constant 0 : i32
      %dma_start3A_945 = arith.constant 0 : i32
      %dma_start3A_946 = tpu.memref_slice %arg10[%run_scoped3A_7, %dma_start3A_944, %dma_start3A_945] : memref<2x3x80xi32, #tpu.memory_space<vmem>> -> memref<1x3x80xi32, #tpu.memory_space<vmem>>
      %dma_start3A_947 = tpu.memref_squeeze %dma_start3A_946 : memref<1x3x80xi32, #tpu.memory_space<vmem>> -> memref<3x80xi32, #tpu.memory_space<vmem>>
      %dma_start3A_948 = arith.constant 0 : i32
      %dma_start3A_949 = tpu.memref_slice %arg3[%run_scoped3A_6, %mul3A_2, %dma_start3A_948] : memref<2x4032x80xi32, #tpu.memory_space<hbm>> -> memref<1x3x80xi32, #tpu.memory_space<hbm>>
      %dma_start3A_950 = tpu.memref_squeeze %dma_start3A_949 : memref<1x3x80xi32, #tpu.memory_space<hbm>> -> memref<3x80xi32, #tpu.memory_space<hbm>>
      tpu.enqueue_dma source(%dma_start3A_950 : memref<3x80xi32, #tpu.memory_space<hbm>>) target(%dma_start3A_947 : memref<3x80xi32, #tpu.memory_space<vmem>>) target_semaphore(%run_scoped3A_936 : memref<!tpu.dma_semaphore, #tpu.memory_space<semaphore_mem>>)
      %dma_wait3A_951 = arith.constant 0 : i32
      %dma_wait3A_952 = arith.constant 0 : i32
      %dma_wait3A_953 = tpu.memref_slice %arg10[%run_scoped3A_7, %dma_wait3A_951, %dma_wait3A_952] : memref<2x3x80xi32, #tpu.memory_space<vmem>> -> memref<1x3x80xi32, #tpu.memory_space<vmem>>
      %dma_wait3A_954 = tpu.memref_squeeze %dma_wait3A_953 : memref<1x3x80xi32, #tpu.memory_space<vmem>> -> memref<3x80xi32, #tpu.memory_space<vmem>>
      %dma_wait3A_955 = arith.constant 0 : i32
      %dma_wait3A_956 = tpu.memref_slice %arg3[%run_scoped3A_6, %mul3A_2, %dma_wait3A_955] : memref<2x4032x80xi32, #tpu.memory_space<hbm>> -> memref<1x3x80xi32, #tpu.memory_space<hbm>>
      %dma_wait3A_957 = tpu.memref_squeeze %dma_wait3A_956 : memref<1x3x80xi32, #tpu.memory_space<hbm>> -> memref<3x80xi32, #tpu.memory_space<hbm>>
      %dma_wait3A_958 = arith.constant 0 : i32
      %dma_wait3A_959 = arith.constant 0 : i32
      %dma_wait3A_960 = tpu.memref_slice %arg10[%run_scoped3A_7, %dma_wait3A_958, %dma_wait3A_959] : memref<2x3x80xi32, #tpu.memory_space<vmem>> -> memref<1x3x80xi32, #tpu.memory_space<vmem>>
      %dma_wait3A_961 = tpu.memref_squeeze %dma_wait3A_960 : memref<1x3x80xi32, #tpu.memory_space<vmem>> -> memref<3x80xi32, #tpu.memory_space<vmem>>
      %dma_wait3A_962 = arith.constant 0 : i32
      %dma_wait3A_963 = tpu.memref_slice %arg3[%run_scoped3A_6, %mul3A_2, %dma_wait3A_962] : memref<2x4032x80xi32, #tpu.memory_space<hbm>> -> memref<1x3x80xi32, #tpu.memory_space<hbm>>
      %dma_wait3A_964 = tpu.memref_squeeze %dma_wait3A_963 : memref<1x3x80xi32, #tpu.memory_space<hbm>> -> memref<3x80xi32, #tpu.memory_space<hbm>>
      tpu.wait_dma2 semaphore(%run_scoped3A_936 : memref<!tpu.dma_semaphore, #tpu.memory_space<semaphore_mem>>) src(%dma_wait3A_964 : memref<3x80xi32, #tpu.memory_space<hbm>>) dst(%dma_wait3A_961 : memref<3x80xi32, #tpu.memory_space<vmem>>)
      tpu.yield
    }) : () -> ()
    %add3A_8 = arith.constant 3 : i32
    %add3A_9 = arith.addi %mul3A_2, %add3A_8 : i32
    %dma_start3A = arith.constant 0 : i32
    %dma_start3A_10 = arith.constant 1 : i32
    %dma_start3A_11 = arith.constant 0 : i32
    %dma_start3A_12 = arith.constant 0 : i32
    %dma_start3A_13 = tpu.memref_slice %arg9[%dma_start3A_10, %dma_start3A_11, %dma_start3A_12] : memref<2x3x80xi32, #tpu.memory_space<vmem>> -> memref<1x3x80xi32, #tpu.memory_space<vmem>>
    %dma_start3A_14 = tpu.memref_squeeze %dma_start3A_13 : memref<1x3x80xi32, #tpu.memory_space<vmem>> -> memref<3x80xi32, #tpu.memory_space<vmem>>
    %dma_start3A_15 = arith.constant 0 : i32
    %dma_start3A_16 = tpu.memref_slice %arg3[%dma_start3A, %add3A_9, %dma_start3A_15] : memref<2x4032x80xi32, #tpu.memory_space<hbm>> -> memref<1x3x80xi32, #tpu.memory_space<hbm>>
    %dma_start3A_17 = tpu.memref_squeeze %dma_start3A_16 : memref<1x3x80xi32, #tpu.memory_space<hbm>> -> memref<3x80xi32, #tpu.memory_space<hbm>>
    %dma_start3A_18 = arith.constant 0 : i32
    %dma_start3A_19 = arith.constant 0 : i32
    %dma_start3A_20 = tpu.memref_slice %arg9[%dma_start3A_10, %dma_start3A_18, %dma_start3A_19] : memref<2x3x80xi32, #tpu.memory_space<vmem>> -> memref<1x3x80xi32, #tpu.memory_space<vmem>>
    %dma_start3A_21 = tpu.memref_squeeze %dma_start3A_20 : memref<1x3x80xi32, #tpu.memory_space<vmem>> -> memref<3x80xi32, #tpu.memory_space<vmem>>
    %dma_start3A_22 = arith.constant 0 : i32
    %dma_start3A_23 = tpu.memref_slice %arg3[%dma_start3A, %add3A_9, %dma_start3A_22] : memref<2x4032x80xi32, #tpu.memory_space<hbm>> -> memref<1x3x80xi32, #tpu.memory_space<hbm>>
    %dma_start3A_24 = tpu.memref_squeeze %dma_start3A_23 : memref<1x3x80xi32, #tpu.memory_space<hbm>> -> memref<3x80xi32, #tpu.memory_space<hbm>>
    tpu.enqueue_dma source(%dma_start3A_24 : memref<3x80xi32, #tpu.memory_space<hbm>>) target(%dma_start3A_21 : memref<3x80xi32, #tpu.memory_space<vmem>>) target_semaphore(%arg22 : memref<!tpu.dma_semaphore, #tpu.memory_space<semaphore_mem>>)
    %add3A_25 = arith.constant 3 : i32
    %add3A_26 = arith.addi %mul3A_2, %add3A_25 : i32
    %dma_start3A_27 = arith.constant 1 : i32
    %dma_start3A_28 = arith.constant 1 : i32
    %dma_start3A_29 = arith.constant 0 : i32
    %dma_start3A_30 = arith.constant 0 : i32
    %dma_start3A_31 = tpu.memref_slice %arg10[%dma_start3A_28, %dma_start3A_29, %dma_start3A_30] : memref<2x3x80xi32, #tpu.memory_space<vmem>> -> memref<1x3x80xi32, #tpu.memory_space<vmem>>
    %dma_start3A_32 = tpu.memref_squeeze %dma_start3A_31 : memref<1x3x80xi32, #tpu.memory_space<vmem>> -> memref<3x80xi32, #tpu.memory_space<vmem>>
    %dma_start3A_33 = arith.constant 0 : i32
    %dma_start3A_34 = tpu.memref_slice %arg3[%dma_start3A_27, %add3A_26, %dma_start3A_33] : memref<2x4032x80xi32, #tpu.memory_space<hbm>> -> memref<1x3x80xi32, #tpu.memory_space<hbm>>
    %dma_start3A_35 = tpu.memref_squeeze %dma_start3A_34 : memref<1x3x80xi32, #tpu.memory_space<hbm>> -> memref<3x80xi32, #tpu.memory_space<hbm>>
    %dma_start3A_36 = arith.constant 0 : i32
    %dma_start3A_37 = arith.constant 0 : i32
    %dma_start3A_38 = tpu.memref_slice %arg10[%dma_start3A_28, %dma_start3A_36, %dma_start3A_37] : memref<2x3x80xi32, #tpu.memory_space<vmem>> -> memref<1x3x80xi32, #tpu.memory_space<vmem>>
    %dma_start3A_39 = tpu.memref_squeeze %dma_start3A_38 : memref<1x3x80xi32, #tpu.memory_space<vmem>> -> memref<3x80xi32, #tpu.memory_space<vmem>>
    %dma_start3A_40 = arith.constant 0 : i32
    %dma_start3A_41 = tpu.memref_slice %arg3[%dma_start3A_27, %add3A_26, %dma_start3A_40] : memref<2x4032x80xi32, #tpu.memory_space<hbm>> -> memref<1x3x80xi32, #tpu.memory_space<hbm>>
    %dma_start3A_42 = tpu.memref_squeeze %dma_start3A_41 : memref<1x3x80xi32, #tpu.memory_space<hbm>> -> memref<3x80xi32, #tpu.memory_space<hbm>>
    tpu.enqueue_dma source(%dma_start3A_42 : memref<3x80xi32, #tpu.memory_space<hbm>>) target(%dma_start3A_39 : memref<3x80xi32, #tpu.memory_space<vmem>>) target_semaphore(%arg22 : memref<!tpu.dma_semaphore, #tpu.memory_space<semaphore_mem>>)
    %dma_start3A_43 = arith.constant 0 : i32
    %dma_start3A_44 = arith.constant 0 : i32
    %dma_start3A_45 = arith.constant 0 : i32
    %dma_start3A_46 = tpu.memref_slice %arg9[%dma_start3A_43, %dma_start3A_44, %dma_start3A_45] : memref<2x3x80xi32, #tpu.memory_space<vmem>> -> memref<1x1x80xi32, #tpu.memory_space<vmem>>
    %dma_start3A_47 = tpu.memref_squeeze %dma_start3A_46 : memref<1x1x80xi32, #tpu.memory_space<vmem>> -> memref<80xi32, #tpu.memory_space<vmem>>
    %dma_start3A_48 = arith.constant 0 : i32
    %dma_start3A_49 = arith.constant 0 : i32
    %dma_start3A_50 = tpu.memref_slice %arg2[%dma_start3A_48, %dma_start3A_49] : memref<10000x128xf32, #tpu.memory_space<hbm>> -> memref<10000x128xf32, #tpu.memory_space<hbm>>
    tpu.enqueue_indirect_dma source(%dma_start3A_50 : memref<10000x128xf32, #tpu.memory_space<hbm>>) target(%arg11 : memref<80x128xf32, #tpu.memory_space<vmem>>) offsets(%dma_start3A_47 : memref<80xi32, #tpu.memory_space<vmem>>) semaphore(%arg19 : memref<!tpu.dma_semaphore, #tpu.memory_space<semaphore_mem>>)
    %dma_start3A_51 = arith.constant 0 : i32
    %dma_start3A_52 = arith.constant 1 : i32
    %dma_start3A_53 = arith.constant 0 : i32
    %dma_start3A_54 = tpu.memref_slice %arg9[%dma_start3A_51, %dma_start3A_52, %dma_start3A_53] : memref<2x3x80xi32, #tpu.memory_space<vmem>> -> memref<1x1x80xi32, #tpu.memory_space<vmem>>
    %dma_start3A_55 = tpu.memref_squeeze %dma_start3A_54 : memref<1x1x80xi32, #tpu.memory_space<vmem>> -> memref<80xi32, #tpu.memory_space<vmem>>
    %dma_start3A_56 = arith.constant 0 : i32
    %dma_start3A_57 = arith.constant 0 : i32
    %dma_start3A_58 = tpu.memref_slice %arg2[%dma_start3A_56, %dma_start3A_57] : memref<10000x128xf32, #tpu.memory_space<hbm>> -> memref<10000x128xf32, #tpu.memory_space<hbm>>
    tpu.enqueue_indirect_dma source(%dma_start3A_58 : memref<10000x128xf32, #tpu.memory_space<hbm>>) target(%arg12 : memref<80x128xf32, #tpu.memory_space<vmem>>) offsets(%dma_start3A_55 : memref<80xi32, #tpu.memory_space<vmem>>) semaphore(%arg20 : memref<!tpu.dma_semaphore, #tpu.memory_space<semaphore_mem>>)
    %dma_start3A_59 = arith.constant 0 : i32
    %dma_start3A_60 = arith.constant 2 : i32
    %dma_start3A_61 = arith.constant 0 : i32
    %dma_start3A_62 = tpu.memref_slice %arg9[%dma_start3A_59, %dma_start3A_60, %dma_start3A_61] : memref<2x3x80xi32, #tpu.memory_space<vmem>> -> memref<1x1x80xi32, #tpu.memory_space<vmem>>
    %dma_start3A_63 = tpu.memref_squeeze %dma_start3A_62 : memref<1x1x80xi32, #tpu.memory_space<vmem>> -> memref<80xi32, #tpu.memory_space<vmem>>
    %dma_start3A_64 = arith.constant 0 : i32
    %dma_start3A_65 = arith.constant 0 : i32
    %dma_start3A_66 = tpu.memref_slice %arg2[%dma_start3A_64, %dma_start3A_65] : memref<10000x128xf32, #tpu.memory_space<hbm>> -> memref<10000x128xf32, #tpu.memory_space<hbm>>
    tpu.enqueue_indirect_dma source(%dma_start3A_66 : memref<10000x128xf32, #tpu.memory_space<hbm>>) target(%arg13 : memref<80x128xf32, #tpu.memory_space<vmem>>) offsets(%dma_start3A_63 : memref<80xi32, #tpu.memory_space<vmem>>) semaphore(%arg21 : memref<!tpu.dma_semaphore, #tpu.memory_space<semaphore_mem>>)
    "tpu.region"() ({
      %run_scoped3A_936 = tpu.sem_alloc : memref<!tpu.dma_semaphore, #tpu.memory_space<semaphore_mem>>
      %dma_start3A_937 = arith.constant 0 : i32
      %dma_start3A_938 = arith.constant 0 : i32
      %dma_start3A_939 = tpu.memref_slice %arg4[%dma_start3A_937, %dma_start3A_938] : memref<80x128xf32, #tpu.memory_space<hbm>> -> memref<16x128xf32, #tpu.memory_space<hbm>>
      %dma_start3A_940 = arith.constant 0 : i32
      %dma_start3A_941 = arith.constant 0 : i32
      %dma_start3A_942 = tpu.memref_slice %arg4[%dma_start3A_940, %dma_start3A_941] : memref<80x128xf32, #tpu.memory_space<hbm>> -> memref<16x128xf32, #tpu.memory_space<hbm>>
      tpu.enqueue_dma source(%dma_start3A_942 : memref<16x128xf32, #tpu.memory_space<hbm>>) target(%arg14 : memref<16x128xf32, #tpu.memory_space<vmem>>) target_semaphore(%run_scoped3A_936 : memref<!tpu.dma_semaphore, #tpu.memory_space<semaphore_mem>>)
      %dma_wait3A_943 = arith.constant 0 : i32
      %dma_wait3A_944 = arith.constant 0 : i32
      %dma_wait3A_945 = tpu.memref_slice %arg4[%dma_wait3A_943, %dma_wait3A_944] : memref<80x128xf32, #tpu.memory_space<hbm>> -> memref<16x128xf32, #tpu.memory_space<hbm>>
      %dma_wait3A_946 = arith.constant 0 : i32
      %dma_wait3A_947 = arith.constant 0 : i32
      %dma_wait3A_948 = tpu.memref_slice %arg4[%dma_wait3A_946, %dma_wait3A_947] : memref<80x128xf32, #tpu.memory_space<hbm>> -> memref<16x128xf32, #tpu.memory_space<hbm>>
      tpu.wait_dma2 semaphore(%run_scoped3A_936 : memref<!tpu.dma_semaphore, #tpu.memory_space<semaphore_mem>>) src(%dma_wait3A_948 : memref<16x128xf32, #tpu.memory_space<hbm>>) dst(%arg14 : memref<16x128xf32, #tpu.memory_space<vmem>>)
      tpu.yield
    }) : () -> ()
    "tpu.region"() ({
      %run_scoped3A_936 = tpu.sem_alloc : memref<!tpu.dma_semaphore, #tpu.memory_space<semaphore_mem>>
      tpu.enqueue_dma source(%arg5 : memref<80x16xf32, #tpu.memory_space<hbm>>) target(%arg17 : memref<80x16xf32, #tpu.memory_space<vmem>>) target_semaphore(%run_scoped3A_936 : memref<!tpu.dma_semaphore, #tpu.memory_space<semaphore_mem>>)
      tpu.wait_dma2 semaphore(%run_scoped3A_936 : memref<!tpu.dma_semaphore, #tpu.memory_space<semaphore_mem>>) src(%arg5 : memref<80x16xf32, #tpu.memory_space<hbm>>) dst(%arg17 : memref<80x16xf32, #tpu.memory_space<vmem>>)
      tpu.yield
    }) : () -> ()
    "tpu.region"() ({
      %run_scoped3A_936 = tpu.sem_alloc : memref<!tpu.dma_semaphore, #tpu.memory_space<semaphore_mem>>
      tpu.enqueue_dma source(%arg6 : memref<80x16xf32, #tpu.memory_space<hbm>>) target(%arg18 : memref<80x16xf32, #tpu.memory_space<vmem>>) target_semaphore(%run_scoped3A_936 : memref<!tpu.dma_semaphore, #tpu.memory_space<semaphore_mem>>)
      tpu.wait_dma2 semaphore(%run_scoped3A_936 : memref<!tpu.dma_semaphore, #tpu.memory_space<semaphore_mem>>) src(%arg6 : memref<80x16xf32, #tpu.memory_space<hbm>>) dst(%arg18 : memref<80x16xf32, #tpu.memory_space<vmem>>)
      tpu.yield
    }) : () -> ()
    %add3A_67 = arith.constant 0 : i32
    %add3A_68 = arith.addi %mul3A_4, %add3A_67 : i32
    %dma_start3A_69 = arith.constant 0 : i32
    %dma_start3A_70 = tpu.memref_slice %arg16[%add3A_68, %dma_start3A_69] : memref<10240x16xf32, #tpu.memory_space<vmem_shared>> -> memref<80x16xf32, #tpu.memory_space<vmem_shared>>
    %dma_start3A_71 = arith.constant 0 : i32
    %dma_start3A_72 = tpu.memref_slice %arg16[%add3A_68, %dma_start3A_71] : memref<10240x16xf32, #tpu.memory_space<vmem_shared>> -> memref<80x16xf32, #tpu.memory_space<vmem_shared>>
    tpu.enqueue_dma source(%arg18 : memref<80x16xf32, #tpu.memory_space<vmem>>) target(%dma_start3A_72 : memref<80x16xf32, #tpu.memory_space<vmem_shared>>) target_semaphore(%arg24 : memref<!tpu.dma_semaphore, #tpu.memory_space<semaphore_mem>>)
    %add3A_73 = arith.constant 80 : i32
    %add3A_74 = arith.addi %mul3A_4, %add3A_73 : i32
    %dma_start3A_75 = arith.constant 0 : i32
    %dma_start3A_76 = tpu.memref_slice %arg16[%add3A_74, %dma_start3A_75] : memref<10240x16xf32, #tpu.memory_space<vmem_shared>> -> memref<80x16xf32, #tpu.memory_space<vmem_shared>>
    %dma_start3A_77 = arith.constant 0 : i32
    %dma_start3A_78 = tpu.memref_slice %arg16[%add3A_74, %dma_start3A_77] : memref<10240x16xf32, #tpu.memory_space<vmem_shared>> -> memref<80x16xf32, #tpu.memory_space<vmem_shared>>
    tpu.enqueue_dma source(%arg18 : memref<80x16xf32, #tpu.memory_space<vmem>>) target(%dma_start3A_78 : memref<80x16xf32, #tpu.memory_space<vmem_shared>>) target_semaphore(%arg24 : memref<!tpu.dma_semaphore, #tpu.memory_space<semaphore_mem>>)
    %add3A_79 = arith.constant 160 : i32
    %add3A_80 = arith.addi %mul3A_4, %add3A_79 : i32
    %dma_start3A_81 = arith.constant 0 : i32
    %dma_start3A_82 = tpu.memref_slice %arg16[%add3A_80, %dma_start3A_81] : memref<10240x16xf32, #tpu.memory_space<vmem_shared>> -> memref<80x16xf32, #tpu.memory_space<vmem_shared>>
    %dma_start3A_83 = arith.constant 0 : i32
    %dma_start3A_84 = tpu.memref_slice %arg16[%add3A_80, %dma_start3A_83] : memref<10240x16xf32, #tpu.memory_space<vmem_shared>> -> memref<80x16xf32, #tpu.memory_space<vmem_shared>>
    tpu.enqueue_dma source(%arg18 : memref<80x16xf32, #tpu.memory_space<vmem>>) target(%dma_start3A_84 : memref<80x16xf32, #tpu.memory_space<vmem_shared>>) target_semaphore(%arg24 : memref<!tpu.dma_semaphore, #tpu.memory_space<semaphore_mem>>)
    %add3A_85 = arith.constant 240 : i32
    %add3A_86 = arith.addi %mul3A_4, %add3A_85 : i32
    %dma_start3A_87 = arith.constant 0 : i32
    %dma_start3A_88 = tpu.memref_slice %arg16[%add3A_86, %dma_start3A_87] : memref<10240x16xf32, #tpu.memory_space<vmem_shared>> -> memref<80x16xf32, #tpu.memory_space<vmem_shared>>
    %dma_start3A_89 = arith.constant 0 : i32
    %dma_start3A_90 = tpu.memref_slice %arg16[%add3A_86, %dma_start3A_89] : memref<10240x16xf32, #tpu.memory_space<vmem_shared>> -> memref<80x16xf32, #tpu.memory_space<vmem_shared>>
    tpu.enqueue_dma source(%arg18 : memref<80x16xf32, #tpu.memory_space<vmem>>) target(%dma_start3A_90 : memref<80x16xf32, #tpu.memory_space<vmem_shared>>) target_semaphore(%arg24 : memref<!tpu.dma_semaphore, #tpu.memory_space<semaphore_mem>>)
    %add3A_91 = arith.constant 320 : i32
    %add3A_92 = arith.addi %mul3A_4, %add3A_91 : i32
    %dma_start3A_93 = arith.constant 0 : i32
    %dma_start3A_94 = tpu.memref_slice %arg16[%add3A_92, %dma_start3A_93] : memref<10240x16xf32, #tpu.memory_space<vmem_shared>> -> memref<80x16xf32, #tpu.memory_space<vmem_shared>>
    %dma_start3A_95 = arith.constant 0 : i32
    %dma_start3A_96 = tpu.memref_slice %arg16[%add3A_92, %dma_start3A_95] : memref<10240x16xf32, #tpu.memory_space<vmem_shared>> -> memref<80x16xf32, #tpu.memory_space<vmem_shared>>
    tpu.enqueue_dma source(%arg18 : memref<80x16xf32, #tpu.memory_space<vmem>>) target(%dma_start3A_96 : memref<80x16xf32, #tpu.memory_space<vmem_shared>>) target_semaphore(%arg24 : memref<!tpu.dma_semaphore, #tpu.memory_space<semaphore_mem>>)
    %add3A_97 = arith.constant 400 : i32
    %add3A_98 = arith.addi %mul3A_4, %add3A_97 : i32
    %dma_start3A_99 = arith.constant 0 : i32
    %dma_start3A_100 = tpu.memref_slice %arg16[%add3A_98, %dma_start3A_99] : memref<10240x16xf32, #tpu.memory_space<vmem_shared>> -> memref<80x16xf32, #tpu.memory_space<vmem_shared>>
    %dma_start3A_101 = arith.constant 0 : i32
    %dma_start3A_102 = tpu.memref_slice %arg16[%add3A_98, %dma_start3A_101] : memref<10240x16xf32, #tpu.memory_space<vmem_shared>> -> memref<80x16xf32, #tpu.memory_space<vmem_shared>>
    tpu.enqueue_dma source(%arg18 : memref<80x16xf32, #tpu.memory_space<vmem>>) target(%dma_start3A_102 : memref<80x16xf32, #tpu.memory_space<vmem_shared>>) target_semaphore(%arg24 : memref<!tpu.dma_semaphore, #tpu.memory_space<semaphore_mem>>)
    %add3A_103 = arith.constant 480 : i32
    %add3A_104 = arith.addi %mul3A_4, %add3A_103 : i32
    %dma_start3A_105 = arith.constant 0 : i32
    %dma_start3A_106 = tpu.memref_slice %arg16[%add3A_104, %dma_start3A_105] : memref<10240x16xf32, #tpu.memory_space<vmem_shared>> -> memref<80x16xf32, #tpu.memory_space<vmem_shared>>
    %dma_start3A_107 = arith.constant 0 : i32
    %dma_start3A_108 = tpu.memref_slice %arg16[%add3A_104, %dma_start3A_107] : memref<10240x16xf32, #tpu.memory_space<vmem_shared>> -> memref<80x16xf32, #tpu.memory_space<vmem_shared>>
    tpu.enqueue_dma source(%arg18 : memref<80x16xf32, #tpu.memory_space<vmem>>) target(%dma_start3A_108 : memref<80x16xf32, #tpu.memory_space<vmem_shared>>) target_semaphore(%arg24 : memref<!tpu.dma_semaphore, #tpu.memory_space<semaphore_mem>>)
    %add3A_109 = arith.constant 560 : i32
    %add3A_110 = arith.addi %mul3A_4, %add3A_109 : i32
    %dma_start3A_111 = arith.constant 0 : i32
    %dma_start3A_112 = tpu.memref_slice %arg16[%add3A_110, %dma_start3A_111] : memref<10240x16xf32, #tpu.memory_space<vmem_shared>> -> memref<80x16xf32, #tpu.memory_space<vmem_shared>>
    %dma_start3A_113 = arith.constant 0 : i32
    %dma_start3A_114 = tpu.memref_slice %arg16[%add3A_110, %dma_start3A_113] : memref<10240x16xf32, #tpu.memory_space<vmem_shared>> -> memref<80x16xf32, #tpu.memory_space<vmem_shared>>
    tpu.enqueue_dma source(%arg18 : memref<80x16xf32, #tpu.memory_space<vmem>>) target(%dma_start3A_114 : memref<80x16xf32, #tpu.memory_space<vmem_shared>>) target_semaphore(%arg24 : memref<!tpu.dma_semaphore, #tpu.memory_space<semaphore_mem>>)
    %add3A_115 = arith.constant 0 : i32
    %add3A_116 = arith.addi %mul3A_4, %add3A_115 : i32
    %dma_start3A_117 = arith.constant 0 : i32
    %dma_start3A_118 = tpu.memref_slice %arg15[%add3A_116, %dma_start3A_117] : memref<10240x128xf32, #tpu.memory_space<vmem_shared>> -> memref<16x128xf32, #tpu.memory_space<vmem_shared>>
    %dma_start3A_119 = arith.constant 0 : i32
    %dma_start3A_120 = tpu.memref_slice %arg15[%add3A_116, %dma_start3A_119] : memref<10240x128xf32, #tpu.memory_space<vmem_shared>> -> memref<16x128xf32, #tpu.memory_space<vmem_shared>>
    tpu.enqueue_dma source(%arg14 : memref<16x128xf32, #tpu.memory_space<vmem>>) target(%dma_start3A_120 : memref<16x128xf32, #tpu.memory_space<vmem_shared>>) target_semaphore(%arg23 : memref<!tpu.dma_semaphore, #tpu.memory_space<semaphore_mem>>)
    %add3A_121 = arith.constant 16 : i32
    %add3A_122 = arith.addi %mul3A_4, %add3A_121 : i32
    %dma_start3A_123 = arith.constant 0 : i32
    %dma_start3A_124 = tpu.memref_slice %arg15[%add3A_122, %dma_start3A_123] : memref<10240x128xf32, #tpu.memory_space<vmem_shared>> -> memref<16x128xf32, #tpu.memory_space<vmem_shared>>
    %dma_start3A_125 = arith.constant 0 : i32
    %dma_start3A_126 = tpu.memref_slice %arg15[%add3A_122, %dma_start3A_125] : memref<10240x128xf32, #tpu.memory_space<vmem_shared>> -> memref<16x128xf32, #tpu.memory_space<vmem_shared>>
    tpu.enqueue_dma source(%arg14 : memref<16x128xf32, #tpu.memory_space<vmem>>) target(%dma_start3A_126 : memref<16x128xf32, #tpu.memory_space<vmem_shared>>) target_semaphore(%arg23 : memref<!tpu.dma_semaphore, #tpu.memory_space<semaphore_mem>>)
    %add3A_127 = arith.constant 32 : i32
    %add3A_128 = arith.addi %mul3A_4, %add3A_127 : i32
    %dma_start3A_129 = arith.constant 0 : i32
    %dma_start3A_130 = tpu.memref_slice %arg15[%add3A_128, %dma_start3A_129] : memref<10240x128xf32, #tpu.memory_space<vmem_shared>> -> memref<16x128xf32, #tpu.memory_space<vmem_shared>>
    %dma_start3A_131 = arith.constant 0 : i32
    %dma_start3A_132 = tpu.memref_slice %arg15[%add3A_128, %dma_start3A_131] : memref<10240x128xf32, #tpu.memory_space<vmem_shared>> -> memref<16x128xf32, #tpu.memory_space<vmem_shared>>
    tpu.enqueue_dma source(%arg14 : memref<16x128xf32, #tpu.memory_space<vmem>>) target(%dma_start3A_132 : memref<16x128xf32, #tpu.memory_space<vmem_shared>>) target_semaphore(%arg23 : memref<!tpu.dma_semaphore, #tpu.memory_space<semaphore_mem>>)
    %add3A_133 = arith.constant 48 : i32
    %add3A_134 = arith.addi %mul3A_4, %add3A_133 : i32
    %dma_start3A_135 = arith.constant 0 : i32
    %dma_start3A_136 = tpu.memref_slice %arg15[%add3A_134, %dma_start3A_135] : memref<10240x128xf32, #tpu.memory_space<vmem_shared>> -> memref<16x128xf32, #tpu.memory_space<vmem_shared>>
    %dma_start3A_137 = arith.constant 0 : i32
    %dma_start3A_138 = tpu.memref_slice %arg15[%add3A_134, %dma_start3A_137] : memref<10240x128xf32, #tpu.memory_space<vmem_shared>> -> memref<16x128xf32, #tpu.memory_space<vmem_shared>>
    tpu.enqueue_dma source(%arg14 : memref<16x128xf32, #tpu.memory_space<vmem>>) target(%dma_start3A_138 : memref<16x128xf32, #tpu.memory_space<vmem_shared>>) target_semaphore(%arg23 : memref<!tpu.dma_semaphore, #tpu.memory_space<semaphore_mem>>)
    %add3A_139 = arith.constant 64 : i32
    %add3A_140 = arith.addi %mul3A_4, %add3A_139 : i32
    %dma_start3A_141 = arith.constant 0 : i32
    %dma_start3A_142 = tpu.memref_slice %arg15[%add3A_140, %dma_start3A_141] : memref<10240x128xf32, #tpu.memory_space<vmem_shared>> -> memref<16x128xf32, #tpu.memory_space<vmem_shared>>
    %dma_start3A_143 = arith.constant 0 : i32
    %dma_start3A_144 = tpu.memref_slice %arg15[%add3A_140, %dma_start3A_143] : memref<10240x128xf32, #tpu.memory_space<vmem_shared>> -> memref<16x128xf32, #tpu.memory_space<vmem_shared>>
    tpu.enqueue_dma source(%arg14 : memref<16x128xf32, #tpu.memory_space<vmem>>) target(%dma_start3A_144 : memref<16x128xf32, #tpu.memory_space<vmem_shared>>) target_semaphore(%arg23 : memref<!tpu.dma_semaphore, #tpu.memory_space<semaphore_mem>>)
    %add3A_145 = arith.constant 80 : i32
    %add3A_146 = arith.addi %mul3A_4, %add3A_145 : i32
    %dma_start3A_147 = arith.constant 0 : i32
    %dma_start3A_148 = tpu.memref_slice %arg15[%add3A_146, %dma_start3A_147] : memref<10240x128xf32, #tpu.memory_space<vmem_shared>> -> memref<16x128xf32, #tpu.memory_space<vmem_shared>>
    %dma_start3A_149 = arith.constant 0 : i32
    %dma_start3A_150 = tpu.memref_slice %arg15[%add3A_146, %dma_start3A_149] : memref<10240x128xf32, #tpu.memory_space<vmem_shared>> -> memref<16x128xf32, #tpu.memory_space<vmem_shared>>
    tpu.enqueue_dma source(%arg14 : memref<16x128xf32, #tpu.memory_space<vmem>>) target(%dma_start3A_150 : memref<16x128xf32, #tpu.memory_space<vmem_shared>>) target_semaphore(%arg23 : memref<!tpu.dma_semaphore, #tpu.memory_space<semaphore_mem>>)
    %add3A_151 = arith.constant 96 : i32
    %add3A_152 = arith.addi %mul3A_4, %add3A_151 : i32
    %dma_start3A_153 = arith.constant 0 : i32
    %dma_start3A_154 = tpu.memref_slice %arg15[%add3A_152, %dma_start3A_153] : memref<10240x128xf32, #tpu.memory_space<vmem_shared>> -> memref<16x128xf32, #tpu.memory_space<vmem_shared>>
    %dma_start3A_155 = arith.constant 0 : i32
    %dma_start3A_156 = tpu.memref_slice %arg15[%add3A_152, %dma_start3A_155] : memref<10240x128xf32, #tpu.memory_space<vmem_shared>> -> memref<16x128xf32, #tpu.memory_space<vmem_shared>>
    tpu.enqueue_dma source(%arg14 : memref<16x128xf32, #tpu.memory_space<vmem>>) target(%dma_start3A_156 : memref<16x128xf32, #tpu.memory_space<vmem_shared>>) target_semaphore(%arg23 : memref<!tpu.dma_semaphore, #tpu.memory_space<semaphore_mem>>)
    %add3A_157 = arith.constant 112 : i32
    %add3A_158 = arith.addi %mul3A_4, %add3A_157 : i32
    %dma_start3A_159 = arith.constant 0 : i32
    %dma_start3A_160 = tpu.memref_slice %arg15[%add3A_158, %dma_start3A_159] : memref<10240x128xf32, #tpu.memory_space<vmem_shared>> -> memref<16x128xf32, #tpu.memory_space<vmem_shared>>
    %dma_start3A_161 = arith.constant 0 : i32
    %dma_start3A_162 = tpu.memref_slice %arg15[%add3A_158, %dma_start3A_161] : memref<10240x128xf32, #tpu.memory_space<vmem_shared>> -> memref<16x128xf32, #tpu.memory_space<vmem_shared>>
    tpu.enqueue_dma source(%arg14 : memref<16x128xf32, #tpu.memory_space<vmem>>) target(%dma_start3A_162 : memref<16x128xf32, #tpu.memory_space<vmem_shared>>) target_semaphore(%arg23 : memref<!tpu.dma_semaphore, #tpu.memory_space<semaphore_mem>>)
    %add3A_163 = arith.constant 0 : i32
    %add3A_164 = arith.addi %mul3A_4, %add3A_163 : i32
    %dma_wait3A = arith.constant 0 : i32
    %dma_wait3A_165 = tpu.memref_slice %arg15[%add3A_164, %dma_wait3A] : memref<10240x128xf32, #tpu.memory_space<vmem_shared>> -> memref<16x128xf32, #tpu.memory_space<vmem_shared>>
    %dma_wait3A_166 = arith.constant 0 : i32
    %dma_wait3A_167 = tpu.memref_slice %arg15[%add3A_164, %dma_wait3A_166] : memref<10240x128xf32, #tpu.memory_space<vmem_shared>> -> memref<16x128xf32, #tpu.memory_space<vmem_shared>>
    tpu.wait_dma2 semaphore(%arg23 : memref<!tpu.dma_semaphore, #tpu.memory_space<semaphore_mem>>) src(%arg14 : memref<16x128xf32, #tpu.memory_space<vmem>>) dst(%dma_wait3A_167 : memref<16x128xf32, #tpu.memory_space<vmem_shared>>)
    %add3A_168 = arith.constant 16 : i32
    %add3A_169 = arith.addi %mul3A_4, %add3A_168 : i32
    %dma_wait3A_170 = arith.constant 0 : i32
    %dma_wait3A_171 = tpu.memref_slice %arg15[%add3A_169, %dma_wait3A_170] : memref<10240x128xf32, #tpu.memory_space<vmem_shared>> -> memref<16x128xf32, #tpu.memory_space<vmem_shared>>
    %dma_wait3A_172 = arith.constant 0 : i32
    %dma_wait3A_173 = tpu.memref_slice %arg15[%add3A_169, %dma_wait3A_172] : memref<10240x128xf32, #tpu.memory_space<vmem_shared>> -> memref<16x128xf32, #tpu.memory_space<vmem_shared>>
    tpu.wait_dma2 semaphore(%arg23 : memref<!tpu.dma_semaphore, #tpu.memory_space<semaphore_mem>>) src(%arg14 : memref<16x128xf32, #tpu.memory_space<vmem>>) dst(%dma_wait3A_173 : memref<16x128xf32, #tpu.memory_space<vmem_shared>>)
    %add3A_174 = arith.constant 32 : i32
    %add3A_175 = arith.addi %mul3A_4, %add3A_174 : i32
    %dma_wait3A_176 = arith.constant 0 : i32
    %dma_wait3A_177 = tpu.memref_slice %arg15[%add3A_175, %dma_wait3A_176] : memref<10240x128xf32, #tpu.memory_space<vmem_shared>> -> memref<16x128xf32, #tpu.memory_space<vmem_shared>>
    %dma_wait3A_178 = arith.constant 0 : i32
    %dma_wait3A_179 = tpu.memref_slice %arg15[%add3A_175, %dma_wait3A_178] : memref<10240x128xf32, #tpu.memory_space<vmem_shared>> -> memref<16x128xf32, #tpu.memory_space<vmem_shared>>
    tpu.wait_dma2 semaphore(%arg23 : memref<!tpu.dma_semaphore, #tpu.memory_space<semaphore_mem>>) src(%arg14 : memref<16x128xf32, #tpu.memory_space<vmem>>) dst(%dma_wait3A_179 : memref<16x128xf32, #tpu.memory_space<vmem_shared>>)
    %add3A_180 = arith.constant 48 : i32
    %add3A_181 = arith.addi %mul3A_4, %add3A_180 : i32
    %dma_wait3A_182 = arith.constant 0 : i32
    %dma_wait3A_183 = tpu.memref_slice %arg15[%add3A_181, %dma_wait3A_182] : memref<10240x128xf32, #tpu.memory_space<vmem_shared>> -> memref<16x128xf32, #tpu.memory_space<vmem_shared>>
    %dma_wait3A_184 = arith.constant 0 : i32
    %dma_wait3A_185 = tpu.memref_slice %arg15[%add3A_181, %dma_wait3A_184] : memref<10240x128xf32, #tpu.memory_space<vmem_shared>> -> memref<16x128xf32, #tpu.memory_space<vmem_shared>>
    tpu.wait_dma2 semaphore(%arg23 : memref<!tpu.dma_semaphore, #tpu.memory_space<semaphore_mem>>) src(%arg14 : memref<16x128xf32, #tpu.memory_space<vmem>>) dst(%dma_wait3A_185 : memref<16x128xf32, #tpu.memory_space<vmem_shared>>)
    %add3A_186 = arith.constant 64 : i32
    %add3A_187 = arith.addi %mul3A_4, %add3A_186 : i32
    %dma_wait3A_188 = arith.constant 0 : i32
    %dma_wait3A_189 = tpu.memref_slice %arg15[%add3A_187, %dma_wait3A_188] : memref<10240x128xf32, #tpu.memory_space<vmem_shared>> -> memref<16x128xf32, #tpu.memory_space<vmem_shared>>
    %dma_wait3A_190 = arith.constant 0 : i32
    %dma_wait3A_191 = tpu.memref_slice %arg15[%add3A_187, %dma_wait3A_190] : memref<10240x128xf32, #tpu.memory_space<vmem_shared>> -> memref<16x128xf32, #tpu.memory_space<vmem_shared>>
    tpu.wait_dma2 semaphore(%arg23 : memref<!tpu.dma_semaphore, #tpu.memory_space<semaphore_mem>>) src(%arg14 : memref<16x128xf32, #tpu.memory_space<vmem>>) dst(%dma_wait3A_191 : memref<16x128xf32, #tpu.memory_space<vmem_shared>>)
    %add3A_192 = arith.constant 80 : i32
    %add3A_193 = arith.addi %mul3A_4, %add3A_192 : i32
    %dma_wait3A_194 = arith.constant 0 : i32
    %dma_wait3A_195 = tpu.memref_slice %arg15[%add3A_193, %dma_wait3A_194] : memref<10240x128xf32, #tpu.memory_space<vmem_shared>> -> memref<16x128xf32, #tpu.memory_space<vmem_shared>>
    %dma_wait3A_196 = arith.constant 0 : i32
    %dma_wait3A_197 = tpu.memref_slice %arg15[%add3A_193, %dma_wait3A_196] : memref<10240x128xf32, #tpu.memory_space<vmem_shared>> -> memref<16x128xf32, #tpu.memory_space<vmem_shared>>
    tpu.wait_dma2 semaphore(%arg23 : memref<!tpu.dma_semaphore, #tpu.memory_space<semaphore_mem>>) src(%arg14 : memref<16x128xf32, #tpu.memory_space<vmem>>) dst(%dma_wait3A_197 : memref<16x128xf32, #tpu.memory_space<vmem_shared>>)
    %add3A_198 = arith.constant 96 : i32
    %add3A_199 = arith.addi %mul3A_4, %add3A_198 : i32
    %dma_wait3A_200 = arith.constant 0 : i32
    %dma_wait3A_201 = tpu.memref_slice %arg15[%add3A_199, %dma_wait3A_200] : memref<10240x128xf32, #tpu.memory_space<vmem_shared>> -> memref<16x128xf32, #tpu.memory_space<vmem_shared>>
    %dma_wait3A_202 = arith.constant 0 : i32
    %dma_wait3A_203 = tpu.memref_slice %arg15[%add3A_199, %dma_wait3A_202] : memref<10240x128xf32, #tpu.memory_space<vmem_shared>> -> memref<16x128xf32, #tpu.memory_space<vmem_shared>>
    tpu.wait_dma2 semaphore(%arg23 : memref<!tpu.dma_semaphore, #tpu.memory_space<semaphore_mem>>) src(%arg14 : memref<16x128xf32, #tpu.memory_space<vmem>>) dst(%dma_wait3A_203 : memref<16x128xf32, #tpu.memory_space<vmem_shared>>)
    %add3A_204 = arith.constant 112 : i32
    %add3A_205 = arith.addi %mul3A_4, %add3A_204 : i32
    %dma_wait3A_206 = arith.constant 0 : i32
    %dma_wait3A_207 = tpu.memref_slice %arg15[%add3A_205, %dma_wait3A_206] : memref<10240x128xf32, #tpu.memory_space<vmem_shared>> -> memref<16x128xf32, #tpu.memory_space<vmem_shared>>
    %dma_wait3A_208 = arith.constant 0 : i32
    %dma_wait3A_209 = tpu.memref_slice %arg15[%add3A_205, %dma_wait3A_208] : memref<10240x128xf32, #tpu.memory_space<vmem_shared>> -> memref<16x128xf32, #tpu.memory_space<vmem_shared>>
    tpu.wait_dma2 semaphore(%arg23 : memref<!tpu.dma_semaphore, #tpu.memory_space<semaphore_mem>>) src(%arg14 : memref<16x128xf32, #tpu.memory_space<vmem>>) dst(%dma_wait3A_209 : memref<16x128xf32, #tpu.memory_space<vmem_shared>>)
    %add3A_210 = arith.constant 128 : i32
    %add3A_211 = arith.addi %mul3A_4, %add3A_210 : i32
    %dma_start3A_212 = arith.constant 0 : i32
    %dma_start3A_213 = tpu.memref_slice %arg15[%add3A_211, %dma_start3A_212] : memref<10240x128xf32, #tpu.memory_space<vmem_shared>> -> memref<16x128xf32, #tpu.memory_space<vmem_shared>>
    %dma_start3A_214 = arith.constant 0 : i32
    %dma_start3A_215 = tpu.memref_slice %arg15[%add3A_211, %dma_start3A_214] : memref<10240x128xf32, #tpu.memory_space<vmem_shared>> -> memref<16x128xf32, #tpu.memory_space<vmem_shared>>
    tpu.enqueue_dma source(%arg14 : memref<16x128xf32, #tpu.memory_space<vmem>>) target(%dma_start3A_215 : memref<16x128xf32, #tpu.memory_space<vmem_shared>>) target_semaphore(%arg23 : memref<!tpu.dma_semaphore, #tpu.memory_space<semaphore_mem>>)
    %add3A_216 = arith.constant 144 : i32
    %add3A_217 = arith.addi %mul3A_4, %add3A_216 : i32
    %dma_start3A_218 = arith.constant 0 : i32
    %dma_start3A_219 = tpu.memref_slice %arg15[%add3A_217, %dma_start3A_218] : memref<10240x128xf32, #tpu.memory_space<vmem_shared>> -> memref<16x128xf32, #tpu.memory_space<vmem_shared>>
    %dma_start3A_220 = arith.constant 0 : i32
    %dma_start3A_221 = tpu.memref_slice %arg15[%add3A_217, %dma_start3A_220] : memref<10240x128xf32, #tpu.memory_space<vmem_shared>> -> memref<16x128xf32, #tpu.memory_space<vmem_shared>>
    tpu.enqueue_dma source(%arg14 : memref<16x128xf32, #tpu.memory_space<vmem>>) target(%dma_start3A_221 : memref<16x128xf32, #tpu.memory_space<vmem_shared>>) target_semaphore(%arg23 : memref<!tpu.dma_semaphore, #tpu.memory_space<semaphore_mem>>)
    %add3A_222 = arith.constant 160 : i32
    %add3A_223 = arith.addi %mul3A_4, %add3A_222 : i32
    %dma_start3A_224 = arith.constant 0 : i32
    %dma_start3A_225 = tpu.memref_slice %arg15[%add3A_223, %dma_start3A_224] : memref<10240x128xf32, #tpu.memory_space<vmem_shared>> -> memref<16x128xf32, #tpu.memory_space<vmem_shared>>
    %dma_start3A_226 = arith.constant 0 : i32
    %dma_start3A_227 = tpu.memref_slice %arg15[%add3A_223, %dma_start3A_226] : memref<10240x128xf32, #tpu.memory_space<vmem_shared>> -> memref<16x128xf32, #tpu.memory_space<vmem_shared>>
    tpu.enqueue_dma source(%arg14 : memref<16x128xf32, #tpu.memory_space<vmem>>) target(%dma_start3A_227 : memref<16x128xf32, #tpu.memory_space<vmem_shared>>) target_semaphore(%arg23 : memref<!tpu.dma_semaphore, #tpu.memory_space<semaphore_mem>>)
    %add3A_228 = arith.constant 176 : i32
    %add3A_229 = arith.addi %mul3A_4, %add3A_228 : i32
    %dma_start3A_230 = arith.constant 0 : i32
    %dma_start3A_231 = tpu.memref_slice %arg15[%add3A_229, %dma_start3A_230] : memref<10240x128xf32, #tpu.memory_space<vmem_shared>> -> memref<16x128xf32, #tpu.memory_space<vmem_shared>>
    %dma_start3A_232 = arith.constant 0 : i32
    %dma_start3A_233 = tpu.memref_slice %arg15[%add3A_229, %dma_start3A_232] : memref<10240x128xf32, #tpu.memory_space<vmem_shared>> -> memref<16x128xf32, #tpu.memory_space<vmem_shared>>
    tpu.enqueue_dma source(%arg14 : memref<16x128xf32, #tpu.memory_space<vmem>>) target(%dma_start3A_233 : memref<16x128xf32, #tpu.memory_space<vmem_shared>>) target_semaphore(%arg23 : memref<!tpu.dma_semaphore, #tpu.memory_space<semaphore_mem>>)
    %add3A_234 = arith.constant 192 : i32
    %add3A_235 = arith.addi %mul3A_4, %add3A_234 : i32
    %dma_start3A_236 = arith.constant 0 : i32
    %dma_start3A_237 = tpu.memref_slice %arg15[%add3A_235, %dma_start3A_236] : memref<10240x128xf32, #tpu.memory_space<vmem_shared>> -> memref<16x128xf32, #tpu.memory_space<vmem_shared>>
    %dma_start3A_238 = arith.constant 0 : i32
    %dma_start3A_239 = tpu.memref_slice %arg15[%add3A_235, %dma_start3A_238] : memref<10240x128xf32, #tpu.memory_space<vmem_shared>> -> memref<16x128xf32, #tpu.memory_space<vmem_shared>>
    tpu.enqueue_dma source(%arg14 : memref<16x128xf32, #tpu.memory_space<vmem>>) target(%dma_start3A_239 : memref<16x128xf32, #tpu.memory_space<vmem_shared>>) target_semaphore(%arg23 : memref<!tpu.dma_semaphore, #tpu.memory_space<semaphore_mem>>)
    %add3A_240 = arith.constant 208 : i32
    %add3A_241 = arith.addi %mul3A_4, %add3A_240 : i32
    %dma_start3A_242 = arith.constant 0 : i32
    %dma_start3A_243 = tpu.memref_slice %arg15[%add3A_241, %dma_start3A_242] : memref<10240x128xf32, #tpu.memory_space<vmem_shared>> -> memref<16x128xf32, #tpu.memory_space<vmem_shared>>
    %dma_start3A_244 = arith.constant 0 : i32
    %dma_start3A_245 = tpu.memref_slice %arg15[%add3A_241, %dma_start3A_244] : memref<10240x128xf32, #tpu.memory_space<vmem_shared>> -> memref<16x128xf32, #tpu.memory_space<vmem_shared>>
    tpu.enqueue_dma source(%arg14 : memref<16x128xf32, #tpu.memory_space<vmem>>) target(%dma_start3A_245 : memref<16x128xf32, #tpu.memory_space<vmem_shared>>) target_semaphore(%arg23 : memref<!tpu.dma_semaphore, #tpu.memory_space<semaphore_mem>>)
    %add3A_246 = arith.constant 224 : i32
    %add3A_247 = arith.addi %mul3A_4, %add3A_246 : i32
    %dma_start3A_248 = arith.constant 0 : i32
    %dma_start3A_249 = tpu.memref_slice %arg15[%add3A_247, %dma_start3A_248] : memref<10240x128xf32, #tpu.memory_space<vmem_shared>> -> memref<16x128xf32, #tpu.memory_space<vmem_shared>>
    %dma_start3A_250 = arith.constant 0 : i32
    %dma_start3A_251 = tpu.memref_slice %arg15[%add3A_247, %dma_start3A_250] : memref<10240x128xf32, #tpu.memory_space<vmem_shared>> -> memref<16x128xf32, #tpu.memory_space<vmem_shared>>
    tpu.enqueue_dma source(%arg14 : memref<16x128xf32, #tpu.memory_space<vmem>>) target(%dma_start3A_251 : memref<16x128xf32, #tpu.memory_space<vmem_shared>>) target_semaphore(%arg23 : memref<!tpu.dma_semaphore, #tpu.memory_space<semaphore_mem>>)
    %add3A_252 = arith.constant 240 : i32
    %add3A_253 = arith.addi %mul3A_4, %add3A_252 : i32
    %dma_start3A_254 = arith.constant 0 : i32
    %dma_start3A_255 = tpu.memref_slice %arg15[%add3A_253, %dma_start3A_254] : memref<10240x128xf32, #tpu.memory_space<vmem_shared>> -> memref<16x128xf32, #tpu.memory_space<vmem_shared>>
    %dma_start3A_256 = arith.constant 0 : i32
    %dma_start3A_257 = tpu.memref_slice %arg15[%add3A_253, %dma_start3A_256] : memref<10240x128xf32, #tpu.memory_space<vmem_shared>> -> memref<16x128xf32, #tpu.memory_space<vmem_shared>>
    tpu.enqueue_dma source(%arg14 : memref<16x128xf32, #tpu.memory_space<vmem>>) target(%dma_start3A_257 : memref<16x128xf32, #tpu.memory_space<vmem_shared>>) target_semaphore(%arg23 : memref<!tpu.dma_semaphore, #tpu.memory_space<semaphore_mem>>)
    %add3A_258 = arith.constant 128 : i32
    %add3A_259 = arith.addi %mul3A_4, %add3A_258 : i32
    %dma_wait3A_260 = arith.constant 0 : i32
    %dma_wait3A_261 = tpu.memref_slice %arg15[%add3A_259, %dma_wait3A_260] : memref<10240x128xf32, #tpu.memory_space<vmem_shared>> -> memref<16x128xf32, #tpu.memory_space<vmem_shared>>
    %dma_wait3A_262 = arith.constant 0 : i32
    %dma_wait3A_263 = tpu.memref_slice %arg15[%add3A_259, %dma_wait3A_262] : memref<10240x128xf32, #tpu.memory_space<vmem_shared>> -> memref<16x128xf32, #tpu.memory_space<vmem_shared>>
    tpu.wait_dma2 semaphore(%arg23 : memref<!tpu.dma_semaphore, #tpu.memory_space<semaphore_mem>>) src(%arg14 : memref<16x128xf32, #tpu.memory_space<vmem>>) dst(%dma_wait3A_263 : memref<16x128xf32, #tpu.memory_space<vmem_shared>>)
    %add3A_264 = arith.constant 144 : i32
    %add3A_265 = arith.addi %mul3A_4, %add3A_264 : i32
    %dma_wait3A_266 = arith.constant 0 : i32
    %dma_wait3A_267 = tpu.memref_slice %arg15[%add3A_265, %dma_wait3A_266] : memref<10240x128xf32, #tpu.memory_space<vmem_shared>> -> memref<16x128xf32, #tpu.memory_space<vmem_shared>>
    %dma_wait3A_268 = arith.constant 0 : i32
    %dma_wait3A_269 = tpu.memref_slice %arg15[%add3A_265, %dma_wait3A_268] : memref<10240x128xf32, #tpu.memory_space<vmem_shared>> -> memref<16x128xf32, #tpu.memory_space<vmem_shared>>
    tpu.wait_dma2 semaphore(%arg23 : memref<!tpu.dma_semaphore, #tpu.memory_space<semaphore_mem>>) src(%arg14 : memref<16x128xf32, #tpu.memory_space<vmem>>) dst(%dma_wait3A_269 : memref<16x128xf32, #tpu.memory_space<vmem_shared>>)
    %add3A_270 = arith.constant 160 : i32
    %add3A_271 = arith.addi %mul3A_4, %add3A_270 : i32
    %dma_wait3A_272 = arith.constant 0 : i32
    %dma_wait3A_273 = tpu.memref_slice %arg15[%add3A_271, %dma_wait3A_272] : memref<10240x128xf32, #tpu.memory_space<vmem_shared>> -> memref<16x128xf32, #tpu.memory_space<vmem_shared>>
    %dma_wait3A_274 = arith.constant 0 : i32
    %dma_wait3A_275 = tpu.memref_slice %arg15[%add3A_271, %dma_wait3A_274] : memref<10240x128xf32, #tpu.memory_space<vmem_shared>> -> memref<16x128xf32, #tpu.memory_space<vmem_shared>>
    tpu.wait_dma2 semaphore(%arg23 : memref<!tpu.dma_semaphore, #tpu.memory_space<semaphore_mem>>) src(%arg14 : memref<16x128xf32, #tpu.memory_space<vmem>>) dst(%dma_wait3A_275 : memref<16x128xf32, #tpu.memory_space<vmem_shared>>)
    %add3A_276 = arith.constant 176 : i32
    %add3A_277 = arith.addi %mul3A_4, %add3A_276 : i32
    %dma_wait3A_278 = arith.constant 0 : i32
    %dma_wait3A_279 = tpu.memref_slice %arg15[%add3A_277, %dma_wait3A_278] : memref<10240x128xf32, #tpu.memory_space<vmem_shared>> -> memref<16x128xf32, #tpu.memory_space<vmem_shared>>
    %dma_wait3A_280 = arith.constant 0 : i32
    %dma_wait3A_281 = tpu.memref_slice %arg15[%add3A_277, %dma_wait3A_280] : memref<10240x128xf32, #tpu.memory_space<vmem_shared>> -> memref<16x128xf32, #tpu.memory_space<vmem_shared>>
    tpu.wait_dma2 semaphore(%arg23 : memref<!tpu.dma_semaphore, #tpu.memory_space<semaphore_mem>>) src(%arg14 : memref<16x128xf32, #tpu.memory_space<vmem>>) dst(%dma_wait3A_281 : memref<16x128xf32, #tpu.memory_space<vmem_shared>>)
    %add3A_282 = arith.constant 192 : i32
    %add3A_283 = arith.addi %mul3A_4, %add3A_282 : i32
    %dma_wait3A_284 = arith.constant 0 : i32
    %dma_wait3A_285 = tpu.memref_slice %arg15[%add3A_283, %dma_wait3A_284] : memref<10240x128xf32, #tpu.memory_space<vmem_shared>> -> memref<16x128xf32, #tpu.memory_space<vmem_shared>>
    %dma_wait3A_286 = arith.constant 0 : i32
    %dma_wait3A_287 = tpu.memref_slice %arg15[%add3A_283, %dma_wait3A_286] : memref<10240x128xf32, #tpu.memory_space<vmem_shared>> -> memref<16x128xf32, #tpu.memory_space<vmem_shared>>
    tpu.wait_dma2 semaphore(%arg23 : memref<!tpu.dma_semaphore, #tpu.memory_space<semaphore_mem>>) src(%arg14 : memref<16x128xf32, #tpu.memory_space<vmem>>) dst(%dma_wait3A_287 : memref<16x128xf32, #tpu.memory_space<vmem_shared>>)
    %add3A_288 = arith.constant 208 : i32
    %add3A_289 = arith.addi %mul3A_4, %add3A_288 : i32
    %dma_wait3A_290 = arith.constant 0 : i32
    %dma_wait3A_291 = tpu.memref_slice %arg15[%add3A_289, %dma_wait3A_290] : memref<10240x128xf32, #tpu.memory_space<vmem_shared>> -> memref<16x128xf32, #tpu.memory_space<vmem_shared>>
    %dma_wait3A_292 = arith.constant 0 : i32
    %dma_wait3A_293 = tpu.memref_slice %arg15[%add3A_289, %dma_wait3A_292] : memref<10240x128xf32, #tpu.memory_space<vmem_shared>> -> memref<16x128xf32, #tpu.memory_space<vmem_shared>>
    tpu.wait_dma2 semaphore(%arg23 : memref<!tpu.dma_semaphore, #tpu.memory_space<semaphore_mem>>) src(%arg14 : memref<16x128xf32, #tpu.memory_space<vmem>>) dst(%dma_wait3A_293 : memref<16x128xf32, #tpu.memory_space<vmem_shared>>)
    %add3A_294 = arith.constant 224 : i32
    %add3A_295 = arith.addi %mul3A_4, %add3A_294 : i32
    %dma_wait3A_296 = arith.constant 0 : i32
    %dma_wait3A_297 = tpu.memref_slice %arg15[%add3A_295, %dma_wait3A_296] : memref<10240x128xf32, #tpu.memory_space<vmem_shared>> -> memref<16x128xf32, #tpu.memory_space<vmem_shared>>
    %dma_wait3A_298 = arith.constant 0 : i32
    %dma_wait3A_299 = tpu.memref_slice %arg15[%add3A_295, %dma_wait3A_298] : memref<10240x128xf32, #tpu.memory_space<vmem_shared>> -> memref<16x128xf32, #tpu.memory_space<vmem_shared>>
    tpu.wait_dma2 semaphore(%arg23 : memref<!tpu.dma_semaphore, #tpu.memory_space<semaphore_mem>>) src(%arg14 : memref<16x128xf32, #tpu.memory_space<vmem>>) dst(%dma_wait3A_299 : memref<16x128xf32, #tpu.memory_space<vmem_shared>>)
    %add3A_300 = arith.constant 240 : i32
    %add3A_301 = arith.addi %mul3A_4, %add3A_300 : i32
    %dma_wait3A_302 = arith.constant 0 : i32
    %dma_wait3A_303 = tpu.memref_slice %arg15[%add3A_301, %dma_wait3A_302] : memref<10240x128xf32, #tpu.memory_space<vmem_shared>> -> memref<16x128xf32, #tpu.memory_space<vmem_shared>>
    %dma_wait3A_304 = arith.constant 0 : i32
    %dma_wait3A_305 = tpu.memref_slice %arg15[%add3A_301, %dma_wait3A_304] : memref<10240x128xf32, #tpu.memory_space<vmem_shared>> -> memref<16x128xf32, #tpu.memory_space<vmem_shared>>
    tpu.wait_dma2 semaphore(%arg23 : memref<!tpu.dma_semaphore, #tpu.memory_space<semaphore_mem>>) src(%arg14 : memref<16x128xf32, #tpu.memory_space<vmem>>) dst(%dma_wait3A_305 : memref<16x128xf32, #tpu.memory_space<vmem_shared>>)
    %add3A_306 = arith.constant 256 : i32
    %add3A_307 = arith.addi %mul3A_4, %add3A_306 : i32
    %dma_start3A_308 = arith.constant 0 : i32
    %dma_start3A_309 = tpu.memref_slice %arg15[%add3A_307, %dma_start3A_308] : memref<10240x128xf32, #tpu.memory_space<vmem_shared>> -> memref<16x128xf32, #tpu.memory_space<vmem_shared>>
    %dma_start3A_310 = arith.constant 0 : i32
    %dma_start3A_311 = tpu.memref_slice %arg15[%add3A_307, %dma_start3A_310] : memref<10240x128xf32, #tpu.memory_space<vmem_shared>> -> memref<16x128xf32, #tpu.memory_space<vmem_shared>>
    tpu.enqueue_dma source(%arg14 : memref<16x128xf32, #tpu.memory_space<vmem>>) target(%dma_start3A_311 : memref<16x128xf32, #tpu.memory_space<vmem_shared>>) target_semaphore(%arg23 : memref<!tpu.dma_semaphore, #tpu.memory_space<semaphore_mem>>)
    %add3A_312 = arith.constant 272 : i32
    %add3A_313 = arith.addi %mul3A_4, %add3A_312 : i32
    %dma_start3A_314 = arith.constant 0 : i32
    %dma_start3A_315 = tpu.memref_slice %arg15[%add3A_313, %dma_start3A_314] : memref<10240x128xf32, #tpu.memory_space<vmem_shared>> -> memref<16x128xf32, #tpu.memory_space<vmem_shared>>
    %dma_start3A_316 = arith.constant 0 : i32
    %dma_start3A_317 = tpu.memref_slice %arg15[%add3A_313, %dma_start3A_316] : memref<10240x128xf32, #tpu.memory_space<vmem_shared>> -> memref<16x128xf32, #tpu.memory_space<vmem_shared>>
    tpu.enqueue_dma source(%arg14 : memref<16x128xf32, #tpu.memory_space<vmem>>) target(%dma_start3A_317 : memref<16x128xf32, #tpu.memory_space<vmem_shared>>) target_semaphore(%arg23 : memref<!tpu.dma_semaphore, #tpu.memory_space<semaphore_mem>>)
    %add3A_318 = arith.constant 288 : i32
    %add3A_319 = arith.addi %mul3A_4, %add3A_318 : i32
    %dma_start3A_320 = arith.constant 0 : i32
    %dma_start3A_321 = tpu.memref_slice %arg15[%add3A_319, %dma_start3A_320] : memref<10240x128xf32, #tpu.memory_space<vmem_shared>> -> memref<16x128xf32, #tpu.memory_space<vmem_shared>>
    %dma_start3A_322 = arith.constant 0 : i32
    %dma_start3A_323 = tpu.memref_slice %arg15[%add3A_319, %dma_start3A_322] : memref<10240x128xf32, #tpu.memory_space<vmem_shared>> -> memref<16x128xf32, #tpu.memory_space<vmem_shared>>
    tpu.enqueue_dma source(%arg14 : memref<16x128xf32, #tpu.memory_space<vmem>>) target(%dma_start3A_323 : memref<16x128xf32, #tpu.memory_space<vmem_shared>>) target_semaphore(%arg23 : memref<!tpu.dma_semaphore, #tpu.memory_space<semaphore_mem>>)
    %add3A_324 = arith.constant 304 : i32
    %add3A_325 = arith.addi %mul3A_4, %add3A_324 : i32
    %dma_start3A_326 = arith.constant 0 : i32
    %dma_start3A_327 = tpu.memref_slice %arg15[%add3A_325, %dma_start3A_326] : memref<10240x128xf32, #tpu.memory_space<vmem_shared>> -> memref<16x128xf32, #tpu.memory_space<vmem_shared>>
    %dma_start3A_328 = arith.constant 0 : i32
    %dma_start3A_329 = tpu.memref_slice %arg15[%add3A_325, %dma_start3A_328] : memref<10240x128xf32, #tpu.memory_space<vmem_shared>> -> memref<16x128xf32, #tpu.memory_space<vmem_shared>>
    tpu.enqueue_dma source(%arg14 : memref<16x128xf32, #tpu.memory_space<vmem>>) target(%dma_start3A_329 : memref<16x128xf32, #tpu.memory_space<vmem_shared>>) target_semaphore(%arg23 : memref<!tpu.dma_semaphore, #tpu.memory_space<semaphore_mem>>)
    %add3A_330 = arith.constant 320 : i32
    %add3A_331 = arith.addi %mul3A_4, %add3A_330 : i32
    %dma_start3A_332 = arith.constant 0 : i32
    %dma_start3A_333 = tpu.memref_slice %arg15[%add3A_331, %dma_start3A_332] : memref<10240x128xf32, #tpu.memory_space<vmem_shared>> -> memref<16x128xf32, #tpu.memory_space<vmem_shared>>
    %dma_start3A_334 = arith.constant 0 : i32
    %dma_start3A_335 = tpu.memref_slice %arg15[%add3A_331, %dma_start3A_334] : memref<10240x128xf32, #tpu.memory_space<vmem_shared>> -> memref<16x128xf32, #tpu.memory_space<vmem_shared>>
    tpu.enqueue_dma source(%arg14 : memref<16x128xf32, #tpu.memory_space<vmem>>) target(%dma_start3A_335 : memref<16x128xf32, #tpu.memory_space<vmem_shared>>) target_semaphore(%arg23 : memref<!tpu.dma_semaphore, #tpu.memory_space<semaphore_mem>>)
    %add3A_336 = arith.constant 336 : i32
    %add3A_337 = arith.addi %mul3A_4, %add3A_336 : i32
    %dma_start3A_338 = arith.constant 0 : i32
    %dma_start3A_339 = tpu.memref_slice %arg15[%add3A_337, %dma_start3A_338] : memref<10240x128xf32, #tpu.memory_space<vmem_shared>> -> memref<16x128xf32, #tpu.memory_space<vmem_shared>>
    %dma_start3A_340 = arith.constant 0 : i32
    %dma_start3A_341 = tpu.memref_slice %arg15[%add3A_337, %dma_start3A_340] : memref<10240x128xf32, #tpu.memory_space<vmem_shared>> -> memref<16x128xf32, #tpu.memory_space<vmem_shared>>
    tpu.enqueue_dma source(%arg14 : memref<16x128xf32, #tpu.memory_space<vmem>>) target(%dma_start3A_341 : memref<16x128xf32, #tpu.memory_space<vmem_shared>>) target_semaphore(%arg23 : memref<!tpu.dma_semaphore, #tpu.memory_space<semaphore_mem>>)
    %add3A_342 = arith.constant 352 : i32
    %add3A_343 = arith.addi %mul3A_4, %add3A_342 : i32
    %dma_start3A_344 = arith.constant 0 : i32
    %dma_start3A_345 = tpu.memref_slice %arg15[%add3A_343, %dma_start3A_344] : memref<10240x128xf32, #tpu.memory_space<vmem_shared>> -> memref<16x128xf32, #tpu.memory_space<vmem_shared>>
    %dma_start3A_346 = arith.constant 0 : i32
    %dma_start3A_347 = tpu.memref_slice %arg15[%add3A_343, %dma_start3A_346] : memref<10240x128xf32, #tpu.memory_space<vmem_shared>> -> memref<16x128xf32, #tpu.memory_space<vmem_shared>>
    tpu.enqueue_dma source(%arg14 : memref<16x128xf32, #tpu.memory_space<vmem>>) target(%dma_start3A_347 : memref<16x128xf32, #tpu.memory_space<vmem_shared>>) target_semaphore(%arg23 : memref<!tpu.dma_semaphore, #tpu.memory_space<semaphore_mem>>)
    %add3A_348 = arith.constant 368 : i32
    %add3A_349 = arith.addi %mul3A_4, %add3A_348 : i32
    %dma_start3A_350 = arith.constant 0 : i32
    %dma_start3A_351 = tpu.memref_slice %arg15[%add3A_349, %dma_start3A_350] : memref<10240x128xf32, #tpu.memory_space<vmem_shared>> -> memref<16x128xf32, #tpu.memory_space<vmem_shared>>
    %dma_start3A_352 = arith.constant 0 : i32
    %dma_start3A_353 = tpu.memref_slice %arg15[%add3A_349, %dma_start3A_352] : memref<10240x128xf32, #tpu.memory_space<vmem_shared>> -> memref<16x128xf32, #tpu.memory_space<vmem_shared>>
    tpu.enqueue_dma source(%arg14 : memref<16x128xf32, #tpu.memory_space<vmem>>) target(%dma_start3A_353 : memref<16x128xf32, #tpu.memory_space<vmem_shared>>) target_semaphore(%arg23 : memref<!tpu.dma_semaphore, #tpu.memory_space<semaphore_mem>>)
    %add3A_354 = arith.constant 256 : i32
    %add3A_355 = arith.addi %mul3A_4, %add3A_354 : i32
    %dma_wait3A_356 = arith.constant 0 : i32
    %dma_wait3A_357 = tpu.memref_slice %arg15[%add3A_355, %dma_wait3A_356] : memref<10240x128xf32, #tpu.memory_space<vmem_shared>> -> memref<16x128xf32, #tpu.memory_space<vmem_shared>>
    %dma_wait3A_358 = arith.constant 0 : i32
    %dma_wait3A_359 = tpu.memref_slice %arg15[%add3A_355, %dma_wait3A_358] : memref<10240x128xf32, #tpu.memory_space<vmem_shared>> -> memref<16x128xf32, #tpu.memory_space<vmem_shared>>
    tpu.wait_dma2 semaphore(%arg23 : memref<!tpu.dma_semaphore, #tpu.memory_space<semaphore_mem>>) src(%arg14 : memref<16x128xf32, #tpu.memory_space<vmem>>) dst(%dma_wait3A_359 : memref<16x128xf32, #tpu.memory_space<vmem_shared>>)
    %add3A_360 = arith.constant 272 : i32
    %add3A_361 = arith.addi %mul3A_4, %add3A_360 : i32
    %dma_wait3A_362 = arith.constant 0 : i32
    %dma_wait3A_363 = tpu.memref_slice %arg15[%add3A_361, %dma_wait3A_362] : memref<10240x128xf32, #tpu.memory_space<vmem_shared>> -> memref<16x128xf32, #tpu.memory_space<vmem_shared>>
    %dma_wait3A_364 = arith.constant 0 : i32
    %dma_wait3A_365 = tpu.memref_slice %arg15[%add3A_361, %dma_wait3A_364] : memref<10240x128xf32, #tpu.memory_space<vmem_shared>> -> memref<16x128xf32, #tpu.memory_space<vmem_shared>>
    tpu.wait_dma2 semaphore(%arg23 : memref<!tpu.dma_semaphore, #tpu.memory_space<semaphore_mem>>) src(%arg14 : memref<16x128xf32, #tpu.memory_space<vmem>>) dst(%dma_wait3A_365 : memref<16x128xf32, #tpu.memory_space<vmem_shared>>)
    %add3A_366 = arith.constant 288 : i32
    %add3A_367 = arith.addi %mul3A_4, %add3A_366 : i32
    %dma_wait3A_368 = arith.constant 0 : i32
    %dma_wait3A_369 = tpu.memref_slice %arg15[%add3A_367, %dma_wait3A_368] : memref<10240x128xf32, #tpu.memory_space<vmem_shared>> -> memref<16x128xf32, #tpu.memory_space<vmem_shared>>
    %dma_wait3A_370 = arith.constant 0 : i32
    %dma_wait3A_371 = tpu.memref_slice %arg15[%add3A_367, %dma_wait3A_370] : memref<10240x128xf32, #tpu.memory_space<vmem_shared>> -> memref<16x128xf32, #tpu.memory_space<vmem_shared>>
    tpu.wait_dma2 semaphore(%arg23 : memref<!tpu.dma_semaphore, #tpu.memory_space<semaphore_mem>>) src(%arg14 : memref<16x128xf32, #tpu.memory_space<vmem>>) dst(%dma_wait3A_371 : memref<16x128xf32, #tpu.memory_space<vmem_shared>>)
    %add3A_372 = arith.constant 304 : i32
    %add3A_373 = arith.addi %mul3A_4, %add3A_372 : i32
    %dma_wait3A_374 = arith.constant 0 : i32
    %dma_wait3A_375 = tpu.memref_slice %arg15[%add3A_373, %dma_wait3A_374] : memref<10240x128xf32, #tpu.memory_space<vmem_shared>> -> memref<16x128xf32, #tpu.memory_space<vmem_shared>>
    %dma_wait3A_376 = arith.constant 0 : i32
    %dma_wait3A_377 = tpu.memref_slice %arg15[%add3A_373, %dma_wait3A_376] : memref<10240x128xf32, #tpu.memory_space<vmem_shared>> -> memref<16x128xf32, #tpu.memory_space<vmem_shared>>
    tpu.wait_dma2 semaphore(%arg23 : memref<!tpu.dma_semaphore, #tpu.memory_space<semaphore_mem>>) src(%arg14 : memref<16x128xf32, #tpu.memory_space<vmem>>) dst(%dma_wait3A_377 : memref<16x128xf32, #tpu.memory_space<vmem_shared>>)
    %add3A_378 = arith.constant 320 : i32
    %add3A_379 = arith.addi %mul3A_4, %add3A_378 : i32
    %dma_wait3A_380 = arith.constant 0 : i32
    %dma_wait3A_381 = tpu.memref_slice %arg15[%add3A_379, %dma_wait3A_380] : memref<10240x128xf32, #tpu.memory_space<vmem_shared>> -> memref<16x128xf32, #tpu.memory_space<vmem_shared>>
    %dma_wait3A_382 = arith.constant 0 : i32
    %dma_wait3A_383 = tpu.memref_slice %arg15[%add3A_379, %dma_wait3A_382] : memref<10240x128xf32, #tpu.memory_space<vmem_shared>> -> memref<16x128xf32, #tpu.memory_space<vmem_shared>>
    tpu.wait_dma2 semaphore(%arg23 : memref<!tpu.dma_semaphore, #tpu.memory_space<semaphore_mem>>) src(%arg14 : memref<16x128xf32, #tpu.memory_space<vmem>>) dst(%dma_wait3A_383 : memref<16x128xf32, #tpu.memory_space<vmem_shared>>)
    %add3A_384 = arith.constant 336 : i32
    %add3A_385 = arith.addi %mul3A_4, %add3A_384 : i32
    %dma_wait3A_386 = arith.constant 0 : i32
    %dma_wait3A_387 = tpu.memref_slice %arg15[%add3A_385, %dma_wait3A_386] : memref<10240x128xf32, #tpu.memory_space<vmem_shared>> -> memref<16x128xf32, #tpu.memory_space<vmem_shared>>
    %dma_wait3A_388 = arith.constant 0 : i32
    %dma_wait3A_389 = tpu.memref_slice %arg15[%add3A_385, %dma_wait3A_388] : memref<10240x128xf32, #tpu.memory_space<vmem_shared>> -> memref<16x128xf32, #tpu.memory_space<vmem_shared>>
    tpu.wait_dma2 semaphore(%arg23 : memref<!tpu.dma_semaphore, #tpu.memory_space<semaphore_mem>>) src(%arg14 : memref<16x128xf32, #tpu.memory_space<vmem>>) dst(%dma_wait3A_389 : memref<16x128xf32, #tpu.memory_space<vmem_shared>>)
    %add3A_390 = arith.constant 352 : i32
    %add3A_391 = arith.addi %mul3A_4, %add3A_390 : i32
    %dma_wait3A_392 = arith.constant 0 : i32
    %dma_wait3A_393 = tpu.memref_slice %arg15[%add3A_391, %dma_wait3A_392] : memref<10240x128xf32, #tpu.memory_space<vmem_shared>> -> memref<16x128xf32, #tpu.memory_space<vmem_shared>>
    %dma_wait3A_394 = arith.constant 0 : i32
    %dma_wait3A_395 = tpu.memref_slice %arg15[%add3A_391, %dma_wait3A_394] : memref<10240x128xf32, #tpu.memory_space<vmem_shared>> -> memref<16x128xf32, #tpu.memory_space<vmem_shared>>
    tpu.wait_dma2 semaphore(%arg23 : memref<!tpu.dma_semaphore, #tpu.memory_space<semaphore_mem>>) src(%arg14 : memref<16x128xf32, #tpu.memory_space<vmem>>) dst(%dma_wait3A_395 : memref<16x128xf32, #tpu.memory_space<vmem_shared>>)
    %add3A_396 = arith.constant 368 : i32
    %add3A_397 = arith.addi %mul3A_4, %add3A_396 : i32
    %dma_wait3A_398 = arith.constant 0 : i32
    %dma_wait3A_399 = tpu.memref_slice %arg15[%add3A_397, %dma_wait3A_398] : memref<10240x128xf32, #tpu.memory_space<vmem_shared>> -> memref<16x128xf32, #tpu.memory_space<vmem_shared>>
    %dma_wait3A_400 = arith.constant 0 : i32
    %dma_wait3A_401 = tpu.memref_slice %arg15[%add3A_397, %dma_wait3A_400] : memref<10240x128xf32, #tpu.memory_space<vmem_shared>> -> memref<16x128xf32, #tpu.memory_space<vmem_shared>>
    tpu.wait_dma2 semaphore(%arg23 : memref<!tpu.dma_semaphore, #tpu.memory_space<semaphore_mem>>) src(%arg14 : memref<16x128xf32, #tpu.memory_space<vmem>>) dst(%dma_wait3A_401 : memref<16x128xf32, #tpu.memory_space<vmem_shared>>)
    %add3A_402 = arith.constant 384 : i32
    %add3A_403 = arith.addi %mul3A_4, %add3A_402 : i32
    %dma_start3A_404 = arith.constant 0 : i32
    %dma_start3A_405 = tpu.memref_slice %arg15[%add3A_403, %dma_start3A_404] : memref<10240x128xf32, #tpu.memory_space<vmem_shared>> -> memref<16x128xf32, #tpu.memory_space<vmem_shared>>
    %dma_start3A_406 = arith.constant 0 : i32
    %dma_start3A_407 = tpu.memref_slice %arg15[%add3A_403, %dma_start3A_406] : memref<10240x128xf32, #tpu.memory_space<vmem_shared>> -> memref<16x128xf32, #tpu.memory_space<vmem_shared>>
    tpu.enqueue_dma source(%arg14 : memref<16x128xf32, #tpu.memory_space<vmem>>) target(%dma_start3A_407 : memref<16x128xf32, #tpu.memory_space<vmem_shared>>) target_semaphore(%arg23 : memref<!tpu.dma_semaphore, #tpu.memory_space<semaphore_mem>>)
    %add3A_408 = arith.constant 400 : i32
    %add3A_409 = arith.addi %mul3A_4, %add3A_408 : i32
    %dma_start3A_410 = arith.constant 0 : i32
    %dma_start3A_411 = tpu.memref_slice %arg15[%add3A_409, %dma_start3A_410] : memref<10240x128xf32, #tpu.memory_space<vmem_shared>> -> memref<16x128xf32, #tpu.memory_space<vmem_shared>>
    %dma_start3A_412 = arith.constant 0 : i32
    %dma_start3A_413 = tpu.memref_slice %arg15[%add3A_409, %dma_start3A_412] : memref<10240x128xf32, #tpu.memory_space<vmem_shared>> -> memref<16x128xf32, #tpu.memory_space<vmem_shared>>
    tpu.enqueue_dma source(%arg14 : memref<16x128xf32, #tpu.memory_space<vmem>>) target(%dma_start3A_413 : memref<16x128xf32, #tpu.memory_space<vmem_shared>>) target_semaphore(%arg23 : memref<!tpu.dma_semaphore, #tpu.memory_space<semaphore_mem>>)
    %add3A_414 = arith.constant 416 : i32
    %add3A_415 = arith.addi %mul3A_4, %add3A_414 : i32
    %dma_start3A_416 = arith.constant 0 : i32
    %dma_start3A_417 = tpu.memref_slice %arg15[%add3A_415, %dma_start3A_416] : memref<10240x128xf32, #tpu.memory_space<vmem_shared>> -> memref<16x128xf32, #tpu.memory_space<vmem_shared>>
    %dma_start3A_418 = arith.constant 0 : i32
    %dma_start3A_419 = tpu.memref_slice %arg15[%add3A_415, %dma_start3A_418] : memref<10240x128xf32, #tpu.memory_space<vmem_shared>> -> memref<16x128xf32, #tpu.memory_space<vmem_shared>>
    tpu.enqueue_dma source(%arg14 : memref<16x128xf32, #tpu.memory_space<vmem>>) target(%dma_start3A_419 : memref<16x128xf32, #tpu.memory_space<vmem_shared>>) target_semaphore(%arg23 : memref<!tpu.dma_semaphore, #tpu.memory_space<semaphore_mem>>)
    %add3A_420 = arith.constant 432 : i32
    %add3A_421 = arith.addi %mul3A_4, %add3A_420 : i32
    %dma_start3A_422 = arith.constant 0 : i32
    %dma_start3A_423 = tpu.memref_slice %arg15[%add3A_421, %dma_start3A_422] : memref<10240x128xf32, #tpu.memory_space<vmem_shared>> -> memref<16x128xf32, #tpu.memory_space<vmem_shared>>
    %dma_start3A_424 = arith.constant 0 : i32
    %dma_start3A_425 = tpu.memref_slice %arg15[%add3A_421, %dma_start3A_424] : memref<10240x128xf32, #tpu.memory_space<vmem_shared>> -> memref<16x128xf32, #tpu.memory_space<vmem_shared>>
    tpu.enqueue_dma source(%arg14 : memref<16x128xf32, #tpu.memory_space<vmem>>) target(%dma_start3A_425 : memref<16x128xf32, #tpu.memory_space<vmem_shared>>) target_semaphore(%arg23 : memref<!tpu.dma_semaphore, #tpu.memory_space<semaphore_mem>>)
    %add3A_426 = arith.constant 448 : i32
    %add3A_427 = arith.addi %mul3A_4, %add3A_426 : i32
    %dma_start3A_428 = arith.constant 0 : i32
    %dma_start3A_429 = tpu.memref_slice %arg15[%add3A_427, %dma_start3A_428] : memref<10240x128xf32, #tpu.memory_space<vmem_shared>> -> memref<16x128xf32, #tpu.memory_space<vmem_shared>>
    %dma_start3A_430 = arith.constant 0 : i32
    %dma_start3A_431 = tpu.memref_slice %arg15[%add3A_427, %dma_start3A_430] : memref<10240x128xf32, #tpu.memory_space<vmem_shared>> -> memref<16x128xf32, #tpu.memory_space<vmem_shared>>
    tpu.enqueue_dma source(%arg14 : memref<16x128xf32, #tpu.memory_space<vmem>>) target(%dma_start3A_431 : memref<16x128xf32, #tpu.memory_space<vmem_shared>>) target_semaphore(%arg23 : memref<!tpu.dma_semaphore, #tpu.memory_space<semaphore_mem>>)
    %add3A_432 = arith.constant 464 : i32
    %add3A_433 = arith.addi %mul3A_4, %add3A_432 : i32
    %dma_start3A_434 = arith.constant 0 : i32
    %dma_start3A_435 = tpu.memref_slice %arg15[%add3A_433, %dma_start3A_434] : memref<10240x128xf32, #tpu.memory_space<vmem_shared>> -> memref<16x128xf32, #tpu.memory_space<vmem_shared>>
    %dma_start3A_436 = arith.constant 0 : i32
    %dma_start3A_437 = tpu.memref_slice %arg15[%add3A_433, %dma_start3A_436] : memref<10240x128xf32, #tpu.memory_space<vmem_shared>> -> memref<16x128xf32, #tpu.memory_space<vmem_shared>>
    tpu.enqueue_dma source(%arg14 : memref<16x128xf32, #tpu.memory_space<vmem>>) target(%dma_start3A_437 : memref<16x128xf32, #tpu.memory_space<vmem_shared>>) target_semaphore(%arg23 : memref<!tpu.dma_semaphore, #tpu.memory_space<semaphore_mem>>)
    %add3A_438 = arith.constant 480 : i32
    %add3A_439 = arith.addi %mul3A_4, %add3A_438 : i32
    %dma_start3A_440 = arith.constant 0 : i32
    %dma_start3A_441 = tpu.memref_slice %arg15[%add3A_439, %dma_start3A_440] : memref<10240x128xf32, #tpu.memory_space<vmem_shared>> -> memref<16x128xf32, #tpu.memory_space<vmem_shared>>
    %dma_start3A_442 = arith.constant 0 : i32
    %dma_start3A_443 = tpu.memref_slice %arg15[%add3A_439, %dma_start3A_442] : memref<10240x128xf32, #tpu.memory_space<vmem_shared>> -> memref<16x128xf32, #tpu.memory_space<vmem_shared>>
    tpu.enqueue_dma source(%arg14 : memref<16x128xf32, #tpu.memory_space<vmem>>) target(%dma_start3A_443 : memref<16x128xf32, #tpu.memory_space<vmem_shared>>) target_semaphore(%arg23 : memref<!tpu.dma_semaphore, #tpu.memory_space<semaphore_mem>>)
    %add3A_444 = arith.constant 496 : i32
    %add3A_445 = arith.addi %mul3A_4, %add3A_444 : i32
    %dma_start3A_446 = arith.constant 0 : i32
    %dma_start3A_447 = tpu.memref_slice %arg15[%add3A_445, %dma_start3A_446] : memref<10240x128xf32, #tpu.memory_space<vmem_shared>> -> memref<16x128xf32, #tpu.memory_space<vmem_shared>>
    %dma_start3A_448 = arith.constant 0 : i32
    %dma_start3A_449 = tpu.memref_slice %arg15[%add3A_445, %dma_start3A_448] : memref<10240x128xf32, #tpu.memory_space<vmem_shared>> -> memref<16x128xf32, #tpu.memory_space<vmem_shared>>
    tpu.enqueue_dma source(%arg14 : memref<16x128xf32, #tpu.memory_space<vmem>>) target(%dma_start3A_449 : memref<16x128xf32, #tpu.memory_space<vmem_shared>>) target_semaphore(%arg23 : memref<!tpu.dma_semaphore, #tpu.memory_space<semaphore_mem>>)
    %add3A_450 = arith.constant 384 : i32
    %add3A_451 = arith.addi %mul3A_4, %add3A_450 : i32
    %dma_wait3A_452 = arith.constant 0 : i32
    %dma_wait3A_453 = tpu.memref_slice %arg15[%add3A_451, %dma_wait3A_452] : memref<10240x128xf32, #tpu.memory_space<vmem_shared>> -> memref<16x128xf32, #tpu.memory_space<vmem_shared>>
    %dma_wait3A_454 = arith.constant 0 : i32
    %dma_wait3A_455 = tpu.memref_slice %arg15[%add3A_451, %dma_wait3A_454] : memref<10240x128xf32, #tpu.memory_space<vmem_shared>> -> memref<16x128xf32, #tpu.memory_space<vmem_shared>>
    tpu.wait_dma2 semaphore(%arg23 : memref<!tpu.dma_semaphore, #tpu.memory_space<semaphore_mem>>) src(%arg14 : memref<16x128xf32, #tpu.memory_space<vmem>>) dst(%dma_wait3A_455 : memref<16x128xf32, #tpu.memory_space<vmem_shared>>)
    %add3A_456 = arith.constant 400 : i32
    %add3A_457 = arith.addi %mul3A_4, %add3A_456 : i32
    %dma_wait3A_458 = arith.constant 0 : i32
    %dma_wait3A_459 = tpu.memref_slice %arg15[%add3A_457, %dma_wait3A_458] : memref<10240x128xf32, #tpu.memory_space<vmem_shared>> -> memref<16x128xf32, #tpu.memory_space<vmem_shared>>
    %dma_wait3A_460 = arith.constant 0 : i32
    %dma_wait3A_461 = tpu.memref_slice %arg15[%add3A_457, %dma_wait3A_460] : memref<10240x128xf32, #tpu.memory_space<vmem_shared>> -> memref<16x128xf32, #tpu.memory_space<vmem_shared>>
    tpu.wait_dma2 semaphore(%arg23 : memref<!tpu.dma_semaphore, #tpu.memory_space<semaphore_mem>>) src(%arg14 : memref<16x128xf32, #tpu.memory_space<vmem>>) dst(%dma_wait3A_461 : memref<16x128xf32, #tpu.memory_space<vmem_shared>>)
    %add3A_462 = arith.constant 416 : i32
    %add3A_463 = arith.addi %mul3A_4, %add3A_462 : i32
    %dma_wait3A_464 = arith.constant 0 : i32
    %dma_wait3A_465 = tpu.memref_slice %arg15[%add3A_463, %dma_wait3A_464] : memref<10240x128xf32, #tpu.memory_space<vmem_shared>> -> memref<16x128xf32, #tpu.memory_space<vmem_shared>>
    %dma_wait3A_466 = arith.constant 0 : i32
    %dma_wait3A_467 = tpu.memref_slice %arg15[%add3A_463, %dma_wait3A_466] : memref<10240x128xf32, #tpu.memory_space<vmem_shared>> -> memref<16x128xf32, #tpu.memory_space<vmem_shared>>
    tpu.wait_dma2 semaphore(%arg23 : memref<!tpu.dma_semaphore, #tpu.memory_space<semaphore_mem>>) src(%arg14 : memref<16x128xf32, #tpu.memory_space<vmem>>) dst(%dma_wait3A_467 : memref<16x128xf32, #tpu.memory_space<vmem_shared>>)
    %add3A_468 = arith.constant 432 : i32
    %add3A_469 = arith.addi %mul3A_4, %add3A_468 : i32
    %dma_wait3A_470 = arith.constant 0 : i32
    %dma_wait3A_471 = tpu.memref_slice %arg15[%add3A_469, %dma_wait3A_470] : memref<10240x128xf32, #tpu.memory_space<vmem_shared>> -> memref<16x128xf32, #tpu.memory_space<vmem_shared>>
    %dma_wait3A_472 = arith.constant 0 : i32
    %dma_wait3A_473 = tpu.memref_slice %arg15[%add3A_469, %dma_wait3A_472] : memref<10240x128xf32, #tpu.memory_space<vmem_shared>> -> memref<16x128xf32, #tpu.memory_space<vmem_shared>>
    tpu.wait_dma2 semaphore(%arg23 : memref<!tpu.dma_semaphore, #tpu.memory_space<semaphore_mem>>) src(%arg14 : memref<16x128xf32, #tpu.memory_space<vmem>>) dst(%dma_wait3A_473 : memref<16x128xf32, #tpu.memory_space<vmem_shared>>)
    %add3A_474 = arith.constant 448 : i32
    %add3A_475 = arith.addi %mul3A_4, %add3A_474 : i32
    %dma_wait3A_476 = arith.constant 0 : i32
    %dma_wait3A_477 = tpu.memref_slice %arg15[%add3A_475, %dma_wait3A_476] : memref<10240x128xf32, #tpu.memory_space<vmem_shared>> -> memref<16x128xf32, #tpu.memory_space<vmem_shared>>
    %dma_wait3A_478 = arith.constant 0 : i32
    %dma_wait3A_479 = tpu.memref_slice %arg15[%add3A_475, %dma_wait3A_478] : memref<10240x128xf32, #tpu.memory_space<vmem_shared>> -> memref<16x128xf32, #tpu.memory_space<vmem_shared>>
    tpu.wait_dma2 semaphore(%arg23 : memref<!tpu.dma_semaphore, #tpu.memory_space<semaphore_mem>>) src(%arg14 : memref<16x128xf32, #tpu.memory_space<vmem>>) dst(%dma_wait3A_479 : memref<16x128xf32, #tpu.memory_space<vmem_shared>>)
    %add3A_480 = arith.constant 464 : i32
    %add3A_481 = arith.addi %mul3A_4, %add3A_480 : i32
    %dma_wait3A_482 = arith.constant 0 : i32
    %dma_wait3A_483 = tpu.memref_slice %arg15[%add3A_481, %dma_wait3A_482] : memref<10240x128xf32, #tpu.memory_space<vmem_shared>> -> memref<16x128xf32, #tpu.memory_space<vmem_shared>>
    %dma_wait3A_484 = arith.constant 0 : i32
    %dma_wait3A_485 = tpu.memref_slice %arg15[%add3A_481, %dma_wait3A_484] : memref<10240x128xf32, #tpu.memory_space<vmem_shared>> -> memref<16x128xf32, #tpu.memory_space<vmem_shared>>
    tpu.wait_dma2 semaphore(%arg23 : memref<!tpu.dma_semaphore, #tpu.memory_space<semaphore_mem>>) src(%arg14 : memref<16x128xf32, #tpu.memory_space<vmem>>) dst(%dma_wait3A_485 : memref<16x128xf32, #tpu.memory_space<vmem_shared>>)
    %add3A_486 = arith.constant 480 : i32
    %add3A_487 = arith.addi %mul3A_4, %add3A_486 : i32
    %dma_wait3A_488 = arith.constant 0 : i32
    %dma_wait3A_489 = tpu.memref_slice %arg15[%add3A_487, %dma_wait3A_488] : memref<10240x128xf32, #tpu.memory_space<vmem_shared>> -> memref<16x128xf32, #tpu.memory_space<vmem_shared>>
    %dma_wait3A_490 = arith.constant 0 : i32
    %dma_wait3A_491 = tpu.memref_slice %arg15[%add3A_487, %dma_wait3A_490] : memref<10240x128xf32, #tpu.memory_space<vmem_shared>> -> memref<16x128xf32, #tpu.memory_space<vmem_shared>>
    tpu.wait_dma2 semaphore(%arg23 : memref<!tpu.dma_semaphore, #tpu.memory_space<semaphore_mem>>) src(%arg14 : memref<16x128xf32, #tpu.memory_space<vmem>>) dst(%dma_wait3A_491 : memref<16x128xf32, #tpu.memory_space<vmem_shared>>)
    %add3A_492 = arith.constant 496 : i32
    %add3A_493 = arith.addi %mul3A_4, %add3A_492 : i32
    %dma_wait3A_494 = arith.constant 0 : i32
    %dma_wait3A_495 = tpu.memref_slice %arg15[%add3A_493, %dma_wait3A_494] : memref<10240x128xf32, #tpu.memory_space<vmem_shared>> -> memref<16x128xf32, #tpu.memory_space<vmem_shared>>
    %dma_wait3A_496 = arith.constant 0 : i32
    %dma_wait3A_497 = tpu.memref_slice %arg15[%add3A_493, %dma_wait3A_496] : memref<10240x128xf32, #tpu.memory_space<vmem_shared>> -> memref<16x128xf32, #tpu.memory_space<vmem_shared>>
    tpu.wait_dma2 semaphore(%arg23 : memref<!tpu.dma_semaphore, #tpu.memory_space<semaphore_mem>>) src(%arg14 : memref<16x128xf32, #tpu.memory_space<vmem>>) dst(%dma_wait3A_497 : memref<16x128xf32, #tpu.memory_space<vmem_shared>>)
    %add3A_498 = arith.constant 512 : i32
    %add3A_499 = arith.addi %mul3A_4, %add3A_498 : i32
    %dma_start3A_500 = arith.constant 0 : i32
    %dma_start3A_501 = tpu.memref_slice %arg15[%add3A_499, %dma_start3A_500] : memref<10240x128xf32, #tpu.memory_space<vmem_shared>> -> memref<16x128xf32, #tpu.memory_space<vmem_shared>>
    %dma_start3A_502 = arith.constant 0 : i32
    %dma_start3A_503 = tpu.memref_slice %arg15[%add3A_499, %dma_start3A_502] : memref<10240x128xf32, #tpu.memory_space<vmem_shared>> -> memref<16x128xf32, #tpu.memory_space<vmem_shared>>
    tpu.enqueue_dma source(%arg14 : memref<16x128xf32, #tpu.memory_space<vmem>>) target(%dma_start3A_503 : memref<16x128xf32, #tpu.memory_space<vmem_shared>>) target_semaphore(%arg23 : memref<!tpu.dma_semaphore, #tpu.memory_space<semaphore_mem>>)
    %add3A_504 = arith.constant 528 : i32
    %add3A_505 = arith.addi %mul3A_4, %add3A_504 : i32
    %dma_start3A_506 = arith.constant 0 : i32
    %dma_start3A_507 = tpu.memref_slice %arg15[%add3A_505, %dma_start3A_506] : memref<10240x128xf32, #tpu.memory_space<vmem_shared>> -> memref<16x128xf32, #tpu.memory_space<vmem_shared>>
    %dma_start3A_508 = arith.constant 0 : i32
    %dma_start3A_509 = tpu.memref_slice %arg15[%add3A_505, %dma_start3A_508] : memref<10240x128xf32, #tpu.memory_space<vmem_shared>> -> memref<16x128xf32, #tpu.memory_space<vmem_shared>>
    tpu.enqueue_dma source(%arg14 : memref<16x128xf32, #tpu.memory_space<vmem>>) target(%dma_start3A_509 : memref<16x128xf32, #tpu.memory_space<vmem_shared>>) target_semaphore(%arg23 : memref<!tpu.dma_semaphore, #tpu.memory_space<semaphore_mem>>)
    %add3A_510 = arith.constant 544 : i32
    %add3A_511 = arith.addi %mul3A_4, %add3A_510 : i32
    %dma_start3A_512 = arith.constant 0 : i32
    %dma_start3A_513 = tpu.memref_slice %arg15[%add3A_511, %dma_start3A_512] : memref<10240x128xf32, #tpu.memory_space<vmem_shared>> -> memref<16x128xf32, #tpu.memory_space<vmem_shared>>
    %dma_start3A_514 = arith.constant 0 : i32
    %dma_start3A_515 = tpu.memref_slice %arg15[%add3A_511, %dma_start3A_514] : memref<10240x128xf32, #tpu.memory_space<vmem_shared>> -> memref<16x128xf32, #tpu.memory_space<vmem_shared>>
    tpu.enqueue_dma source(%arg14 : memref<16x128xf32, #tpu.memory_space<vmem>>) target(%dma_start3A_515 : memref<16x128xf32, #tpu.memory_space<vmem_shared>>) target_semaphore(%arg23 : memref<!tpu.dma_semaphore, #tpu.memory_space<semaphore_mem>>)
    %add3A_516 = arith.constant 560 : i32
    %add3A_517 = arith.addi %mul3A_4, %add3A_516 : i32
    %dma_start3A_518 = arith.constant 0 : i32
    %dma_start3A_519 = tpu.memref_slice %arg15[%add3A_517, %dma_start3A_518] : memref<10240x128xf32, #tpu.memory_space<vmem_shared>> -> memref<16x128xf32, #tpu.memory_space<vmem_shared>>
    %dma_start3A_520 = arith.constant 0 : i32
    %dma_start3A_521 = tpu.memref_slice %arg15[%add3A_517, %dma_start3A_520] : memref<10240x128xf32, #tpu.memory_space<vmem_shared>> -> memref<16x128xf32, #tpu.memory_space<vmem_shared>>
    tpu.enqueue_dma source(%arg14 : memref<16x128xf32, #tpu.memory_space<vmem>>) target(%dma_start3A_521 : memref<16x128xf32, #tpu.memory_space<vmem_shared>>) target_semaphore(%arg23 : memref<!tpu.dma_semaphore, #tpu.memory_space<semaphore_mem>>)
    %add3A_522 = arith.constant 576 : i32
    %add3A_523 = arith.addi %mul3A_4, %add3A_522 : i32
    %dma_start3A_524 = arith.constant 0 : i32
    %dma_start3A_525 = tpu.memref_slice %arg15[%add3A_523, %dma_start3A_524] : memref<10240x128xf32, #tpu.memory_space<vmem_shared>> -> memref<16x128xf32, #tpu.memory_space<vmem_shared>>
    %dma_start3A_526 = arith.constant 0 : i32
    %dma_start3A_527 = tpu.memref_slice %arg15[%add3A_523, %dma_start3A_526] : memref<10240x128xf32, #tpu.memory_space<vmem_shared>> -> memref<16x128xf32, #tpu.memory_space<vmem_shared>>
    tpu.enqueue_dma source(%arg14 : memref<16x128xf32, #tpu.memory_space<vmem>>) target(%dma_start3A_527 : memref<16x128xf32, #tpu.memory_space<vmem_shared>>) target_semaphore(%arg23 : memref<!tpu.dma_semaphore, #tpu.memory_space<semaphore_mem>>)
    %add3A_528 = arith.constant 592 : i32
    %add3A_529 = arith.addi %mul3A_4, %add3A_528 : i32
    %dma_start3A_530 = arith.constant 0 : i32
    %dma_start3A_531 = tpu.memref_slice %arg15[%add3A_529, %dma_start3A_530] : memref<10240x128xf32, #tpu.memory_space<vmem_shared>> -> memref<16x128xf32, #tpu.memory_space<vmem_shared>>
    %dma_start3A_532 = arith.constant 0 : i32
    %dma_start3A_533 = tpu.memref_slice %arg15[%add3A_529, %dma_start3A_532] : memref<10240x128xf32, #tpu.memory_space<vmem_shared>> -> memref<16x128xf32, #tpu.memory_space<vmem_shared>>
    tpu.enqueue_dma source(%arg14 : memref<16x128xf32, #tpu.memory_space<vmem>>) target(%dma_start3A_533 : memref<16x128xf32, #tpu.memory_space<vmem_shared>>) target_semaphore(%arg23 : memref<!tpu.dma_semaphore, #tpu.memory_space<semaphore_mem>>)
    %add3A_534 = arith.constant 608 : i32
    %add3A_535 = arith.addi %mul3A_4, %add3A_534 : i32
    %dma_start3A_536 = arith.constant 0 : i32
    %dma_start3A_537 = tpu.memref_slice %arg15[%add3A_535, %dma_start3A_536] : memref<10240x128xf32, #tpu.memory_space<vmem_shared>> -> memref<16x128xf32, #tpu.memory_space<vmem_shared>>
    %dma_start3A_538 = arith.constant 0 : i32
    %dma_start3A_539 = tpu.memref_slice %arg15[%add3A_535, %dma_start3A_538] : memref<10240x128xf32, #tpu.memory_space<vmem_shared>> -> memref<16x128xf32, #tpu.memory_space<vmem_shared>>
    tpu.enqueue_dma source(%arg14 : memref<16x128xf32, #tpu.memory_space<vmem>>) target(%dma_start3A_539 : memref<16x128xf32, #tpu.memory_space<vmem_shared>>) target_semaphore(%arg23 : memref<!tpu.dma_semaphore, #tpu.memory_space<semaphore_mem>>)
    %add3A_540 = arith.constant 624 : i32
    %add3A_541 = arith.addi %mul3A_4, %add3A_540 : i32
    %dma_start3A_542 = arith.constant 0 : i32
    %dma_start3A_543 = tpu.memref_slice %arg15[%add3A_541, %dma_start3A_542] : memref<10240x128xf32, #tpu.memory_space<vmem_shared>> -> memref<16x128xf32, #tpu.memory_space<vmem_shared>>
    %dma_start3A_544 = arith.constant 0 : i32
    %dma_start3A_545 = tpu.memref_slice %arg15[%add3A_541, %dma_start3A_544] : memref<10240x128xf32, #tpu.memory_space<vmem_shared>> -> memref<16x128xf32, #tpu.memory_space<vmem_shared>>
    tpu.enqueue_dma source(%arg14 : memref<16x128xf32, #tpu.memory_space<vmem>>) target(%dma_start3A_545 : memref<16x128xf32, #tpu.memory_space<vmem_shared>>) target_semaphore(%arg23 : memref<!tpu.dma_semaphore, #tpu.memory_space<semaphore_mem>>)
    %add3A_546 = arith.constant 512 : i32
    %add3A_547 = arith.addi %mul3A_4, %add3A_546 : i32
    %dma_wait3A_548 = arith.constant 0 : i32
    %dma_wait3A_549 = tpu.memref_slice %arg15[%add3A_547, %dma_wait3A_548] : memref<10240x128xf32, #tpu.memory_space<vmem_shared>> -> memref<16x128xf32, #tpu.memory_space<vmem_shared>>
    %dma_wait3A_550 = arith.constant 0 : i32
    %dma_wait3A_551 = tpu.memref_slice %arg15[%add3A_547, %dma_wait3A_550] : memref<10240x128xf32, #tpu.memory_space<vmem_shared>> -> memref<16x128xf32, #tpu.memory_space<vmem_shared>>
    tpu.wait_dma2 semaphore(%arg23 : memref<!tpu.dma_semaphore, #tpu.memory_space<semaphore_mem>>) src(%arg14 : memref<16x128xf32, #tpu.memory_space<vmem>>) dst(%dma_wait3A_551 : memref<16x128xf32, #tpu.memory_space<vmem_shared>>)
    %add3A_552 = arith.constant 528 : i32
    %add3A_553 = arith.addi %mul3A_4, %add3A_552 : i32
    %dma_wait3A_554 = arith.constant 0 : i32
    %dma_wait3A_555 = tpu.memref_slice %arg15[%add3A_553, %dma_wait3A_554] : memref<10240x128xf32, #tpu.memory_space<vmem_shared>> -> memref<16x128xf32, #tpu.memory_space<vmem_shared>>
    %dma_wait3A_556 = arith.constant 0 : i32
    %dma_wait3A_557 = tpu.memref_slice %arg15[%add3A_553, %dma_wait3A_556] : memref<10240x128xf32, #tpu.memory_space<vmem_shared>> -> memref<16x128xf32, #tpu.memory_space<vmem_shared>>
    tpu.wait_dma2 semaphore(%arg23 : memref<!tpu.dma_semaphore, #tpu.memory_space<semaphore_mem>>) src(%arg14 : memref<16x128xf32, #tpu.memory_space<vmem>>) dst(%dma_wait3A_557 : memref<16x128xf32, #tpu.memory_space<vmem_shared>>)
    %add3A_558 = arith.constant 544 : i32
    %add3A_559 = arith.addi %mul3A_4, %add3A_558 : i32
    %dma_wait3A_560 = arith.constant 0 : i32
    %dma_wait3A_561 = tpu.memref_slice %arg15[%add3A_559, %dma_wait3A_560] : memref<10240x128xf32, #tpu.memory_space<vmem_shared>> -> memref<16x128xf32, #tpu.memory_space<vmem_shared>>
    %dma_wait3A_562 = arith.constant 0 : i32
    %dma_wait3A_563 = tpu.memref_slice %arg15[%add3A_559, %dma_wait3A_562] : memref<10240x128xf32, #tpu.memory_space<vmem_shared>> -> memref<16x128xf32, #tpu.memory_space<vmem_shared>>
    tpu.wait_dma2 semaphore(%arg23 : memref<!tpu.dma_semaphore, #tpu.memory_space<semaphore_mem>>) src(%arg14 : memref<16x128xf32, #tpu.memory_space<vmem>>) dst(%dma_wait3A_563 : memref<16x128xf32, #tpu.memory_space<vmem_shared>>)
    %add3A_564 = arith.constant 560 : i32
    %add3A_565 = arith.addi %mul3A_4, %add3A_564 : i32
    %dma_wait3A_566 = arith.constant 0 : i32
    %dma_wait3A_567 = tpu.memref_slice %arg15[%add3A_565, %dma_wait3A_566] : memref<10240x128xf32, #tpu.memory_space<vmem_shared>> -> memref<16x128xf32, #tpu.memory_space<vmem_shared>>
    %dma_wait3A_568 = arith.constant 0 : i32
    %dma_wait3A_569 = tpu.memref_slice %arg15[%add3A_565, %dma_wait3A_568] : memref<10240x128xf32, #tpu.memory_space<vmem_shared>> -> memref<16x128xf32, #tpu.memory_space<vmem_shared>>
    tpu.wait_dma2 semaphore(%arg23 : memref<!tpu.dma_semaphore, #tpu.memory_space<semaphore_mem>>) src(%arg14 : memref<16x128xf32, #tpu.memory_space<vmem>>) dst(%dma_wait3A_569 : memref<16x128xf32, #tpu.memory_space<vmem_shared>>)
    %add3A_570 = arith.constant 576 : i32
    %add3A_571 = arith.addi %mul3A_4, %add3A_570 : i32
    %dma_wait3A_572 = arith.constant 0 : i32
    %dma_wait3A_573 = tpu.memref_slice %arg15[%add3A_571, %dma_wait3A_572] : memref<10240x128xf32, #tpu.memory_space<vmem_shared>> -> memref<16x128xf32, #tpu.memory_space<vmem_shared>>
    %dma_wait3A_574 = arith.constant 0 : i32
    %dma_wait3A_575 = tpu.memref_slice %arg15[%add3A_571, %dma_wait3A_574] : memref<10240x128xf32, #tpu.memory_space<vmem_shared>> -> memref<16x128xf32, #tpu.memory_space<vmem_shared>>
    tpu.wait_dma2 semaphore(%arg23 : memref<!tpu.dma_semaphore, #tpu.memory_space<semaphore_mem>>) src(%arg14 : memref<16x128xf32, #tpu.memory_space<vmem>>) dst(%dma_wait3A_575 : memref<16x128xf32, #tpu.memory_space<vmem_shared>>)
    %add3A_576 = arith.constant 592 : i32
    %add3A_577 = arith.addi %mul3A_4, %add3A_576 : i32
    %dma_wait3A_578 = arith.constant 0 : i32
    %dma_wait3A_579 = tpu.memref_slice %arg15[%add3A_577, %dma_wait3A_578] : memref<10240x128xf32, #tpu.memory_space<vmem_shared>> -> memref<16x128xf32, #tpu.memory_space<vmem_shared>>
    %dma_wait3A_580 = arith.constant 0 : i32
    %dma_wait3A_581 = tpu.memref_slice %arg15[%add3A_577, %dma_wait3A_580] : memref<10240x128xf32, #tpu.memory_space<vmem_shared>> -> memref<16x128xf32, #tpu.memory_space<vmem_shared>>
    tpu.wait_dma2 semaphore(%arg23 : memref<!tpu.dma_semaphore, #tpu.memory_space<semaphore_mem>>) src(%arg14 : memref<16x128xf32, #tpu.memory_space<vmem>>) dst(%dma_wait3A_581 : memref<16x128xf32, #tpu.memory_space<vmem_shared>>)
    %add3A_582 = arith.constant 608 : i32
    %add3A_583 = arith.addi %mul3A_4, %add3A_582 : i32
    %dma_wait3A_584 = arith.constant 0 : i32
    %dma_wait3A_585 = tpu.memref_slice %arg15[%add3A_583, %dma_wait3A_584] : memref<10240x128xf32, #tpu.memory_space<vmem_shared>> -> memref<16x128xf32, #tpu.memory_space<vmem_shared>>
    %dma_wait3A_586 = arith.constant 0 : i32
    %dma_wait3A_587 = tpu.memref_slice %arg15[%add3A_583, %dma_wait3A_586] : memref<10240x128xf32, #tpu.memory_space<vmem_shared>> -> memref<16x128xf32, #tpu.memory_space<vmem_shared>>
    tpu.wait_dma2 semaphore(%arg23 : memref<!tpu.dma_semaphore, #tpu.memory_space<semaphore_mem>>) src(%arg14 : memref<16x128xf32, #tpu.memory_space<vmem>>) dst(%dma_wait3A_587 : memref<16x128xf32, #tpu.memory_space<vmem_shared>>)
    %add3A_588 = arith.constant 624 : i32
    %add3A_589 = arith.addi %mul3A_4, %add3A_588 : i32
    %dma_wait3A_590 = arith.constant 0 : i32
    %dma_wait3A_591 = tpu.memref_slice %arg15[%add3A_589, %dma_wait3A_590] : memref<10240x128xf32, #tpu.memory_space<vmem_shared>> -> memref<16x128xf32, #tpu.memory_space<vmem_shared>>
    %dma_wait3A_592 = arith.constant 0 : i32
    %dma_wait3A_593 = tpu.memref_slice %arg15[%add3A_589, %dma_wait3A_592] : memref<10240x128xf32, #tpu.memory_space<vmem_shared>> -> memref<16x128xf32, #tpu.memory_space<vmem_shared>>
    tpu.wait_dma2 semaphore(%arg23 : memref<!tpu.dma_semaphore, #tpu.memory_space<semaphore_mem>>) src(%arg14 : memref<16x128xf32, #tpu.memory_space<vmem>>) dst(%dma_wait3A_593 : memref<16x128xf32, #tpu.memory_space<vmem_shared>>)
    %add3A_594 = arith.constant 0 : i32
    %add3A_595 = arith.addi %mul3A_4, %add3A_594 : i32
    %dma_wait3A_596 = arith.constant 0 : i32
    %dma_wait3A_597 = tpu.memref_slice %arg16[%add3A_595, %dma_wait3A_596] : memref<10240x16xf32, #tpu.memory_space<vmem_shared>> -> memref<80x16xf32, #tpu.memory_space<vmem_shared>>
    %dma_wait3A_598 = arith.constant 0 : i32
    %dma_wait3A_599 = tpu.memref_slice %arg16[%add3A_595, %dma_wait3A_598] : memref<10240x16xf32, #tpu.memory_space<vmem_shared>> -> memref<80x16xf32, #tpu.memory_space<vmem_shared>>
    tpu.wait_dma2 semaphore(%arg24 : memref<!tpu.dma_semaphore, #tpu.memory_space<semaphore_mem>>) src(%arg18 : memref<80x16xf32, #tpu.memory_space<vmem>>) dst(%dma_wait3A_599 : memref<80x16xf32, #tpu.memory_space<vmem_shared>>)
    %add3A_600 = arith.constant 80 : i32
    %add3A_601 = arith.addi %mul3A_4, %add3A_600 : i32
    %dma_wait3A_602 = arith.constant 0 : i32
    %dma_wait3A_603 = tpu.memref_slice %arg16[%add3A_601, %dma_wait3A_602] : memref<10240x16xf32, #tpu.memory_space<vmem_shared>> -> memref<80x16xf32, #tpu.memory_space<vmem_shared>>
    %dma_wait3A_604 = arith.constant 0 : i32
    %dma_wait3A_605 = tpu.memref_slice %arg16[%add3A_601, %dma_wait3A_604] : memref<10240x16xf32, #tpu.memory_space<vmem_shared>> -> memref<80x16xf32, #tpu.memory_space<vmem_shared>>
    tpu.wait_dma2 semaphore(%arg24 : memref<!tpu.dma_semaphore, #tpu.memory_space<semaphore_mem>>) src(%arg18 : memref<80x16xf32, #tpu.memory_space<vmem>>) dst(%dma_wait3A_605 : memref<80x16xf32, #tpu.memory_space<vmem_shared>>)
    %add3A_606 = arith.constant 160 : i32
    %add3A_607 = arith.addi %mul3A_4, %add3A_606 : i32
    %dma_wait3A_608 = arith.constant 0 : i32
    %dma_wait3A_609 = tpu.memref_slice %arg16[%add3A_607, %dma_wait3A_608] : memref<10240x16xf32, #tpu.memory_space<vmem_shared>> -> memref<80x16xf32, #tpu.memory_space<vmem_shared>>
    %dma_wait3A_610 = arith.constant 0 : i32
    %dma_wait3A_611 = tpu.memref_slice %arg16[%add3A_607, %dma_wait3A_610] : memref<10240x16xf32, #tpu.memory_space<vmem_shared>> -> memref<80x16xf32, #tpu.memory_space<vmem_shared>>
    tpu.wait_dma2 semaphore(%arg24 : memref<!tpu.dma_semaphore, #tpu.memory_space<semaphore_mem>>) src(%arg18 : memref<80x16xf32, #tpu.memory_space<vmem>>) dst(%dma_wait3A_611 : memref<80x16xf32, #tpu.memory_space<vmem_shared>>)
    %add3A_612 = arith.constant 240 : i32
    %add3A_613 = arith.addi %mul3A_4, %add3A_612 : i32
    %dma_wait3A_614 = arith.constant 0 : i32
    %dma_wait3A_615 = tpu.memref_slice %arg16[%add3A_613, %dma_wait3A_614] : memref<10240x16xf32, #tpu.memory_space<vmem_shared>> -> memref<80x16xf32, #tpu.memory_space<vmem_shared>>
    %dma_wait3A_616 = arith.constant 0 : i32
    %dma_wait3A_617 = tpu.memref_slice %arg16[%add3A_613, %dma_wait3A_616] : memref<10240x16xf32, #tpu.memory_space<vmem_shared>> -> memref<80x16xf32, #tpu.memory_space<vmem_shared>>
    tpu.wait_dma2 semaphore(%arg24 : memref<!tpu.dma_semaphore, #tpu.memory_space<semaphore_mem>>) src(%arg18 : memref<80x16xf32, #tpu.memory_space<vmem>>) dst(%dma_wait3A_617 : memref<80x16xf32, #tpu.memory_space<vmem_shared>>)
    %add3A_618 = arith.constant 320 : i32
    %add3A_619 = arith.addi %mul3A_4, %add3A_618 : i32
    %dma_wait3A_620 = arith.constant 0 : i32
    %dma_wait3A_621 = tpu.memref_slice %arg16[%add3A_619, %dma_wait3A_620] : memref<10240x16xf32, #tpu.memory_space<vmem_shared>> -> memref<80x16xf32, #tpu.memory_space<vmem_shared>>
    %dma_wait3A_622 = arith.constant 0 : i32
    %dma_wait3A_623 = tpu.memref_slice %arg16[%add3A_619, %dma_wait3A_622] : memref<10240x16xf32, #tpu.memory_space<vmem_shared>> -> memref<80x16xf32, #tpu.memory_space<vmem_shared>>
    tpu.wait_dma2 semaphore(%arg24 : memref<!tpu.dma_semaphore, #tpu.memory_space<semaphore_mem>>) src(%arg18 : memref<80x16xf32, #tpu.memory_space<vmem>>) dst(%dma_wait3A_623 : memref<80x16xf32, #tpu.memory_space<vmem_shared>>)
    %add3A_624 = arith.constant 400 : i32
    %add3A_625 = arith.addi %mul3A_4, %add3A_624 : i32
    %dma_wait3A_626 = arith.constant 0 : i32
    %dma_wait3A_627 = tpu.memref_slice %arg16[%add3A_625, %dma_wait3A_626] : memref<10240x16xf32, #tpu.memory_space<vmem_shared>> -> memref<80x16xf32, #tpu.memory_space<vmem_shared>>
    %dma_wait3A_628 = arith.constant 0 : i32
    %dma_wait3A_629 = tpu.memref_slice %arg16[%add3A_625, %dma_wait3A_628] : memref<10240x16xf32, #tpu.memory_space<vmem_shared>> -> memref<80x16xf32, #tpu.memory_space<vmem_shared>>
    tpu.wait_dma2 semaphore(%arg24 : memref<!tpu.dma_semaphore, #tpu.memory_space<semaphore_mem>>) src(%arg18 : memref<80x16xf32, #tpu.memory_space<vmem>>) dst(%dma_wait3A_629 : memref<80x16xf32, #tpu.memory_space<vmem_shared>>)
    %add3A_630 = arith.constant 480 : i32
    %add3A_631 = arith.addi %mul3A_4, %add3A_630 : i32
    %dma_wait3A_632 = arith.constant 0 : i32
    %dma_wait3A_633 = tpu.memref_slice %arg16[%add3A_631, %dma_wait3A_632] : memref<10240x16xf32, #tpu.memory_space<vmem_shared>> -> memref<80x16xf32, #tpu.memory_space<vmem_shared>>
    %dma_wait3A_634 = arith.constant 0 : i32
    %dma_wait3A_635 = tpu.memref_slice %arg16[%add3A_631, %dma_wait3A_634] : memref<10240x16xf32, #tpu.memory_space<vmem_shared>> -> memref<80x16xf32, #tpu.memory_space<vmem_shared>>
    tpu.wait_dma2 semaphore(%arg24 : memref<!tpu.dma_semaphore, #tpu.memory_space<semaphore_mem>>) src(%arg18 : memref<80x16xf32, #tpu.memory_space<vmem>>) dst(%dma_wait3A_635 : memref<80x16xf32, #tpu.memory_space<vmem_shared>>)
    %add3A_636 = arith.constant 560 : i32
    %add3A_637 = arith.addi %mul3A_4, %add3A_636 : i32
    %dma_wait3A_638 = arith.constant 0 : i32
    %dma_wait3A_639 = tpu.memref_slice %arg16[%add3A_637, %dma_wait3A_638] : memref<10240x16xf32, #tpu.memory_space<vmem_shared>> -> memref<80x16xf32, #tpu.memory_space<vmem_shared>>
    %dma_wait3A_640 = arith.constant 0 : i32
    %dma_wait3A_641 = tpu.memref_slice %arg16[%add3A_637, %dma_wait3A_640] : memref<10240x16xf32, #tpu.memory_space<vmem_shared>> -> memref<80x16xf32, #tpu.memory_space<vmem_shared>>
    tpu.wait_dma2 semaphore(%arg24 : memref<!tpu.dma_semaphore, #tpu.memory_space<semaphore_mem>>) src(%arg18 : memref<80x16xf32, #tpu.memory_space<vmem>>) dst(%dma_wait3A_641 : memref<80x16xf32, #tpu.memory_space<vmem_shared>>)
    %barrier3A = arith.constant 0 : index
    tpu.barrier barrier_id(%barrier3A)
    %scan3A = arith.constant 0 : i32
    %scan3A_642 = arith.constant 0 : i32
    %scan3A_643 = arith.constant 21 : i32
    %scan3A_644 = arith.addi %scan3A_642, %scan3A_643 : i32
    %scan3A_645 = arith.constant 1 : i32
    scf.for %scan3A_936 = %scan3A_642 to %scan3A_644 step %scan3A_645  : i32 {
      %mul3A_937 = arith.constant 2 : i32
      %mul3A_938 = arith.muli %mul3A_937, %scan3A_936 : i32
      %add3A_939 = arith.constant 0 : i32
      %add3A_940 = arith.addi %mul3A_938, %add3A_939 : i32
      %add3A_941 = arith.constant 1 : i32
      %add3A_942 = arith.addi %add3A_940, %add3A_941 : i32
      %lt3A = arith.constant 42 : i32
      %lt3A_943 = arith.cmpi slt, %add3A_942, %lt3A : i32
      %convert_element_type3A = arith.extui %lt3A_943 : i1 to i32
      %cond3A = arith.constant 0 : i32
      %cond3A_944 = arith.cmpi ne, %convert_element_type3A, %cond3A : i32
      scf.if %cond3A_944 {
        %add3A_1084 = arith.constant 1 : i32
        %add3A_1085 = arith.addi %add3A_940, %add3A_1084 : i32
        %mul3A_1086 = arith.constant 3 : i32
        %mul3A_1087 = arith.muli %add3A_1085, %mul3A_1086 : i32
        %add3A_1088 = arith.addi %mul3A_2, %mul3A_1087 : i32
        %dma_wait3A_1089 = arith.constant 0 : i32
        %dma_wait3A_1090 = arith.constant 1 : i32
        %dma_wait3A_1091 = arith.constant 0 : i32
        %dma_wait3A_1092 = arith.constant 0 : i32
        %dma_wait3A_1093 = tpu.memref_slice %arg9[%dma_wait3A_1090, %dma_wait3A_1091, %dma_wait3A_1092] : memref<2x3x80xi32, #tpu.memory_space<vmem>> -> memref<1x3x80xi32, #tpu.memory_space<vmem>>
        %dma_wait3A_1094 = tpu.memref_squeeze %dma_wait3A_1093 : memref<1x3x80xi32, #tpu.memory_space<vmem>> -> memref<3x80xi32, #tpu.memory_space<vmem>>
        %dma_wait3A_1095 = arith.constant 0 : i32
        %dma_wait3A_1096 = tpu.memref_slice %arg3[%dma_wait3A_1089, %add3A_1088, %dma_wait3A_1095] : memref<2x4032x80xi32, #tpu.memory_space<hbm>> -> memref<1x3x80xi32, #tpu.memory_space<hbm>>
        %dma_wait3A_1097 = tpu.memref_squeeze %dma_wait3A_1096 : memref<1x3x80xi32, #tpu.memory_space<hbm>> -> memref<3x80xi32, #tpu.memory_space<hbm>>
        %dma_wait3A_1098 = arith.constant 0 : i32
        %dma_wait3A_1099 = arith.constant 0 : i32
        %dma_wait3A_1100 = tpu.memref_slice %arg9[%dma_wait3A_1090, %dma_wait3A_1098, %dma_wait3A_1099] : memref<2x3x80xi32, #tpu.memory_space<vmem>> -> memref<1x3x80xi32, #tpu.memory_space<vmem>>
        %dma_wait3A_1101 = tpu.memref_squeeze %dma_wait3A_1100 : memref<1x3x80xi32, #tpu.memory_space<vmem>> -> memref<3x80xi32, #tpu.memory_space<vmem>>
        %dma_wait3A_1102 = arith.constant 0 : i32
        %dma_wait3A_1103 = tpu.memref_slice %arg3[%dma_wait3A_1089, %add3A_1088, %dma_wait3A_1102] : memref<2x4032x80xi32, #tpu.memory_space<hbm>> -> memref<1x3x80xi32, #tpu.memory_space<hbm>>
        %dma_wait3A_1104 = tpu.memref_squeeze %dma_wait3A_1103 : memref<1x3x80xi32, #tpu.memory_space<hbm>> -> memref<3x80xi32, #tpu.memory_space<hbm>>
        tpu.wait_dma2 semaphore(%arg22 : memref<!tpu.dma_semaphore, #tpu.memory_space<semaphore_mem>>) src(%dma_wait3A_1104 : memref<3x80xi32, #tpu.memory_space<hbm>>) dst(%dma_wait3A_1101 : memref<3x80xi32, #tpu.memory_space<vmem>>)
        %add3A_1105 = arith.constant 1 : i32
        %add3A_1106 = arith.addi %add3A_940, %add3A_1105 : i32
        %mul3A_1107 = arith.constant 3 : i32
        %mul3A_1108 = arith.muli %add3A_1106, %mul3A_1107 : i32
        %add3A_1109 = arith.addi %mul3A_2, %mul3A_1108 : i32
        %dma_wait3A_1110 = arith.constant 1 : i32
        %dma_wait3A_1111 = arith.constant 1 : i32
        %dma_wait3A_1112 = arith.constant 0 : i32
        %dma_wait3A_1113 = arith.constant 0 : i32
        %dma_wait3A_1114 = tpu.memref_slice %arg10[%dma_wait3A_1111, %dma_wait3A_1112, %dma_wait3A_1113] : memref<2x3x80xi32, #tpu.memory_space<vmem>> -> memref<1x3x80xi32, #tpu.memory_space<vmem>>
        %dma_wait3A_1115 = tpu.memref_squeeze %dma_wait3A_1114 : memref<1x3x80xi32, #tpu.memory_space<vmem>> -> memref<3x80xi32, #tpu.memory_space<vmem>>
        %dma_wait3A_1116 = arith.constant 0 : i32
        %dma_wait3A_1117 = tpu.memref_slice %arg3[%dma_wait3A_1110, %add3A_1109, %dma_wait3A_1116] : memref<2x4032x80xi32, #tpu.memory_space<hbm>> -> memref<1x3x80xi32, #tpu.memory_space<hbm>>
        %dma_wait3A_1118 = tpu.memref_squeeze %dma_wait3A_1117 : memref<1x3x80xi32, #tpu.memory_space<hbm>> -> memref<3x80xi32, #tpu.memory_space<hbm>>
        %dma_wait3A_1119 = arith.constant 0 : i32
        %dma_wait3A_1120 = arith.constant 0 : i32
        %dma_wait3A_1121 = tpu.memref_slice %arg10[%dma_wait3A_1111, %dma_wait3A_1119, %dma_wait3A_1120] : memref<2x3x80xi32, #tpu.memory_space<vmem>> -> memref<1x3x80xi32, #tpu.memory_space<vmem>>
        %dma_wait3A_1122 = tpu.memref_squeeze %dma_wait3A_1121 : memref<1x3x80xi32, #tpu.memory_space<vmem>> -> memref<3x80xi32, #tpu.memory_space<vmem>>
        %dma_wait3A_1123 = arith.constant 0 : i32
        %dma_wait3A_1124 = tpu.memref_slice %arg3[%dma_wait3A_1110, %add3A_1109, %dma_wait3A_1123] : memref<2x4032x80xi32, #tpu.memory_space<hbm>> -> memref<1x3x80xi32, #tpu.memory_space<hbm>>
        %dma_wait3A_1125 = tpu.memref_squeeze %dma_wait3A_1124 : memref<1x3x80xi32, #tpu.memory_space<hbm>> -> memref<3x80xi32, #tpu.memory_space<hbm>>
        tpu.wait_dma2 semaphore(%arg22 : memref<!tpu.dma_semaphore, #tpu.memory_space<semaphore_mem>>) src(%dma_wait3A_1125 : memref<3x80xi32, #tpu.memory_space<hbm>>) dst(%dma_wait3A_1122 : memref<3x80xi32, #tpu.memory_space<vmem>>)
      } else {
      }
      %dma_wait3A_945 = arith.constant 0 : i32
      %dma_wait3A_946 = arith.constant 0 : i32
      %dma_wait3A_947 = arith.constant 0 : i32
      %dma_wait3A_948 = tpu.memref_slice %arg9[%dma_wait3A_945, %dma_wait3A_946, %dma_wait3A_947] : memref<2x3x80xi32, #tpu.memory_space<vmem>> -> memref<1x1x80xi32, #tpu.memory_space<vmem>>
      %dma_wait3A_949 = tpu.memref_squeeze %dma_wait3A_948 : memref<1x1x80xi32, #tpu.memory_space<vmem>> -> memref<80xi32, #tpu.memory_space<vmem>>
      %dma_wait3A_950 = arith.constant 0 : i32
      %dma_wait3A_951 = arith.constant 0 : i32
      %dma_wait3A_952 = tpu.memref_slice %arg2[%dma_wait3A_950, %dma_wait3A_951] : memref<10000x128xf32, #tpu.memory_space<hbm>> -> memref<10000x128xf32, #tpu.memory_space<hbm>>
      tpu.wait_indirect_dma semaphore(%arg19 : memref<!tpu.dma_semaphore, #tpu.memory_space<semaphore_mem>>) src(%dma_wait3A_952 : memref<10000x128xf32, #tpu.memory_space<hbm>>) dst(%arg11 : memref<80x128xf32, #tpu.memory_space<vmem>>)
      %run_scoped3A_953 = arith.constant 0 : i32
      %run_scoped3A_954 = arith.constant 0 : i32
      "tpu.region"() ({
        %run_scoped3A_1084 = tpu.sem_alloc : memref<!tpu.dma_semaphore, #tpu.memory_space<semaphore_mem>>
        %dma_start3A_1085 = arith.constant 0 : i32
        %dma_start3A_1086 = tpu.memref_slice %arg10[%run_scoped3A_953, %run_scoped3A_954, %dma_start3A_1085] : memref<2x3x80xi32, #tpu.memory_space<vmem>> -> memref<1x1x80xi32, #tpu.memory_space<vmem>>
        %dma_start3A_1087 = tpu.memref_squeeze %dma_start3A_1086 : memref<1x1x80xi32, #tpu.memory_space<vmem>> -> memref<80xi32, #tpu.memory_space<vmem>>
        %dma_start3A_1088 = arith.constant 0 : i32
        %dma_start3A_1089 = arith.constant 0 : i32
        %dma_start3A_1090 = tpu.memref_slice %arg15[%dma_start3A_1088, %dma_start3A_1089] : memref<10240x128xf32, #tpu.memory_space<vmem_shared>> -> memref<10240x128xf32, #tpu.memory_space<vmem_shared>>
        tpu.enqueue_indirect_dma source(%arg11 : memref<80x128xf32, #tpu.memory_space<vmem>>) target(%dma_start3A_1090 : memref<10240x128xf32, #tpu.memory_space<vmem_shared>>) offsets(%dma_start3A_1087 : memref<80xi32, #tpu.memory_space<vmem>>) semaphore(%run_scoped3A_1084 : memref<!tpu.dma_semaphore, #tpu.memory_space<semaphore_mem>>) {add = true}
        %dma_wait3A_1091 = arith.constant 0 : i32
        %dma_wait3A_1092 = tpu.memref_slice %arg10[%run_scoped3A_953, %run_scoped3A_954, %dma_wait3A_1091] : memref<2x3x80xi32, #tpu.memory_space<vmem>> -> memref<1x1x80xi32, #tpu.memory_space<vmem>>
        %dma_wait3A_1093 = tpu.memref_squeeze %dma_wait3A_1092 : memref<1x1x80xi32, #tpu.memory_space<vmem>> -> memref<80xi32, #tpu.memory_space<vmem>>
        %dma_wait3A_1094 = arith.constant 0 : i32
        %dma_wait3A_1095 = arith.constant 0 : i32
        %dma_wait3A_1096 = tpu.memref_slice %arg15[%dma_wait3A_1094, %dma_wait3A_1095] : memref<10240x128xf32, #tpu.memory_space<vmem_shared>> -> memref<10240x128xf32, #tpu.memory_space<vmem_shared>>
        tpu.wait_indirect_dma semaphore(%run_scoped3A_1084 : memref<!tpu.dma_semaphore, #tpu.memory_space<semaphore_mem>>) src(%arg11 : memref<80x128xf32, #tpu.memory_space<vmem>>) dst(%dma_wait3A_1096 : memref<10240x128xf32, #tpu.memory_space<vmem_shared>>)
        tpu.yield
      }) : () -> ()
      %run_scoped3A_955 = arith.constant 0 : i32
      %run_scoped3A_956 = arith.constant 0 : i32
      "tpu.region"() ({
        %run_scoped3A_1084 = tpu.sem_alloc : memref<!tpu.dma_semaphore, #tpu.memory_space<semaphore_mem>>
        %dma_start3A_1085 = arith.constant 0 : i32
        %dma_start3A_1086 = tpu.memref_slice %arg10[%run_scoped3A_955, %run_scoped3A_956, %dma_start3A_1085] : memref<2x3x80xi32, #tpu.memory_space<vmem>> -> memref<1x1x80xi32, #tpu.memory_space<vmem>>
        %dma_start3A_1087 = tpu.memref_squeeze %dma_start3A_1086 : memref<1x1x80xi32, #tpu.memory_space<vmem>> -> memref<80xi32, #tpu.memory_space<vmem>>
        %dma_start3A_1088 = arith.constant 0 : i32
        %dma_start3A_1089 = arith.constant 0 : i32
        %dma_start3A_1090 = tpu.memref_slice %arg16[%dma_start3A_1088, %dma_start3A_1089] : memref<10240x16xf32, #tpu.memory_space<vmem_shared>> -> memref<10240x16xf32, #tpu.memory_space<vmem_shared>>
        tpu.enqueue_indirect_dma source(%arg17 : memref<80x16xf32, #tpu.memory_space<vmem>>) target(%dma_start3A_1090 : memref<10240x16xf32, #tpu.memory_space<vmem_shared>>) offsets(%dma_start3A_1087 : memref<80xi32, #tpu.memory_space<vmem>>) semaphore(%run_scoped3A_1084 : memref<!tpu.dma_semaphore, #tpu.memory_space<semaphore_mem>>) {add = true}
        %dma_wait3A_1091 = arith.constant 0 : i32
        %dma_wait3A_1092 = tpu.memref_slice %arg10[%run_scoped3A_955, %run_scoped3A_956, %dma_wait3A_1091] : memref<2x3x80xi32, #tpu.memory_space<vmem>> -> memref<1x1x80xi32, #tpu.memory_space<vmem>>
        %dma_wait3A_1093 = tpu.memref_squeeze %dma_wait3A_1092 : memref<1x1x80xi32, #tpu.memory_space<vmem>> -> memref<80xi32, #tpu.memory_space<vmem>>
        %dma_wait3A_1094 = arith.constant 0 : i32
        %dma_wait3A_1095 = arith.constant 0 : i32
        %dma_wait3A_1096 = tpu.memref_slice %arg16[%dma_wait3A_1094, %dma_wait3A_1095] : memref<10240x16xf32, #tpu.memory_space<vmem_shared>> -> memref<10240x16xf32, #tpu.memory_space<vmem_shared>>
        tpu.wait_indirect_dma semaphore(%run_scoped3A_1084 : memref<!tpu.dma_semaphore, #tpu.memory_space<semaphore_mem>>) src(%arg17 : memref<80x16xf32, #tpu.memory_space<vmem>>) dst(%dma_wait3A_1096 : memref<10240x16xf32, #tpu.memory_space<vmem_shared>>)
        tpu.yield
      }) : () -> ()
      %add3A_957 = arith.constant 1 : i32
      %add3A_958 = arith.addi %add3A_940, %add3A_957 : i32
      %lt3A_959 = arith.constant 42 : i32
      %lt3A_960 = arith.cmpi slt, %add3A_958, %lt3A_959 : i32
      %convert_element_type3A_961 = arith.extui %lt3A_960 : i1 to i32
      %cond3A_962 = arith.constant 0 : i32
      %cond3A_963 = arith.cmpi ne, %convert_element_type3A_961, %cond3A_962 : i32
      scf.if %cond3A_963 {
        %dma_start3A_1084 = arith.constant 1 : i32
        %dma_start3A_1085 = arith.constant 0 : i32
        %dma_start3A_1086 = arith.constant 0 : i32
        %dma_start3A_1087 = tpu.memref_slice %arg9[%dma_start3A_1084, %dma_start3A_1085, %dma_start3A_1086] : memref<2x3x80xi32, #tpu.memory_space<vmem>> -> memref<1x1x80xi32, #tpu.memory_space<vmem>>
        %dma_start3A_1088 = tpu.memref_squeeze %dma_start3A_1087 : memref<1x1x80xi32, #tpu.memory_space<vmem>> -> memref<80xi32, #tpu.memory_space<vmem>>
        %dma_start3A_1089 = arith.constant 0 : i32
        %dma_start3A_1090 = arith.constant 0 : i32
        %dma_start3A_1091 = tpu.memref_slice %arg2[%dma_start3A_1089, %dma_start3A_1090] : memref<10000x128xf32, #tpu.memory_space<hbm>> -> memref<10000x128xf32, #tpu.memory_space<hbm>>
        tpu.enqueue_indirect_dma source(%dma_start3A_1091 : memref<10000x128xf32, #tpu.memory_space<hbm>>) target(%arg11 : memref<80x128xf32, #tpu.memory_space<vmem>>) offsets(%dma_start3A_1088 : memref<80xi32, #tpu.memory_space<vmem>>) semaphore(%arg19 : memref<!tpu.dma_semaphore, #tpu.memory_space<semaphore_mem>>)
      } else {
      }
      %dma_wait3A_964 = arith.constant 0 : i32
      %dma_wait3A_965 = arith.constant 1 : i32
      %dma_wait3A_966 = arith.constant 0 : i32
      %dma_wait3A_967 = tpu.memref_slice %arg9[%dma_wait3A_964, %dma_wait3A_965, %dma_wait3A_966] : memref<2x3x80xi32, #tpu.memory_space<vmem>> -> memref<1x1x80xi32, #tpu.memory_space<vmem>>
      %dma_wait3A_968 = tpu.memref_squeeze %dma_wait3A_967 : memref<1x1x80xi32, #tpu.memory_space<vmem>> -> memref<80xi32, #tpu.memory_space<vmem>>
      %dma_wait3A_969 = arith.constant 0 : i32
      %dma_wait3A_970 = arith.constant 0 : i32
      %dma_wait3A_971 = tpu.memref_slice %arg2[%dma_wait3A_969, %dma_wait3A_970] : memref<10000x128xf32, #tpu.memory_space<hbm>> -> memref<10000x128xf32, #tpu.memory_space<hbm>>
      tpu.wait_indirect_dma semaphore(%arg20 : memref<!tpu.dma_semaphore, #tpu.memory_space<semaphore_mem>>) src(%dma_wait3A_971 : memref<10000x128xf32, #tpu.memory_space<hbm>>) dst(%arg12 : memref<80x128xf32, #tpu.memory_space<vmem>>)
      %run_scoped3A_972 = arith.constant 0 : i32
      %run_scoped3A_973 = arith.constant 1 : i32
      "tpu.region"() ({
        %run_scoped3A_1084 = tpu.sem_alloc : memref<!tpu.dma_semaphore, #tpu.memory_space<semaphore_mem>>
        %dma_start3A_1085 = arith.constant 0 : i32
        %dma_start3A_1086 = tpu.memref_slice %arg10[%run_scoped3A_972, %run_scoped3A_973, %dma_start3A_1085] : memref<2x3x80xi32, #tpu.memory_space<vmem>> -> memref<1x1x80xi32, #tpu.memory_space<vmem>>
        %dma_start3A_1087 = tpu.memref_squeeze %dma_start3A_1086 : memref<1x1x80xi32, #tpu.memory_space<vmem>> -> memref<80xi32, #tpu.memory_space<vmem>>
        %dma_start3A_1088 = arith.constant 0 : i32
        %dma_start3A_1089 = arith.constant 0 : i32
        %dma_start3A_1090 = tpu.memref_slice %arg15[%dma_start3A_1088, %dma_start3A_1089] : memref<10240x128xf32, #tpu.memory_space<vmem_shared>> -> memref<10240x128xf32, #tpu.memory_space<vmem_shared>>
        tpu.enqueue_indirect_dma source(%arg12 : memref<80x128xf32, #tpu.memory_space<vmem>>) target(%dma_start3A_1090 : memref<10240x128xf32, #tpu.memory_space<vmem_shared>>) offsets(%dma_start3A_1087 : memref<80xi32, #tpu.memory_space<vmem>>) semaphore(%run_scoped3A_1084 : memref<!tpu.dma_semaphore, #tpu.memory_space<semaphore_mem>>) {add = true}
        %dma_wait3A_1091 = arith.constant 0 : i32
        %dma_wait3A_1092 = tpu.memref_slice %arg10[%run_scoped3A_972, %run_scoped3A_973, %dma_wait3A_1091] : memref<2x3x80xi32, #tpu.memory_space<vmem>> -> memref<1x1x80xi32, #tpu.memory_space<vmem>>
        %dma_wait3A_1093 = tpu.memref_squeeze %dma_wait3A_1092 : memref<1x1x80xi32, #tpu.memory_space<vmem>> -> memref<80xi32, #tpu.memory_space<vmem>>
        %dma_wait3A_1094 = arith.constant 0 : i32
        %dma_wait3A_1095 = arith.constant 0 : i32
        %dma_wait3A_1096 = tpu.memref_slice %arg15[%dma_wait3A_1094, %dma_wait3A_1095] : memref<10240x128xf32, #tpu.memory_space<vmem_shared>> -> memref<10240x128xf32, #tpu.memory_space<vmem_shared>>
        tpu.wait_indirect_dma semaphore(%run_scoped3A_1084 : memref<!tpu.dma_semaphore, #tpu.memory_space<semaphore_mem>>) src(%arg12 : memref<80x128xf32, #tpu.memory_space<vmem>>) dst(%dma_wait3A_1096 : memref<10240x128xf32, #tpu.memory_space<vmem_shared>>)
        tpu.yield
      }) : () -> ()
      %run_scoped3A_974 = arith.constant 0 : i32
      %run_scoped3A_975 = arith.constant 1 : i32
      "tpu.region"() ({
        %run_scoped3A_1084 = tpu.sem_alloc : memref<!tpu.dma_semaphore, #tpu.memory_space<semaphore_mem>>
        %dma_start3A_1085 = arith.constant 0 : i32
        %dma_start3A_1086 = tpu.memref_slice %arg10[%run_scoped3A_974, %run_scoped3A_975, %dma_start3A_1085] : memref<2x3x80xi32, #tpu.memory_space<vmem>> -> memref<1x1x80xi32, #tpu.memory_space<vmem>>
        %dma_start3A_1087 = tpu.memref_squeeze %dma_start3A_1086 : memref<1x1x80xi32, #tpu.memory_space<vmem>> -> memref<80xi32, #tpu.memory_space<vmem>>
        %dma_start3A_1088 = arith.constant 0 : i32
        %dma_start3A_1089 = arith.constant 0 : i32
        %dma_start3A_1090 = tpu.memref_slice %arg16[%dma_start3A_1088, %dma_start3A_1089] : memref<10240x16xf32, #tpu.memory_space<vmem_shared>> -> memref<10240x16xf32, #tpu.memory_space<vmem_shared>>
        tpu.enqueue_indirect_dma source(%arg17 : memref<80x16xf32, #tpu.memory_space<vmem>>) target(%dma_start3A_1090 : memref<10240x16xf32, #tpu.memory_space<vmem_shared>>) offsets(%dma_start3A_1087 : memref<80xi32, #tpu.memory_space<vmem>>) semaphore(%run_scoped3A_1084 : memref<!tpu.dma_semaphore, #tpu.memory_space<semaphore_mem>>) {add = true}
        %dma_wait3A_1091 = arith.constant 0 : i32
        %dma_wait3A_1092 = tpu.memref_slice %arg10[%run_scoped3A_974, %run_scoped3A_975, %dma_wait3A_1091] : memref<2x3x80xi32, #tpu.memory_space<vmem>> -> memref<1x1x80xi32, #tpu.memory_space<vmem>>
        %dma_wait3A_1093 = tpu.memref_squeeze %dma_wait3A_1092 : memref<1x1x80xi32, #tpu.memory_space<vmem>> -> memref<80xi32, #tpu.memory_space<vmem>>
        %dma_wait3A_1094 = arith.constant 0 : i32
        %dma_wait3A_1095 = arith.constant 0 : i32
        %dma_wait3A_1096 = tpu.memref_slice %arg16[%dma_wait3A_1094, %dma_wait3A_1095] : memref<10240x16xf32, #tpu.memory_space<vmem_shared>> -> memref<10240x16xf32, #tpu.memory_space<vmem_shared>>
        tpu.wait_indirect_dma semaphore(%run_scoped3A_1084 : memref<!tpu.dma_semaphore, #tpu.memory_space<semaphore_mem>>) src(%arg17 : memref<80x16xf32, #tpu.memory_space<vmem>>) dst(%dma_wait3A_1096 : memref<10240x16xf32, #tpu.memory_space<vmem_shared>>)
        tpu.yield
      }) : () -> ()
      %add3A_976 = arith.constant 1 : i32
      %add3A_977 = arith.addi %add3A_940, %add3A_976 : i32
      %lt3A_978 = arith.constant 42 : i32
      %lt3A_979 = arith.cmpi slt, %add3A_977, %lt3A_978 : i32
      %convert_element_type3A_980 = arith.extui %lt3A_979 : i1 to i32
      %cond3A_981 = arith.constant 0 : i32
      %cond3A_982 = arith.cmpi ne, %convert_element_type3A_980, %cond3A_981 : i32
      scf.if %cond3A_982 {
        %dma_start3A_1084 = arith.constant 1 : i32
        %dma_start3A_1085 = arith.constant 1 : i32
        %dma_start3A_1086 = arith.constant 0 : i32
        %dma_start3A_1087 = tpu.memref_slice %arg9[%dma_start3A_1084, %dma_start3A_1085, %dma_start3A_1086] : memref<2x3x80xi32, #tpu.memory_space<vmem>> -> memref<1x1x80xi32, #tpu.memory_space<vmem>>
        %dma_start3A_1088 = tpu.memref_squeeze %dma_start3A_1087 : memref<1x1x80xi32, #tpu.memory_space<vmem>> -> memref<80xi32, #tpu.memory_space<vmem>>
        %dma_start3A_1089 = arith.constant 0 : i32
        %dma_start3A_1090 = arith.constant 0 : i32
        %dma_start3A_1091 = tpu.memref_slice %arg2[%dma_start3A_1089, %dma_start3A_1090] : memref<10000x128xf32, #tpu.memory_space<hbm>> -> memref<10000x128xf32, #tpu.memory_space<hbm>>
        tpu.enqueue_indirect_dma source(%dma_start3A_1091 : memref<10000x128xf32, #tpu.memory_space<hbm>>) target(%arg12 : memref<80x128xf32, #tpu.memory_space<vmem>>) offsets(%dma_start3A_1088 : memref<80xi32, #tpu.memory_space<vmem>>) semaphore(%arg20 : memref<!tpu.dma_semaphore, #tpu.memory_space<semaphore_mem>>)
      } else {
      }
      %dma_wait3A_983 = arith.constant 0 : i32
      %dma_wait3A_984 = arith.constant 2 : i32
      %dma_wait3A_985 = arith.constant 0 : i32
      %dma_wait3A_986 = tpu.memref_slice %arg9[%dma_wait3A_983, %dma_wait3A_984, %dma_wait3A_985] : memref<2x3x80xi32, #tpu.memory_space<vmem>> -> memref<1x1x80xi32, #tpu.memory_space<vmem>>
      %dma_wait3A_987 = tpu.memref_squeeze %dma_wait3A_986 : memref<1x1x80xi32, #tpu.memory_space<vmem>> -> memref<80xi32, #tpu.memory_space<vmem>>
      %dma_wait3A_988 = arith.constant 0 : i32
      %dma_wait3A_989 = arith.constant 0 : i32
      %dma_wait3A_990 = tpu.memref_slice %arg2[%dma_wait3A_988, %dma_wait3A_989] : memref<10000x128xf32, #tpu.memory_space<hbm>> -> memref<10000x128xf32, #tpu.memory_space<hbm>>
      tpu.wait_indirect_dma semaphore(%arg21 : memref<!tpu.dma_semaphore, #tpu.memory_space<semaphore_mem>>) src(%dma_wait3A_990 : memref<10000x128xf32, #tpu.memory_space<hbm>>) dst(%arg13 : memref<80x128xf32, #tpu.memory_space<vmem>>)
      %run_scoped3A_991 = arith.constant 0 : i32
      %run_scoped3A_992 = arith.constant 2 : i32
      "tpu.region"() ({
        %run_scoped3A_1084 = tpu.sem_alloc : memref<!tpu.dma_semaphore, #tpu.memory_space<semaphore_mem>>
        %dma_start3A_1085 = arith.constant 0 : i32
        %dma_start3A_1086 = tpu.memref_slice %arg10[%run_scoped3A_991, %run_scoped3A_992, %dma_start3A_1085] : memref<2x3x80xi32, #tpu.memory_space<vmem>> -> memref<1x1x80xi32, #tpu.memory_space<vmem>>
        %dma_start3A_1087 = tpu.memref_squeeze %dma_start3A_1086 : memref<1x1x80xi32, #tpu.memory_space<vmem>> -> memref<80xi32, #tpu.memory_space<vmem>>
        %dma_start3A_1088 = arith.constant 0 : i32
        %dma_start3A_1089 = arith.constant 0 : i32
        %dma_start3A_1090 = tpu.memref_slice %arg15[%dma_start3A_1088, %dma_start3A_1089] : memref<10240x128xf32, #tpu.memory_space<vmem_shared>> -> memref<10240x128xf32, #tpu.memory_space<vmem_shared>>
        tpu.enqueue_indirect_dma source(%arg13 : memref<80x128xf32, #tpu.memory_space<vmem>>) target(%dma_start3A_1090 : memref<10240x128xf32, #tpu.memory_space<vmem_shared>>) offsets(%dma_start3A_1087 : memref<80xi32, #tpu.memory_space<vmem>>) semaphore(%run_scoped3A_1084 : memref<!tpu.dma_semaphore, #tpu.memory_space<semaphore_mem>>) {add = true}
        %dma_wait3A_1091 = arith.constant 0 : i32
        %dma_wait3A_1092 = tpu.memref_slice %arg10[%run_scoped3A_991, %run_scoped3A_992, %dma_wait3A_1091] : memref<2x3x80xi32, #tpu.memory_space<vmem>> -> memref<1x1x80xi32, #tpu.memory_space<vmem>>
        %dma_wait3A_1093 = tpu.memref_squeeze %dma_wait3A_1092 : memref<1x1x80xi32, #tpu.memory_space<vmem>> -> memref<80xi32, #tpu.memory_space<vmem>>
        %dma_wait3A_1094 = arith.constant 0 : i32
        %dma_wait3A_1095 = arith.constant 0 : i32
        %dma_wait3A_1096 = tpu.memref_slice %arg15[%dma_wait3A_1094, %dma_wait3A_1095] : memref<10240x128xf32, #tpu.memory_space<vmem_shared>> -> memref<10240x128xf32, #tpu.memory_space<vmem_shared>>
        tpu.wait_indirect_dma semaphore(%run_scoped3A_1084 : memref<!tpu.dma_semaphore, #tpu.memory_space<semaphore_mem>>) src(%arg13 : memref<80x128xf32, #tpu.memory_space<vmem>>) dst(%dma_wait3A_1096 : memref<10240x128xf32, #tpu.memory_space<vmem_shared>>)
        tpu.yield
      }) : () -> ()
      %run_scoped3A_993 = arith.constant 0 : i32
      %run_scoped3A_994 = arith.constant 2 : i32
      "tpu.region"() ({
        %run_scoped3A_1084 = tpu.sem_alloc : memref<!tpu.dma_semaphore, #tpu.memory_space<semaphore_mem>>
        %dma_start3A_1085 = arith.constant 0 : i32
        %dma_start3A_1086 = tpu.memref_slice %arg10[%run_scoped3A_993, %run_scoped3A_994, %dma_start3A_1085] : memref<2x3x80xi32, #tpu.memory_space<vmem>> -> memref<1x1x80xi32, #tpu.memory_space<vmem>>
        %dma_start3A_1087 = tpu.memref_squeeze %dma_start3A_1086 : memref<1x1x80xi32, #tpu.memory_space<vmem>> -> memref<80xi32, #tpu.memory_space<vmem>>
        %dma_start3A_1088 = arith.constant 0 : i32
        %dma_start3A_1089 = arith.constant 0 : i32
        %dma_start3A_1090 = tpu.memref_slice %arg16[%dma_start3A_1088, %dma_start3A_1089] : memref<10240x16xf32, #tpu.memory_space<vmem_shared>> -> memref<10240x16xf32, #tpu.memory_space<vmem_shared>>
        tpu.enqueue_indirect_dma source(%arg17 : memref<80x16xf32, #tpu.memory_space<vmem>>) target(%dma_start3A_1090 : memref<10240x16xf32, #tpu.memory_space<vmem_shared>>) offsets(%dma_start3A_1087 : memref<80xi32, #tpu.memory_space<vmem>>) semaphore(%run_scoped3A_1084 : memref<!tpu.dma_semaphore, #tpu.memory_space<semaphore_mem>>) {add = true}
        %dma_wait3A_1091 = arith.constant 0 : i32
        %dma_wait3A_1092 = tpu.memref_slice %arg10[%run_scoped3A_993, %run_scoped3A_994, %dma_wait3A_1091] : memref<2x3x80xi32, #tpu.memory_space<vmem>> -> memref<1x1x80xi32, #tpu.memory_space<vmem>>
        %dma_wait3A_1093 = tpu.memref_squeeze %dma_wait3A_1092 : memref<1x1x80xi32, #tpu.memory_space<vmem>> -> memref<80xi32, #tpu.memory_space<vmem>>
        %dma_wait3A_1094 = arith.constant 0 : i32
        %dma_wait3A_1095 = arith.constant 0 : i32
        %dma_wait3A_1096 = tpu.memref_slice %arg16[%dma_wait3A_1094, %dma_wait3A_1095] : memref<10240x16xf32, #tpu.memory_space<vmem_shared>> -> memref<10240x16xf32, #tpu.memory_space<vmem_shared>>
        tpu.wait_indirect_dma semaphore(%run_scoped3A_1084 : memref<!tpu.dma_semaphore, #tpu.memory_space<semaphore_mem>>) src(%arg17 : memref<80x16xf32, #tpu.memory_space<vmem>>) dst(%dma_wait3A_1096 : memref<10240x16xf32, #tpu.memory_space<vmem_shared>>)
        tpu.yield
      }) : () -> ()
      %add3A_995 = arith.constant 1 : i32
      %add3A_996 = arith.addi %add3A_940, %add3A_995 : i32
      %lt3A_997 = arith.constant 42 : i32
      %lt3A_998 = arith.cmpi slt, %add3A_996, %lt3A_997 : i32
      %convert_element_type3A_999 = arith.extui %lt3A_998 : i1 to i32
      %cond3A_1000 = arith.constant 0 : i32
      %cond3A_1001 = arith.cmpi ne, %convert_element_type3A_999, %cond3A_1000 : i32
      scf.if %cond3A_1001 {
        %dma_start3A_1084 = arith.constant 1 : i32
        %dma_start3A_1085 = arith.constant 2 : i32
        %dma_start3A_1086 = arith.constant 0 : i32
        %dma_start3A_1087 = tpu.memref_slice %arg9[%dma_start3A_1084, %dma_start3A_1085, %dma_start3A_1086] : memref<2x3x80xi32, #tpu.memory_space<vmem>> -> memref<1x1x80xi32, #tpu.memory_space<vmem>>
        %dma_start3A_1088 = tpu.memref_squeeze %dma_start3A_1087 : memref<1x1x80xi32, #tpu.memory_space<vmem>> -> memref<80xi32, #tpu.memory_space<vmem>>
        %dma_start3A_1089 = arith.constant 0 : i32
        %dma_start3A_1090 = arith.constant 0 : i32
        %dma_start3A_1091 = tpu.memref_slice %arg2[%dma_start3A_1089, %dma_start3A_1090] : memref<10000x128xf32, #tpu.memory_space<hbm>> -> memref<10000x128xf32, #tpu.memory_space<hbm>>
        tpu.enqueue_indirect_dma source(%dma_start3A_1091 : memref<10000x128xf32, #tpu.memory_space<hbm>>) target(%arg13 : memref<80x128xf32, #tpu.memory_space<vmem>>) offsets(%dma_start3A_1088 : memref<80xi32, #tpu.memory_space<vmem>>) semaphore(%arg21 : memref<!tpu.dma_semaphore, #tpu.memory_space<semaphore_mem>>)
      } else {
      }
      %add3A_1002 = arith.constant 2 : i32
      %add3A_1003 = arith.addi %add3A_940, %add3A_1002 : i32
      %lt3A_1004 = arith.constant 42 : i32
      %lt3A_1005 = arith.cmpi slt, %add3A_1003, %lt3A_1004 : i32
      %convert_element_type3A_1006 = arith.extui %lt3A_1005 : i1 to i32
      %cond3A_1007 = arith.constant 0 : i32
      %cond3A_1008 = arith.cmpi ne, %convert_element_type3A_1006, %cond3A_1007 : i32
      scf.if %cond3A_1008 {
        %add3A_1084 = arith.constant 2 : i32
        %add3A_1085 = arith.addi %add3A_940, %add3A_1084 : i32
        %mul3A_1086 = arith.constant 3 : i32
        %mul3A_1087 = arith.muli %add3A_1085, %mul3A_1086 : i32
        %add3A_1088 = arith.addi %mul3A_2, %mul3A_1087 : i32
        %dma_start3A_1089 = arith.constant 0 : i32
        %dma_start3A_1090 = arith.constant 0 : i32
        %dma_start3A_1091 = arith.constant 0 : i32
        %dma_start3A_1092 = arith.constant 0 : i32
        %dma_start3A_1093 = tpu.memref_slice %arg9[%dma_start3A_1090, %dma_start3A_1091, %dma_start3A_1092] : memref<2x3x80xi32, #tpu.memory_space<vmem>> -> memref<1x3x80xi32, #tpu.memory_space<vmem>>
        %dma_start3A_1094 = tpu.memref_squeeze %dma_start3A_1093 : memref<1x3x80xi32, #tpu.memory_space<vmem>> -> memref<3x80xi32, #tpu.memory_space<vmem>>
        %dma_start3A_1095 = arith.constant 0 : i32
        %dma_start3A_1096 = tpu.memref_slice %arg3[%dma_start3A_1089, %add3A_1088, %dma_start3A_1095] : memref<2x4032x80xi32, #tpu.memory_space<hbm>> -> memref<1x3x80xi32, #tpu.memory_space<hbm>>
        %dma_start3A_1097 = tpu.memref_squeeze %dma_start3A_1096 : memref<1x3x80xi32, #tpu.memory_space<hbm>> -> memref<3x80xi32, #tpu.memory_space<hbm>>
        %dma_start3A_1098 = arith.constant 0 : i32
        %dma_start3A_1099 = arith.constant 0 : i32
        %dma_start3A_1100 = tpu.memref_slice %arg9[%dma_start3A_1090, %dma_start3A_1098, %dma_start3A_1099] : memref<2x3x80xi32, #tpu.memory_space<vmem>> -> memref<1x3x80xi32, #tpu.memory_space<vmem>>
        %dma_start3A_1101 = tpu.memref_squeeze %dma_start3A_1100 : memref<1x3x80xi32, #tpu.memory_space<vmem>> -> memref<3x80xi32, #tpu.memory_space<vmem>>
        %dma_start3A_1102 = arith.constant 0 : i32
        %dma_start3A_1103 = tpu.memref_slice %arg3[%dma_start3A_1089, %add3A_1088, %dma_start3A_1102] : memref<2x4032x80xi32, #tpu.memory_space<hbm>> -> memref<1x3x80xi32, #tpu.memory_space<hbm>>
        %dma_start3A_1104 = tpu.memref_squeeze %dma_start3A_1103 : memref<1x3x80xi32, #tpu.memory_space<hbm>> -> memref<3x80xi32, #tpu.memory_space<hbm>>
        tpu.enqueue_dma source(%dma_start3A_1104 : memref<3x80xi32, #tpu.memory_space<hbm>>) target(%dma_start3A_1101 : memref<3x80xi32, #tpu.memory_space<vmem>>) target_semaphore(%arg22 : memref<!tpu.dma_semaphore, #tpu.memory_space<semaphore_mem>>)
        %add3A_1105 = arith.constant 2 : i32
        %add3A_1106 = arith.addi %add3A_940, %add3A_1105 : i32
        %mul3A_1107 = arith.constant 3 : i32
        %mul3A_1108 = arith.muli %add3A_1106, %mul3A_1107 : i32
        %add3A_1109 = arith.addi %mul3A_2, %mul3A_1108 : i32
        %dma_start3A_1110 = arith.constant 1 : i32
        %dma_start3A_1111 = arith.constant 0 : i32
        %dma_start3A_1112 = arith.constant 0 : i32
        %dma_start3A_1113 = arith.constant 0 : i32
        %dma_start3A_1114 = tpu.memref_slice %arg10[%dma_start3A_1111, %dma_start3A_1112, %dma_start3A_1113] : memref<2x3x80xi32, #tpu.memory_space<vmem>> -> memref<1x3x80xi32, #tpu.memory_space<vmem>>
        %dma_start3A_1115 = tpu.memref_squeeze %dma_start3A_1114 : memref<1x3x80xi32, #tpu.memory_space<vmem>> -> memref<3x80xi32, #tpu.memory_space<vmem>>
        %dma_start3A_1116 = arith.constant 0 : i32
        %dma_start3A_1117 = tpu.memref_slice %arg3[%dma_start3A_1110, %add3A_1109, %dma_start3A_1116] : memref<2x4032x80xi32, #tpu.memory_space<hbm>> -> memref<1x3x80xi32, #tpu.memory_space<hbm>>
        %dma_start3A_1118 = tpu.memref_squeeze %dma_start3A_1117 : memref<1x3x80xi32, #tpu.memory_space<hbm>> -> memref<3x80xi32, #tpu.memory_space<hbm>>
        %dma_start3A_1119 = arith.constant 0 : i32
        %dma_start3A_1120 = arith.constant 0 : i32
        %dma_start3A_1121 = tpu.memref_slice %arg10[%dma_start3A_1111, %dma_start3A_1119, %dma_start3A_1120] : memref<2x3x80xi32, #tpu.memory_space<vmem>> -> memref<1x3x80xi32, #tpu.memory_space<vmem>>
        %dma_start3A_1122 = tpu.memref_squeeze %dma_start3A_1121 : memref<1x3x80xi32, #tpu.memory_space<vmem>> -> memref<3x80xi32, #tpu.memory_space<vmem>>
        %dma_start3A_1123 = arith.constant 0 : i32
        %dma_start3A_1124 = tpu.memref_slice %arg3[%dma_start3A_1110, %add3A_1109, %dma_start3A_1123] : memref<2x4032x80xi32, #tpu.memory_space<hbm>> -> memref<1x3x80xi32, #tpu.memory_space<hbm>>
        %dma_start3A_1125 = tpu.memref_squeeze %dma_start3A_1124 : memref<1x3x80xi32, #tpu.memory_space<hbm>> -> memref<3x80xi32, #tpu.memory_space<hbm>>
        tpu.enqueue_dma source(%dma_start3A_1125 : memref<3x80xi32, #tpu.memory_space<hbm>>) target(%dma_start3A_1122 : memref<3x80xi32, #tpu.memory_space<vmem>>) target_semaphore(%arg22 : memref<!tpu.dma_semaphore, #tpu.memory_space<semaphore_mem>>)
      } else {
      }
      %mul3A_1009 = arith.constant 2 : i32
      %mul3A_1010 = arith.muli %mul3A_1009, %scan3A_936 : i32
      %add3A_1011 = arith.constant 1 : i32
      %add3A_1012 = arith.addi %mul3A_1010, %add3A_1011 : i32
      %add3A_1013 = arith.constant 1 : i32
      %add3A_1014 = arith.addi %add3A_1012, %add3A_1013 : i32
      %lt3A_1015 = arith.constant 42 : i32
      %lt3A_1016 = arith.cmpi slt, %add3A_1014, %lt3A_1015 : i32
      %convert_element_type3A_1017 = arith.extui %lt3A_1016 : i1 to i32
      %cond3A_1018 = arith.constant 0 : i32
      %cond3A_1019 = arith.cmpi ne, %convert_element_type3A_1017, %cond3A_1018 : i32
      scf.if %cond3A_1019 {
        %add3A_1084 = arith.constant 1 : i32
        %add3A_1085 = arith.addi %add3A_1012, %add3A_1084 : i32
        %mul3A_1086 = arith.constant 3 : i32
        %mul3A_1087 = arith.muli %add3A_1085, %mul3A_1086 : i32
        %add3A_1088 = arith.addi %mul3A_2, %mul3A_1087 : i32
        %dma_wait3A_1089 = arith.constant 0 : i32
        %dma_wait3A_1090 = arith.constant 0 : i32
        %dma_wait3A_1091 = arith.constant 0 : i32
        %dma_wait3A_1092 = arith.constant 0 : i32
        %dma_wait3A_1093 = tpu.memref_slice %arg9[%dma_wait3A_1090, %dma_wait3A_1091, %dma_wait3A_1092] : memref<2x3x80xi32, #tpu.memory_space<vmem>> -> memref<1x3x80xi32, #tpu.memory_space<vmem>>
        %dma_wait3A_1094 = tpu.memref_squeeze %dma_wait3A_1093 : memref<1x3x80xi32, #tpu.memory_space<vmem>> -> memref<3x80xi32, #tpu.memory_space<vmem>>
        %dma_wait3A_1095 = arith.constant 0 : i32
        %dma_wait3A_1096 = tpu.memref_slice %arg3[%dma_wait3A_1089, %add3A_1088, %dma_wait3A_1095] : memref<2x4032x80xi32, #tpu.memory_space<hbm>> -> memref<1x3x80xi32, #tpu.memory_space<hbm>>
        %dma_wait3A_1097 = tpu.memref_squeeze %dma_wait3A_1096 : memref<1x3x80xi32, #tpu.memory_space<hbm>> -> memref<3x80xi32, #tpu.memory_space<hbm>>
        %dma_wait3A_1098 = arith.constant 0 : i32
        %dma_wait3A_1099 = arith.constant 0 : i32
        %dma_wait3A_1100 = tpu.memref_slice %arg9[%dma_wait3A_1090, %dma_wait3A_1098, %dma_wait3A_1099] : memref<2x3x80xi32, #tpu.memory_space<vmem>> -> memref<1x3x80xi32, #tpu.memory_space<vmem>>
        %dma_wait3A_1101 = tpu.memref_squeeze %dma_wait3A_1100 : memref<1x3x80xi32, #tpu.memory_space<vmem>> -> memref<3x80xi32, #tpu.memory_space<vmem>>
        %dma_wait3A_1102 = arith.constant 0 : i32
        %dma_wait3A_1103 = tpu.memref_slice %arg3[%dma_wait3A_1089, %add3A_1088, %dma_wait3A_1102] : memref<2x4032x80xi32, #tpu.memory_space<hbm>> -> memref<1x3x80xi32, #tpu.memory_space<hbm>>
        %dma_wait3A_1104 = tpu.memref_squeeze %dma_wait3A_1103 : memref<1x3x80xi32, #tpu.memory_space<hbm>> -> memref<3x80xi32, #tpu.memory_space<hbm>>
        tpu.wait_dma2 semaphore(%arg22 : memref<!tpu.dma_semaphore, #tpu.memory_space<semaphore_mem>>) src(%dma_wait3A_1104 : memref<3x80xi32, #tpu.memory_space<hbm>>) dst(%dma_wait3A_1101 : memref<3x80xi32, #tpu.memory_space<vmem>>)
        %add3A_1105 = arith.constant 1 : i32
        %add3A_1106 = arith.addi %add3A_1012, %add3A_1105 : i32
        %mul3A_1107 = arith.constant 3 : i32
        %mul3A_1108 = arith.muli %add3A_1106, %mul3A_1107 : i32
        %add3A_1109 = arith.addi %mul3A_2, %mul3A_1108 : i32
        %dma_wait3A_1110 = arith.constant 1 : i32
        %dma_wait3A_1111 = arith.constant 0 : i32
        %dma_wait3A_1112 = arith.constant 0 : i32
        %dma_wait3A_1113 = arith.constant 0 : i32
        %dma_wait3A_1114 = tpu.memref_slice %arg10[%dma_wait3A_1111, %dma_wait3A_1112, %dma_wait3A_1113] : memref<2x3x80xi32, #tpu.memory_space<vmem>> -> memref<1x3x80xi32, #tpu.memory_space<vmem>>
        %dma_wait3A_1115 = tpu.memref_squeeze %dma_wait3A_1114 : memref<1x3x80xi32, #tpu.memory_space<vmem>> -> memref<3x80xi32, #tpu.memory_space<vmem>>
        %dma_wait3A_1116 = arith.constant 0 : i32
        %dma_wait3A_1117 = tpu.memref_slice %arg3[%dma_wait3A_1110, %add3A_1109, %dma_wait3A_1116] : memref<2x4032x80xi32, #tpu.memory_space<hbm>> -> memref<1x3x80xi32, #tpu.memory_space<hbm>>
        %dma_wait3A_1118 = tpu.memref_squeeze %dma_wait3A_1117 : memref<1x3x80xi32, #tpu.memory_space<hbm>> -> memref<3x80xi32, #tpu.memory_space<hbm>>
        %dma_wait3A_1119 = arith.constant 0 : i32
        %dma_wait3A_1120 = arith.constant 0 : i32
        %dma_wait3A_1121 = tpu.memref_slice %arg10[%dma_wait3A_1111, %dma_wait3A_1119, %dma_wait3A_1120] : memref<2x3x80xi32, #tpu.memory_space<vmem>> -> memref<1x3x80xi32, #tpu.memory_space<vmem>>
        %dma_wait3A_1122 = tpu.memref_squeeze %dma_wait3A_1121 : memref<1x3x80xi32, #tpu.memory_space<vmem>> -> memref<3x80xi32, #tpu.memory_space<vmem>>
        %dma_wait3A_1123 = arith.constant 0 : i32
        %dma_wait3A_1124 = tpu.memref_slice %arg3[%dma_wait3A_1110, %add3A_1109, %dma_wait3A_1123] : memref<2x4032x80xi32, #tpu.memory_space<hbm>> -> memref<1x3x80xi32, #tpu.memory_space<hbm>>
        %dma_wait3A_1125 = tpu.memref_squeeze %dma_wait3A_1124 : memref<1x3x80xi32, #tpu.memory_space<hbm>> -> memref<3x80xi32, #tpu.memory_space<hbm>>
        tpu.wait_dma2 semaphore(%arg22 : memref<!tpu.dma_semaphore, #tpu.memory_space<semaphore_mem>>) src(%dma_wait3A_1125 : memref<3x80xi32, #tpu.memory_space<hbm>>) dst(%dma_wait3A_1122 : memref<3x80xi32, #tpu.memory_space<vmem>>)
      } else {
      }
      %dma_wait3A_1020 = arith.constant 1 : i32
      %dma_wait3A_1021 = arith.constant 0 : i32
      %dma_wait3A_1022 = arith.constant 0 : i32
      %dma_wait3A_1023 = tpu.memref_slice %arg9[%dma_wait3A_1020, %dma_wait3A_1021, %dma_wait3A_1022] : memref<2x3x80xi32, #tpu.memory_space<vmem>> -> memref<1x1x80xi32, #tpu.memory_space<vmem>>
      %dma_wait3A_1024 = tpu.memref_squeeze %dma_wait3A_1023 : memref<1x1x80xi32, #tpu.memory_space<vmem>> -> memref<80xi32, #tpu.memory_space<vmem>>
      %dma_wait3A_1025 = arith.constant 0 : i32
      %dma_wait3A_1026 = arith.constant 0 : i32
      %dma_wait3A_1027 = tpu.memref_slice %arg2[%dma_wait3A_1025, %dma_wait3A_1026] : memref<10000x128xf32, #tpu.memory_space<hbm>> -> memref<10000x128xf32, #tpu.memory_space<hbm>>
      tpu.wait_indirect_dma semaphore(%arg19 : memref<!tpu.dma_semaphore, #tpu.memory_space<semaphore_mem>>) src(%dma_wait3A_1027 : memref<10000x128xf32, #tpu.memory_space<hbm>>) dst(%arg11 : memref<80x128xf32, #tpu.memory_space<vmem>>)
      %run_scoped3A_1028 = arith.constant 1 : i32
      %run_scoped3A_1029 = arith.constant 0 : i32
      "tpu.region"() ({
        %run_scoped3A_1084 = tpu.sem_alloc : memref<!tpu.dma_semaphore, #tpu.memory_space<semaphore_mem>>
        %dma_start3A_1085 = arith.constant 0 : i32
        %dma_start3A_1086 = tpu.memref_slice %arg10[%run_scoped3A_1028, %run_scoped3A_1029, %dma_start3A_1085] : memref<2x3x80xi32, #tpu.memory_space<vmem>> -> memref<1x1x80xi32, #tpu.memory_space<vmem>>
        %dma_start3A_1087 = tpu.memref_squeeze %dma_start3A_1086 : memref<1x1x80xi32, #tpu.memory_space<vmem>> -> memref<80xi32, #tpu.memory_space<vmem>>
        %dma_start3A_1088 = arith.constant 0 : i32
        %dma_start3A_1089 = arith.constant 0 : i32
        %dma_start3A_1090 = tpu.memref_slice %arg15[%dma_start3A_1088, %dma_start3A_1089] : memref<10240x128xf32, #tpu.memory_space<vmem_shared>> -> memref<10240x128xf32, #tpu.memory_space<vmem_shared>>
        tpu.enqueue_indirect_dma source(%arg11 : memref<80x128xf32, #tpu.memory_space<vmem>>) target(%dma_start3A_1090 : memref<10240x128xf32, #tpu.memory_space<vmem_shared>>) offsets(%dma_start3A_1087 : memref<80xi32, #tpu.memory_space<vmem>>) semaphore(%run_scoped3A_1084 : memref<!tpu.dma_semaphore, #tpu.memory_space<semaphore_mem>>) {add = true}
        %dma_wait3A_1091 = arith.constant 0 : i32
        %dma_wait3A_1092 = tpu.memref_slice %arg10[%run_scoped3A_1028, %run_scoped3A_1029, %dma_wait3A_1091] : memref<2x3x80xi32, #tpu.memory_space<vmem>> -> memref<1x1x80xi32, #tpu.memory_space<vmem>>
        %dma_wait3A_1093 = tpu.memref_squeeze %dma_wait3A_1092 : memref<1x1x80xi32, #tpu.memory_space<vmem>> -> memref<80xi32, #tpu.memory_space<vmem>>
        %dma_wait3A_1094 = arith.constant 0 : i32
        %dma_wait3A_1095 = arith.constant 0 : i32
        %dma_wait3A_1096 = tpu.memref_slice %arg15[%dma_wait3A_1094, %dma_wait3A_1095] : memref<10240x128xf32, #tpu.memory_space<vmem_shared>> -> memref<10240x128xf32, #tpu.memory_space<vmem_shared>>
        tpu.wait_indirect_dma semaphore(%run_scoped3A_1084 : memref<!tpu.dma_semaphore, #tpu.memory_space<semaphore_mem>>) src(%arg11 : memref<80x128xf32, #tpu.memory_space<vmem>>) dst(%dma_wait3A_1096 : memref<10240x128xf32, #tpu.memory_space<vmem_shared>>)
        tpu.yield
      }) : () -> ()
      %run_scoped3A_1030 = arith.constant 1 : i32
      %run_scoped3A_1031 = arith.constant 0 : i32
      "tpu.region"() ({
        %run_scoped3A_1084 = tpu.sem_alloc : memref<!tpu.dma_semaphore, #tpu.memory_space<semaphore_mem>>
        %dma_start3A_1085 = arith.constant 0 : i32
        %dma_start3A_1086 = tpu.memref_slice %arg10[%run_scoped3A_1030, %run_scoped3A_1031, %dma_start3A_1085] : memref<2x3x80xi32, #tpu.memory_space<vmem>> -> memref<1x1x80xi32, #tpu.memory_space<vmem>>
        %dma_start3A_1087 = tpu.memref_squeeze %dma_start3A_1086 : memref<1x1x80xi32, #tpu.memory_space<vmem>> -> memref<80xi32, #tpu.memory_space<vmem>>
        %dma_start3A_1088 = arith.constant 0 : i32
        %dma_start3A_1089 = arith.constant 0 : i32
        %dma_start3A_1090 = tpu.memref_slice %arg16[%dma_start3A_1088, %dma_start3A_1089] : memref<10240x16xf32, #tpu.memory_space<vmem_shared>> -> memref<10240x16xf32, #tpu.memory_space<vmem_shared>>
        tpu.enqueue_indirect_dma source(%arg17 : memref<80x16xf32, #tpu.memory_space<vmem>>) target(%dma_start3A_1090 : memref<10240x16xf32, #tpu.memory_space<vmem_shared>>) offsets(%dma_start3A_1087 : memref<80xi32, #tpu.memory_space<vmem>>) semaphore(%run_scoped3A_1084 : memref<!tpu.dma_semaphore, #tpu.memory_space<semaphore_mem>>) {add = true}
        %dma_wait3A_1091 = arith.constant 0 : i32
        %dma_wait3A_1092 = tpu.memref_slice %arg10[%run_scoped3A_1030, %run_scoped3A_1031, %dma_wait3A_1091] : memref<2x3x80xi32, #tpu.memory_space<vmem>> -> memref<1x1x80xi32, #tpu.memory_space<vmem>>
        %dma_wait3A_1093 = tpu.memref_squeeze %dma_wait3A_1092 : memref<1x1x80xi32, #tpu.memory_space<vmem>> -> memref<80xi32, #tpu.memory_space<vmem>>
        %dma_wait3A_1094 = arith.constant 0 : i32
        %dma_wait3A_1095 = arith.constant 0 : i32
        %dma_wait3A_1096 = tpu.memref_slice %arg16[%dma_wait3A_1094, %dma_wait3A_1095] : memref<10240x16xf32, #tpu.memory_space<vmem_shared>> -> memref<10240x16xf32, #tpu.memory_space<vmem_shared>>
        tpu.wait_indirect_dma semaphore(%run_scoped3A_1084 : memref<!tpu.dma_semaphore, #tpu.memory_space<semaphore_mem>>) src(%arg17 : memref<80x16xf32, #tpu.memory_space<vmem>>) dst(%dma_wait3A_1096 : memref<10240x16xf32, #tpu.memory_space<vmem_shared>>)
        tpu.yield
      }) : () -> ()
      %add3A_1032 = arith.constant 1 : i32
      %add3A_1033 = arith.addi %add3A_1012, %add3A_1032 : i32
      %lt3A_1034 = arith.constant 42 : i32
      %lt3A_1035 = arith.cmpi slt, %add3A_1033, %lt3A_1034 : i32
      %convert_element_type3A_1036 = arith.extui %lt3A_1035 : i1 to i32
      %cond3A_1037 = arith.constant 0 : i32
      %cond3A_1038 = arith.cmpi ne, %convert_element_type3A_1036, %cond3A_1037 : i32
      scf.if %cond3A_1038 {
        %dma_start3A_1084 = arith.constant 0 : i32
        %dma_start3A_1085 = arith.constant 0 : i32
        %dma_start3A_1086 = arith.constant 0 : i32
        %dma_start3A_1087 = tpu.memref_slice %arg9[%dma_start3A_1084, %dma_start3A_1085, %dma_start3A_1086] : memref<2x3x80xi32, #tpu.memory_space<vmem>> -> memref<1x1x80xi32, #tpu.memory_space<vmem>>
        %dma_start3A_1088 = tpu.memref_squeeze %dma_start3A_1087 : memref<1x1x80xi32, #tpu.memory_space<vmem>> -> memref<80xi32, #tpu.memory_space<vmem>>
        %dma_start3A_1089 = arith.constant 0 : i32
        %dma_start3A_1090 = arith.constant 0 : i32
        %dma_start3A_1091 = tpu.memref_slice %arg2[%dma_start3A_1089, %dma_start3A_1090] : memref<10000x128xf32, #tpu.memory_space<hbm>> -> memref<10000x128xf32, #tpu.memory_space<hbm>>
        tpu.enqueue_indirect_dma source(%dma_start3A_1091 : memref<10000x128xf32, #tpu.memory_space<hbm>>) target(%arg11 : memref<80x128xf32, #tpu.memory_space<vmem>>) offsets(%dma_start3A_1088 : memref<80xi32, #tpu.memory_space<vmem>>) semaphore(%arg19 : memref<!tpu.dma_semaphore, #tpu.memory_space<semaphore_mem>>)
      } else {
      }
      %dma_wait3A_1039 = arith.constant 1 : i32
      %dma_wait3A_1040 = arith.constant 1 : i32
      %dma_wait3A_1041 = arith.constant 0 : i32
      %dma_wait3A_1042 = tpu.memref_slice %arg9[%dma_wait3A_1039, %dma_wait3A_1040, %dma_wait3A_1041] : memref<2x3x80xi32, #tpu.memory_space<vmem>> -> memref<1x1x80xi32, #tpu.memory_space<vmem>>
      %dma_wait3A_1043 = tpu.memref_squeeze %dma_wait3A_1042 : memref<1x1x80xi32, #tpu.memory_space<vmem>> -> memref<80xi32, #tpu.memory_space<vmem>>
      %dma_wait3A_1044 = arith.constant 0 : i32
      %dma_wait3A_1045 = arith.constant 0 : i32
      %dma_wait3A_1046 = tpu.memref_slice %arg2[%dma_wait3A_1044, %dma_wait3A_1045] : memref<10000x128xf32, #tpu.memory_space<hbm>> -> memref<10000x128xf32, #tpu.memory_space<hbm>>
      tpu.wait_indirect_dma semaphore(%arg20 : memref<!tpu.dma_semaphore, #tpu.memory_space<semaphore_mem>>) src(%dma_wait3A_1046 : memref<10000x128xf32, #tpu.memory_space<hbm>>) dst(%arg12 : memref<80x128xf32, #tpu.memory_space<vmem>>)
      %run_scoped3A_1047 = arith.constant 1 : i32
      %run_scoped3A_1048 = arith.constant 1 : i32
      "tpu.region"() ({
        %run_scoped3A_1084 = tpu.sem_alloc : memref<!tpu.dma_semaphore, #tpu.memory_space<semaphore_mem>>
        %dma_start3A_1085 = arith.constant 0 : i32
        %dma_start3A_1086 = tpu.memref_slice %arg10[%run_scoped3A_1047, %run_scoped3A_1048, %dma_start3A_1085] : memref<2x3x80xi32, #tpu.memory_space<vmem>> -> memref<1x1x80xi32, #tpu.memory_space<vmem>>
        %dma_start3A_1087 = tpu.memref_squeeze %dma_start3A_1086 : memref<1x1x80xi32, #tpu.memory_space<vmem>> -> memref<80xi32, #tpu.memory_space<vmem>>
        %dma_start3A_1088 = arith.constant 0 : i32
        %dma_start3A_1089 = arith.constant 0 : i32
        %dma_start3A_1090 = tpu.memref_slice %arg15[%dma_start3A_1088, %dma_start3A_1089] : memref<10240x128xf32, #tpu.memory_space<vmem_shared>> -> memref<10240x128xf32, #tpu.memory_space<vmem_shared>>
        tpu.enqueue_indirect_dma source(%arg12 : memref<80x128xf32, #tpu.memory_space<vmem>>) target(%dma_start3A_1090 : memref<10240x128xf32, #tpu.memory_space<vmem_shared>>) offsets(%dma_start3A_1087 : memref<80xi32, #tpu.memory_space<vmem>>) semaphore(%run_scoped3A_1084 : memref<!tpu.dma_semaphore, #tpu.memory_space<semaphore_mem>>) {add = true}
        %dma_wait3A_1091 = arith.constant 0 : i32
        %dma_wait3A_1092 = tpu.memref_slice %arg10[%run_scoped3A_1047, %run_scoped3A_1048, %dma_wait3A_1091] : memref<2x3x80xi32, #tpu.memory_space<vmem>> -> memref<1x1x80xi32, #tpu.memory_space<vmem>>
        %dma_wait3A_1093 = tpu.memref_squeeze %dma_wait3A_1092 : memref<1x1x80xi32, #tpu.memory_space<vmem>> -> memref<80xi32, #tpu.memory_space<vmem>>
        %dma_wait3A_1094 = arith.constant 0 : i32
        %dma_wait3A_1095 = arith.constant 0 : i32
        %dma_wait3A_1096 = tpu.memref_slice %arg15[%dma_wait3A_1094, %dma_wait3A_1095] : memref<10240x128xf32, #tpu.memory_space<vmem_shared>> -> memref<10240x128xf32, #tpu.memory_space<vmem_shared>>
        tpu.wait_indirect_dma semaphore(%run_scoped3A_1084 : memref<!tpu.dma_semaphore, #tpu.memory_space<semaphore_mem>>) src(%arg12 : memref<80x128xf32, #tpu.memory_space<vmem>>) dst(%dma_wait3A_1096 : memref<10240x128xf32, #tpu.memory_space<vmem_shared>>)
        tpu.yield
      }) : () -> ()
      %run_scoped3A_1049 = arith.constant 1 : i32
      %run_scoped3A_1050 = arith.constant 1 : i32
      "tpu.region"() ({
        %run_scoped3A_1084 = tpu.sem_alloc : memref<!tpu.dma_semaphore, #tpu.memory_space<semaphore_mem>>
        %dma_start3A_1085 = arith.constant 0 : i32
        %dma_start3A_1086 = tpu.memref_slice %arg10[%run_scoped3A_1049, %run_scoped3A_1050, %dma_start3A_1085] : memref<2x3x80xi32, #tpu.memory_space<vmem>> -> memref<1x1x80xi32, #tpu.memory_space<vmem>>
        %dma_start3A_1087 = tpu.memref_squeeze %dma_start3A_1086 : memref<1x1x80xi32, #tpu.memory_space<vmem>> -> memref<80xi32, #tpu.memory_space<vmem>>
        %dma_start3A_1088 = arith.constant 0 : i32
        %dma_start3A_1089 = arith.constant 0 : i32
        %dma_start3A_1090 = tpu.memref_slice %arg16[%dma_start3A_1088, %dma_start3A_1089] : memref<10240x16xf32, #tpu.memory_space<vmem_shared>> -> memref<10240x16xf32, #tpu.memory_space<vmem_shared>>
        tpu.enqueue_indirect_dma source(%arg17 : memref<80x16xf32, #tpu.memory_space<vmem>>) target(%dma_start3A_1090 : memref<10240x16xf32, #tpu.memory_space<vmem_shared>>) offsets(%dma_start3A_1087 : memref<80xi32, #tpu.memory_space<vmem>>) semaphore(%run_scoped3A_1084 : memref<!tpu.dma_semaphore, #tpu.memory_space<semaphore_mem>>) {add = true}
        %dma_wait3A_1091 = arith.constant 0 : i32
        %dma_wait3A_1092 = tpu.memref_slice %arg10[%run_scoped3A_1049, %run_scoped3A_1050, %dma_wait3A_1091] : memref<2x3x80xi32, #tpu.memory_space<vmem>> -> memref<1x1x80xi32, #tpu.memory_space<vmem>>
        %dma_wait3A_1093 = tpu.memref_squeeze %dma_wait3A_1092 : memref<1x1x80xi32, #tpu.memory_space<vmem>> -> memref<80xi32, #tpu.memory_space<vmem>>
        %dma_wait3A_1094 = arith.constant 0 : i32
        %dma_wait3A_1095 = arith.constant 0 : i32
        %dma_wait3A_1096 = tpu.memref_slice %arg16[%dma_wait3A_1094, %dma_wait3A_1095] : memref<10240x16xf32, #tpu.memory_space<vmem_shared>> -> memref<10240x16xf32, #tpu.memory_space<vmem_shared>>
        tpu.wait_indirect_dma semaphore(%run_scoped3A_1084 : memref<!tpu.dma_semaphore, #tpu.memory_space<semaphore_mem>>) src(%arg17 : memref<80x16xf32, #tpu.memory_space<vmem>>) dst(%dma_wait3A_1096 : memref<10240x16xf32, #tpu.memory_space<vmem_shared>>)
        tpu.yield
      }) : () -> ()
      %add3A_1051 = arith.constant 1 : i32
      %add3A_1052 = arith.addi %add3A_1012, %add3A_1051 : i32
      %lt3A_1053 = arith.constant 42 : i32
      %lt3A_1054 = arith.cmpi slt, %add3A_1052, %lt3A_1053 : i32
      %convert_element_type3A_1055 = arith.extui %lt3A_1054 : i1 to i32
      %cond3A_1056 = arith.constant 0 : i32
      %cond3A_1057 = arith.cmpi ne, %convert_element_type3A_1055, %cond3A_1056 : i32
      scf.if %cond3A_1057 {
        %dma_start3A_1084 = arith.constant 0 : i32
        %dma_start3A_1085 = arith.constant 1 : i32
        %dma_start3A_1086 = arith.constant 0 : i32
        %dma_start3A_1087 = tpu.memref_slice %arg9[%dma_start3A_1084, %dma_start3A_1085, %dma_start3A_1086] : memref<2x3x80xi32, #tpu.memory_space<vmem>> -> memref<1x1x80xi32, #tpu.memory_space<vmem>>
        %dma_start3A_1088 = tpu.memref_squeeze %dma_start3A_1087 : memref<1x1x80xi32, #tpu.memory_space<vmem>> -> memref<80xi32, #tpu.memory_space<vmem>>
        %dma_start3A_1089 = arith.constant 0 : i32
        %dma_start3A_1090 = arith.constant 0 : i32
        %dma_start3A_1091 = tpu.memref_slice %arg2[%dma_start3A_1089, %dma_start3A_1090] : memref<10000x128xf32, #tpu.memory_space<hbm>> -> memref<10000x128xf32, #tpu.memory_space<hbm>>
        tpu.enqueue_indirect_dma source(%dma_start3A_1091 : memref<10000x128xf32, #tpu.memory_space<hbm>>) target(%arg12 : memref<80x128xf32, #tpu.memory_space<vmem>>) offsets(%dma_start3A_1088 : memref<80xi32, #tpu.memory_space<vmem>>) semaphore(%arg20 : memref<!tpu.dma_semaphore, #tpu.memory_space<semaphore_mem>>)
      } else {
      }
      %dma_wait3A_1058 = arith.constant 1 : i32
      %dma_wait3A_1059 = arith.constant 2 : i32
      %dma_wait3A_1060 = arith.constant 0 : i32
      %dma_wait3A_1061 = tpu.memref_slice %arg9[%dma_wait3A_1058, %dma_wait3A_1059, %dma_wait3A_1060] : memref<2x3x80xi32, #tpu.memory_space<vmem>> -> memref<1x1x80xi32, #tpu.memory_space<vmem>>
      %dma_wait3A_1062 = tpu.memref_squeeze %dma_wait3A_1061 : memref<1x1x80xi32, #tpu.memory_space<vmem>> -> memref<80xi32, #tpu.memory_space<vmem>>
      %dma_wait3A_1063 = arith.constant 0 : i32
      %dma_wait3A_1064 = arith.constant 0 : i32
      %dma_wait3A_1065 = tpu.memref_slice %arg2[%dma_wait3A_1063, %dma_wait3A_1064] : memref<10000x128xf32, #tpu.memory_space<hbm>> -> memref<10000x128xf32, #tpu.memory_space<hbm>>
      tpu.wait_indirect_dma semaphore(%arg21 : memref<!tpu.dma_semaphore, #tpu.memory_space<semaphore_mem>>) src(%dma_wait3A_1065 : memref<10000x128xf32, #tpu.memory_space<hbm>>) dst(%arg13 : memref<80x128xf32, #tpu.memory_space<vmem>>)
      %run_scoped3A_1066 = arith.constant 1 : i32
      %run_scoped3A_1067 = arith.constant 2 : i32
      "tpu.region"() ({
        %run_scoped3A_1084 = tpu.sem_alloc : memref<!tpu.dma_semaphore, #tpu.memory_space<semaphore_mem>>
        %dma_start3A_1085 = arith.constant 0 : i32
        %dma_start3A_1086 = tpu.memref_slice %arg10[%run_scoped3A_1066, %run_scoped3A_1067, %dma_start3A_1085] : memref<2x3x80xi32, #tpu.memory_space<vmem>> -> memref<1x1x80xi32, #tpu.memory_space<vmem>>
        %dma_start3A_1087 = tpu.memref_squeeze %dma_start3A_1086 : memref<1x1x80xi32, #tpu.memory_space<vmem>> -> memref<80xi32, #tpu.memory_space<vmem>>
        %dma_start3A_1088 = arith.constant 0 : i32
        %dma_start3A_1089 = arith.constant 0 : i32
        %dma_start3A_1090 = tpu.memref_slice %arg15[%dma_start3A_1088, %dma_start3A_1089] : memref<10240x128xf32, #tpu.memory_space<vmem_shared>> -> memref<10240x128xf32, #tpu.memory_space<vmem_shared>>
        tpu.enqueue_indirect_dma source(%arg13 : memref<80x128xf32, #tpu.memory_space<vmem>>) target(%dma_start3A_1090 : memref<10240x128xf32, #tpu.memory_space<vmem_shared>>) offsets(%dma_start3A_1087 : memref<80xi32, #tpu.memory_space<vmem>>) semaphore(%run_scoped3A_1084 : memref<!tpu.dma_semaphore, #tpu.memory_space<semaphore_mem>>) {add = true}
        %dma_wait3A_1091 = arith.constant 0 : i32
        %dma_wait3A_1092 = tpu.memref_slice %arg10[%run_scoped3A_1066, %run_scoped3A_1067, %dma_wait3A_1091] : memref<2x3x80xi32, #tpu.memory_space<vmem>> -> memref<1x1x80xi32, #tpu.memory_space<vmem>>
        %dma_wait3A_1093 = tpu.memref_squeeze %dma_wait3A_1092 : memref<1x1x80xi32, #tpu.memory_space<vmem>> -> memref<80xi32, #tpu.memory_space<vmem>>
        %dma_wait3A_1094 = arith.constant 0 : i32
        %dma_wait3A_1095 = arith.constant 0 : i32
        %dma_wait3A_1096 = tpu.memref_slice %arg15[%dma_wait3A_1094, %dma_wait3A_1095] : memref<10240x128xf32, #tpu.memory_space<vmem_shared>> -> memref<10240x128xf32, #tpu.memory_space<vmem_shared>>
        tpu.wait_indirect_dma semaphore(%run_scoped3A_1084 : memref<!tpu.dma_semaphore, #tpu.memory_space<semaphore_mem>>) src(%arg13 : memref<80x128xf32, #tpu.memory_space<vmem>>) dst(%dma_wait3A_1096 : memref<10240x128xf32, #tpu.memory_space<vmem_shared>>)
        tpu.yield
      }) : () -> ()
      %run_scoped3A_1068 = arith.constant 1 : i32
      %run_scoped3A_1069 = arith.constant 2 : i32
      "tpu.region"() ({
        %run_scoped3A_1084 = tpu.sem_alloc : memref<!tpu.dma_semaphore, #tpu.memory_space<semaphore_mem>>
        %dma_start3A_1085 = arith.constant 0 : i32
        %dma_start3A_1086 = tpu.memref_slice %arg10[%run_scoped3A_1068, %run_scoped3A_1069, %dma_start3A_1085] : memref<2x3x80xi32, #tpu.memory_space<vmem>> -> memref<1x1x80xi32, #tpu.memory_space<vmem>>
        %dma_start3A_1087 = tpu.memref_squeeze %dma_start3A_1086 : memref<1x1x80xi32, #tpu.memory_space<vmem>> -> memref<80xi32, #tpu.memory_space<vmem>>
        %dma_start3A_1088 = arith.constant 0 : i32
        %dma_start3A_1089 = arith.constant 0 : i32
        %dma_start3A_1090 = tpu.memref_slice %arg16[%dma_start3A_1088, %dma_start3A_1089] : memref<10240x16xf32, #tpu.memory_space<vmem_shared>> -> memref<10240x16xf32, #tpu.memory_space<vmem_shared>>
        tpu.enqueue_indirect_dma source(%arg17 : memref<80x16xf32, #tpu.memory_space<vmem>>) target(%dma_start3A_1090 : memref<10240x16xf32, #tpu.memory_space<vmem_shared>>) offsets(%dma_start3A_1087 : memref<80xi32, #tpu.memory_space<vmem>>) semaphore(%run_scoped3A_1084 : memref<!tpu.dma_semaphore, #tpu.memory_space<semaphore_mem>>) {add = true}
        %dma_wait3A_1091 = arith.constant 0 : i32
        %dma_wait3A_1092 = tpu.memref_slice %arg10[%run_scoped3A_1068, %run_scoped3A_1069, %dma_wait3A_1091] : memref<2x3x80xi32, #tpu.memory_space<vmem>> -> memref<1x1x80xi32, #tpu.memory_space<vmem>>
        %dma_wait3A_1093 = tpu.memref_squeeze %dma_wait3A_1092 : memref<1x1x80xi32, #tpu.memory_space<vmem>> -> memref<80xi32, #tpu.memory_space<vmem>>
        %dma_wait3A_1094 = arith.constant 0 : i32
        %dma_wait3A_1095 = arith.constant 0 : i32
        %dma_wait3A_1096 = tpu.memref_slice %arg16[%dma_wait3A_1094, %dma_wait3A_1095] : memref<10240x16xf32, #tpu.memory_space<vmem_shared>> -> memref<10240x16xf32, #tpu.memory_space<vmem_shared>>
        tpu.wait_indirect_dma semaphore(%run_scoped3A_1084 : memref<!tpu.dma_semaphore, #tpu.memory_space<semaphore_mem>>) src(%arg17 : memref<80x16xf32, #tpu.memory_space<vmem>>) dst(%dma_wait3A_1096 : memref<10240x16xf32, #tpu.memory_space<vmem_shared>>)
        tpu.yield
      }) : () -> ()
      %add3A_1070 = arith.constant 1 : i32
      %add3A_1071 = arith.addi %add3A_1012, %add3A_1070 : i32
      %lt3A_1072 = arith.constant 42 : i32
      %lt3A_1073 = arith.cmpi slt, %add3A_1071, %lt3A_1072 : i32
      %convert_element_type3A_1074 = arith.extui %lt3A_1073 : i1 to i32
      %cond3A_1075 = arith.constant 0 : i32
      %cond3A_1076 = arith.cmpi ne, %convert_element_type3A_1074, %cond3A_1075 : i32
      scf.if %cond3A_1076 {
        %dma_start3A_1084 = arith.constant 0 : i32
        %dma_start3A_1085 = arith.constant 2 : i32
        %dma_start3A_1086 = arith.constant 0 : i32
        %dma_start3A_1087 = tpu.memref_slice %arg9[%dma_start3A_1084, %dma_start3A_1085, %dma_start3A_1086] : memref<2x3x80xi32, #tpu.memory_space<vmem>> -> memref<1x1x80xi32, #tpu.memory_space<vmem>>
        %dma_start3A_1088 = tpu.memref_squeeze %dma_start3A_1087 : memref<1x1x80xi32, #tpu.memory_space<vmem>> -> memref<80xi32, #tpu.memory_space<vmem>>
        %dma_start3A_1089 = arith.constant 0 : i32
        %dma_start3A_1090 = arith.constant 0 : i32
        %dma_start3A_1091 = tpu.memref_slice %arg2[%dma_start3A_1089, %dma_start3A_1090] : memref<10000x128xf32, #tpu.memory_space<hbm>> -> memref<10000x128xf32, #tpu.memory_space<hbm>>
        tpu.enqueue_indirect_dma source(%dma_start3A_1091 : memref<10000x128xf32, #tpu.memory_space<hbm>>) target(%arg13 : memref<80x128xf32, #tpu.memory_space<vmem>>) offsets(%dma_start3A_1088 : memref<80xi32, #tpu.memory_space<vmem>>) semaphore(%arg21 : memref<!tpu.dma_semaphore, #tpu.memory_space<semaphore_mem>>)
      } else {
      }
      %add3A_1077 = arith.constant 2 : i32
      %add3A_1078 = arith.addi %add3A_1012, %add3A_1077 : i32
      %lt3A_1079 = arith.constant 42 : i32
      %lt3A_1080 = arith.cmpi slt, %add3A_1078, %lt3A_1079 : i32
      %convert_element_type3A_1081 = arith.extui %lt3A_1080 : i1 to i32
      %cond3A_1082 = arith.constant 0 : i32
      %cond3A_1083 = arith.cmpi ne, %convert_element_type3A_1081, %cond3A_1082 : i32
      scf.if %cond3A_1083 {
        %add3A_1084 = arith.constant 2 : i32
        %add3A_1085 = arith.addi %add3A_1012, %add3A_1084 : i32
        %mul3A_1086 = arith.constant 3 : i32
        %mul3A_1087 = arith.muli %add3A_1085, %mul3A_1086 : i32
        %add3A_1088 = arith.addi %mul3A_2, %mul3A_1087 : i32
        %dma_start3A_1089 = arith.constant 0 : i32
        %dma_start3A_1090 = arith.constant 1 : i32
        %dma_start3A_1091 = arith.constant 0 : i32
        %dma_start3A_1092 = arith.constant 0 : i32
        %dma_start3A_1093 = tpu.memref_slice %arg9[%dma_start3A_1090, %dma_start3A_1091, %dma_start3A_1092] : memref<2x3x80xi32, #tpu.memory_space<vmem>> -> memref<1x3x80xi32, #tpu.memory_space<vmem>>
        %dma_start3A_1094 = tpu.memref_squeeze %dma_start3A_1093 : memref<1x3x80xi32, #tpu.memory_space<vmem>> -> memref<3x80xi32, #tpu.memory_space<vmem>>
        %dma_start3A_1095 = arith.constant 0 : i32
        %dma_start3A_1096 = tpu.memref_slice %arg3[%dma_start3A_1089, %add3A_1088, %dma_start3A_1095] : memref<2x4032x80xi32, #tpu.memory_space<hbm>> -> memref<1x3x80xi32, #tpu.memory_space<hbm>>
        %dma_start3A_1097 = tpu.memref_squeeze %dma_start3A_1096 : memref<1x3x80xi32, #tpu.memory_space<hbm>> -> memref<3x80xi32, #tpu.memory_space<hbm>>
        %dma_start3A_1098 = arith.constant 0 : i32
        %dma_start3A_1099 = arith.constant 0 : i32
        %dma_start3A_1100 = tpu.memref_slice %arg9[%dma_start3A_1090, %dma_start3A_1098, %dma_start3A_1099] : memref<2x3x80xi32, #tpu.memory_space<vmem>> -> memref<1x3x80xi32, #tpu.memory_space<vmem>>
        %dma_start3A_1101 = tpu.memref_squeeze %dma_start3A_1100 : memref<1x3x80xi32, #tpu.memory_space<vmem>> -> memref<3x80xi32, #tpu.memory_space<vmem>>
        %dma_start3A_1102 = arith.constant 0 : i32
        %dma_start3A_1103 = tpu.memref_slice %arg3[%dma_start3A_1089, %add3A_1088, %dma_start3A_1102] : memref<2x4032x80xi32, #tpu.memory_space<hbm>> -> memref<1x3x80xi32, #tpu.memory_space<hbm>>
        %dma_start3A_1104 = tpu.memref_squeeze %dma_start3A_1103 : memref<1x3x80xi32, #tpu.memory_space<hbm>> -> memref<3x80xi32, #tpu.memory_space<hbm>>
        tpu.enqueue_dma source(%dma_start3A_1104 : memref<3x80xi32, #tpu.memory_space<hbm>>) target(%dma_start3A_1101 : memref<3x80xi32, #tpu.memory_space<vmem>>) target_semaphore(%arg22 : memref<!tpu.dma_semaphore, #tpu.memory_space<semaphore_mem>>)
        %add3A_1105 = arith.constant 2 : i32
        %add3A_1106 = arith.addi %add3A_1012, %add3A_1105 : i32
        %mul3A_1107 = arith.constant 3 : i32
        %mul3A_1108 = arith.muli %add3A_1106, %mul3A_1107 : i32
        %add3A_1109 = arith.addi %mul3A_2, %mul3A_1108 : i32
        %dma_start3A_1110 = arith.constant 1 : i32
        %dma_start3A_1111 = arith.constant 1 : i32
        %dma_start3A_1112 = arith.constant 0 : i32
        %dma_start3A_1113 = arith.constant 0 : i32
        %dma_start3A_1114 = tpu.memref_slice %arg10[%dma_start3A_1111, %dma_start3A_1112, %dma_start3A_1113] : memref<2x3x80xi32, #tpu.memory_space<vmem>> -> memref<1x3x80xi32, #tpu.memory_space<vmem>>
        %dma_start3A_1115 = tpu.memref_squeeze %dma_start3A_1114 : memref<1x3x80xi32, #tpu.memory_space<vmem>> -> memref<3x80xi32, #tpu.memory_space<vmem>>
        %dma_start3A_1116 = arith.constant 0 : i32
        %dma_start3A_1117 = tpu.memref_slice %arg3[%dma_start3A_1110, %add3A_1109, %dma_start3A_1116] : memref<2x4032x80xi32, #tpu.memory_space<hbm>> -> memref<1x3x80xi32, #tpu.memory_space<hbm>>
        %dma_start3A_1118 = tpu.memref_squeeze %dma_start3A_1117 : memref<1x3x80xi32, #tpu.memory_space<hbm>> -> memref<3x80xi32, #tpu.memory_space<hbm>>
        %dma_start3A_1119 = arith.constant 0 : i32
        %dma_start3A_1120 = arith.constant 0 : i32
        %dma_start3A_1121 = tpu.memref_slice %arg10[%dma_start3A_1111, %dma_start3A_1119, %dma_start3A_1120] : memref<2x3x80xi32, #tpu.memory_space<vmem>> -> memref<1x3x80xi32, #tpu.memory_space<vmem>>
        %dma_start3A_1122 = tpu.memref_squeeze %dma_start3A_1121 : memref<1x3x80xi32, #tpu.memory_space<vmem>> -> memref<3x80xi32, #tpu.memory_space<vmem>>
        %dma_start3A_1123 = arith.constant 0 : i32
        %dma_start3A_1124 = tpu.memref_slice %arg3[%dma_start3A_1110, %add3A_1109, %dma_start3A_1123] : memref<2x4032x80xi32, #tpu.memory_space<hbm>> -> memref<1x3x80xi32, #tpu.memory_space<hbm>>
        %dma_start3A_1125 = tpu.memref_squeeze %dma_start3A_1124 : memref<1x3x80xi32, #tpu.memory_space<hbm>> -> memref<3x80xi32, #tpu.memory_space<hbm>>
        tpu.enqueue_dma source(%dma_start3A_1125 : memref<3x80xi32, #tpu.memory_space<hbm>>) target(%dma_start3A_1122 : memref<3x80xi32, #tpu.memory_space<vmem>>) target_semaphore(%arg22 : memref<!tpu.dma_semaphore, #tpu.memory_space<semaphore_mem>>)
      } else {
      }
    }
    %scan3A_646 = arith.constant 21 : i32
    %barrier3A_647 = arith.constant 0 : index
    tpu.barrier barrier_id(%barrier3A_647)
    %add3A_648 = arith.constant 0 : i32
    %add3A_649 = arith.addi %mul3A_4, %add3A_648 : i32
    "tpu.region"() ({
      %run_scoped3A_936 = tpu.sem_alloc : memref<!tpu.dma_semaphore, #tpu.memory_space<semaphore_mem>>
      %dma_start3A_937 = arith.constant 0 : i32
      %dma_start3A_938 = tpu.memref_slice %arg15[%add3A_649, %dma_start3A_937] : memref<10240x128xf32, #tpu.memory_space<vmem_shared>> -> memref<80x128xf32, #tpu.memory_space<vmem_shared>>
      %dma_start3A_939 = arith.constant 0 : i32
      %dma_start3A_940 = tpu.memref_slice %arg15[%add3A_649, %dma_start3A_939] : memref<10240x128xf32, #tpu.memory_space<vmem_shared>> -> memref<80x128xf32, #tpu.memory_space<vmem_shared>>
      tpu.enqueue_dma source(%dma_start3A_940 : memref<80x128xf32, #tpu.memory_space<vmem_shared>>) target(%arg11 : memref<80x128xf32, #tpu.memory_space<vmem>>) target_semaphore(%run_scoped3A_936 : memref<!tpu.dma_semaphore, #tpu.memory_space<semaphore_mem>>)
      %dma_wait3A_941 = arith.constant 0 : i32
      %dma_wait3A_942 = tpu.memref_slice %arg15[%add3A_649, %dma_wait3A_941] : memref<10240x128xf32, #tpu.memory_space<vmem_shared>> -> memref<80x128xf32, #tpu.memory_space<vmem_shared>>
      %dma_wait3A_943 = arith.constant 0 : i32
      %dma_wait3A_944 = tpu.memref_slice %arg15[%add3A_649, %dma_wait3A_943] : memref<10240x128xf32, #tpu.memory_space<vmem_shared>> -> memref<80x128xf32, #tpu.memory_space<vmem_shared>>
      tpu.wait_dma2 semaphore(%run_scoped3A_936 : memref<!tpu.dma_semaphore, #tpu.memory_space<semaphore_mem>>) src(%dma_wait3A_944 : memref<80x128xf32, #tpu.memory_space<vmem_shared>>) dst(%arg11 : memref<80x128xf32, #tpu.memory_space<vmem>>)
      tpu.yield
    }) : () -> ()
    %add3A_650 = arith.constant 0 : i32
    %add3A_651 = arith.addi %mul3A_4, %add3A_650 : i32
    %dma_start3A_652 = arith.constant 0 : i32
    %dma_start3A_653 = tpu.memref_slice %arg7[%arg0, %add3A_651, %dma_start3A_652] : memref<2x10240x128xf32, #tpu.memory_space<hbm>> -> memref<1x80x128xf32, #tpu.memory_space<hbm>>
    %dma_start3A_654 = tpu.memref_squeeze %dma_start3A_653 : memref<1x80x128xf32, #tpu.memory_space<hbm>> -> memref<80x128xf32, #tpu.memory_space<hbm>>
    %dma_start3A_655 = arith.constant 0 : i32
    %dma_start3A_656 = tpu.memref_slice %arg7[%arg0, %add3A_651, %dma_start3A_655] : memref<2x10240x128xf32, #tpu.memory_space<hbm>> -> memref<1x80x128xf32, #tpu.memory_space<hbm>>
    %dma_start3A_657 = tpu.memref_squeeze %dma_start3A_656 : memref<1x80x128xf32, #tpu.memory_space<hbm>> -> memref<80x128xf32, #tpu.memory_space<hbm>>
    tpu.enqueue_dma source(%arg11 : memref<80x128xf32, #tpu.memory_space<vmem>>) target(%dma_start3A_657 : memref<80x128xf32, #tpu.memory_space<hbm>>) target_semaphore(%arg19 : memref<!tpu.dma_semaphore, #tpu.memory_space<semaphore_mem>>)
    %add3A_658 = arith.constant 80 : i32
    %add3A_659 = arith.addi %mul3A_4, %add3A_658 : i32
    "tpu.region"() ({
      %run_scoped3A_936 = tpu.sem_alloc : memref<!tpu.dma_semaphore, #tpu.memory_space<semaphore_mem>>
      %dma_start3A_937 = arith.constant 0 : i32
      %dma_start3A_938 = tpu.memref_slice %arg15[%add3A_659, %dma_start3A_937] : memref<10240x128xf32, #tpu.memory_space<vmem_shared>> -> memref<80x128xf32, #tpu.memory_space<vmem_shared>>
      %dma_start3A_939 = arith.constant 0 : i32
      %dma_start3A_940 = tpu.memref_slice %arg15[%add3A_659, %dma_start3A_939] : memref<10240x128xf32, #tpu.memory_space<vmem_shared>> -> memref<80x128xf32, #tpu.memory_space<vmem_shared>>
      tpu.enqueue_dma source(%dma_start3A_940 : memref<80x128xf32, #tpu.memory_space<vmem_shared>>) target(%arg12 : memref<80x128xf32, #tpu.memory_space<vmem>>) target_semaphore(%run_scoped3A_936 : memref<!tpu.dma_semaphore, #tpu.memory_space<semaphore_mem>>)
      %dma_wait3A_941 = arith.constant 0 : i32
      %dma_wait3A_942 = tpu.memref_slice %arg15[%add3A_659, %dma_wait3A_941] : memref<10240x128xf32, #tpu.memory_space<vmem_shared>> -> memref<80x128xf32, #tpu.memory_space<vmem_shared>>
      %dma_wait3A_943 = arith.constant 0 : i32
      %dma_wait3A_944 = tpu.memref_slice %arg15[%add3A_659, %dma_wait3A_943] : memref<10240x128xf32, #tpu.memory_space<vmem_shared>> -> memref<80x128xf32, #tpu.memory_space<vmem_shared>>
      tpu.wait_dma2 semaphore(%run_scoped3A_936 : memref<!tpu.dma_semaphore, #tpu.memory_space<semaphore_mem>>) src(%dma_wait3A_944 : memref<80x128xf32, #tpu.memory_space<vmem_shared>>) dst(%arg12 : memref<80x128xf32, #tpu.memory_space<vmem>>)
      tpu.yield
    }) : () -> ()
    %add3A_660 = arith.constant 80 : i32
    %add3A_661 = arith.addi %mul3A_4, %add3A_660 : i32
    %dma_start3A_662 = arith.constant 0 : i32
    %dma_start3A_663 = tpu.memref_slice %arg7[%arg0, %add3A_661, %dma_start3A_662] : memref<2x10240x128xf32, #tpu.memory_space<hbm>> -> memref<1x80x128xf32, #tpu.memory_space<hbm>>
    %dma_start3A_664 = tpu.memref_squeeze %dma_start3A_663 : memref<1x80x128xf32, #tpu.memory_space<hbm>> -> memref<80x128xf32, #tpu.memory_space<hbm>>
    %dma_start3A_665 = arith.constant 0 : i32
    %dma_start3A_666 = tpu.memref_slice %arg7[%arg0, %add3A_661, %dma_start3A_665] : memref<2x10240x128xf32, #tpu.memory_space<hbm>> -> memref<1x80x128xf32, #tpu.memory_space<hbm>>
    %dma_start3A_667 = tpu.memref_squeeze %dma_start3A_666 : memref<1x80x128xf32, #tpu.memory_space<hbm>> -> memref<80x128xf32, #tpu.memory_space<hbm>>
    tpu.enqueue_dma source(%arg12 : memref<80x128xf32, #tpu.memory_space<vmem>>) target(%dma_start3A_667 : memref<80x128xf32, #tpu.memory_space<hbm>>) target_semaphore(%arg20 : memref<!tpu.dma_semaphore, #tpu.memory_space<semaphore_mem>>)
    %add3A_668 = arith.constant 160 : i32
    %add3A_669 = arith.addi %mul3A_4, %add3A_668 : i32
    "tpu.region"() ({
      %run_scoped3A_936 = tpu.sem_alloc : memref<!tpu.dma_semaphore, #tpu.memory_space<semaphore_mem>>
      %dma_start3A_937 = arith.constant 0 : i32
      %dma_start3A_938 = tpu.memref_slice %arg15[%add3A_669, %dma_start3A_937] : memref<10240x128xf32, #tpu.memory_space<vmem_shared>> -> memref<80x128xf32, #tpu.memory_space<vmem_shared>>
      %dma_start3A_939 = arith.constant 0 : i32
      %dma_start3A_940 = tpu.memref_slice %arg15[%add3A_669, %dma_start3A_939] : memref<10240x128xf32, #tpu.memory_space<vmem_shared>> -> memref<80x128xf32, #tpu.memory_space<vmem_shared>>
      tpu.enqueue_dma source(%dma_start3A_940 : memref<80x128xf32, #tpu.memory_space<vmem_shared>>) target(%arg13 : memref<80x128xf32, #tpu.memory_space<vmem>>) target_semaphore(%run_scoped3A_936 : memref<!tpu.dma_semaphore, #tpu.memory_space<semaphore_mem>>)
      %dma_wait3A_941 = arith.constant 0 : i32
      %dma_wait3A_942 = tpu.memref_slice %arg15[%add3A_669, %dma_wait3A_941] : memref<10240x128xf32, #tpu.memory_space<vmem_shared>> -> memref<80x128xf32, #tpu.memory_space<vmem_shared>>
      %dma_wait3A_943 = arith.constant 0 : i32
      %dma_wait3A_944 = tpu.memref_slice %arg15[%add3A_669, %dma_wait3A_943] : memref<10240x128xf32, #tpu.memory_space<vmem_shared>> -> memref<80x128xf32, #tpu.memory_space<vmem_shared>>
      tpu.wait_dma2 semaphore(%run_scoped3A_936 : memref<!tpu.dma_semaphore, #tpu.memory_space<semaphore_mem>>) src(%dma_wait3A_944 : memref<80x128xf32, #tpu.memory_space<vmem_shared>>) dst(%arg13 : memref<80x128xf32, #tpu.memory_space<vmem>>)
      tpu.yield
    }) : () -> ()
    %add3A_670 = arith.constant 160 : i32
    %add3A_671 = arith.addi %mul3A_4, %add3A_670 : i32
    %dma_start3A_672 = arith.constant 0 : i32
    %dma_start3A_673 = tpu.memref_slice %arg7[%arg0, %add3A_671, %dma_start3A_672] : memref<2x10240x128xf32, #tpu.memory_space<hbm>> -> memref<1x80x128xf32, #tpu.memory_space<hbm>>
    %dma_start3A_674 = tpu.memref_squeeze %dma_start3A_673 : memref<1x80x128xf32, #tpu.memory_space<hbm>> -> memref<80x128xf32, #tpu.memory_space<hbm>>
    %dma_start3A_675 = arith.constant 0 : i32
    %dma_start3A_676 = tpu.memref_slice %arg7[%arg0, %add3A_671, %dma_start3A_675] : memref<2x10240x128xf32, #tpu.memory_space<hbm>> -> memref<1x80x128xf32, #tpu.memory_space<hbm>>
    %dma_start3A_677 = tpu.memref_squeeze %dma_start3A_676 : memref<1x80x128xf32, #tpu.memory_space<hbm>> -> memref<80x128xf32, #tpu.memory_space<hbm>>
    tpu.enqueue_dma source(%arg13 : memref<80x128xf32, #tpu.memory_space<vmem>>) target(%dma_start3A_677 : memref<80x128xf32, #tpu.memory_space<hbm>>) target_semaphore(%arg21 : memref<!tpu.dma_semaphore, #tpu.memory_space<semaphore_mem>>)
    %add3A_678 = arith.constant 0 : i32
    %add3A_679 = arith.addi %mul3A_4, %add3A_678 : i32
    %dma_wait3A_680 = arith.constant 0 : i32
    %dma_wait3A_681 = tpu.memref_slice %arg7[%arg0, %add3A_679, %dma_wait3A_680] : memref<2x10240x128xf32, #tpu.memory_space<hbm>> -> memref<1x80x128xf32, #tpu.memory_space<hbm>>
    %dma_wait3A_682 = tpu.memref_squeeze %dma_wait3A_681 : memref<1x80x128xf32, #tpu.memory_space<hbm>> -> memref<80x128xf32, #tpu.memory_space<hbm>>
    %dma_wait3A_683 = arith.constant 0 : i32
    %dma_wait3A_684 = tpu.memref_slice %arg7[%arg0, %add3A_679, %dma_wait3A_683] : memref<2x10240x128xf32, #tpu.memory_space<hbm>> -> memref<1x80x128xf32, #tpu.memory_space<hbm>>
    %dma_wait3A_685 = tpu.memref_squeeze %dma_wait3A_684 : memref<1x80x128xf32, #tpu.memory_space<hbm>> -> memref<80x128xf32, #tpu.memory_space<hbm>>
    tpu.wait_dma2 semaphore(%arg19 : memref<!tpu.dma_semaphore, #tpu.memory_space<semaphore_mem>>) src(%arg11 : memref<80x128xf32, #tpu.memory_space<vmem>>) dst(%dma_wait3A_685 : memref<80x128xf32, #tpu.memory_space<hbm>>)
    %add3A_686 = arith.constant 240 : i32
    %add3A_687 = arith.addi %mul3A_4, %add3A_686 : i32
    "tpu.region"() ({
      %run_scoped3A_936 = tpu.sem_alloc : memref<!tpu.dma_semaphore, #tpu.memory_space<semaphore_mem>>
      %dma_start3A_937 = arith.constant 0 : i32
      %dma_start3A_938 = tpu.memref_slice %arg15[%add3A_687, %dma_start3A_937] : memref<10240x128xf32, #tpu.memory_space<vmem_shared>> -> memref<80x128xf32, #tpu.memory_space<vmem_shared>>
      %dma_start3A_939 = arith.constant 0 : i32
      %dma_start3A_940 = tpu.memref_slice %arg15[%add3A_687, %dma_start3A_939] : memref<10240x128xf32, #tpu.memory_space<vmem_shared>> -> memref<80x128xf32, #tpu.memory_space<vmem_shared>>
      tpu.enqueue_dma source(%dma_start3A_940 : memref<80x128xf32, #tpu.memory_space<vmem_shared>>) target(%arg11 : memref<80x128xf32, #tpu.memory_space<vmem>>) target_semaphore(%run_scoped3A_936 : memref<!tpu.dma_semaphore, #tpu.memory_space<semaphore_mem>>)
      %dma_wait3A_941 = arith.constant 0 : i32
      %dma_wait3A_942 = tpu.memref_slice %arg15[%add3A_687, %dma_wait3A_941] : memref<10240x128xf32, #tpu.memory_space<vmem_shared>> -> memref<80x128xf32, #tpu.memory_space<vmem_shared>>
      %dma_wait3A_943 = arith.constant 0 : i32
      %dma_wait3A_944 = tpu.memref_slice %arg15[%add3A_687, %dma_wait3A_943] : memref<10240x128xf32, #tpu.memory_space<vmem_shared>> -> memref<80x128xf32, #tpu.memory_space<vmem_shared>>
      tpu.wait_dma2 semaphore(%run_scoped3A_936 : memref<!tpu.dma_semaphore, #tpu.memory_space<semaphore_mem>>) src(%dma_wait3A_944 : memref<80x128xf32, #tpu.memory_space<vmem_shared>>) dst(%arg11 : memref<80x128xf32, #tpu.memory_space<vmem>>)
      tpu.yield
    }) : () -> ()
    %add3A_688 = arith.constant 240 : i32
    %add3A_689 = arith.addi %mul3A_4, %add3A_688 : i32
    %dma_start3A_690 = arith.constant 0 : i32
    %dma_start3A_691 = tpu.memref_slice %arg7[%arg0, %add3A_689, %dma_start3A_690] : memref<2x10240x128xf32, #tpu.memory_space<hbm>> -> memref<1x80x128xf32, #tpu.memory_space<hbm>>
    %dma_start3A_692 = tpu.memref_squeeze %dma_start3A_691 : memref<1x80x128xf32, #tpu.memory_space<hbm>> -> memref<80x128xf32, #tpu.memory_space<hbm>>
    %dma_start3A_693 = arith.constant 0 : i32
    %dma_start3A_694 = tpu.memref_slice %arg7[%arg0, %add3A_689, %dma_start3A_693] : memref<2x10240x128xf32, #tpu.memory_space<hbm>> -> memref<1x80x128xf32, #tpu.memory_space<hbm>>
    %dma_start3A_695 = tpu.memref_squeeze %dma_start3A_694 : memref<1x80x128xf32, #tpu.memory_space<hbm>> -> memref<80x128xf32, #tpu.memory_space<hbm>>
    tpu.enqueue_dma source(%arg11 : memref<80x128xf32, #tpu.memory_space<vmem>>) target(%dma_start3A_695 : memref<80x128xf32, #tpu.memory_space<hbm>>) target_semaphore(%arg19 : memref<!tpu.dma_semaphore, #tpu.memory_space<semaphore_mem>>)
    %add3A_696 = arith.constant 80 : i32
    %add3A_697 = arith.addi %mul3A_4, %add3A_696 : i32
    %dma_wait3A_698 = arith.constant 0 : i32
    %dma_wait3A_699 = tpu.memref_slice %arg7[%arg0, %add3A_697, %dma_wait3A_698] : memref<2x10240x128xf32, #tpu.memory_space<hbm>> -> memref<1x80x128xf32, #tpu.memory_space<hbm>>
    %dma_wait3A_700 = tpu.memref_squeeze %dma_wait3A_699 : memref<1x80x128xf32, #tpu.memory_space<hbm>> -> memref<80x128xf32, #tpu.memory_space<hbm>>
    %dma_wait3A_701 = arith.constant 0 : i32
    %dma_wait3A_702 = tpu.memref_slice %arg7[%arg0, %add3A_697, %dma_wait3A_701] : memref<2x10240x128xf32, #tpu.memory_space<hbm>> -> memref<1x80x128xf32, #tpu.memory_space<hbm>>
    %dma_wait3A_703 = tpu.memref_squeeze %dma_wait3A_702 : memref<1x80x128xf32, #tpu.memory_space<hbm>> -> memref<80x128xf32, #tpu.memory_space<hbm>>
    tpu.wait_dma2 semaphore(%arg20 : memref<!tpu.dma_semaphore, #tpu.memory_space<semaphore_mem>>) src(%arg12 : memref<80x128xf32, #tpu.memory_space<vmem>>) dst(%dma_wait3A_703 : memref<80x128xf32, #tpu.memory_space<hbm>>)
    %add3A_704 = arith.constant 320 : i32
    %add3A_705 = arith.addi %mul3A_4, %add3A_704 : i32
    "tpu.region"() ({
      %run_scoped3A_936 = tpu.sem_alloc : memref<!tpu.dma_semaphore, #tpu.memory_space<semaphore_mem>>
      %dma_start3A_937 = arith.constant 0 : i32
      %dma_start3A_938 = tpu.memref_slice %arg15[%add3A_705, %dma_start3A_937] : memref<10240x128xf32, #tpu.memory_space<vmem_shared>> -> memref<80x128xf32, #tpu.memory_space<vmem_shared>>
      %dma_start3A_939 = arith.constant 0 : i32
      %dma_start3A_940 = tpu.memref_slice %arg15[%add3A_705, %dma_start3A_939] : memref<10240x128xf32, #tpu.memory_space<vmem_shared>> -> memref<80x128xf32, #tpu.memory_space<vmem_shared>>
      tpu.enqueue_dma source(%dma_start3A_940 : memref<80x128xf32, #tpu.memory_space<vmem_shared>>) target(%arg12 : memref<80x128xf32, #tpu.memory_space<vmem>>) target_semaphore(%run_scoped3A_936 : memref<!tpu.dma_semaphore, #tpu.memory_space<semaphore_mem>>)
      %dma_wait3A_941 = arith.constant 0 : i32
      %dma_wait3A_942 = tpu.memref_slice %arg15[%add3A_705, %dma_wait3A_941] : memref<10240x128xf32, #tpu.memory_space<vmem_shared>> -> memref<80x128xf32, #tpu.memory_space<vmem_shared>>
      %dma_wait3A_943 = arith.constant 0 : i32
      %dma_wait3A_944 = tpu.memref_slice %arg15[%add3A_705, %dma_wait3A_943] : memref<10240x128xf32, #tpu.memory_space<vmem_shared>> -> memref<80x128xf32, #tpu.memory_space<vmem_shared>>
      tpu.wait_dma2 semaphore(%run_scoped3A_936 : memref<!tpu.dma_semaphore, #tpu.memory_space<semaphore_mem>>) src(%dma_wait3A_944 : memref<80x128xf32, #tpu.memory_space<vmem_shared>>) dst(%arg12 : memref<80x128xf32, #tpu.memory_space<vmem>>)
      tpu.yield
    }) : () -> ()
    %add3A_706 = arith.constant 320 : i32
    %add3A_707 = arith.addi %mul3A_4, %add3A_706 : i32
    %dma_start3A_708 = arith.constant 0 : i32
    %dma_start3A_709 = tpu.memref_slice %arg7[%arg0, %add3A_707, %dma_start3A_708] : memref<2x10240x128xf32, #tpu.memory_space<hbm>> -> memref<1x80x128xf32, #tpu.memory_space<hbm>>
    %dma_start3A_710 = tpu.memref_squeeze %dma_start3A_709 : memref<1x80x128xf32, #tpu.memory_space<hbm>> -> memref<80x128xf32, #tpu.memory_space<hbm>>
    %dma_start3A_711 = arith.constant 0 : i32
    %dma_start3A_712 = tpu.memref_slice %arg7[%arg0, %add3A_707, %dma_start3A_711] : memref<2x10240x128xf32, #tpu.memory_space<hbm>> -> memref<1x80x128xf32, #tpu.memory_space<hbm>>
    %dma_start3A_713 = tpu.memref_squeeze %dma_start3A_712 : memref<1x80x128xf32, #tpu.memory_space<hbm>> -> memref<80x128xf32, #tpu.memory_space<hbm>>
    tpu.enqueue_dma source(%arg12 : memref<80x128xf32, #tpu.memory_space<vmem>>) target(%dma_start3A_713 : memref<80x128xf32, #tpu.memory_space<hbm>>) target_semaphore(%arg20 : memref<!tpu.dma_semaphore, #tpu.memory_space<semaphore_mem>>)
    %add3A_714 = arith.constant 160 : i32
    %add3A_715 = arith.addi %mul3A_4, %add3A_714 : i32
    %dma_wait3A_716 = arith.constant 0 : i32
    %dma_wait3A_717 = tpu.memref_slice %arg7[%arg0, %add3A_715, %dma_wait3A_716] : memref<2x10240x128xf32, #tpu.memory_space<hbm>> -> memref<1x80x128xf32, #tpu.memory_space<hbm>>
    %dma_wait3A_718 = tpu.memref_squeeze %dma_wait3A_717 : memref<1x80x128xf32, #tpu.memory_space<hbm>> -> memref<80x128xf32, #tpu.memory_space<hbm>>
    %dma_wait3A_719 = arith.constant 0 : i32
    %dma_wait3A_720 = tpu.memref_slice %arg7[%arg0, %add3A_715, %dma_wait3A_719] : memref<2x10240x128xf32, #tpu.memory_space<hbm>> -> memref<1x80x128xf32, #tpu.memory_space<hbm>>
    %dma_wait3A_721 = tpu.memref_squeeze %dma_wait3A_720 : memref<1x80x128xf32, #tpu.memory_space<hbm>> -> memref<80x128xf32, #tpu.memory_space<hbm>>
    tpu.wait_dma2 semaphore(%arg21 : memref<!tpu.dma_semaphore, #tpu.memory_space<semaphore_mem>>) src(%arg13 : memref<80x128xf32, #tpu.memory_space<vmem>>) dst(%dma_wait3A_721 : memref<80x128xf32, #tpu.memory_space<hbm>>)
    %add3A_722 = arith.constant 400 : i32
    %add3A_723 = arith.addi %mul3A_4, %add3A_722 : i32
    "tpu.region"() ({
      %run_scoped3A_936 = tpu.sem_alloc : memref<!tpu.dma_semaphore, #tpu.memory_space<semaphore_mem>>
      %dma_start3A_937 = arith.constant 0 : i32
      %dma_start3A_938 = tpu.memref_slice %arg15[%add3A_723, %dma_start3A_937] : memref<10240x128xf32, #tpu.memory_space<vmem_shared>> -> memref<80x128xf32, #tpu.memory_space<vmem_shared>>
      %dma_start3A_939 = arith.constant 0 : i32
      %dma_start3A_940 = tpu.memref_slice %arg15[%add3A_723, %dma_start3A_939] : memref<10240x128xf32, #tpu.memory_space<vmem_shared>> -> memref<80x128xf32, #tpu.memory_space<vmem_shared>>
      tpu.enqueue_dma source(%dma_start3A_940 : memref<80x128xf32, #tpu.memory_space<vmem_shared>>) target(%arg13 : memref<80x128xf32, #tpu.memory_space<vmem>>) target_semaphore(%run_scoped3A_936 : memref<!tpu.dma_semaphore, #tpu.memory_space<semaphore_mem>>)
      %dma_wait3A_941 = arith.constant 0 : i32
      %dma_wait3A_942 = tpu.memref_slice %arg15[%add3A_723, %dma_wait3A_941] : memref<10240x128xf32, #tpu.memory_space<vmem_shared>> -> memref<80x128xf32, #tpu.memory_space<vmem_shared>>
      %dma_wait3A_943 = arith.constant 0 : i32
      %dma_wait3A_944 = tpu.memref_slice %arg15[%add3A_723, %dma_wait3A_943] : memref<10240x128xf32, #tpu.memory_space<vmem_shared>> -> memref<80x128xf32, #tpu.memory_space<vmem_shared>>
      tpu.wait_dma2 semaphore(%run_scoped3A_936 : memref<!tpu.dma_semaphore, #tpu.memory_space<semaphore_mem>>) src(%dma_wait3A_944 : memref<80x128xf32, #tpu.memory_space<vmem_shared>>) dst(%arg13 : memref<80x128xf32, #tpu.memory_space<vmem>>)
      tpu.yield
    }) : () -> ()
    %add3A_724 = arith.constant 400 : i32
    %add3A_725 = arith.addi %mul3A_4, %add3A_724 : i32
    %dma_start3A_726 = arith.constant 0 : i32
    %dma_start3A_727 = tpu.memref_slice %arg7[%arg0, %add3A_725, %dma_start3A_726] : memref<2x10240x128xf32, #tpu.memory_space<hbm>> -> memref<1x80x128xf32, #tpu.memory_space<hbm>>
    %dma_start3A_728 = tpu.memref_squeeze %dma_start3A_727 : memref<1x80x128xf32, #tpu.memory_space<hbm>> -> memref<80x128xf32, #tpu.memory_space<hbm>>
    %dma_start3A_729 = arith.constant 0 : i32
    %dma_start3A_730 = tpu.memref_slice %arg7[%arg0, %add3A_725, %dma_start3A_729] : memref<2x10240x128xf32, #tpu.memory_space<hbm>> -> memref<1x80x128xf32, #tpu.memory_space<hbm>>
    %dma_start3A_731 = tpu.memref_squeeze %dma_start3A_730 : memref<1x80x128xf32, #tpu.memory_space<hbm>> -> memref<80x128xf32, #tpu.memory_space<hbm>>
    tpu.enqueue_dma source(%arg13 : memref<80x128xf32, #tpu.memory_space<vmem>>) target(%dma_start3A_731 : memref<80x128xf32, #tpu.memory_space<hbm>>) target_semaphore(%arg21 : memref<!tpu.dma_semaphore, #tpu.memory_space<semaphore_mem>>)
    %add3A_732 = arith.constant 240 : i32
    %add3A_733 = arith.addi %mul3A_4, %add3A_732 : i32
    %dma_wait3A_734 = arith.constant 0 : i32
    %dma_wait3A_735 = tpu.memref_slice %arg7[%arg0, %add3A_733, %dma_wait3A_734] : memref<2x10240x128xf32, #tpu.memory_space<hbm>> -> memref<1x80x128xf32, #tpu.memory_space<hbm>>
    %dma_wait3A_736 = tpu.memref_squeeze %dma_wait3A_735 : memref<1x80x128xf32, #tpu.memory_space<hbm>> -> memref<80x128xf32, #tpu.memory_space<hbm>>
    %dma_wait3A_737 = arith.constant 0 : i32
    %dma_wait3A_738 = tpu.memref_slice %arg7[%arg0, %add3A_733, %dma_wait3A_737] : memref<2x10240x128xf32, #tpu.memory_space<hbm>> -> memref<1x80x128xf32, #tpu.memory_space<hbm>>
    %dma_wait3A_739 = tpu.memref_squeeze %dma_wait3A_738 : memref<1x80x128xf32, #tpu.memory_space<hbm>> -> memref<80x128xf32, #tpu.memory_space<hbm>>
    tpu.wait_dma2 semaphore(%arg19 : memref<!tpu.dma_semaphore, #tpu.memory_space<semaphore_mem>>) src(%arg11 : memref<80x128xf32, #tpu.memory_space<vmem>>) dst(%dma_wait3A_739 : memref<80x128xf32, #tpu.memory_space<hbm>>)
    %add3A_740 = arith.constant 480 : i32
    %add3A_741 = arith.addi %mul3A_4, %add3A_740 : i32
    "tpu.region"() ({
      %run_scoped3A_936 = tpu.sem_alloc : memref<!tpu.dma_semaphore, #tpu.memory_space<semaphore_mem>>
      %dma_start3A_937 = arith.constant 0 : i32
      %dma_start3A_938 = tpu.memref_slice %arg15[%add3A_741, %dma_start3A_937] : memref<10240x128xf32, #tpu.memory_space<vmem_shared>> -> memref<80x128xf32, #tpu.memory_space<vmem_shared>>
      %dma_start3A_939 = arith.constant 0 : i32
      %dma_start3A_940 = tpu.memref_slice %arg15[%add3A_741, %dma_start3A_939] : memref<10240x128xf32, #tpu.memory_space<vmem_shared>> -> memref<80x128xf32, #tpu.memory_space<vmem_shared>>
      tpu.enqueue_dma source(%dma_start3A_940 : memref<80x128xf32, #tpu.memory_space<vmem_shared>>) target(%arg11 : memref<80x128xf32, #tpu.memory_space<vmem>>) target_semaphore(%run_scoped3A_936 : memref<!tpu.dma_semaphore, #tpu.memory_space<semaphore_mem>>)
      %dma_wait3A_941 = arith.constant 0 : i32
      %dma_wait3A_942 = tpu.memref_slice %arg15[%add3A_741, %dma_wait3A_941] : memref<10240x128xf32, #tpu.memory_space<vmem_shared>> -> memref<80x128xf32, #tpu.memory_space<vmem_shared>>
      %dma_wait3A_943 = arith.constant 0 : i32
      %dma_wait3A_944 = tpu.memref_slice %arg15[%add3A_741, %dma_wait3A_943] : memref<10240x128xf32, #tpu.memory_space<vmem_shared>> -> memref<80x128xf32, #tpu.memory_space<vmem_shared>>
      tpu.wait_dma2 semaphore(%run_scoped3A_936 : memref<!tpu.dma_semaphore, #tpu.memory_space<semaphore_mem>>) src(%dma_wait3A_944 : memref<80x128xf32, #tpu.memory_space<vmem_shared>>) dst(%arg11 : memref<80x128xf32, #tpu.memory_space<vmem>>)
      tpu.yield
    }) : () -> ()
    %add3A_742 = arith.constant 480 : i32
    %add3A_743 = arith.addi %mul3A_4, %add3A_742 : i32
    %dma_start3A_744 = arith.constant 0 : i32
    %dma_start3A_745 = tpu.memref_slice %arg7[%arg0, %add3A_743, %dma_start3A_744] : memref<2x10240x128xf32, #tpu.memory_space<hbm>> -> memref<1x80x128xf32, #tpu.memory_space<hbm>>
    %dma_start3A_746 = tpu.memref_squeeze %dma_start3A_745 : memref<1x80x128xf32, #tpu.memory_space<hbm>> -> memref<80x128xf32, #tpu.memory_space<hbm>>
    %dma_start3A_747 = arith.constant 0 : i32
    %dma_start3A_748 = tpu.memref_slice %arg7[%arg0, %add3A_743, %dma_start3A_747] : memref<2x10240x128xf32, #tpu.memory_space<hbm>> -> memref<1x80x128xf32, #tpu.memory_space<hbm>>
    %dma_start3A_749 = tpu.memref_squeeze %dma_start3A_748 : memref<1x80x128xf32, #tpu.memory_space<hbm>> -> memref<80x128xf32, #tpu.memory_space<hbm>>
    tpu.enqueue_dma source(%arg11 : memref<80x128xf32, #tpu.memory_space<vmem>>) target(%dma_start3A_749 : memref<80x128xf32, #tpu.memory_space<hbm>>) target_semaphore(%arg19 : memref<!tpu.dma_semaphore, #tpu.memory_space<semaphore_mem>>)
    %add3A_750 = arith.constant 320 : i32
    %add3A_751 = arith.addi %mul3A_4, %add3A_750 : i32
    %dma_wait3A_752 = arith.constant 0 : i32
    %dma_wait3A_753 = tpu.memref_slice %arg7[%arg0, %add3A_751, %dma_wait3A_752] : memref<2x10240x128xf32, #tpu.memory_space<hbm>> -> memref<1x80x128xf32, #tpu.memory_space<hbm>>
    %dma_wait3A_754 = tpu.memref_squeeze %dma_wait3A_753 : memref<1x80x128xf32, #tpu.memory_space<hbm>> -> memref<80x128xf32, #tpu.memory_space<hbm>>
    %dma_wait3A_755 = arith.constant 0 : i32
    %dma_wait3A_756 = tpu.memref_slice %arg7[%arg0, %add3A_751, %dma_wait3A_755] : memref<2x10240x128xf32, #tpu.memory_space<hbm>> -> memref<1x80x128xf32, #tpu.memory_space<hbm>>
    %dma_wait3A_757 = tpu.memref_squeeze %dma_wait3A_756 : memref<1x80x128xf32, #tpu.memory_space<hbm>> -> memref<80x128xf32, #tpu.memory_space<hbm>>
    tpu.wait_dma2 semaphore(%arg20 : memref<!tpu.dma_semaphore, #tpu.memory_space<semaphore_mem>>) src(%arg12 : memref<80x128xf32, #tpu.memory_space<vmem>>) dst(%dma_wait3A_757 : memref<80x128xf32, #tpu.memory_space<hbm>>)
    %add3A_758 = arith.constant 560 : i32
    %add3A_759 = arith.addi %mul3A_4, %add3A_758 : i32
    "tpu.region"() ({
      %run_scoped3A_936 = tpu.sem_alloc : memref<!tpu.dma_semaphore, #tpu.memory_space<semaphore_mem>>
      %dma_start3A_937 = arith.constant 0 : i32
      %dma_start3A_938 = tpu.memref_slice %arg15[%add3A_759, %dma_start3A_937] : memref<10240x128xf32, #tpu.memory_space<vmem_shared>> -> memref<80x128xf32, #tpu.memory_space<vmem_shared>>
      %dma_start3A_939 = arith.constant 0 : i32
      %dma_start3A_940 = tpu.memref_slice %arg15[%add3A_759, %dma_start3A_939] : memref<10240x128xf32, #tpu.memory_space<vmem_shared>> -> memref<80x128xf32, #tpu.memory_space<vmem_shared>>
      tpu.enqueue_dma source(%dma_start3A_940 : memref<80x128xf32, #tpu.memory_space<vmem_shared>>) target(%arg12 : memref<80x128xf32, #tpu.memory_space<vmem>>) target_semaphore(%run_scoped3A_936 : memref<!tpu.dma_semaphore, #tpu.memory_space<semaphore_mem>>)
      %dma_wait3A_941 = arith.constant 0 : i32
      %dma_wait3A_942 = tpu.memref_slice %arg15[%add3A_759, %dma_wait3A_941] : memref<10240x128xf32, #tpu.memory_space<vmem_shared>> -> memref<80x128xf32, #tpu.memory_space<vmem_shared>>
      %dma_wait3A_943 = arith.constant 0 : i32
      %dma_wait3A_944 = tpu.memref_slice %arg15[%add3A_759, %dma_wait3A_943] : memref<10240x128xf32, #tpu.memory_space<vmem_shared>> -> memref<80x128xf32, #tpu.memory_space<vmem_shared>>
      tpu.wait_dma2 semaphore(%run_scoped3A_936 : memref<!tpu.dma_semaphore, #tpu.memory_space<semaphore_mem>>) src(%dma_wait3A_944 : memref<80x128xf32, #tpu.memory_space<vmem_shared>>) dst(%arg12 : memref<80x128xf32, #tpu.memory_space<vmem>>)
      tpu.yield
    }) : () -> ()
    %add3A_760 = arith.constant 560 : i32
    %add3A_761 = arith.addi %mul3A_4, %add3A_760 : i32
    %dma_start3A_762 = arith.constant 0 : i32
    %dma_start3A_763 = tpu.memref_slice %arg7[%arg0, %add3A_761, %dma_start3A_762] : memref<2x10240x128xf32, #tpu.memory_space<hbm>> -> memref<1x80x128xf32, #tpu.memory_space<hbm>>
    %dma_start3A_764 = tpu.memref_squeeze %dma_start3A_763 : memref<1x80x128xf32, #tpu.memory_space<hbm>> -> memref<80x128xf32, #tpu.memory_space<hbm>>
    %dma_start3A_765 = arith.constant 0 : i32
    %dma_start3A_766 = tpu.memref_slice %arg7[%arg0, %add3A_761, %dma_start3A_765] : memref<2x10240x128xf32, #tpu.memory_space<hbm>> -> memref<1x80x128xf32, #tpu.memory_space<hbm>>
    %dma_start3A_767 = tpu.memref_squeeze %dma_start3A_766 : memref<1x80x128xf32, #tpu.memory_space<hbm>> -> memref<80x128xf32, #tpu.memory_space<hbm>>
    tpu.enqueue_dma source(%arg12 : memref<80x128xf32, #tpu.memory_space<vmem>>) target(%dma_start3A_767 : memref<80x128xf32, #tpu.memory_space<hbm>>) target_semaphore(%arg20 : memref<!tpu.dma_semaphore, #tpu.memory_space<semaphore_mem>>)
    %add3A_768 = arith.constant 0 : i32
    %add3A_769 = arith.addi %mul3A_4, %add3A_768 : i32
    "tpu.region"() ({
      %run_scoped3A_936 = tpu.sem_alloc : memref<!tpu.dma_semaphore, #tpu.memory_space<semaphore_mem>>
      %dma_start3A_937 = arith.constant 0 : i32
      %dma_start3A_938 = tpu.memref_slice %arg16[%add3A_769, %dma_start3A_937] : memref<10240x16xf32, #tpu.memory_space<vmem_shared>> -> memref<80x16xf32, #tpu.memory_space<vmem_shared>>
      %dma_start3A_939 = arith.constant 0 : i32
      %dma_start3A_940 = tpu.memref_slice %arg16[%add3A_769, %dma_start3A_939] : memref<10240x16xf32, #tpu.memory_space<vmem_shared>> -> memref<80x16xf32, #tpu.memory_space<vmem_shared>>
      tpu.enqueue_dma source(%dma_start3A_940 : memref<80x16xf32, #tpu.memory_space<vmem_shared>>) target(%arg18 : memref<80x16xf32, #tpu.memory_space<vmem>>) target_semaphore(%run_scoped3A_936 : memref<!tpu.dma_semaphore, #tpu.memory_space<semaphore_mem>>)
      %dma_wait3A_941 = arith.constant 0 : i32
      %dma_wait3A_942 = tpu.memref_slice %arg16[%add3A_769, %dma_wait3A_941] : memref<10240x16xf32, #tpu.memory_space<vmem_shared>> -> memref<80x16xf32, #tpu.memory_space<vmem_shared>>
      %dma_wait3A_943 = arith.constant 0 : i32
      %dma_wait3A_944 = tpu.memref_slice %arg16[%add3A_769, %dma_wait3A_943] : memref<10240x16xf32, #tpu.memory_space<vmem_shared>> -> memref<80x16xf32, #tpu.memory_space<vmem_shared>>
      tpu.wait_dma2 semaphore(%run_scoped3A_936 : memref<!tpu.dma_semaphore, #tpu.memory_space<semaphore_mem>>) src(%dma_wait3A_944 : memref<80x16xf32, #tpu.memory_space<vmem_shared>>) dst(%arg18 : memref<80x16xf32, #tpu.memory_space<vmem>>)
      tpu.yield
    }) : () -> ()
    %add3A_770 = arith.constant 0 : i32
    %add3A_771 = arith.addi %mul3A_4, %add3A_770 : i32
    %dma_start3A_772 = arith.constant 0 : i32
    %dma_start3A_773 = tpu.memref_slice %arg8[%arg0, %add3A_771, %dma_start3A_772] : memref<2x10240x16xf32, #tpu.memory_space<hbm>> -> memref<1x80x16xf32, #tpu.memory_space<hbm>>
    %dma_start3A_774 = tpu.memref_squeeze %dma_start3A_773 : memref<1x80x16xf32, #tpu.memory_space<hbm>> -> memref<80x16xf32, #tpu.memory_space<hbm>>
    %dma_start3A_775 = arith.constant 0 : i32
    %dma_start3A_776 = tpu.memref_slice %arg8[%arg0, %add3A_771, %dma_start3A_775] : memref<2x10240x16xf32, #tpu.memory_space<hbm>> -> memref<1x80x16xf32, #tpu.memory_space<hbm>>
    %dma_start3A_777 = tpu.memref_squeeze %dma_start3A_776 : memref<1x80x16xf32, #tpu.memory_space<hbm>> -> memref<80x16xf32, #tpu.memory_space<hbm>>
    tpu.enqueue_dma source(%arg18 : memref<80x16xf32, #tpu.memory_space<vmem>>) target(%dma_start3A_777 : memref<80x16xf32, #tpu.memory_space<hbm>>) target_semaphore(%arg24 : memref<!tpu.dma_semaphore, #tpu.memory_space<semaphore_mem>>)
    %add3A_778 = arith.constant 80 : i32
    %add3A_779 = arith.addi %mul3A_4, %add3A_778 : i32
    "tpu.region"() ({
      %run_scoped3A_936 = tpu.sem_alloc : memref<!tpu.dma_semaphore, #tpu.memory_space<semaphore_mem>>
      %dma_start3A_937 = arith.constant 0 : i32
      %dma_start3A_938 = tpu.memref_slice %arg16[%add3A_779, %dma_start3A_937] : memref<10240x16xf32, #tpu.memory_space<vmem_shared>> -> memref<80x16xf32, #tpu.memory_space<vmem_shared>>
      %dma_start3A_939 = arith.constant 0 : i32
      %dma_start3A_940 = tpu.memref_slice %arg16[%add3A_779, %dma_start3A_939] : memref<10240x16xf32, #tpu.memory_space<vmem_shared>> -> memref<80x16xf32, #tpu.memory_space<vmem_shared>>
      tpu.enqueue_dma source(%dma_start3A_940 : memref<80x16xf32, #tpu.memory_space<vmem_shared>>) target(%arg17 : memref<80x16xf32, #tpu.memory_space<vmem>>) target_semaphore(%run_scoped3A_936 : memref<!tpu.dma_semaphore, #tpu.memory_space<semaphore_mem>>)
      %dma_wait3A_941 = arith.constant 0 : i32
      %dma_wait3A_942 = tpu.memref_slice %arg16[%add3A_779, %dma_wait3A_941] : memref<10240x16xf32, #tpu.memory_space<vmem_shared>> -> memref<80x16xf32, #tpu.memory_space<vmem_shared>>
      %dma_wait3A_943 = arith.constant 0 : i32
      %dma_wait3A_944 = tpu.memref_slice %arg16[%add3A_779, %dma_wait3A_943] : memref<10240x16xf32, #tpu.memory_space<vmem_shared>> -> memref<80x16xf32, #tpu.memory_space<vmem_shared>>
      tpu.wait_dma2 semaphore(%run_scoped3A_936 : memref<!tpu.dma_semaphore, #tpu.memory_space<semaphore_mem>>) src(%dma_wait3A_944 : memref<80x16xf32, #tpu.memory_space<vmem_shared>>) dst(%arg17 : memref<80x16xf32, #tpu.memory_space<vmem>>)
      tpu.yield
    }) : () -> ()
    %add3A_780 = arith.constant 80 : i32
    %add3A_781 = arith.addi %mul3A_4, %add3A_780 : i32
    %dma_start3A_782 = arith.constant 0 : i32
    %dma_start3A_783 = tpu.memref_slice %arg8[%arg0, %add3A_781, %dma_start3A_782] : memref<2x10240x16xf32, #tpu.memory_space<hbm>> -> memref<1x80x16xf32, #tpu.memory_space<hbm>>
    %dma_start3A_784 = tpu.memref_squeeze %dma_start3A_783 : memref<1x80x16xf32, #tpu.memory_space<hbm>> -> memref<80x16xf32, #tpu.memory_space<hbm>>
    %dma_start3A_785 = arith.constant 0 : i32
    %dma_start3A_786 = tpu.memref_slice %arg8[%arg0, %add3A_781, %dma_start3A_785] : memref<2x10240x16xf32, #tpu.memory_space<hbm>> -> memref<1x80x16xf32, #tpu.memory_space<hbm>>
    %dma_start3A_787 = tpu.memref_squeeze %dma_start3A_786 : memref<1x80x16xf32, #tpu.memory_space<hbm>> -> memref<80x16xf32, #tpu.memory_space<hbm>>
    tpu.enqueue_dma source(%arg17 : memref<80x16xf32, #tpu.memory_space<vmem>>) target(%dma_start3A_787 : memref<80x16xf32, #tpu.memory_space<hbm>>) target_semaphore(%arg23 : memref<!tpu.dma_semaphore, #tpu.memory_space<semaphore_mem>>)
    %add3A_788 = arith.constant 0 : i32
    %add3A_789 = arith.addi %mul3A_4, %add3A_788 : i32
    %dma_wait3A_790 = arith.constant 0 : i32
    %dma_wait3A_791 = tpu.memref_slice %arg8[%arg0, %add3A_789, %dma_wait3A_790] : memref<2x10240x16xf32, #tpu.memory_space<hbm>> -> memref<1x80x16xf32, #tpu.memory_space<hbm>>
    %dma_wait3A_792 = tpu.memref_squeeze %dma_wait3A_791 : memref<1x80x16xf32, #tpu.memory_space<hbm>> -> memref<80x16xf32, #tpu.memory_space<hbm>>
    %dma_wait3A_793 = arith.constant 0 : i32
    %dma_wait3A_794 = tpu.memref_slice %arg8[%arg0, %add3A_789, %dma_wait3A_793] : memref<2x10240x16xf32, #tpu.memory_space<hbm>> -> memref<1x80x16xf32, #tpu.memory_space<hbm>>
    %dma_wait3A_795 = tpu.memref_squeeze %dma_wait3A_794 : memref<1x80x16xf32, #tpu.memory_space<hbm>> -> memref<80x16xf32, #tpu.memory_space<hbm>>
    tpu.wait_dma2 semaphore(%arg24 : memref<!tpu.dma_semaphore, #tpu.memory_space<semaphore_mem>>) src(%arg18 : memref<80x16xf32, #tpu.memory_space<vmem>>) dst(%dma_wait3A_795 : memref<80x16xf32, #tpu.memory_space<hbm>>)
    %add3A_796 = arith.constant 160 : i32
    %add3A_797 = arith.addi %mul3A_4, %add3A_796 : i32
    "tpu.region"() ({
      %run_scoped3A_936 = tpu.sem_alloc : memref<!tpu.dma_semaphore, #tpu.memory_space<semaphore_mem>>
      %dma_start3A_937 = arith.constant 0 : i32
      %dma_start3A_938 = tpu.memref_slice %arg16[%add3A_797, %dma_start3A_937] : memref<10240x16xf32, #tpu.memory_space<vmem_shared>> -> memref<80x16xf32, #tpu.memory_space<vmem_shared>>
      %dma_start3A_939 = arith.constant 0 : i32
      %dma_start3A_940 = tpu.memref_slice %arg16[%add3A_797, %dma_start3A_939] : memref<10240x16xf32, #tpu.memory_space<vmem_shared>> -> memref<80x16xf32, #tpu.memory_space<vmem_shared>>
      tpu.enqueue_dma source(%dma_start3A_940 : memref<80x16xf32, #tpu.memory_space<vmem_shared>>) target(%arg18 : memref<80x16xf32, #tpu.memory_space<vmem>>) target_semaphore(%run_scoped3A_936 : memref<!tpu.dma_semaphore, #tpu.memory_space<semaphore_mem>>)
      %dma_wait3A_941 = arith.constant 0 : i32
      %dma_wait3A_942 = tpu.memref_slice %arg16[%add3A_797, %dma_wait3A_941] : memref<10240x16xf32, #tpu.memory_space<vmem_shared>> -> memref<80x16xf32, #tpu.memory_space<vmem_shared>>
      %dma_wait3A_943 = arith.constant 0 : i32
      %dma_wait3A_944 = tpu.memref_slice %arg16[%add3A_797, %dma_wait3A_943] : memref<10240x16xf32, #tpu.memory_space<vmem_shared>> -> memref<80x16xf32, #tpu.memory_space<vmem_shared>>
      tpu.wait_dma2 semaphore(%run_scoped3A_936 : memref<!tpu.dma_semaphore, #tpu.memory_space<semaphore_mem>>) src(%dma_wait3A_944 : memref<80x16xf32, #tpu.memory_space<vmem_shared>>) dst(%arg18 : memref<80x16xf32, #tpu.memory_space<vmem>>)
      tpu.yield
    }) : () -> ()
    %add3A_798 = arith.constant 160 : i32
    %add3A_799 = arith.addi %mul3A_4, %add3A_798 : i32
    %dma_start3A_800 = arith.constant 0 : i32
    %dma_start3A_801 = tpu.memref_slice %arg8[%arg0, %add3A_799, %dma_start3A_800] : memref<2x10240x16xf32, #tpu.memory_space<hbm>> -> memref<1x80x16xf32, #tpu.memory_space<hbm>>
    %dma_start3A_802 = tpu.memref_squeeze %dma_start3A_801 : memref<1x80x16xf32, #tpu.memory_space<hbm>> -> memref<80x16xf32, #tpu.memory_space<hbm>>
    %dma_start3A_803 = arith.constant 0 : i32
    %dma_start3A_804 = tpu.memref_slice %arg8[%arg0, %add3A_799, %dma_start3A_803] : memref<2x10240x16xf32, #tpu.memory_space<hbm>> -> memref<1x80x16xf32, #tpu.memory_space<hbm>>
    %dma_start3A_805 = tpu.memref_squeeze %dma_start3A_804 : memref<1x80x16xf32, #tpu.memory_space<hbm>> -> memref<80x16xf32, #tpu.memory_space<hbm>>
    tpu.enqueue_dma source(%arg18 : memref<80x16xf32, #tpu.memory_space<vmem>>) target(%dma_start3A_805 : memref<80x16xf32, #tpu.memory_space<hbm>>) target_semaphore(%arg24 : memref<!tpu.dma_semaphore, #tpu.memory_space<semaphore_mem>>)
    %add3A_806 = arith.constant 80 : i32
    %add3A_807 = arith.addi %mul3A_4, %add3A_806 : i32
    %dma_wait3A_808 = arith.constant 0 : i32
    %dma_wait3A_809 = tpu.memref_slice %arg8[%arg0, %add3A_807, %dma_wait3A_808] : memref<2x10240x16xf32, #tpu.memory_space<hbm>> -> memref<1x80x16xf32, #tpu.memory_space<hbm>>
    %dma_wait3A_810 = tpu.memref_squeeze %dma_wait3A_809 : memref<1x80x16xf32, #tpu.memory_space<hbm>> -> memref<80x16xf32, #tpu.memory_space<hbm>>
    %dma_wait3A_811 = arith.constant 0 : i32
    %dma_wait3A_812 = tpu.memref_slice %arg8[%arg0, %add3A_807, %dma_wait3A_811] : memref<2x10240x16xf32, #tpu.memory_space<hbm>> -> memref<1x80x16xf32, #tpu.memory_space<hbm>>
    %dma_wait3A_813 = tpu.memref_squeeze %dma_wait3A_812 : memref<1x80x16xf32, #tpu.memory_space<hbm>> -> memref<80x16xf32, #tpu.memory_space<hbm>>
    tpu.wait_dma2 semaphore(%arg23 : memref<!tpu.dma_semaphore, #tpu.memory_space<semaphore_mem>>) src(%arg17 : memref<80x16xf32, #tpu.memory_space<vmem>>) dst(%dma_wait3A_813 : memref<80x16xf32, #tpu.memory_space<hbm>>)
    %add3A_814 = arith.constant 240 : i32
    %add3A_815 = arith.addi %mul3A_4, %add3A_814 : i32
    "tpu.region"() ({
      %run_scoped3A_936 = tpu.sem_alloc : memref<!tpu.dma_semaphore, #tpu.memory_space<semaphore_mem>>
      %dma_start3A_937 = arith.constant 0 : i32
      %dma_start3A_938 = tpu.memref_slice %arg16[%add3A_815, %dma_start3A_937] : memref<10240x16xf32, #tpu.memory_space<vmem_shared>> -> memref<80x16xf32, #tpu.memory_space<vmem_shared>>
      %dma_start3A_939 = arith.constant 0 : i32
      %dma_start3A_940 = tpu.memref_slice %arg16[%add3A_815, %dma_start3A_939] : memref<10240x16xf32, #tpu.memory_space<vmem_shared>> -> memref<80x16xf32, #tpu.memory_space<vmem_shared>>
      tpu.enqueue_dma source(%dma_start3A_940 : memref<80x16xf32, #tpu.memory_space<vmem_shared>>) target(%arg17 : memref<80x16xf32, #tpu.memory_space<vmem>>) target_semaphore(%run_scoped3A_936 : memref<!tpu.dma_semaphore, #tpu.memory_space<semaphore_mem>>)
      %dma_wait3A_941 = arith.constant 0 : i32
      %dma_wait3A_942 = tpu.memref_slice %arg16[%add3A_815, %dma_wait3A_941] : memref<10240x16xf32, #tpu.memory_space<vmem_shared>> -> memref<80x16xf32, #tpu.memory_space<vmem_shared>>
      %dma_wait3A_943 = arith.constant 0 : i32
      %dma_wait3A_944 = tpu.memref_slice %arg16[%add3A_815, %dma_wait3A_943] : memref<10240x16xf32, #tpu.memory_space<vmem_shared>> -> memref<80x16xf32, #tpu.memory_space<vmem_shared>>
      tpu.wait_dma2 semaphore(%run_scoped3A_936 : memref<!tpu.dma_semaphore, #tpu.memory_space<semaphore_mem>>) src(%dma_wait3A_944 : memref<80x16xf32, #tpu.memory_space<vmem_shared>>) dst(%arg17 : memref<80x16xf32, #tpu.memory_space<vmem>>)
      tpu.yield
    }) : () -> ()
    %add3A_816 = arith.constant 240 : i32
    %add3A_817 = arith.addi %mul3A_4, %add3A_816 : i32
    %dma_start3A_818 = arith.constant 0 : i32
    %dma_start3A_819 = tpu.memref_slice %arg8[%arg0, %add3A_817, %dma_start3A_818] : memref<2x10240x16xf32, #tpu.memory_space<hbm>> -> memref<1x80x16xf32, #tpu.memory_space<hbm>>
    %dma_start3A_820 = tpu.memref_squeeze %dma_start3A_819 : memref<1x80x16xf32, #tpu.memory_space<hbm>> -> memref<80x16xf32, #tpu.memory_space<hbm>>
    %dma_start3A_821 = arith.constant 0 : i32
    %dma_start3A_822 = tpu.memref_slice %arg8[%arg0, %add3A_817, %dma_start3A_821] : memref<2x10240x16xf32, #tpu.memory_space<hbm>> -> memref<1x80x16xf32, #tpu.memory_space<hbm>>
    %dma_start3A_823 = tpu.memref_squeeze %dma_start3A_822 : memref<1x80x16xf32, #tpu.memory_space<hbm>> -> memref<80x16xf32, #tpu.memory_space<hbm>>
    tpu.enqueue_dma source(%arg17 : memref<80x16xf32, #tpu.memory_space<vmem>>) target(%dma_start3A_823 : memref<80x16xf32, #tpu.memory_space<hbm>>) target_semaphore(%arg23 : memref<!tpu.dma_semaphore, #tpu.memory_space<semaphore_mem>>)
    %add3A_824 = arith.constant 160 : i32
    %add3A_825 = arith.addi %mul3A_4, %add3A_824 : i32
    %dma_wait3A_826 = arith.constant 0 : i32
    %dma_wait3A_827 = tpu.memref_slice %arg8[%arg0, %add3A_825, %dma_wait3A_826] : memref<2x10240x16xf32, #tpu.memory_space<hbm>> -> memref<1x80x16xf32, #tpu.memory_space<hbm>>
    %dma_wait3A_828 = tpu.memref_squeeze %dma_wait3A_827 : memref<1x80x16xf32, #tpu.memory_space<hbm>> -> memref<80x16xf32, #tpu.memory_space<hbm>>
    %dma_wait3A_829 = arith.constant 0 : i32
    %dma_wait3A_830 = tpu.memref_slice %arg8[%arg0, %add3A_825, %dma_wait3A_829] : memref<2x10240x16xf32, #tpu.memory_space<hbm>> -> memref<1x80x16xf32, #tpu.memory_space<hbm>>
    %dma_wait3A_831 = tpu.memref_squeeze %dma_wait3A_830 : memref<1x80x16xf32, #tpu.memory_space<hbm>> -> memref<80x16xf32, #tpu.memory_space<hbm>>
    tpu.wait_dma2 semaphore(%arg24 : memref<!tpu.dma_semaphore, #tpu.memory_space<semaphore_mem>>) src(%arg18 : memref<80x16xf32, #tpu.memory_space<vmem>>) dst(%dma_wait3A_831 : memref<80x16xf32, #tpu.memory_space<hbm>>)
    %add3A_832 = arith.constant 320 : i32
    %add3A_833 = arith.addi %mul3A_4, %add3A_832 : i32
    "tpu.region"() ({
      %run_scoped3A_936 = tpu.sem_alloc : memref<!tpu.dma_semaphore, #tpu.memory_space<semaphore_mem>>
      %dma_start3A_937 = arith.constant 0 : i32
      %dma_start3A_938 = tpu.memref_slice %arg16[%add3A_833, %dma_start3A_937] : memref<10240x16xf32, #tpu.memory_space<vmem_shared>> -> memref<80x16xf32, #tpu.memory_space<vmem_shared>>
      %dma_start3A_939 = arith.constant 0 : i32
      %dma_start3A_940 = tpu.memref_slice %arg16[%add3A_833, %dma_start3A_939] : memref<10240x16xf32, #tpu.memory_space<vmem_shared>> -> memref<80x16xf32, #tpu.memory_space<vmem_shared>>
      tpu.enqueue_dma source(%dma_start3A_940 : memref<80x16xf32, #tpu.memory_space<vmem_shared>>) target(%arg18 : memref<80x16xf32, #tpu.memory_space<vmem>>) target_semaphore(%run_scoped3A_936 : memref<!tpu.dma_semaphore, #tpu.memory_space<semaphore_mem>>)
      %dma_wait3A_941 = arith.constant 0 : i32
      %dma_wait3A_942 = tpu.memref_slice %arg16[%add3A_833, %dma_wait3A_941] : memref<10240x16xf32, #tpu.memory_space<vmem_shared>> -> memref<80x16xf32, #tpu.memory_space<vmem_shared>>
      %dma_wait3A_943 = arith.constant 0 : i32
      %dma_wait3A_944 = tpu.memref_slice %arg16[%add3A_833, %dma_wait3A_943] : memref<10240x16xf32, #tpu.memory_space<vmem_shared>> -> memref<80x16xf32, #tpu.memory_space<vmem_shared>>
      tpu.wait_dma2 semaphore(%run_scoped3A_936 : memref<!tpu.dma_semaphore, #tpu.memory_space<semaphore_mem>>) src(%dma_wait3A_944 : memref<80x16xf32, #tpu.memory_space<vmem_shared>>) dst(%arg18 : memref<80x16xf32, #tpu.memory_space<vmem>>)
      tpu.yield
    }) : () -> ()
    %add3A_834 = arith.constant 320 : i32
    %add3A_835 = arith.addi %mul3A_4, %add3A_834 : i32
    %dma_start3A_836 = arith.constant 0 : i32
    %dma_start3A_837 = tpu.memref_slice %arg8[%arg0, %add3A_835, %dma_start3A_836] : memref<2x10240x16xf32, #tpu.memory_space<hbm>> -> memref<1x80x16xf32, #tpu.memory_space<hbm>>
    %dma_start3A_838 = tpu.memref_squeeze %dma_start3A_837 : memref<1x80x16xf32, #tpu.memory_space<hbm>> -> memref<80x16xf32, #tpu.memory_space<hbm>>
    %dma_start3A_839 = arith.constant 0 : i32
    %dma_start3A_840 = tpu.memref_slice %arg8[%arg0, %add3A_835, %dma_start3A_839] : memref<2x10240x16xf32, #tpu.memory_space<hbm>> -> memref<1x80x16xf32, #tpu.memory_space<hbm>>
    %dma_start3A_841 = tpu.memref_squeeze %dma_start3A_840 : memref<1x80x16xf32, #tpu.memory_space<hbm>> -> memref<80x16xf32, #tpu.memory_space<hbm>>
    tpu.enqueue_dma source(%arg18 : memref<80x16xf32, #tpu.memory_space<vmem>>) target(%dma_start3A_841 : memref<80x16xf32, #tpu.memory_space<hbm>>) target_semaphore(%arg24 : memref<!tpu.dma_semaphore, #tpu.memory_space<semaphore_mem>>)
    %add3A_842 = arith.constant 240 : i32
    %add3A_843 = arith.addi %mul3A_4, %add3A_842 : i32
    %dma_wait3A_844 = arith.constant 0 : i32
    %dma_wait3A_845 = tpu.memref_slice %arg8[%arg0, %add3A_843, %dma_wait3A_844] : memref<2x10240x16xf32, #tpu.memory_space<hbm>> -> memref<1x80x16xf32, #tpu.memory_space<hbm>>
    %dma_wait3A_846 = tpu.memref_squeeze %dma_wait3A_845 : memref<1x80x16xf32, #tpu.memory_space<hbm>> -> memref<80x16xf32, #tpu.memory_space<hbm>>
    %dma_wait3A_847 = arith.constant 0 : i32
    %dma_wait3A_848 = tpu.memref_slice %arg8[%arg0, %add3A_843, %dma_wait3A_847] : memref<2x10240x16xf32, #tpu.memory_space<hbm>> -> memref<1x80x16xf32, #tpu.memory_space<hbm>>
    %dma_wait3A_849 = tpu.memref_squeeze %dma_wait3A_848 : memref<1x80x16xf32, #tpu.memory_space<hbm>> -> memref<80x16xf32, #tpu.memory_space<hbm>>
    tpu.wait_dma2 semaphore(%arg23 : memref<!tpu.dma_semaphore, #tpu.memory_space<semaphore_mem>>) src(%arg17 : memref<80x16xf32, #tpu.memory_space<vmem>>) dst(%dma_wait3A_849 : memref<80x16xf32, #tpu.memory_space<hbm>>)
    %add3A_850 = arith.constant 400 : i32
    %add3A_851 = arith.addi %mul3A_4, %add3A_850 : i32
    "tpu.region"() ({
      %run_scoped3A_936 = tpu.sem_alloc : memref<!tpu.dma_semaphore, #tpu.memory_space<semaphore_mem>>
      %dma_start3A_937 = arith.constant 0 : i32
      %dma_start3A_938 = tpu.memref_slice %arg16[%add3A_851, %dma_start3A_937] : memref<10240x16xf32, #tpu.memory_space<vmem_shared>> -> memref<80x16xf32, #tpu.memory_space<vmem_shared>>
      %dma_start3A_939 = arith.constant 0 : i32
      %dma_start3A_940 = tpu.memref_slice %arg16[%add3A_851, %dma_start3A_939] : memref<10240x16xf32, #tpu.memory_space<vmem_shared>> -> memref<80x16xf32, #tpu.memory_space<vmem_shared>>
      tpu.enqueue_dma source(%dma_start3A_940 : memref<80x16xf32, #tpu.memory_space<vmem_shared>>) target(%arg17 : memref<80x16xf32, #tpu.memory_space<vmem>>) target_semaphore(%run_scoped3A_936 : memref<!tpu.dma_semaphore, #tpu.memory_space<semaphore_mem>>)
      %dma_wait3A_941 = arith.constant 0 : i32
      %dma_wait3A_942 = tpu.memref_slice %arg16[%add3A_851, %dma_wait3A_941] : memref<10240x16xf32, #tpu.memory_space<vmem_shared>> -> memref<80x16xf32, #tpu.memory_space<vmem_shared>>
      %dma_wait3A_943 = arith.constant 0 : i32
      %dma_wait3A_944 = tpu.memref_slice %arg16[%add3A_851, %dma_wait3A_943] : memref<10240x16xf32, #tpu.memory_space<vmem_shared>> -> memref<80x16xf32, #tpu.memory_space<vmem_shared>>
      tpu.wait_dma2 semaphore(%run_scoped3A_936 : memref<!tpu.dma_semaphore, #tpu.memory_space<semaphore_mem>>) src(%dma_wait3A_944 : memref<80x16xf32, #tpu.memory_space<vmem_shared>>) dst(%arg17 : memref<80x16xf32, #tpu.memory_space<vmem>>)
      tpu.yield
    }) : () -> ()
    %add3A_852 = arith.constant 400 : i32
    %add3A_853 = arith.addi %mul3A_4, %add3A_852 : i32
    %dma_start3A_854 = arith.constant 0 : i32
    %dma_start3A_855 = tpu.memref_slice %arg8[%arg0, %add3A_853, %dma_start3A_854] : memref<2x10240x16xf32, #tpu.memory_space<hbm>> -> memref<1x80x16xf32, #tpu.memory_space<hbm>>
    %dma_start3A_856 = tpu.memref_squeeze %dma_start3A_855 : memref<1x80x16xf32, #tpu.memory_space<hbm>> -> memref<80x16xf32, #tpu.memory_space<hbm>>
    %dma_start3A_857 = arith.constant 0 : i32
    %dma_start3A_858 = tpu.memref_slice %arg8[%arg0, %add3A_853, %dma_start3A_857] : memref<2x10240x16xf32, #tpu.memory_space<hbm>> -> memref<1x80x16xf32, #tpu.memory_space<hbm>>
    %dma_start3A_859 = tpu.memref_squeeze %dma_start3A_858 : memref<1x80x16xf32, #tpu.memory_space<hbm>> -> memref<80x16xf32, #tpu.memory_space<hbm>>
    tpu.enqueue_dma source(%arg17 : memref<80x16xf32, #tpu.memory_space<vmem>>) target(%dma_start3A_859 : memref<80x16xf32, #tpu.memory_space<hbm>>) target_semaphore(%arg23 : memref<!tpu.dma_semaphore, #tpu.memory_space<semaphore_mem>>)
    %add3A_860 = arith.constant 320 : i32
    %add3A_861 = arith.addi %mul3A_4, %add3A_860 : i32
    %dma_wait3A_862 = arith.constant 0 : i32
    %dma_wait3A_863 = tpu.memref_slice %arg8[%arg0, %add3A_861, %dma_wait3A_862] : memref<2x10240x16xf32, #tpu.memory_space<hbm>> -> memref<1x80x16xf32, #tpu.memory_space<hbm>>
    %dma_wait3A_864 = tpu.memref_squeeze %dma_wait3A_863 : memref<1x80x16xf32, #tpu.memory_space<hbm>> -> memref<80x16xf32, #tpu.memory_space<hbm>>
    %dma_wait3A_865 = arith.constant 0 : i32
    %dma_wait3A_866 = tpu.memref_slice %arg8[%arg0, %add3A_861, %dma_wait3A_865] : memref<2x10240x16xf32, #tpu.memory_space<hbm>> -> memref<1x80x16xf32, #tpu.memory_space<hbm>>
    %dma_wait3A_867 = tpu.memref_squeeze %dma_wait3A_866 : memref<1x80x16xf32, #tpu.memory_space<hbm>> -> memref<80x16xf32, #tpu.memory_space<hbm>>
    tpu.wait_dma2 semaphore(%arg24 : memref<!tpu.dma_semaphore, #tpu.memory_space<semaphore_mem>>) src(%arg18 : memref<80x16xf32, #tpu.memory_space<vmem>>) dst(%dma_wait3A_867 : memref<80x16xf32, #tpu.memory_space<hbm>>)
    %add3A_868 = arith.constant 480 : i32
    %add3A_869 = arith.addi %mul3A_4, %add3A_868 : i32
    "tpu.region"() ({
      %run_scoped3A_936 = tpu.sem_alloc : memref<!tpu.dma_semaphore, #tpu.memory_space<semaphore_mem>>
      %dma_start3A_937 = arith.constant 0 : i32
      %dma_start3A_938 = tpu.memref_slice %arg16[%add3A_869, %dma_start3A_937] : memref<10240x16xf32, #tpu.memory_space<vmem_shared>> -> memref<80x16xf32, #tpu.memory_space<vmem_shared>>
      %dma_start3A_939 = arith.constant 0 : i32
      %dma_start3A_940 = tpu.memref_slice %arg16[%add3A_869, %dma_start3A_939] : memref<10240x16xf32, #tpu.memory_space<vmem_shared>> -> memref<80x16xf32, #tpu.memory_space<vmem_shared>>
      tpu.enqueue_dma source(%dma_start3A_940 : memref<80x16xf32, #tpu.memory_space<vmem_shared>>) target(%arg18 : memref<80x16xf32, #tpu.memory_space<vmem>>) target_semaphore(%run_scoped3A_936 : memref<!tpu.dma_semaphore, #tpu.memory_space<semaphore_mem>>)
      %dma_wait3A_941 = arith.constant 0 : i32
      %dma_wait3A_942 = tpu.memref_slice %arg16[%add3A_869, %dma_wait3A_941] : memref<10240x16xf32, #tpu.memory_space<vmem_shared>> -> memref<80x16xf32, #tpu.memory_space<vmem_shared>>
      %dma_wait3A_943 = arith.constant 0 : i32
      %dma_wait3A_944 = tpu.memref_slice %arg16[%add3A_869, %dma_wait3A_943] : memref<10240x16xf32, #tpu.memory_space<vmem_shared>> -> memref<80x16xf32, #tpu.memory_space<vmem_shared>>
      tpu.wait_dma2 semaphore(%run_scoped3A_936 : memref<!tpu.dma_semaphore, #tpu.memory_space<semaphore_mem>>) src(%dma_wait3A_944 : memref<80x16xf32, #tpu.memory_space<vmem_shared>>) dst(%arg18 : memref<80x16xf32, #tpu.memory_space<vmem>>)
      tpu.yield
    }) : () -> ()
    %add3A_870 = arith.constant 480 : i32
    %add3A_871 = arith.addi %mul3A_4, %add3A_870 : i32
    %dma_start3A_872 = arith.constant 0 : i32
    %dma_start3A_873 = tpu.memref_slice %arg8[%arg0, %add3A_871, %dma_start3A_872] : memref<2x10240x16xf32, #tpu.memory_space<hbm>> -> memref<1x80x16xf32, #tpu.memory_space<hbm>>
    %dma_start3A_874 = tpu.memref_squeeze %dma_start3A_873 : memref<1x80x16xf32, #tpu.memory_space<hbm>> -> memref<80x16xf32, #tpu.memory_space<hbm>>
    %dma_start3A_875 = arith.constant 0 : i32
    %dma_start3A_876 = tpu.memref_slice %arg8[%arg0, %add3A_871, %dma_start3A_875] : memref<2x10240x16xf32, #tpu.memory_space<hbm>> -> memref<1x80x16xf32, #tpu.memory_space<hbm>>
    %dma_start3A_877 = tpu.memref_squeeze %dma_start3A_876 : memref<1x80x16xf32, #tpu.memory_space<hbm>> -> memref<80x16xf32, #tpu.memory_space<hbm>>
    tpu.enqueue_dma source(%arg18 : memref<80x16xf32, #tpu.memory_space<vmem>>) target(%dma_start3A_877 : memref<80x16xf32, #tpu.memory_space<hbm>>) target_semaphore(%arg24 : memref<!tpu.dma_semaphore, #tpu.memory_space<semaphore_mem>>)
    %add3A_878 = arith.constant 400 : i32
    %add3A_879 = arith.addi %mul3A_4, %add3A_878 : i32
    %dma_wait3A_880 = arith.constant 0 : i32
    %dma_wait3A_881 = tpu.memref_slice %arg8[%arg0, %add3A_879, %dma_wait3A_880] : memref<2x10240x16xf32, #tpu.memory_space<hbm>> -> memref<1x80x16xf32, #tpu.memory_space<hbm>>
    %dma_wait3A_882 = tpu.memref_squeeze %dma_wait3A_881 : memref<1x80x16xf32, #tpu.memory_space<hbm>> -> memref<80x16xf32, #tpu.memory_space<hbm>>
    %dma_wait3A_883 = arith.constant 0 : i32
    %dma_wait3A_884 = tpu.memref_slice %arg8[%arg0, %add3A_879, %dma_wait3A_883] : memref<2x10240x16xf32, #tpu.memory_space<hbm>> -> memref<1x80x16xf32, #tpu.memory_space<hbm>>
    %dma_wait3A_885 = tpu.memref_squeeze %dma_wait3A_884 : memref<1x80x16xf32, #tpu.memory_space<hbm>> -> memref<80x16xf32, #tpu.memory_space<hbm>>
    tpu.wait_dma2 semaphore(%arg23 : memref<!tpu.dma_semaphore, #tpu.memory_space<semaphore_mem>>) src(%arg17 : memref<80x16xf32, #tpu.memory_space<vmem>>) dst(%dma_wait3A_885 : memref<80x16xf32, #tpu.memory_space<hbm>>)
    %add3A_886 = arith.constant 560 : i32
    %add3A_887 = arith.addi %mul3A_4, %add3A_886 : i32
    "tpu.region"() ({
      %run_scoped3A_936 = tpu.sem_alloc : memref<!tpu.dma_semaphore, #tpu.memory_space<semaphore_mem>>
      %dma_start3A_937 = arith.constant 0 : i32
      %dma_start3A_938 = tpu.memref_slice %arg16[%add3A_887, %dma_start3A_937] : memref<10240x16xf32, #tpu.memory_space<vmem_shared>> -> memref<80x16xf32, #tpu.memory_space<vmem_shared>>
      %dma_start3A_939 = arith.constant 0 : i32
      %dma_start3A_940 = tpu.memref_slice %arg16[%add3A_887, %dma_start3A_939] : memref<10240x16xf32, #tpu.memory_space<vmem_shared>> -> memref<80x16xf32, #tpu.memory_space<vmem_shared>>
      tpu.enqueue_dma source(%dma_start3A_940 : memref<80x16xf32, #tpu.memory_space<vmem_shared>>) target(%arg17 : memref<80x16xf32, #tpu.memory_space<vmem>>) target_semaphore(%run_scoped3A_936 : memref<!tpu.dma_semaphore, #tpu.memory_space<semaphore_mem>>)
      %dma_wait3A_941 = arith.constant 0 : i32
      %dma_wait3A_942 = tpu.memref_slice %arg16[%add3A_887, %dma_wait3A_941] : memref<10240x16xf32, #tpu.memory_space<vmem_shared>> -> memref<80x16xf32, #tpu.memory_space<vmem_shared>>
      %dma_wait3A_943 = arith.constant 0 : i32
      %dma_wait3A_944 = tpu.memref_slice %arg16[%add3A_887, %dma_wait3A_943] : memref<10240x16xf32, #tpu.memory_space<vmem_shared>> -> memref<80x16xf32, #tpu.memory_space<vmem_shared>>
      tpu.wait_dma2 semaphore(%run_scoped3A_936 : memref<!tpu.dma_semaphore, #tpu.memory_space<semaphore_mem>>) src(%dma_wait3A_944 : memref<80x16xf32, #tpu.memory_space<vmem_shared>>) dst(%arg17 : memref<80x16xf32, #tpu.memory_space<vmem>>)
      tpu.yield
    }) : () -> ()
    %add3A_888 = arith.constant 560 : i32
    %add3A_889 = arith.addi %mul3A_4, %add3A_888 : i32
    %dma_start3A_890 = arith.constant 0 : i32
    %dma_start3A_891 = tpu.memref_slice %arg8[%arg0, %add3A_889, %dma_start3A_890] : memref<2x10240x16xf32, #tpu.memory_space<hbm>> -> memref<1x80x16xf32, #tpu.memory_space<hbm>>
    %dma_start3A_892 = tpu.memref_squeeze %dma_start3A_891 : memref<1x80x16xf32, #tpu.memory_space<hbm>> -> memref<80x16xf32, #tpu.memory_space<hbm>>
    %dma_start3A_893 = arith.constant 0 : i32
    %dma_start3A_894 = tpu.memref_slice %arg8[%arg0, %add3A_889, %dma_start3A_893] : memref<2x10240x16xf32, #tpu.memory_space<hbm>> -> memref<1x80x16xf32, #tpu.memory_space<hbm>>
    %dma_start3A_895 = tpu.memref_squeeze %dma_start3A_894 : memref<1x80x16xf32, #tpu.memory_space<hbm>> -> memref<80x16xf32, #tpu.memory_space<hbm>>
    tpu.enqueue_dma source(%arg17 : memref<80x16xf32, #tpu.memory_space<vmem>>) target(%dma_start3A_895 : memref<80x16xf32, #tpu.memory_space<hbm>>) target_semaphore(%arg23 : memref<!tpu.dma_semaphore, #tpu.memory_space<semaphore_mem>>)
    %add3A_896 = arith.constant 480 : i32
    %add3A_897 = arith.addi %mul3A_4, %add3A_896 : i32
    %dma_wait3A_898 = arith.constant 0 : i32
    %dma_wait3A_899 = tpu.memref_slice %arg8[%arg0, %add3A_897, %dma_wait3A_898] : memref<2x10240x16xf32, #tpu.memory_space<hbm>> -> memref<1x80x16xf32, #tpu.memory_space<hbm>>
    %dma_wait3A_900 = tpu.memref_squeeze %dma_wait3A_899 : memref<1x80x16xf32, #tpu.memory_space<hbm>> -> memref<80x16xf32, #tpu.memory_space<hbm>>
    %dma_wait3A_901 = arith.constant 0 : i32
    %dma_wait3A_902 = tpu.memref_slice %arg8[%arg0, %add3A_897, %dma_wait3A_901] : memref<2x10240x16xf32, #tpu.memory_space<hbm>> -> memref<1x80x16xf32, #tpu.memory_space<hbm>>
    %dma_wait3A_903 = tpu.memref_squeeze %dma_wait3A_902 : memref<1x80x16xf32, #tpu.memory_space<hbm>> -> memref<80x16xf32, #tpu.memory_space<hbm>>
    tpu.wait_dma2 semaphore(%arg24 : memref<!tpu.dma_semaphore, #tpu.memory_space<semaphore_mem>>) src(%arg18 : memref<80x16xf32, #tpu.memory_space<vmem>>) dst(%dma_wait3A_903 : memref<80x16xf32, #tpu.memory_space<hbm>>)
    %add3A_904 = arith.constant 560 : i32
    %add3A_905 = arith.addi %mul3A_4, %add3A_904 : i32
    %dma_wait3A_906 = arith.constant 0 : i32
    %dma_wait3A_907 = tpu.memref_slice %arg8[%arg0, %add3A_905, %dma_wait3A_906] : memref<2x10240x16xf32, #tpu.memory_space<hbm>> -> memref<1x80x16xf32, #tpu.memory_space<hbm>>
    %dma_wait3A_908 = tpu.memref_squeeze %dma_wait3A_907 : memref<1x80x16xf32, #tpu.memory_space<hbm>> -> memref<80x16xf32, #tpu.memory_space<hbm>>
    %dma_wait3A_909 = arith.constant 0 : i32
    %dma_wait3A_910 = tpu.memref_slice %arg8[%arg0, %add3A_905, %dma_wait3A_909] : memref<2x10240x16xf32, #tpu.memory_space<hbm>> -> memref<1x80x16xf32, #tpu.memory_space<hbm>>
    %dma_wait3A_911 = tpu.memref_squeeze %dma_wait3A_910 : memref<1x80x16xf32, #tpu.memory_space<hbm>> -> memref<80x16xf32, #tpu.memory_space<hbm>>
    tpu.wait_dma2 semaphore(%arg23 : memref<!tpu.dma_semaphore, #tpu.memory_space<semaphore_mem>>) src(%arg17 : memref<80x16xf32, #tpu.memory_space<vmem>>) dst(%dma_wait3A_911 : memref<80x16xf32, #tpu.memory_space<hbm>>)
    %add3A_912 = arith.constant 400 : i32
    %add3A_913 = arith.addi %mul3A_4, %add3A_912 : i32
    %dma_wait3A_914 = arith.constant 0 : i32
    %dma_wait3A_915 = tpu.memref_slice %arg7[%arg0, %add3A_913, %dma_wait3A_914] : memref<2x10240x128xf32, #tpu.memory_space<hbm>> -> memref<1x80x128xf32, #tpu.memory_space<hbm>>
    %dma_wait3A_916 = tpu.memref_squeeze %dma_wait3A_915 : memref<1x80x128xf32, #tpu.memory_space<hbm>> -> memref<80x128xf32, #tpu.memory_space<hbm>>
    %dma_wait3A_917 = arith.constant 0 : i32
    %dma_wait3A_918 = tpu.memref_slice %arg7[%arg0, %add3A_913, %dma_wait3A_917] : memref<2x10240x128xf32, #tpu.memory_space<hbm>> -> memref<1x80x128xf32, #tpu.memory_space<hbm>>
    %dma_wait3A_919 = tpu.memref_squeeze %dma_wait3A_918 : memref<1x80x128xf32, #tpu.memory_space<hbm>> -> memref<80x128xf32, #tpu.memory_space<hbm>>
    tpu.wait_dma2 semaphore(%arg21 : memref<!tpu.dma_semaphore, #tpu.memory_space<semaphore_mem>>) src(%arg13 : memref<80x128xf32, #tpu.memory_space<vmem>>) dst(%dma_wait3A_919 : memref<80x128xf32, #tpu.memory_space<hbm>>)
    %add3A_920 = arith.constant 480 : i32
    %add3A_921 = arith.addi %mul3A_4, %add3A_920 : i32
    %dma_wait3A_922 = arith.constant 0 : i32
    %dma_wait3A_923 = tpu.memref_slice %arg7[%arg0, %add3A_921, %dma_wait3A_922] : memref<2x10240x128xf32, #tpu.memory_space<hbm>> -> memref<1x80x128xf32, #tpu.memory_space<hbm>>
    %dma_wait3A_924 = tpu.memref_squeeze %dma_wait3A_923 : memref<1x80x128xf32, #tpu.memory_space<hbm>> -> memref<80x128xf32, #tpu.memory_space<hbm>>
    %dma_wait3A_925 = arith.constant 0 : i32
    %dma_wait3A_926 = tpu.memref_slice %arg7[%arg0, %add3A_921, %dma_wait3A_925] : memref<2x10240x128xf32, #tpu.memory_space<hbm>> -> memref<1x80x128xf32, #tpu.memory_space<hbm>>
    %dma_wait3A_927 = tpu.memref_squeeze %dma_wait3A_926 : memref<1x80x128xf32, #tpu.memory_space<hbm>> -> memref<80x128xf32, #tpu.memory_space<hbm>>
    tpu.wait_dma2 semaphore(%arg19 : memref<!tpu.dma_semaphore, #tpu.memory_space<semaphore_mem>>) src(%arg11 : memref<80x128xf32, #tpu.memory_space<vmem>>) dst(%dma_wait3A_927 : memref<80x128xf32, #tpu.memory_space<hbm>>)
    %add3A_928 = arith.constant 560 : i32
    %add3A_929 = arith.addi %mul3A_4, %add3A_928 : i32
    %dma_wait3A_930 = arith.constant 0 : i32
    %dma_wait3A_931 = tpu.memref_slice %arg7[%arg0, %add3A_929, %dma_wait3A_930] : memref<2x10240x128xf32, #tpu.memory_space<hbm>> -> memref<1x80x128xf32, #tpu.memory_space<hbm>>
    %dma_wait3A_932 = tpu.memref_squeeze %dma_wait3A_931 : memref<1x80x128xf32, #tpu.memory_space<hbm>> -> memref<80x128xf32, #tpu.memory_space<hbm>>
    %dma_wait3A_933 = arith.constant 0 : i32
    %dma_wait3A_934 = tpu.memref_slice %arg7[%arg0, %add3A_929, %dma_wait3A_933] : memref<2x10240x128xf32, #tpu.memory_space<hbm>> -> memref<1x80x128xf32, #tpu.memory_space<hbm>>
    %dma_wait3A_935 = tpu.memref_squeeze %dma_wait3A_934 : memref<1x80x128xf32, #tpu.memory_space<hbm>> -> memref<80x128xf32, #tpu.memory_space<hbm>>
    tpu.wait_dma2 semaphore(%arg20 : memref<!tpu.dma_semaphore, #tpu.memory_space<semaphore_mem>>) src(%arg12 : memref<80x128xf32, #tpu.memory_space<vmem>>) dst(%dma_wait3A_935 : memref<80x128xf32, #tpu.memory_space<hbm>>)
    return
  }
}

module attributes {stable_mosaic.version = 14 : i64} {
  func.func @_self_body(%arg0: i32, %arg1: memref<1000x128xf32, #tpu.memory_space<vmem>>, %arg2: memref<128x128xf32, #tpu.memory_space<vmem>>, %arg3: memref<1x128xf32, #tpu.memory_space<vmem>>, %arg4: memref<1000x128xf32, #tpu.memory_space<vmem>>) attributes {dimension_semantics = [#tpu.dimension_semantics<arbitrary>], iteration_bounds = array<i64: 10>, scalar_prefetch = 0 : i64, scratch_operands = 0 : i64, tpu.core_type = #tpu.core_type<tc>, window_params = [{transform_indices = @transform_0, window_bounds = array<i64: 1000, 128>}, {pipeline_mode = #tpu.pipeline_mode<synchronous>, transform_indices = @transform_1, window_bounds = array<i64: 128, 128>}, {pipeline_mode = #tpu.pipeline_mode<synchronous>, transform_indices = @transform_2, window_bounds = array<i64: 1, 128>}, {transform_indices = @transform_3, window_bounds = array<i64: 1000, 128>}]} {
    %get3A = arith.constant 0 : index
    %get3A_0 = arith.constant 0 : index
    %get3A_1 = vector.load %arg1[%get3A, %get3A_0] : memref<1000x128xf32, #tpu.memory_space<vmem>>, vector<1000x128xf32>
    %get3A_2 = arith.constant 0 : index
    %get3A_3 = arith.constant 0 : index
    %get3A_4 = vector.load %arg2[%get3A_2, %get3A_3] : memref<128x128xf32, #tpu.memory_space<vmem>>, vector<128x128xf32>
    %dot_general3A = arith.constant dense<0.000000e+00> : vector<1000x128xf32>
    %dot_general3A_5 = tpu.matmul %get3A_1, %get3A_4, %dot_general3A {dimension_numbers = #tpu.dot_dimension_numbers<[1], [0], [0], [1], [0, 0, 1, 1], [], []>, transpose_lhs_hint = false} : vector<1000x128xf32>, vector<128x128xf32>, vector<1000x128xf32> -> vector<1000x128xf32>
    %get3A_6 = arith.constant 0 : index
    %get3A_7 = arith.constant 0 : index
    %get3A_8 = vector.load %arg3[%get3A_6, %get3A_7] : memref<1x128xf32, #tpu.memory_space<vmem>>, vector<1x128xf32>
    %add3A = vector.broadcast %get3A_8 : vector<1x128xf32> to vector<1000x128xf32>
    %add3A_9 = arith.addf %dot_general3A_5, %add3A : vector<1000x128xf32>
    %swap3A = arith.constant 0 : index
    %swap3A_10 = arith.constant 0 : index
    %swap3A_11 = vector.load %arg4[%swap3A, %swap3A_10] : memref<1000x128xf32, #tpu.memory_space<vmem>>, vector<1000x128xf32>
    tpu.vector_store %arg4[%swap3A, %swap3A_10], %add3A_9 {strides = array<i32>} : memref<1000x128xf32, #tpu.memory_space<vmem>>, vector<1000x128xf32>,
    return
  }
  func.func @transform_0(%arg0: i32) -> (i32, i32) {
    %c0_i32 = arith.constant 0 : i32
    %c0_i32_0 = arith.constant 0 : i32
    return %arg0, %c0_i32 : i32, i32
  }
  func.func @transform_1(%arg0: i32) -> (i32, i32) {
    %c0_i32 = arith.constant 0 : i32
    %c0_i32_0 = arith.constant 0 : i32
    %c0_i32_1 = arith.constant 0 : i32
    return %c0_i32, %c0_i32_0 : i32, i32
  }
  func.func @transform_2(%arg0: i32) -> (i32, i32) {
    %c0_i32 = arith.constant 0 : i32
    %c0_i32_0 = arith.constant 0 : i32
    %c0_i32_1 = arith.constant 0 : i32
    return %c0_i32, %c0_i32_0 : i32, i32
  }
  func.func @transform_3(%arg0: i32) -> (i32, i32) {
    %c0_i32 = arith.constant 0 : i32
    %c0_i32_0 = arith.constant 0 : i32
    return %arg0, %c0_i32 : i32, i32
  }
}

module attributes {stable_mosaic.version = 14 : i64} {
  func.func @_comb_body(%arg0: i32, %arg1: memref<2x1000x128xf32, #tpu.memory_space<vmem>>, %arg2: memref<2x1000x16xf32, #tpu.memory_space<vmem>>, %arg3: memref<1000x128xf32, #tpu.memory_space<vmem>>, %arg4: memref<128x128xf32, #tpu.memory_space<vmem>>, %arg5: memref<1000x128xf32, #tpu.memory_space<vmem>>) attributes {dimension_semantics = [#tpu.dimension_semantics<arbitrary>], iteration_bounds = array<i64: 10>, scalar_prefetch = 0 : i64, scratch_operands = 0 : i64, tpu.core_type = #tpu.core_type<tc>, window_params = [{transform_indices = @transform_0, window_bounds = array<i64: 2, 1000, 128>}, {transform_indices = @transform_1, window_bounds = array<i64: 2, 1000, 16>}, {transform_indices = @transform_2, window_bounds = array<i64: 1000, 128>}, {pipeline_mode = #tpu.pipeline_mode<synchronous>, transform_indices = @transform_3, window_bounds = array<i64: 128, 128>}, {transform_indices = @transform_4, window_bounds = array<i64: 1000, 128>}]} {
    %get3A = arith.constant 0 : index
    %get3A_0 = arith.constant 0 : index
    %get3A_1 = arith.constant 0 : index
    %get3A_2 = vector.load %arg1[%get3A, %get3A_0, %get3A_1] : memref<2x1000x128xf32, #tpu.memory_space<vmem>>, vector<1x1000x128xf32>
    %get3A_3 = vector.shape_cast %get3A_2 : vector<1x1000x128xf32> to vector<1000x128xf32>
    %get3A_4 = arith.constant 1 : index
    %get3A_5 = arith.constant 0 : index
    %get3A_6 = arith.constant 0 : index
    %get3A_7 = vector.load %arg1[%get3A_4, %get3A_5, %get3A_6] : memref<2x1000x128xf32, #tpu.memory_space<vmem>>, vector<1x1000x128xf32>
    %get3A_8 = vector.shape_cast %get3A_7 : vector<1x1000x128xf32> to vector<1000x128xf32>
    %add3A = arith.addf %get3A_3, %get3A_8 : vector<1000x128xf32>
    %get3A_9 = arith.constant 0 : index
    %get3A_10 = arith.constant 0 : index
    %get3A_11 = arith.constant 0 : index
    %get3A_12 = vector.load %arg2[%get3A_9, %get3A_10, %get3A_11] : memref<2x1000x16xf32, #tpu.memory_space<vmem>>, vector<1x1000x1xf32>
    %get3A_13 = vector.shape_cast %get3A_12 : vector<1x1000x1xf32> to vector<1000x1xf32>
    %get3A_14 = arith.constant 1 : index
    %get3A_15 = arith.constant 0 : index
    %get3A_16 = arith.constant 0 : index
    %get3A_17 = vector.load %arg2[%get3A_14, %get3A_15, %get3A_16] : memref<2x1000x16xf32, #tpu.memory_space<vmem>>, vector<1x1000x1xf32>
    %get3A_18 = vector.shape_cast %get3A_17 : vector<1x1000x1xf32> to vector<1000x1xf32>
    %add3A_19 = arith.addf %get3A_13, %get3A_18 : vector<1000x1xf32>
    %max3A = arith.constant 1.000000e+00 : f32
    %max3A_20 = vector.broadcast %max3A : f32 to vector<1000x1xf32>
    %max3A_21 = arith.maximumf %add3A_19, %max3A_20 : vector<1000x1xf32>
    %div3A = vector.broadcast %max3A_21 : vector<1000x1xf32> to vector<1000x128xf32>
    %div3A_22 = arith.divf %add3A, %div3A : vector<1000x128xf32>
    %get3A_23 = arith.constant 0 : index
    %get3A_24 = arith.constant 0 : index
    %get3A_25 = vector.load %arg4[%get3A_23, %get3A_24] : memref<128x128xf32, #tpu.memory_space<vmem>>, vector<128x128xf32>
    %dot_general3A = arith.constant dense<0.000000e+00> : vector<1000x128xf32>
    %dot_general3A_26 = tpu.matmul %div3A_22, %get3A_25, %dot_general3A {dimension_numbers = #tpu.dot_dimension_numbers<[1], [0], [0], [1], [0, 0, 1, 1], [], []>, transpose_lhs_hint = false} : vector<1000x128xf32>, vector<128x128xf32>, vector<1000x128xf32> -> vector<1000x128xf32>
    %get3A_27 = arith.constant 0 : index
    %get3A_28 = arith.constant 0 : index
    %get3A_29 = vector.load %arg3[%get3A_27, %get3A_28] : memref<1000x128xf32, #tpu.memory_space<vmem>>, vector<1000x128xf32>
    %add3A_30 = arith.addf %dot_general3A_26, %get3A_29 : vector<1000x128xf32>
    %max3A_31 = arith.constant 0.000000e+00 : f32
    %max3A_32 = vector.broadcast %max3A_31 : f32 to vector<1000x128xf32>
    %max3A_33 = arith.maximumf %add3A_30, %max3A_32 : vector<1000x128xf32>
    %swap3A = arith.constant 0 : index
    %swap3A_34 = arith.constant 0 : index
    %swap3A_35 = vector.load %arg5[%swap3A, %swap3A_34] : memref<1000x128xf32, #tpu.memory_space<vmem>>, vector<1000x128xf32>
    tpu.vector_store %arg5[%swap3A, %swap3A_34], %max3A_33 {strides = array<i32>} : memref<1000x128xf32, #tpu.memory_space<vmem>>, vector<1000x128xf32>,
    return
  }
  func.func @transform_0(%arg0: i32) -> (i32, i32, i32) {
    %c0_i32 = arith.constant 0 : i32
    %c0_i32_0 = arith.constant 0 : i32
    %c0_i32_1 = arith.constant 0 : i32
    return %c0_i32, %arg0, %c0_i32_0 : i32, i32, i32
  }
  func.func @transform_1(%arg0: i32) -> (i32, i32, i32) {
    %c0_i32 = arith.constant 0 : i32
    %c0_i32_0 = arith.constant 0 : i32
    %c0_i32_1 = arith.constant 0 : i32
    return %c0_i32, %arg0, %c0_i32_0 : i32, i32, i32
  }
  func.func @transform_2(%arg0: i32) -> (i32, i32) {
    %c0_i32 = arith.constant 0 : i32
    %c0_i32_0 = arith.constant 0 : i32
    return %arg0, %c0_i32 : i32, i32
  }
  func.func @transform_3(%arg0: i32) -> (i32, i32) {
    %c0_i32 = arith.constant 0 : i32
    %c0_i32_0 = arith.constant 0 : i32
    %c0_i32_1 = arith.constant 0 : i32
    return %c0_i32, %c0_i32_0 : i32, i32
  }
  func.func @transform_4(%arg0: i32) -> (i32, i32) {
    %c0_i32 = arith.constant 0 : i32
    %c0_i32_0 = arith.constant 0 : i32
    return %arg0, %c0_i32 : i32, i32
  }
}

module attributes {stable_mosaic.version = 14 : i64} {
  func.func @_comb_body(%arg0: i32, %arg1: memref<2x1000x128xf32, #tpu.memory_space<vmem>>, %arg2: memref<2x1000x16xf32, #tpu.memory_space<vmem>>, %arg3: memref<1000x128xf32, #tpu.memory_space<vmem>>, %arg4: memref<128x128xf32, #tpu.memory_space<vmem>>, %arg5: memref<1000x128xf32, #tpu.memory_space<vmem>>) attributes {dimension_semantics = [#tpu.dimension_semantics<arbitrary>], iteration_bounds = array<i64: 10>, scalar_prefetch = 0 : i64, scratch_operands = 0 : i64, tpu.core_type = #tpu.core_type<tc>, window_params = [{transform_indices = @transform_0, window_bounds = array<i64: 2, 1000, 128>}, {transform_indices = @transform_1, window_bounds = array<i64: 2, 1000, 16>}, {transform_indices = @transform_2, window_bounds = array<i64: 1000, 128>}, {pipeline_mode = #tpu.pipeline_mode<synchronous>, transform_indices = @transform_3, window_bounds = array<i64: 128, 128>}, {transform_indices = @transform_4, window_bounds = array<i64: 1000, 128>}]} {
    %get3A = arith.constant 0 : index
    %get3A_0 = arith.constant 0 : index
    %get3A_1 = arith.constant 0 : index
    %get3A_2 = vector.load %arg1[%get3A, %get3A_0, %get3A_1] : memref<2x1000x128xf32, #tpu.memory_space<vmem>>, vector<1x1000x128xf32>
    %get3A_3 = vector.shape_cast %get3A_2 : vector<1x1000x128xf32> to vector<1000x128xf32>
    %get3A_4 = arith.constant 1 : index
    %get3A_5 = arith.constant 0 : index
    %get3A_6 = arith.constant 0 : index
    %get3A_7 = vector.load %arg1[%get3A_4, %get3A_5, %get3A_6] : memref<2x1000x128xf32, #tpu.memory_space<vmem>>, vector<1x1000x128xf32>
    %get3A_8 = vector.shape_cast %get3A_7 : vector<1x1000x128xf32> to vector<1000x128xf32>
    %add3A = arith.addf %get3A_3, %get3A_8 : vector<1000x128xf32>
    %get3A_9 = arith.constant 0 : index
    %get3A_10 = arith.constant 0 : index
    %get3A_11 = arith.constant 0 : index
    %get3A_12 = vector.load %arg2[%get3A_9, %get3A_10, %get3A_11] : memref<2x1000x16xf32, #tpu.memory_space<vmem>>, vector<1x1000x1xf32>
    %get3A_13 = vector.shape_cast %get3A_12 : vector<1x1000x1xf32> to vector<1000x1xf32>
    %get3A_14 = arith.constant 1 : index
    %get3A_15 = arith.constant 0 : index
    %get3A_16 = arith.constant 0 : index
    %get3A_17 = vector.load %arg2[%get3A_14, %get3A_15, %get3A_16] : memref<2x1000x16xf32, #tpu.memory_space<vmem>>, vector<1x1000x1xf32>
    %get3A_18 = vector.shape_cast %get3A_17 : vector<1x1000x1xf32> to vector<1000x1xf32>
    %add3A_19 = arith.addf %get3A_13, %get3A_18 : vector<1000x1xf32>
    %max3A = arith.constant 1.000000e+00 : f32
    %max3A_20 = vector.broadcast %max3A : f32 to vector<1000x1xf32>
    %max3A_21 = arith.maximumf %add3A_19, %max3A_20 : vector<1000x1xf32>
    %div3A = vector.broadcast %max3A_21 : vector<1000x1xf32> to vector<1000x128xf32>
    %div3A_22 = arith.divf %add3A, %div3A : vector<1000x128xf32>
    %get3A_23 = arith.constant 0 : index
    %get3A_24 = arith.constant 0 : index
    %get3A_25 = vector.load %arg4[%get3A_23, %get3A_24] : memref<128x128xf32, #tpu.memory_space<vmem>>, vector<128x128xf32>
    %dot_general3A = arith.constant dense<0.000000e+00> : vector<1000x128xf32>
    %dot_general3A_26 = tpu.matmul %div3A_22, %get3A_25, %dot_general3A {dimension_numbers = #tpu.dot_dimension_numbers<[1], [0], [0], [1], [0, 0, 1, 1], [], []>, transpose_lhs_hint = false} : vector<1000x128xf32>, vector<128x128xf32>, vector<1000x128xf32> -> vector<1000x128xf32>
    %get3A_27 = arith.constant 0 : index
    %get3A_28 = arith.constant 0 : index
    %get3A_29 = vector.load %arg3[%get3A_27, %get3A_28] : memref<1000x128xf32, #tpu.memory_space<vmem>>, vector<1000x128xf32>
    %add3A_30 = arith.addf %dot_general3A_26, %get3A_29 : vector<1000x128xf32>
    %swap3A = arith.constant 0 : index
    %swap3A_31 = arith.constant 0 : index
    %swap3A_32 = vector.load %arg5[%swap3A, %swap3A_31] : memref<1000x128xf32, #tpu.memory_space<vmem>>, vector<1000x128xf32>
    tpu.vector_store %arg5[%swap3A, %swap3A_31], %add3A_30 {strides = array<i32>} : memref<1000x128xf32, #tpu.memory_space<vmem>>, vector<1000x128xf32>,
    return
  }
  func.func @transform_0(%arg0: i32) -> (i32, i32, i32) {
    %c0_i32 = arith.constant 0 : i32
    %c0_i32_0 = arith.constant 0 : i32
    %c0_i32_1 = arith.constant 0 : i32
    return %c0_i32, %arg0, %c0_i32_0 : i32, i32, i32
  }
  func.func @transform_1(%arg0: i32) -> (i32, i32, i32) {
    %c0_i32 = arith.constant 0 : i32
    %c0_i32_0 = arith.constant 0 : i32
    %c0_i32_1 = arith.constant 0 : i32
    return %c0_i32, %arg0, %c0_i32_0 : i32, i32, i32
  }
  func.func @transform_2(%arg0: i32) -> (i32, i32) {
    %c0_i32 = arith.constant 0 : i32
    %c0_i32_0 = arith.constant 0 : i32
    return %arg0, %c0_i32 : i32, i32
  }
  func.func @transform_3(%arg0: i32) -> (i32, i32) {
    %c0_i32 = arith.constant 0 : i32
    %c0_i32_0 = arith.constant 0 : i32
    %c0_i32_1 = arith.constant 0 : i32
    return %c0_i32, %c0_i32_0 : i32, i32
  }
  func.func @transform_4(%arg0: i32) -> (i32, i32) {
    %c0_i32 = arith.constant 0 : i32
    %c0_i32_0 = arith.constant 0 : i32
    return %arg0, %c0_i32 : i32, i32
  }
}

</mosaic_0001>

<sc_bundles>
// kernel: kernel.11.cloned.1.call-start
scs
__scs_entry_jumppad:
0x0: {  	(pc) =	sbr.rel $0x88, $3  }
0x1: {  	(tag) =	ssettag $0x0;
	lr =	simm.s32 $0x1  }
0x2: {  	[smem:$0x3F95] =	sst lr;
	_ =	strace $0xD0000000  }
0x3: {  	_ = 	snop  }
0x4: {  	_ = 	snop  }
0x5: {  	_ = 	snop  }
0x6: {  	_ = 	snop  }
0x7: {  	_ = 	snop  }
__scs_overlays_trampoline_lowered:
0x8: {  	[smem:$0x3FA4] =	sst s0  }
0x9: {  	[smem:$0x3FA5] =	sst s1  }
0xa: {  	[smem:$0x3FA6] =	sst s2  }
0xb: {  	[smem:$0x3FA7] =	sst s3  }
0xc: {  	[smem:$0x3FA8] =	sst s4  }
0xd: {  	[smem:$0x3FA9] =	sst s5  }
0xe: {  	[smem:$0x3FAA] =	sst s6  }
0xf: {  	[smem:$0x3FAB] =	sst s7  }
0x10: {  	[smem:$0x3FAC] =	sst s8  }
0x11: {  	[smem:$0x3FAD] =	sst s9;
	s0 =	simm.s32 @!p0 $0x0  }
0x12: {  	s1 =	sld [smem:$0x3F93];
	s0 =	simm.s32 @p0 $0x1  }
0x13: {  	[smem:$0x3FAE] =	sst s0;
	s0 =	simm.s32 @!p1 $0x0  }
0x14: {  	s2 =	sld [smem:$0x3F92];
	s0 =	simm.s32 @p1 $0x1  }
0x15: {  	[smem:$0x3FAF] =	sst s0;
	s0 =	simm.s32 @!p2 $0x0  }
0x16: {  	s3 =	sld [smem:$0x3FDB];
	s0 =	simm.s32 @p2 $0x1  }
0x17: {  	s4 =	simm.s32 $0x1BF5;
	[smem:$0x3FB1] =	sst s0  }
0x18: {  	s0 =	sld [smem:$0x3F94];
	_ =	swait.ge [sflag:s4], $0x0  }
0x19: {  	s7 =	sld [smem:$0x3F95]  }
0x1a: {  	s8 =	sadd.s32 $0xFFFFE003, lr  }
0x1b: {  	s9 =	sadd.s32 $0xFFFFFEF7, lr;
	s5 =	simm.s32 $0xFFFFFFFF;
	p2 =	slt.u32 s8, $0xFFFFF086  }
0x1c: {  	p1 =	slt.u32 s9, $0xF7A;
	s5 =	simm.s32 @!p2 $0x0  }
0x1d: {  	s5 =	simm.s32 @p1 $0x1;
	p0 =	seq.s32 s7, s2  }
0x1e: {  	s7 =	smul.u32 @!p0 $0xF7A, s2;
	p2 =	seq.s32 @!p0 s5, $0x0  }
0x1f: {  	s9 =	smul.u32 $0xF7A, s1;
	s8 =	simm.s32 @!p0 $0x1BF5;
	p2 =	por !p2, p0  }
0x20: {  	[sflag:s8] =	ssyncset.s32 @!p0 $0xFFFFF086;
	s6 =	sadd.s32 @!p0 s3, s7;
	s7 =	simm.s32 @!p0 $0x108  }
0x21: {  	s3 =	sadd.s32 s3, s9;
	s6 =	sadd.s32 @!p0 $0x88, s6;
	s7 =	simm.s32 @p2 $0x1082  }
0x22: {  	[simem:s7], [sflag:s8] =	dma.local @!p0 [hbm:s6], $0xF7A  }
0x23: {  	s9 =	sor.u32 $0xD0000000, s2;
	s6 =	simm.s32 $0x108;
	_ =	swait.ge @!p0 [sflag:s8], $0x0  }
0x24: {  	s3 =	sadd.s32 $0x88, s3;
	s6 =	simm.s32 @!p1 $0x1082;
	[sflag:s4] =	ssyncset.s32 $0xFFFFF086  }
0x25: {  	[simem:s6], [sflag:s4] =	dma.local [hbm:s3], $0xF7A  }
0x26: {  	[smem:$0x3F95] =	sst s1;
	(tag) =	ssettag s2;
	_ =	strace s9  }
0x27: {  	s1 =	sld [smem:$0x3FA5]  }
0x28: {  	s2 =	sld [smem:$0x3FA6]  }
0x29: {  	s4 =	sld [smem:$0x3FA8]  }
0x2a: {  	p0 =	seq.s32 s5, $0x0;
	s5 =	sld [smem:$0x3FA9]  }
0x2b: {  	s6 =	sld [smem:$0x3FAA]  }
0x2c: {  	s7 =	sld [smem:$0x3FAB]  }
0x2d: {  	s3 =	simm.s32 $0x108;
	s8 =	sld [smem:$0x3FAC]  }
0x2e: {  	s3 =	simm.s32 @!p0 $0x1082;
	s9 =	sld [smem:$0x3FAD]  }
0x2f: {  	lr =	sadd.s32 s0, s3;
	s0 =	sld [smem:$0x3FA4]  }
0x30: {  	s3 =	sld [smem:$0x3FA7]  }
0x31: {  	[smem:$0x3FB0] =	sst s10  }
0x32: {  	s10 =	sld [smem:$0x3FAE];
	_ =	sdelay $0x3  }
0x33: {  	p0 =	seq.s32 s10, $0x1;
	s10 =	sld [smem:$0x3FB0];
	_ =	sdelay $0x3  }
0x34: {  	[smem:$0x3FB0] =	sst s10  }
0x35: {  	s10 =	sld [smem:$0x3FAF];
	_ =	sdelay $0x3  }
0x36: {  	p1 =	seq.s32 s10, $0x1;
	s10 =	sld [smem:$0x3FB0];
	_ =	sdelay $0x3  }
0x37: {  	[smem:$0x3FB0] =	sst s10  }
0x38: {  	s10 =	sld [smem:$0x3FB1]  }
0x39: {  	_ = 	snop;
	(pc) =	sbr.ind lr, $3  }
0x3a: {  	_ = 	snop  }
0x3b: {  	_ = 	snop  }
0x3c: {  	p2 =	seq.s32 s10, $0x1;
	s10 =	sld [smem:$0x3FB0]  }
0x3d: {  	_ =	shalt  }
0x3e: {  	_ =	shalt  }
0x3f: {  	_ =	shalt  }
0x40: {  	_ =	shalt  }
0x41: {  	_ =	shalt  }
0x42: {  	_ =	shalt  }
0x43: {  	_ =	shalt  }
0x44: {  	_ =	shalt  }
0x45: {  	_ =	shalt  }
0x46: {  	_ =	shalt  }
0x47: {  	_ =	shalt  }
0x48: {  	_ =	shalt  }
0x49: {  	_ =	shalt  }
0x4a: {  	_ =	shalt  }
0x4b: {  	_ =	shalt  }
0x4c: {  	_ =	shalt  }
0x4d: {  	_ =	shalt  }
0x4e: {  	_ =	shalt  }
0x4f: {  	_ =	shalt  }
0x50: {  	_ =	shalt  }
0x51: {  	_ =	shalt  }
0x52: {  	_ =	shalt  }
0x53: {  	_ =	shalt  }
0x54: {  	_ =	shalt  }
0x55: {  	_ =	shalt  }
0x56: {  	_ =	shalt  }
0x57: {  	_ =	shalt  }
0x58: {  	_ =	shalt  }
0x59: {  	_ =	shalt  }
0x5a: {  	_ =	shalt  }
0x5b: {  	_ =	shalt  }
0x5c: {  	_ =	shalt  }
0x5d: {  	_ =	shalt  }
0x5e: {  	_ =	shalt  }
0x5f: {  	_ =	shalt  }
0x60: {  	_ =	shalt  }
0x61: {  	_ =	shalt  }
0x62: {  	_ =	shalt  }
0x63: {  	_ =	shalt  }
0x64: {  	_ =	shalt  }
0x65: {  	_ =	shalt  }
0x66: {  	_ =	shalt  }
0x67: {  	_ =	shalt  }
0x68: {  	_ =	shalt  }
0x69: {  	_ =	shalt  }
0x6a: {  	_ =	shalt  }
0x6b: {  	_ =	shalt  }
0x6c: {  	_ =	shalt  }
0x6d: {  	_ =	shalt  }
0x6e: {  	_ =	shalt  }
0x6f: {  	_ =	shalt  }
0x70: {  	_ =	shalt  }
0x71: {  	_ =	shalt  }
0x72: {  	_ =	shalt  }
0x73: {  	_ =	shalt  }
0x74: {  	_ =	shalt  }
0x75: {  	_ =	shalt  }
0x76: {  	_ =	shalt  }
0x77: {  	_ =	shalt  }
0x78: {  	_ =	shalt  }
0x79: {  	_ =	shalt  }
0x7a: {  	_ =	shalt  }
0x7b: {  	_ =	shalt  }
0x7c: {  	_ =	shalt  }
0x7d: {  	_ =	shalt  }
0x7e: {  	_ =	shalt  }
0x7f: {  	_ =	shalt  }
0x80: {  	_ =	shalt  }
0x81: {  	_ =	shalt  }
0x82: {  	_ =	shalt  }
0x83: {  	_ =	shalt  }
0x84: {  	_ =	shalt  }
0x85: {  	_ =	shalt  }
0x86: {  	_ =	shalt  }
0x87: {  	_ =	shalt  }
.Lfunc_end0:
.L_simem_size_0:
called_computation.1_lowered:
.L_overlay_start_0:
0x88: {  	s2 =	sld [smem:$0x3FD9]  }
0x89: {  	s3 =	sld [smem:$0x3FFE];
	_ =	sdelay $0x1  }
0x8a: {  	s1 =	srdreg.scid  }
0x8b: {  	s0 =	sand.u32 $0x1, s1  }
0x8c: {  	s14 =	sshll.u32 s0, $0xA;
	s2 =	sadd.s32 s3, s2  }
0x8d: {  	s2 =	sadd.s32 s2, s14  }
0x8e: {  	[smem:$0x3FBC] =	sst s2  }
0x8f: {  	_ = 	snop  }
0x90: {  	s2 =	sld [smem:$0x3FD0];
	_ =	sdelay $0x2  }
0x91: {  	s15 =	simm.s32 $0xA;
	s4 =	simm.s32 $0x10  }
0x92: {  	[smem:s4], [sflag:s15] =	dma.local [hbm:s2], $0x1  }
0x93: {  	_ =	swait.eq [sflag:s15], $0x1  }
0x94: {  	[sflag:s15] =	ssyncset.done $0x0  }
0x95: {  	s16 =	sld [smem:$0x10];
	[sflag:s15] =	ssyncadd.s32 $0xFFFFFFFF  }
0x96: {  	s17 =	sld [smem:$0x11];
	(tm) =	ssettm $0x1  }
0x97: {  	s18 =	sld [smem:$0x3FFB];
	_ =	sdelay $0x3  }
0x98: {  	_ =	strace s18  }
0x99: {  	s4 =	sld [smem:$0x3FFC];
	_ =	sdelay $0x3  }
0x9a: {  	_ =	strace s4  }
0x9b: {  	s4 =	sld [smem:$0x3FFD];
	_ =	sdelay $0x3  }
0x9c: {  	_ =	strace s4  }
0x9d: {  	_ =	strace $0x8FFFFFFF  }
0x9e: {  	s19 =	sld [smem:$0x3FDB];
	_ =	sdelay $0x1  }
0x9f: {  	s5 =	simm.s32 $_scs_section_size  }
0xa0: {  	s6 =	simm.s32 $_size__tile_overlayer_lowered;
	s7 =	simm.s32 $_tile_overlayer_lowered  }
0xa1: {  	s22 =	simm.s32 $0x1BFF;
	s21 =	sshll.u32 s7, $0x1;
	s4 =	sadd.s32 s5, s19  }
0xa2: {  	s8 =	simm.s32 $0x0;
	s20 =	sshll.u32 s6, $0x1;
	s6 =	sadd.s32 s21, s4  }
0xa3: {  	[timem:s8], [sflag:s22] =	dma.local [hbm:s6], s20  }
0xa4: {  	_ =	swait.ge [sflag:s22], s20  }
0xa5: {  	s5 =	ssub.s32 $0x0, s20;
	[sflag:s22] =	ssyncset.done $0x0  }
0xa6: {  	[sflag:s22] =	ssyncadd.s32 s5;
	_ =	sdelay $0x1  }
0xa7: {  	s23 =	simm.s32 $0x1B8B  }
0xa8: {  	_ =	swait.ge [sflag:s23], $0x1  }
0xa9: {  	[sflag:s23] =	ssyncset.done $0x0  }
0xaa: {  	s25 =	simm.s32 $0x1B8E;
	s24 =	sld [smem:$0x3FFE];
	[sflag:s23] =	ssyncadd.s32 $0xFFFFFFFF  }
0xab: {  	s26 =	simm.s32 $execute0_lowered;
	[smem:$0x3FD2] =	sst s25  }
0xac: {  	s6 =	sshll.u32 s26, $0x1;
	_ =	strace $0x80000049;
	[dreg:$0x1] =	wrdreg $0xFFFFFFFF  }
0xad: {  	s28 =	simm.s32 $_size_execute0_lowered;
	s4 =	sadd.s32 s4, s6;
	[dreg:$0x0] =	wrdreg $0x0  }
0xae: {  	s6 =	sshll.u32 s28, $0x1;
	[dreg:$0x2] =	wrdreg s4  }
0xaf: {  	[dreg:$0x3] =	wrdreg s6  }
0xb0: {  	[dreg:$0x4] =	wrdreg $0xC0  }
0xb1: {  	_ =	task [dreg:s8], $0x5FFFF  }
0xb2: {  	[dreg:$0x1] =	wrdreg $0xFFFFFFFF  }
0xb3: {  	[dreg:$0x0] =	wrdreg $0x60  }
0xb4: {  	[dreg:$0x2] =	wrdreg s17  }
0xb5: {  	[dreg:$0x3] =	wrdreg s16  }
0xb6: {  	[dreg:$0x4] =	wrdreg s24  }
0xb7: {  	[dreg:$0x5] =	wrdreg $0x83C00  }
0xb8: {  	[dreg:$0x6] =	wrdreg $0x9  }
0xb9: {  	_ =	task.clear_ibuf [dreg:s8], $0x7FFFF;
	_ =	strace $0x90000049  }
0xba: {  	s29 =	simm.s32 $0x9;
	_ =	strace $0x8000004B  }
0xbb: {  	_ =	swait.ge [sflag:s29], $0x1  }
0xbc: {  	[sflag:s29] =	ssyncadd.s32 $0xFFFFFFFF  }
0xbd: {  	_ =	strace $0x9000004B  }
0xbe: {  	_ =	sfence  }
0xbf: {  	s30 =	sld [smem:$0x0];
	_ =	sdelay $0x2  }
0xc0: {  	s31 =	sshll.u32 s1, $0xD;
	s1 =	sshrl.u32 s1, $0x2  }
0xc1: {  	s3 =	sand.u32 $0x4000, s31;
	s1 =	sadd.s32 s1, s30  }
0xc2: {  	s0 =	sor.u32 s3, s0;
	s1 =	sshll.u32 s1, $0x11  }
0xc3: {  	s0 =	sor.u32 s1, s0  }
0xc4: {  	s0 =	sadd.s32 $0x8F2B, s0  }
0xc5: {  	[sflag:s0] =	ssyncadd.remote.s32 $0x1  }
0xc6: {  	_ =	sfence.sel $0xFFFF  }
0xc7: {  	[dreg:$0x0] =	wrdreg $0xFFFFFFFF;
	(pc) =	sbr.abs _section_cstart, $3  }
0xc8: {  	[dreg:$0x1] =	wrdreg $0xFFFFFFFF  }
0xc9: {  	_ =	task.clear_ibuf [dreg:s8], $0x2FFFF;
	_ =	strace $0x9FFFFFFF  }
0xca: {  	(tm) =	ssettm $0x7FFFFFFF  }
0xcb: {  	_ =	shalt  }
tec
execute0_lowered:
.L_overlay_start_1:
0x0: {  	(tag) =	ssettag $0x1  }
0x1: {  	s0 =	rddreg [dreg:$0x0]  }
0x2: {  	s1 =	srdreg.scid;
	s2 =	rddreg [dreg:$0x1]  }
0x3: {  	s3 =	rddreg [dreg:$0x2];
	s16 =	stileid.u32;
	s4 =	sand.u32 $0x1, s1  }
0x4: {  	s7 =	smul.u32 $0x14000, s16;
	s8 =	sadd.s32 $0x4200, s3;
	s1 =	ssub.s32 $0x2, s4  }
0x5: {  	s6 =	sshll.u32 s4, $0x4;
	s10 =	smul.u32 $0x140000, s4;
	s5 =	sshrl.u32 s1, $0x1  }
0x6: {  	s20 =	sor.u32 s16, s6;
	s6 =	sor.u32 $0x2800, s7;
	s9 =	sadd.s32 $0x5000, s7  }
0x7: {  	s11 =	sadd.s32 $0x7800, s7;
	s12 =	sadd.s32 $0xA000, s7;
	s17 =	sadd.s32 $0xC800, s7  }
0x8: {  	s18 =	sadd.s32 $0xF000, s7;
	s19 =	sadd.s32 $0x11800, s7;
	s1 =	ssub.s32 s1, s5  }
0x9: {  	s5 =	smul.u32 $0x2760, s20;
	s13 =	sadd.s32 s7, s10;
	s14 =	sadd.s32 s10, s6  }
0xa: {  	s15 =	sadd.s32 s10, s9;
	s23 =	sadd.s32 s10, s11;
	s24 =	sadd.s32 s10, s12  }
0xb: {  	s25 =	sadd.s32 s10, s17;
	s20 =	smul.u32 $0x27600, s4;
	s13 =	sshrl.u32 s13, $0x3  }
0xc: {  	s14 =	sshrl.u32 s14, $0x3;
	s15 =	sshrl.u32 s15, $0x3;
	s13 =	sadd.s32 s8, s13  }
0xd: {  	s21 =	sadd.s32 s8, s14;
	s22 =	sadd.s32 s8, s15;
	[dreg:$0x5] =	wrdreg s13  }
0xe: {  	s14 =	sshrl.u32 s24, $0x3;
	s15 =	sshrl.u32 s25, $0x3;
	[dreg:$0x6] =	wrdreg s21  }
0xf: {  	s5 =	sshrl.u32 s5, $0x3;
	[dreg:$0x7] =	wrdreg s22;
	s26 =	sadd.s32 s8, s14  }
0x10: {  	s13 =	sshrl.u32 s23, $0x3;
	s14 =	sadd.s32 s8, s15;
	[dreg:$0x9] =	wrdreg s26  }
0x11: {  	s15 =	sadd.s32 s10, s18;
	s10 =	sadd.s32 s10, s19;
	[dreg:$0xa] =	wrdreg s14  }
0x12: {  	s21 =	smul.u32 $0x2760, s16;
	s13 =	sadd.s32 s8, s13;
	s14 =	rddreg [dreg:$0x3]  }
0x13: {  	s10 =	sshrl.u32 s10, $0x3;
	[dreg:$0x8] =	wrdreg s13;
	s13 =	sshrl.u32 s15, $0x3  }
0x14: {  	s22 =	sadd.s32 s21, s20;
	s20 =	sadd.s32 s2, s5;
	s13 =	sadd.s32 s8, s13  }
0x15: {  	s8 =	sadd.s32 s8, s10;
	s10 =	simm.s32 $0x0;
	[dreg:$0xb] =	wrdreg s13  }
0x16: {  	s24 =	sadd.s32 $0x4EED0, s22;
	s25 =	sadd.s32 $0x4EDE0, s22;
	[dreg:$0xc] =	wrdreg s8  }
0x17: {  	s22 =	sadd.s32 s7, s14;
	s7 =	sadd.s32 s9, s14;
	[smem:$0x7FF] =	sst s10  }
0x18: {  	s8 =	sadd.s32 s12, s14;
	_ =	strace $0x8000004A;
	[dreg:$0x11] =	wrdreg s7  }
0x19: {  	s9 =	sadd.s32 s17, s14;
	s5 =	sshrl.u32 s25, $0x3;
	[dreg:$0x13] =	wrdreg s8  }
0x1a: {  	s25 =	sadd.s32 s11, s14;
	s11 =	sadd.s32 s18, s14;
	[dreg:$0x14] =	wrdreg s9  }
0x1b: {  	s4 =	smul.u32 $0x4EC0, s4;
	s12 =	sadd.s32 s19, s14;
	[dreg:$0x15] =	wrdreg s11  }
0x1c: {  	s1 =	smax.u32 s1, $0x1;
	s23 =	smul.u32 $0x4EC, s16;
	[dreg:$0x16] =	wrdreg s12  }
0x1d: {  	s4 =	sadd.s32 s4, s2;
	s26 =	smul.u32 $0x50000, s16;
	[smem:$0x7FA] =	sst s1  }
0x1e: {  	s13 =	sadd.s32 s23, s4;
	s4 =	sshrl.u32 s24, $0x3;
	[dreg:$0xd] =	wrdreg s20  }
0x1f: {  	s23 =	sadd.s32 s6, s14;
	s15 =	sadd.s32 s4, s2;
	[dreg:$0xf] =	wrdreg s22  }
0x20: {  	s16 =	sadd.s32 s5, s2;
	s5 =	sshrl.u32 s26, $0x2;
	[dreg:$0x10] =	wrdreg s23  }
0x21: {  	s4 =	sadd.s32 $0x3C00, s3;
	[dreg:$0x12] =	wrdreg s25;
	s2 =	sadd.s32 s5, s14  }
0x22: {  	[dreg:$0xe] =	wrdreg s4;
	s17 =	sadd.s32 $0x800, s2  }
0x23: {  	s18 =	sadd.s32 $0x1000, s2;
	[dreg:$0x17] =	wrdreg s17  }
0x24: {  	s19 =	sadd.s32 $0x1800, s2;
	[dreg:$0x18] =	wrdreg s18  }
0x25: {  	s21 =	sadd.s32 $0x2000, s2;
	[dreg:$0x19] =	wrdreg s19  }
0x26: {  	s24 =	sadd.s32 $0x3000, s2;
	[dreg:$0x1a] =	wrdreg s21  }
0x27: {  	s26 =	sadd.s32 $0x3800, s2;
	[dreg:$0x1b] =	wrdreg s24  }
0x28: {  	s4 =	sadd.s32 $0x4000, s2;
	[dreg:$0x1c] =	wrdreg s26  }
0x29: {  	s5 =	sadd.s32 $0x4800, s2;
	[dreg:$0x1d] =	wrdreg s4  }
0x2a: {  	s6 =	sadd.s32 $0x5800, s2;
	[dreg:$0x1e] =	wrdreg s5  }
0x2b: {  	s7 =	sadd.s32 $0x6000, s2;
	[dreg:$0x1f] =	wrdreg s6  }
0x2c: {  	s8 =	sadd.s32 $0x6800, s2;
	[smem:$0x7E3] =	sst s7  }
0x2d: {  	s9 =	sadd.s32 $0x7000, s2;
	[smem:$0x7E4] =	sst s8  }
0x2e: {  	s11 =	sadd.s32 $0x8000, s2;
	[smem:$0x7E5] =	sst s9  }
0x2f: {  	s12 =	sadd.s32 $0x8800, s2;
	[smem:$0x7E6] =	sst s11  }
0x30: {  	[smem:$0x7E7] =	sst s12;
	s17 =	sadd.s32 $0x9000, s2  }
0x31: {  	s18 =	sadd.s32 $0x9800, s2;
	[smem:$0x7E8] =	sst s17  }
0x32: {  	s19 =	sadd.s32 $0xA800, s2;
	[smem:$0x7E9] =	sst s18  }
0x33: {  	s21 =	sadd.s32 $0xB000, s2;
	[smem:$0x7EA] =	sst s19  }
0x34: {  	s24 =	sadd.s32 $0xB800, s2;
	[smem:$0x7EB] =	sst s21  }
0x35: {  	s26 =	sadd.s32 $0xC000, s2;
	[smem:$0x7EC] =	sst s24  }
0x36: {  	s4 =	sadd.s32 $0xD000, s2;
	[smem:$0x7ED] =	sst s26  }
0x37: {  	s5 =	sadd.s32 $0xD800, s2;
	[smem:$0x7EE] =	sst s4  }
0x38: {  	s6 =	sadd.s32 $0xE000, s2;
	[smem:$0x7EF] =	sst s5  }
0x39: {  	s7 =	sadd.s32 $0xE800, s2;
	[smem:$0x7F0] =	sst s6  }
0x3a: {  	s30 =	simm.s32 $0x6;
	s8 =	sadd.s32 $0xF800, s2;
	[smem:$0x7F1] =	sst s7  }
0x3b: {  	s31 =	simm.s32 $0x1E0;
	s9 =	sadd.s32 $0x10000, s2;
	[smem:$0x7F2] =	sst s8  }
0x3c: {  	s28 =	simm.s32 $0x140;
	s11 =	sadd.s32 $0x10800, s2;
	[smem:$0x7F3] =	sst s9  }
0x3d: {  	s29 =	simm.s32 $0x3;
	s12 =	sadd.s32 $0x11000, s2;
	[smem:$0x7F4] =	sst s11  }
0x3e: {  	s3 =	simm.s32 $0x3C0;
	[smem:$0x7F5] =	sst s12;
	s17 =	sadd.s32 $0x12000, s2  }
0x3f: {  	s18 =	sadd.s32 $0x12800, s2;
	s19 =	sadd.s32 $0x13000, s2;
	s2 =	sadd.s32 $0x13800, s2  }
0x40: {  	s21 =	sadd.s32 $0x9D80, s20;
	s24 =	sadd.s32 $0x1E, s20;
	[smem:$0x7F6] =	sst s17  }
0x41: {  	s26 =	sadd.s32 $0x9D9E, s20;
	s12 =	simm.s32 $0xF0;
	[smem:$0x7F7] =	sst s18  }
0x42: {  	s4 =	simm.s32 $0x2BC0;
	s5 =	simm.s32 $0xA0;
	[smem:$0x7F8] =	sst s19  }
0x43: {  	s6 =	simm.s32 $0x53C0;
	s7 =	simm.s32 $0x7BC0;
	[smem:$0x7F9] =	sst s2  }
.Ltmp0:
0x44: {  	s8 =	simm.s32 $0x5;
	[smem:$0x7FB] =	sst s21;
	(pc) =	sbr.rel .LBB2_1-.Ltmp0, $4  }
0x45: {  	s9 =	simm.s32 $0x4;
	s11 =	simm.s32 $0x2;
	[smem:$0x7FC] =	sst s24  }
0x46: {  	s20 =	simm.s32 $0x320;
	[smem:$0x7FD] =	sst s26;
	s2 =	simm.s32 $0x50  }
0x47: {  	s17 =	simm.s32 $0x1;
	s26 =	simm.s32 $0x230;
	s18 =	simm.s32 $0x280  }
0x48: {  	s19 =	simm.s32 $0x190;
	s21 =	simm.s32 $0x370;
	s24 =	simm.s32 $0x0  }
.LBB2_4:
0x49: {  	_ =	swait.ge [sflag:s29], $0x2800  }
0x4a: {  	[sflag:s29] =	ssyncset.done $0x0  }
0x4b: {  	[sflag:s29] =	ssyncadd.s32 $0xFFFFD800  }
0x4c: {  	[spmem:s14] =	stream.indirect.scatter.add.f32 [tilespmem:s6], [sflag:$0x6], $0x80, s21, s2, $0xb8;
	[tilespmem:$0x1C3C0] =	vst v63  }
0x4d: {  	_ =	swait.ge [sflag:s30], $0x2800  }
0x4e: {  	[sflag:s30] =	ssyncset.done $0x0  }
0x4f: {  	[sflag:s30] =	ssyncadd.s32 $0xFFFFD800  }
0x50: {  	[bflag:$0x0] =	sbarrier.arrive $0xFFFF  }
0x51: {  	s22 =	rddreg [dreg:$0xf]  }
0x52: {  	[tilespmem:s3], [sflag:$0x6] =	stream.linear.gather [spmem:s22], $0x2800, $0x38;
	[tilespmem:$0x1C3C0] =	vst v63  }
0x53: {  	_ =	swait.ge [sflag:s30], $0x2800  }
0x54: {  	[sflag:s30] =	ssyncset.done $0x0  }
0x55: {  	s1 =	rddreg [dreg:$0x5];
	[sflag:s30] =	ssyncadd.s32 $0xFFFFD800  }
0x56: {  	[hbm4b:s1+s10] =	stream.linear.scatter [tilespmem:s3], [sflag:$0x1], $0x2800, $0x38;
	[tilespmem:$0x1C3C0] =	vst v63  }
0x57: {  	s23 =	rddreg [dreg:$0x10]  }
0x58: {  	[tilespmem:s4], [sflag:$0x6] =	stream.linear.gather [spmem:s23], $0x2800, $0x38;
	[tilespmem:$0x1C3C0] =	vst v63  }
0x59: {  	_ =	swait.ge [sflag:s30], $0x2800  }
0x5a: {  	[sflag:s30] =	ssyncset.done $0x0  }
0x5b: {  	s25 =	rddreg [dreg:$0x6];
	[sflag:s30] =	ssyncadd.s32 $0xFFFFD800  }
0x5c: {  	[hbm4b:s25+s10] =	stream.linear.scatter [tilespmem:s4], [sflag:$0x2], $0x2800, $0x38;
	[tilespmem:$0x1C3C0] =	vst v63  }
0x5d: {  	s24 =	rddreg [dreg:$0x11]  }
0x5e: {  	[tilespmem:s6], [sflag:$0x6] =	stream.linear.gather [spmem:s24], $0x2800, $0x38;
	[tilespmem:$0x1C3C0] =	vst v63  }
0x5f: {  	_ =	swait.ge [sflag:s30], $0x2800  }
0x60: {  	[sflag:s30] =	ssyncset.done $0x0  }
0x61: {  	s25 =	rddreg [dreg:$0x7];
	[sflag:s30] =	ssyncadd.s32 $0xFFFFD800  }
0x62: {  	[hbm4b:s25+s10] =	stream.linear.scatter [tilespmem:s6], [sflag:$0x3], $0x2800, $0x38;
	[tilespmem:$0x1C3C0] =	vst v63  }
0x63: {  	_ =	swait.ge [sflag:s17], $0x2800  }
0x64: {  	[sflag:s17] =	ssyncset.done $0x0  }
0x65: {  	s25 =	rddreg [dreg:$0x12];
	[sflag:s17] =	ssyncadd.s32 $0xFFFFD800  }
0x66: {  	[tilespmem:s3], [sflag:$0x6] =	stream.linear.gather [spmem:s25], $0x2800, $0x38;
	[tilespmem:$0x1C3C0] =	vst v63  }
0x67: {  	_ =	swait.ge [sflag:s30], $0x2800  }
0x68: {  	[sflag:s30] =	ssyncset.done $0x0  }
0x69: {  	s24 =	rddreg [dreg:$0x8];
	[sflag:s30] =	ssyncadd.s32 $0xFFFFD800  }
0x6a: {  	[hbm4b:s24+s10] =	stream.linear.scatter [tilespmem:s3], [sflag:$0x1], $0x2800, $0x38;
	[tilespmem:$0x1C3C0] =	vst v63  }
0x6b: {  	_ =	swait.ge [sflag:s11], $0x2800  }
0x6c: {  	[sflag:s11] =	ssyncset.done $0x0  }
0x6d: {  	s24 =	rddreg [dreg:$0x13];
	[sflag:s11] =	ssyncadd.s32 $0xFFFFD800  }
0x6e: {  	[tilespmem:s4], [sflag:$0x6] =	stream.linear.gather [spmem:s24], $0x2800, $0x38;
	[tilespmem:$0x1C3C0] =	vst v63  }
0x6f: {  	_ =	swait.ge [sflag:s30], $0x2800  }
0x70: {  	[sflag:s30] =	ssyncset.done $0x0  }
0x71: {  	s24 =	rddreg [dreg:$0x9];
	[sflag:s30] =	ssyncadd.s32 $0xFFFFD800  }
0x72: {  	[hbm4b:s24+s10] =	stream.linear.scatter [tilespmem:s4], [sflag:$0x2], $0x2800, $0x38;
	[tilespmem:$0x1C3C0] =	vst v63  }
0x73: {  	_ =	swait.ge [sflag:s29], $0x2800  }
0x74: {  	[sflag:s29] =	ssyncset.done $0x0  }
0x75: {  	s24 =	rddreg [dreg:$0x14];
	[sflag:s29] =	ssyncadd.s32 $0xFFFFD800  }
0x76: {  	[tilespmem:s6], [sflag:$0x6] =	stream.linear.gather [spmem:s24], $0x2800, $0x38;
	[tilespmem:$0x1C3C0] =	vst v63  }
0x77: {  	_ =	swait.ge [sflag:s30], $0x2800  }
0x78: {  	[sflag:s30] =	ssyncset.done $0x0  }
0x79: {  	s24 =	rddreg [dreg:$0xa];
	[sflag:s30] =	ssyncadd.s32 $0xFFFFD800  }
0x7a: {  	[hbm4b:s24+s10] =	stream.linear.scatter [tilespmem:s6], [sflag:$0x3], $0x2800, $0x38;
	[tilespmem:$0x1C3C0] =	vst v63  }
0x7b: {  	_ =	swait.ge [sflag:s17], $0x2800  }
0x7c: {  	[sflag:s17] =	ssyncset.done $0x0  }
0x7d: {  	s24 =	rddreg [dreg:$0x15];
	[sflag:s17] =	ssyncadd.s32 $0xFFFFD800  }
0x7e: {  	[tilespmem:s3], [sflag:$0x6] =	stream.linear.gather [spmem:s24], $0x2800, $0x38;
	[tilespmem:$0x1C3C0] =	vst v63  }
0x7f: {  	_ =	swait.ge [sflag:s30], $0x2800  }
0x80: {  	[sflag:s30] =	ssyncset.done $0x0  }
0x81: {  	s24 =	rddreg [dreg:$0xb];
	[sflag:s30] =	ssyncadd.s32 $0xFFFFD800  }
0x82: {  	[hbm4b:s24+s10] =	stream.linear.scatter [tilespmem:s3], [sflag:$0x1], $0x2800, $0x38;
	[tilespmem:$0x1C3C0] =	vst v63  }
0x83: {  	_ =	swait.ge [sflag:s11], $0x2800  }
0x84: {  	[sflag:s11] =	ssyncset.done $0x0  }
0x85: {  	s24 =	rddreg [dreg:$0x16];
	[sflag:s11] =	ssyncadd.s32 $0xFFFFD800  }
0x86: {  	[tilespmem:s4], [sflag:$0x6] =	stream.linear.gather [spmem:s24], $0x2800, $0x38;
	[tilespmem:$0x1C3C0] =	vst v63  }
0x87: {  	_ =	swait.ge [sflag:s30], $0x2800  }
0x88: {  	[sflag:s30] =	ssyncset.done $0x0  }
0x89: {  	s24 =	rddreg [dreg:$0xc];
	[sflag:s30] =	ssyncadd.s32 $0xFFFFD800  }
0x8a: {  	[hbm4b:s24+s10] =	stream.linear.scatter [tilespmem:s4], [sflag:$0x2], $0x2800, $0x38;
	[tilespmem:$0x1C3C0] =	vst v63  }
0x8b: {  	_ =	swait.ge [sflag:s29], $0x2800  }
0x8c: {  	[sflag:s29] =	ssyncset.done $0x0  }
0x8d: {  	[sflag:s29] =	ssyncadd.s32 $0xFFFFD800  }
0x8e: {  	_ =	swait.ge [sflag:s17], $0x2800  }
0x8f: {  	[sflag:s17] =	ssyncset.done $0x0  }
0x90: {  	[sflag:s17] =	ssyncadd.s32 $0xFFFFD800  }
0x91: {  	_ =	swait.ge [sflag:s11], $0x2800  }
0x92: {  	s24 =	sld [smem:$0x7E2]  }
0x93: {  	s1 =	sld [smem:$0x7FA];
	_ =	sdelay $0x1  }
0x94: {  	s24 =	sadd.s32 $0x1, s24  }
0x95: {  	p0 =	sne.s32 s24, s1  }
.Ltmp1:
0x96: {  	_ = 	snop;
	(pc) =	sbr.rel @!p0 .LBB2_5-.Ltmp1, $3  }
0x97: {  	_ =	sdelay $0x1  }
0x98: {  	[sflag:s11] =	ssyncset.done $0x0  }
0x99: {  	[sflag:s11] =	ssyncadd.s32 $0xFFFFD800  }
.LBB2_1:
0x9a: {  	[smem:$0x7E2] =	sst s24  }
0x9b: {  	s1 =	rddreg [dreg:$0xd]  }
0x9c: {  	[tilespmem:s10], [sflag:$0x6] =	stream.linear.gather [hbm4b:s1+s10], $0xF0, $0x38;
	[tilespmem:$0x1C3C0] =	vst v63  }
0x9d: {  	_ =	swait.ge [sflag:s30], $0xF0  }
0x9e: {  	s24 =	sld [smem:$0x7FB]  }
0x9f: {  	[sflag:s30] =	ssyncset.done $0x0  }
0xa0: {  	[sflag:s30] =	ssyncadd.s32 $0xFFFFFF10  }
0xa1: {  	[tilespmem:s31], [sflag:$0x6] =	stream.linear.gather [hbm4b:s24+s10], $0xF0, $0x38;
	[tilespmem:$0x1C3C0] =	vst v63  }
0xa2: {  	_ =	swait.ge [sflag:s30], $0xF0  }
0xa3: {  	s24 =	sld [smem:$0x7FC]  }
0xa4: {  	[sflag:s30] =	ssyncset.done $0x0  }
0xa5: {  	s1 =	sld [smem:$0x7FD];
	[sflag:s30] =	ssyncadd.s32 $0xFFFFFF10  }
0xa6: {  	[tilespmem:s12], [sflag:$0x4] =	stream.linear.gather [hbm4b:s24+s10], $0xF0, $0x38;
	[tilespmem:$0x1C3C0] =	vst v63  }
0xa7: {  	s24 =	simm.s32 $0x2D0  }
0xa8: {  	[tilespmem:s24], [sflag:$0x4] =	stream.linear.gather [hbm4b:s1+s10], $0xF0, $0x38;
	[tilespmem:$0x1C3C0] =	vst v63  }
0xa9: {  	_ = 	snop  }
0xaa: {  	[tilespmem:s3], [sflag:$0x1] =	stream.indirect.gather [hbm4b:s0+s2], $0x80, s10, s2, $0xb8;
	[tilespmem:$0x1C3C0] =	vst v63  }
0xab: {  	_ = 	snop  }
0xac: {  	[tilespmem:s4], [sflag:$0x2] =	stream.indirect.gather [hbm4b:s0+s2], $0x80, s2, s2, $0xb8;
	[tilespmem:$0x1C3C0] =	vst v63  }
0xad: {  	_ = 	snop  }
0xae: {  	[tilespmem:s6], [sflag:$0x3] =	stream.indirect.gather [hbm4b:s0+s2], $0x80, s5, s2, $0xb8;
	[tilespmem:$0x1C3C0] =	vst v63  }
0xaf: {  	s24 =	rddreg [dreg:$0xe]  }
0xb0: {  	[tilespmem:s7], [sflag:$0x6] =	stream.linear.gather [hbm4b:s24+s10], $0x800, $0x38;
	[tilespmem:$0x1C3C0] =	vst v63  }
0xb1: {  	_ =	swait.ge [sflag:s30], $0x800  }
0xb2: {  	[sflag:s30] =	ssyncset.done $0x0  }
0xb3: {  	[sflag:s30] =	ssyncadd.s32 $0xFFFFF800  }
0xb4: {  	[spmem:s22] =	stream.linear.scatter [tilespmem:s7], [sflag:$0x5], $0x800, $0x38;
	[tilespmem:$0x1C3C0] =	vst v63  }
0xb5: {  	s22 =	rddreg [dreg:$0x17]  }
0xb6: {  	[spmem:s22] =	stream.linear.scatter [tilespmem:s7], [sflag:$0x5], $0x800, $0x38;
	[tilespmem:$0x1C3C0] =	vst v63  }
0xb7: {  	s24 =	rddreg [dreg:$0x18]  }
0xb8: {  	[spmem:s24] =	stream.linear.scatter [tilespmem:s7], [sflag:$0x5], $0x800, $0x38;
	[tilespmem:$0x1C3C0] =	vst v63  }
0xb9: {  	s22 =	rddreg [dreg:$0x19]  }
0xba: {  	[spmem:s22] =	stream.linear.scatter [tilespmem:s7], [sflag:$0x5], $0x800, $0x38;
	[tilespmem:$0x1C3C0] =	vst v63  }
0xbb: {  	s24 =	rddreg [dreg:$0x1a]  }
0xbc: {  	[spmem:s24] =	stream.linear.scatter [tilespmem:s7], [sflag:$0x5], $0x800, $0x38;
	[tilespmem:$0x1C3C0] =	vst v63  }
0xbd: {  	_ = 	snop  }
0xbe: {  	[spmem:s23] =	stream.linear.scatter [tilespmem:s7], [sflag:$0x5], $0x800, $0x38;
	[tilespmem:$0x1C3C0] =	vst v63  }
0xbf: {  	s22 =	rddreg [dreg:$0x1b]  }
0xc0: {  	[spmem:s22] =	stream.linear.scatter [tilespmem:s7], [sflag:$0x5], $0x800, $0x38;
	[tilespmem:$0x1C3C0] =	vst v63  }
0xc1: {  	s23 =	rddreg [dreg:$0x1c]  }
0xc2: {  	[spmem:s23] =	stream.linear.scatter [tilespmem:s7], [sflag:$0x5], $0x800, $0x38;
	[tilespmem:$0x1C3C0] =	vst v63  }
0xc3: {  	_ =	swait.ge [sflag:s8], $0x800  }
0xc4: {  	[sflag:s8] =	ssyncset.done $0x0  }
0xc5: {  	[sflag:s8] =	ssyncadd.s32 $0xFFFFF800  }
0xc6: {  	_ =	swait.ge [sflag:s8], $0x800  }
0xc7: {  	[sflag:s8] =	ssyncset.done $0x0  }
0xc8: {  	[sflag:s8] =	ssyncadd.s32 $0xFFFFF800  }
0xc9: {  	_ =	swait.ge [sflag:s8], $0x800  }
0xca: {  	[sflag:s8] =	ssyncset.done $0x0  }
0xcb: {  	[sflag:s8] =	ssyncadd.s32 $0xFFFFF800  }
0xcc: {  	_ =	swait.ge [sflag:s8], $0x800  }
0xcd: {  	[sflag:s8] =	ssyncset.done $0x0  }
0xce: {  	[sflag:s8] =	ssyncadd.s32 $0xFFFFF800  }
0xcf: {  	_ =	swait.ge [sflag:s8], $0x800  }
0xd0: {  	[sflag:s8] =	ssyncset.done $0x0  }
0xd1: {  	[sflag:s8] =	ssyncadd.s32 $0xFFFFF800  }
0xd2: {  	_ =	swait.ge [sflag:s8], $0x800  }
0xd3: {  	[sflag:s8] =	ssyncset.done $0x0  }
0xd4: {  	[sflag:s8] =	ssyncadd.s32 $0xFFFFF800  }
0xd5: {  	_ =	swait.ge [sflag:s8], $0x800  }
0xd6: {  	[sflag:s8] =	ssyncset.done $0x0  }
0xd7: {  	[sflag:s8] =	ssyncadd.s32 $0xFFFFF800  }
0xd8: {  	_ =	swait.ge [sflag:s8], $0x800  }
0xd9: {  	[sflag:s8] =	ssyncset.done $0x0;
	s24 =	rddreg [dreg:$0x1d]  }
0xda: {  	s22 =	rddreg [dreg:$0x1e];
	[sflag:s8] =	ssyncadd.s32 $0xFFFFF800  }
0xdb: {  	[spmem:s24] =	stream.linear.scatter [tilespmem:s7], [sflag:$0x5], $0x800, $0x38;
	[tilespmem:$0x1C3C0] =	vst v63  }
0xdc: {  	s23 =	rddreg [dreg:$0x11]  }
0xdd: {  	[spmem:s22] =	stream.linear.scatter [tilespmem:s7], [sflag:$0x5], $0x800, $0x38;
	[tilespmem:$0x1C3C0] =	vst v63  }
0xde: {  	s24 =	rddreg [dreg:$0x1f]  }
0xdf: {  	[spmem:s23] =	stream.linear.scatter [tilespmem:s7], [sflag:$0x5], $0x800, $0x38;
	[tilespmem:$0x1C3C0] =	vst v63  }
0xe0: {  	s22 =	sld [smem:$0x7E3]  }
0xe1: {  	[spmem:s24] =	stream.linear.scatter [tilespmem:s7], [sflag:$0x5], $0x800, $0x38;
	[tilespmem:$0x1C3C0] =	vst v63  }
0xe2: {  	s23 =	sld [smem:$0x7E4]  }
0xe3: {  	[spmem:s22] =	stream.linear.scatter [tilespmem:s7], [sflag:$0x5], $0x800, $0x38;
	[tilespmem:$0x1C3C0] =	vst v63  }
0xe4: {  	s24 =	sld [smem:$0x7E5]  }
0xe5: {  	[spmem:s23] =	stream.linear.scatter [tilespmem:s7], [sflag:$0x5], $0x800, $0x38;
	[tilespmem:$0x1C3C0] =	vst v63  }
0xe6: {  	_ = 	snop  }
0xe7: {  	[spmem:s24] =	stream.linear.scatter [tilespmem:s7], [sflag:$0x5], $0x800, $0x38;
	[tilespmem:$0x1C3C0] =	vst v63  }
0xe8: {  	_ = 	snop  }
0xe9: {  	[spmem:s25] =	stream.linear.scatter [tilespmem:s7], [sflag:$0x5], $0x800, $0x38;
	[tilespmem:$0x1C3C0] =	vst v63  }
0xea: {  	_ =	swait.ge [sflag:s8], $0x800  }
0xeb: {  	[sflag:s8] =	ssyncset.done $0x0  }
0xec: {  	[sflag:s8] =	ssyncadd.s32 $0xFFFFF800  }
0xed: {  	_ =	swait.ge [sflag:s8], $0x800  }
0xee: {  	[sflag:s8] =	ssyncset.done $0x0  }
0xef: {  	[sflag:s8] =	ssyncadd.s32 $0xFFFFF800  }
0xf0: {  	_ =	swait.ge [sflag:s8], $0x800  }
0xf1: {  	[sflag:s8] =	ssyncset.done $0x0  }
0xf2: {  	[sflag:s8] =	ssyncadd.s32 $0xFFFFF800  }
0xf3: {  	_ =	swait.ge [sflag:s8], $0x800  }
0xf4: {  	[sflag:s8] =	ssyncset.done $0x0  }
0xf5: {  	[sflag:s8] =	ssyncadd.s32 $0xFFFFF800  }
0xf6: {  	_ =	swait.ge [sflag:s8], $0x800  }
0xf7: {  	[sflag:s8] =	ssyncset.done $0x0  }
0xf8: {  	[sflag:s8] =	ssyncadd.s32 $0xFFFFF800  }
0xf9: {  	_ =	swait.ge [sflag:s8], $0x800  }
0xfa: {  	[sflag:s8] =	ssyncset.done $0x0  }
0xfb: {  	[sflag:s8] =	ssyncadd.s32 $0xFFFFF800  }
0xfc: {  	_ =	swait.ge [sflag:s8], $0x800  }
0xfd: {  	[sflag:s8] =	ssyncset.done $0x0  }
0xfe: {  	[sflag:s8] =	ssyncadd.s32 $0xFFFFF800  }
0xff: {  	_ =	swait.ge [sflag:s8], $0x800  }
0x100: {  	s22 =	sld [smem:$0x7E6]  }
0x101: {  	[sflag:s8] =	ssyncset.done $0x0  }
0x102: {  	s23 =	sld [smem:$0x7E7];
	[sflag:s8] =	ssyncadd.s32 $0xFFFFF800  }
0x103: {  	[spmem:s22] =	stream.linear.scatter [tilespmem:s7], [sflag:$0x5], $0x800, $0x38;
	[tilespmem:$0x1C3C0] =	vst v63  }
0x104: {  	s24 =	sld [smem:$0x7E8]  }
0x105: {  	[spmem:s23] =	stream.linear.scatter [tilespmem:s7], [sflag:$0x5], $0x800, $0x38;
	[tilespmem:$0x1C3C0] =	vst v63  }
0x106: {  	s25 =	sld [smem:$0x7E9]  }
0x107: {  	[spmem:s24] =	stream.linear.scatter [tilespmem:s7], [sflag:$0x5], $0x800, $0x38;
	[tilespmem:$0x1C3C0] =	vst v63  }
0x108: {  	s22 =	rddreg [dreg:$0x13]  }
0x109: {  	[spmem:s25] =	stream.linear.scatter [tilespmem:s7], [sflag:$0x5], $0x800, $0x38;
	[tilespmem:$0x1C3C0] =	vst v63  }
0x10a: {  	s23 =	sld [smem:$0x7EA]  }
0x10b: {  	[spmem:s22] =	stream.linear.scatter [tilespmem:s7], [sflag:$0x5], $0x800, $0x38;
	[tilespmem:$0x1C3C0] =	vst v63  }
0x10c: {  	s24 =	sld [smem:$0x7EB]  }
0x10d: {  	[spmem:s23] =	stream.linear.scatter [tilespmem:s7], [sflag:$0x5], $0x800, $0x38;
	[tilespmem:$0x1C3C0] =	vst v63  }
0x10e: {  	s25 =	sld [smem:$0x7EC]  }
0x10f: {  	[spmem:s24] =	stream.linear.scatter [tilespmem:s7], [sflag:$0x5], $0x800, $0x38;
	[tilespmem:$0x1C3C0] =	vst v63  }
0x110: {  	_ = 	snop  }
0x111: {  	[spmem:s25] =	stream.linear.scatter [tilespmem:s7], [sflag:$0x5], $0x800, $0x38;
	[tilespmem:$0x1C3C0] =	vst v63  }
0x112: {  	_ =	swait.ge [sflag:s8], $0x800  }
0x113: {  	[sflag:s8] =	ssyncset.done $0x0  }
0x114: {  	[sflag:s8] =	ssyncadd.s32 $0xFFFFF800  }
0x115: {  	_ =	swait.ge [sflag:s8], $0x800  }
0x116: {  	[sflag:s8] =	ssyncset.done $0x0  }
0x117: {  	[sflag:s8] =	ssyncadd.s32 $0xFFFFF800  }
0x118: {  	_ =	swait.ge [sflag:s8], $0x800  }
0x119: {  	[sflag:s8] =	ssyncset.done $0x0  }
0x11a: {  	[sflag:s8] =	ssyncadd.s32 $0xFFFFF800  }
0x11b: {  	_ =	swait.ge [sflag:s8], $0x800  }
0x11c: {  	[sflag:s8] =	ssyncset.done $0x0  }
0x11d: {  	[sflag:s8] =	ssyncadd.s32 $0xFFFFF800  }
0x11e: {  	_ =	swait.ge [sflag:s8], $0x800  }
0x11f: {  	[sflag:s8] =	ssyncset.done $0x0  }
0x120: {  	[sflag:s8] =	ssyncadd.s32 $0xFFFFF800  }
0x121: {  	_ =	swait.ge [sflag:s8], $0x800  }
0x122: {  	[sflag:s8] =	ssyncset.done $0x0  }
0x123: {  	[sflag:s8] =	ssyncadd.s32 $0xFFFFF800  }
0x124: {  	_ =	swait.ge [sflag:s8], $0x800  }
0x125: {  	[sflag:s8] =	ssyncset.done $0x0  }
0x126: {  	[sflag:s8] =	ssyncadd.s32 $0xFFFFF800  }
0x127: {  	_ =	swait.ge [sflag:s8], $0x800  }
0x128: {  	s22 =	sld [smem:$0x7ED]  }
0x129: {  	[sflag:s8] =	ssyncset.done $0x0  }
0x12a: {  	s23 =	rddreg [dreg:$0x14];
	[sflag:s8] =	ssyncadd.s32 $0xFFFFF800  }
0x12b: {  	[spmem:s22] =	stream.linear.scatter [tilespmem:s7], [sflag:$0x5], $0x800, $0x38;
	[tilespmem:$0x1C3C0] =	vst v63  }
0x12c: {  	s24 =	sld [smem:$0x7EE]  }
0x12d: {  	[spmem:s23] =	stream.linear.scatter [tilespmem:s7], [sflag:$0x5], $0x800, $0x38;
	[tilespmem:$0x1C3C0] =	vst v63  }
0x12e: {  	s25 =	sld [smem:$0x7EF]  }
0x12f: {  	[spmem:s24] =	stream.linear.scatter [tilespmem:s7], [sflag:$0x5], $0x800, $0x38;
	[tilespmem:$0x1C3C0] =	vst v63  }
0x130: {  	s22 =	sld [smem:$0x7F0]  }
0x131: {  	[spmem:s25] =	stream.linear.scatter [tilespmem:s7], [sflag:$0x5], $0x800, $0x38;
	[tilespmem:$0x1C3C0] =	vst v63  }
0x132: {  	s23 =	sld [smem:$0x7F1]  }
0x133: {  	[spmem:s22] =	stream.linear.scatter [tilespmem:s7], [sflag:$0x5], $0x800, $0x38;
	[tilespmem:$0x1C3C0] =	vst v63  }
0x134: {  	s24 =	rddreg [dreg:$0x15]  }
0x135: {  	[spmem:s23] =	stream.linear.scatter [tilespmem:s7], [sflag:$0x5], $0x800, $0x38;
	[tilespmem:$0x1C3C0] =	vst v63  }
0x136: {  	s25 =	sld [smem:$0x7F2]  }
0x137: {  	[spmem:s24] =	stream.linear.scatter [tilespmem:s7], [sflag:$0x5], $0x800, $0x38;
	[tilespmem:$0x1C3C0] =	vst v63  }
0x138: {  	_ = 	snop  }
0x139: {  	[spmem:s25] =	stream.linear.scatter [tilespmem:s7], [sflag:$0x5], $0x800, $0x38;
	[tilespmem:$0x1C3C0] =	vst v63  }
0x13a: {  	_ =	swait.ge [sflag:s8], $0x800  }
0x13b: {  	[sflag:s8] =	ssyncset.done $0x0  }
0x13c: {  	[sflag:s8] =	ssyncadd.s32 $0xFFFFF800  }
0x13d: {  	_ =	swait.ge [sflag:s8], $0x800  }
0x13e: {  	[sflag:s8] =	ssyncset.done $0x0  }
0x13f: {  	[sflag:s8] =	ssyncadd.s32 $0xFFFFF800  }
0x140: {  	_ =	swait.ge [sflag:s8], $0x800  }
0x141: {  	[sflag:s8] =	ssyncset.done $0x0  }
0x142: {  	[sflag:s8] =	ssyncadd.s32 $0xFFFFF800  }
0x143: {  	_ =	swait.ge [sflag:s8], $0x800  }
0x144: {  	[sflag:s8] =	ssyncset.done $0x0  }
0x145: {  	[sflag:s8] =	ssyncadd.s32 $0xFFFFF800  }
0x146: {  	_ =	swait.ge [sflag:s8], $0x800  }
0x147: {  	[sflag:s8] =	ssyncset.done $0x0  }
0x148: {  	[sflag:s8] =	ssyncadd.s32 $0xFFFFF800  }
0x149: {  	_ =	swait.ge [sflag:s8], $0x800  }
0x14a: {  	[sflag:s8] =	ssyncset.done $0x0  }
0x14b: {  	[sflag:s8] =	ssyncadd.s32 $0xFFFFF800  }
0x14c: {  	_ =	swait.ge [sflag:s8], $0x800  }
0x14d: {  	[sflag:s8] =	ssyncset.done $0x0  }
0x14e: {  	[sflag:s8] =	ssyncadd.s32 $0xFFFFF800  }
0x14f: {  	_ =	swait.ge [sflag:s8], $0x800  }
0x150: {  	s22 =	sld [smem:$0x7F3]  }
0x151: {  	[sflag:s8] =	ssyncset.done $0x0  }
0x152: {  	s23 =	sld [smem:$0x7F4];
	[sflag:s8] =	ssyncadd.s32 $0xFFFFF800  }
0x153: {  	[spmem:s22] =	stream.linear.scatter [tilespmem:s7], [sflag:$0x5], $0x800, $0x38;
	[tilespmem:$0x1C3C0] =	vst v63  }
0x154: {  	s24 =	sld [smem:$0x7F5]  }
0x155: {  	[spmem:s23] =	stream.linear.scatter [tilespmem:s7], [sflag:$0x5], $0x800, $0x38;
	[tilespmem:$0x1C3C0] =	vst v63  }
0x156: {  	s25 =	rddreg [dreg:$0x16]  }
0x157: {  	[spmem:s24] =	stream.linear.scatter [tilespmem:s7], [sflag:$0x5], $0x800, $0x38;
	[tilespmem:$0x1C3C0] =	vst v63  }
0x158: {  	s22 =	sld [smem:$0x7F6]  }
0x159: {  	[spmem:s25] =	stream.linear.scatter [tilespmem:s7], [sflag:$0x5], $0x800, $0x38;
	[tilespmem:$0x1C3C0] =	vst v63  }
0x15a: {  	s23 =	sld [smem:$0x7F7]  }
0x15b: {  	[spmem:s22] =	stream.linear.scatter [tilespmem:s7], [sflag:$0x5], $0x800, $0x38;
	[tilespmem:$0x1C3C0] =	vst v63  }
0x15c: {  	s24 =	sld [smem:$0x7F8]  }
0x15d: {  	[spmem:s23] =	stream.linear.scatter [tilespmem:s7], [sflag:$0x5], $0x800, $0x38;
	[tilespmem:$0x1C3C0] =	vst v63  }
0x15e: {  	s25 =	sld [smem:$0x7F9]  }
0x15f: {  	[spmem:s24] =	stream.linear.scatter [tilespmem:s7], [sflag:$0x5], $0x800, $0x38;
	[tilespmem:$0x1C3C0] =	vst v63  }
0x160: {  	_ = 	snop  }
0x161: {  	[spmem:s25] =	stream.linear.scatter [tilespmem:s7], [sflag:$0x5], $0x800, $0x38;
	[tilespmem:$0x1C3C0] =	vst v63  }
0x162: {  	_ =	swait.ge [sflag:s8], $0x800  }
0x163: {  	[sflag:s8] =	ssyncset.done $0x0  }
0x164: {  	[sflag:s8] =	ssyncadd.s32 $0xFFFFF800  }
0x165: {  	_ =	swait.ge [sflag:s8], $0x800  }
0x166: {  	[sflag:s8] =	ssyncset.done $0x0  }
0x167: {  	[sflag:s8] =	ssyncadd.s32 $0xFFFFF800  }
0x168: {  	_ =	swait.ge [sflag:s8], $0x800  }
0x169: {  	[sflag:s8] =	ssyncset.done $0x0  }
0x16a: {  	[sflag:s8] =	ssyncadd.s32 $0xFFFFF800  }
0x16b: {  	_ =	swait.ge [sflag:s8], $0x800  }
0x16c: {  	[sflag:s8] =	ssyncset.done $0x0  }
0x16d: {  	[sflag:s8] =	ssyncadd.s32 $0xFFFFF800  }
0x16e: {  	_ =	swait.ge [sflag:s8], $0x800  }
0x16f: {  	[sflag:s8] =	ssyncset.done $0x0  }
0x170: {  	[sflag:s8] =	ssyncadd.s32 $0xFFFFF800  }
0x171: {  	_ =	swait.ge [sflag:s8], $0x800  }
0x172: {  	[sflag:s8] =	ssyncset.done $0x0  }
0x173: {  	[sflag:s8] =	ssyncadd.s32 $0xFFFFF800  }
0x174: {  	_ =	swait.ge [sflag:s8], $0x800  }
0x175: {  	[sflag:s8] =	ssyncset.done $0x0  }
0x176: {  	[sflag:s8] =	ssyncadd.s32 $0xFFFFF800  }
0x177: {  	_ =	swait.ge [sflag:s8], $0x800  }
0x178: {  	[sflag:s8] =	ssyncset.done $0x0  }
0x179: {  	[sflag:s8] =	ssyncadd.s32 $0xFFFFF800  }
0x17a: {  	s23 =	simm.s32 $0x0;
	[bflag:$0x0] =	sbarrier.arrive $0xFFFF  }
.LBB2_2:
0x17b: {  	_ =	swait.ge [sflag:s9], $0xF0  }
0x17c: {  	[sflag:s9] =	ssyncset.done $0x0  }
0x17d: {  	[sflag:s9] =	ssyncadd.s32 $0xFFFFFF10  }
0x17e: {  	_ =	swait.ge [sflag:s9], $0xF0  }
0x17f: {  	[sflag:s9] =	ssyncset.done $0x0  }
0x180: {  	[sflag:s9] =	ssyncadd.s32 $0xFFFFFF10  }
0x181: {  	_ =	swait.ge [sflag:s17], $0x2800  }
0x182: {  	[sflag:s17] =	ssyncset.done $0x0  }
0x183: {  	[sflag:s17] =	ssyncadd.s32 $0xFFFFD800  }
0x184: {  	[spmem:s14] =	stream.indirect.scatter.add.f32 [tilespmem:s3], [sflag:$0x6], $0x80, s31, s2, $0xb8;
	[tilespmem:$0x1C3C0] =	vst v63  }
0x185: {  	_ =	swait.ge [sflag:s30], $0x2800  }
0x186: {  	[sflag:s30] =	ssyncset.done $0x0  }
0x187: {  	[sflag:s30] =	ssyncadd.s32 $0xFFFFD800  }
0x188: {  	[tilespmem:s3], [sflag:$0x1] =	stream.indirect.gather [hbm4b:s0+s2], $0x80, s12, s2, $0xb8;
	[tilespmem:$0x1C3C0] =	vst v63  }
0x189: {  	_ =	swait.ge [sflag:s11], $0x2800  }
0x18a: {  	[sflag:s11] =	ssyncset.done $0x0  }
0x18b: {  	[sflag:s11] =	ssyncadd.s32 $0xFFFFD800  }
0x18c: {  	[spmem:s14] =	stream.indirect.scatter.add.f32 [tilespmem:s4], [sflag:$0x6], $0x80, s26, s2, $0xb8;
	[tilespmem:$0x1C3C0] =	vst v63  }
0x18d: {  	_ =	swait.ge [sflag:s30], $0x2800  }
0x18e: {  	[sflag:s30] =	ssyncset.done $0x0  }
0x18f: {  	[sflag:s30] =	ssyncadd.s32 $0xFFFFD800  }
0x190: {  	[tilespmem:s4], [sflag:$0x2] =	stream.indirect.gather [hbm4b:s0+s2], $0x80, s28, s2, $0xb8;
	[tilespmem:$0x1C3C0] =	vst v63  }
0x191: {  	_ =	swait.ge [sflag:s29], $0x2800  }
0x192: {  	[sflag:s29] =	ssyncset.done $0x0  }
0x193: {  	[sflag:s29] =	ssyncadd.s32 $0xFFFFD800  }
0x194: {  	[spmem:s14] =	stream.indirect.scatter.add.f32 [tilespmem:s6], [sflag:$0x6], $0x80, s18, s2, $0xb8;
	[tilespmem:$0x1C3C0] =	vst v63  }
0x195: {  	_ =	swait.ge [sflag:s30], $0x2800  }
0x196: {  	p0 =	seq.s32 s23, $0x4B0;
	[sflag:s30] =	ssyncset.done $0x0  }
0x197: {  	s24 =	simm.s32 @p0 $0x1;
	[sflag:s30] =	ssyncadd.s32 $0xFFFFD800  }
0x198: {  	[tilespmem:s6], [sflag:$0x3] =	stream.indirect.gather [hbm4b:s0+s2], $0x80, s19, s2, $0xb8;
	[tilespmem:$0x1C3C0] =	vst v63  }
0x199: {  	_ =	swait.ge @p0 [sflag:s24], $0x2800  }
0x19a: {  	s25 =	simm.s32 @p0 $0x2D0;
	[sflag:s24] =	ssyncset.done @p0 $0x0  }
0x19b: {  	s22 =	simm.s32 @p0 $0x3C0;
	[sflag:s24] =	ssyncadd.s32 @p0 $0xFFFFD800;
	s24 =	simm.s32 @p0 $0x50  }
0x19c: {  	[spmem:s14] =	stream.indirect.scatter.add.f32 @p0 [tilespmem:s22], [sflag:$0x6], $0x80, s25, s24, $0xb8;
	[tilespmem:$0x1C3C0] =	vst v63  }
0x19d: {  	s22 =	simm.s32 @p0 $0x6  }
0x19e: {  	_ =	swait.ge @p0 [sflag:s22], $0x2800  }
0x19f: {  	s24 =	sadd.s32 @!p0 s23, s13;
	[sflag:s22] =	ssyncset.done @p0 $0x0  }
0x1a0: {  	[sflag:s22] =	ssyncadd.s32 @p0 $0xFFFFD800;
	s22 =	sadd.s32 @!p0 $0x3C, s24;
	s24 =	simm.s32 @!p0 $0x0  }
0x1a1: {  	[tilespmem:s24], [sflag:$0x4] =	stream.linear.gather @!p0 [hbm4b:s22+s24], $0xF0, $0x38;
	[tilespmem:$0x1C3C0] =	vst v63  }
0x1a2: {  	s25 =	simm.s32 @!p0 $0x1E0;
	s22 =	sadd.s32 @!p0 s23, s16  }
0x1a3: {  	[tilespmem:s25], [sflag:$0x4] =	stream.linear.gather @!p0 [hbm4b:s22+s24], $0xF0, $0x38;
	[tilespmem:$0x1C3C0] =	vst v63  }
0x1a4: {  	s22 =	simm.s32 @!p0 $0x4  }
0x1a5: {  	_ =	swait.ge @!p0 [sflag:s22], $0xF0  }
0x1a6: {  	[sflag:s22] =	ssyncset.done @!p0 $0x0  }
0x1a7: {  	[sflag:s22] =	ssyncadd.s32 @!p0 $0xFFFFFF10  }
0x1a8: {  	_ =	swait.ge @!p0 [sflag:s22], $0xF0  }
0x1a9: {  	[sflag:s22] =	ssyncset.done @!p0 $0x0  }
0x1aa: {  	[sflag:s22] =	ssyncadd.s32 @!p0 $0xFFFFFF10;
	s22 =	simm.s32 @!p0 $0x1  }
0x1ab: {  	_ =	swait.ge @!p0 [sflag:s22], $0x2800  }
0x1ac: {  	s1 =	simm.s32 @!p0 $0x3C0;
	[sflag:s22] =	ssyncset.done @!p0 $0x0  }
0x1ad: {  	s25 =	simm.s32 @!p0 $0x2D0;
	[sflag:s22] =	ssyncadd.s32 @!p0 $0xFFFFD800;
	s22 =	simm.s32 @!p0 $0x50  }
0x1ae: {  	[spmem:s14] =	stream.indirect.scatter.add.f32 @!p0 [tilespmem:s1], [sflag:$0x6], $0x80, s25, s22, $0xb8;
	[tilespmem:$0x1C3C0] =	vst v63  }
0x1af: {  	s25 =	simm.s32 @!p0 $0x6  }
0x1b0: {  	_ =	swait.ge @!p0 [sflag:s25], $0x2800  }
0x1b1: {  	[sflag:s25] =	ssyncset.done @!p0 $0x0  }
0x1b2: {  	[sflag:s25] =	ssyncadd.s32 @!p0 $0xFFFFD800  }
0x1b3: {  	[tilespmem:s1], [sflag:$0x1] =	stream.indirect.gather @!p0 [hbm4b:s0+s22], $0x80, s24, s22, $0xb8;
	[tilespmem:$0x1C3C0] =	vst v63  }
0x1b4: {  	_ =	swait.ge [sflag:s11], $0x2800  }
0x1b5: {  	[sflag:s11] =	ssyncset.done $0x0  }
.Ltmp2:
0x1b6: {  	[sflag:s11] =	ssyncadd.s32 $0xFFFFD800;
	(pc) =	sbr.rel @p0 .LBB2_4-.Ltmp2, $4  }
0x1b7: {  	[spmem:s14] =	stream.indirect.scatter.add.f32 [tilespmem:s4], [sflag:$0x6], $0x80, s20, s2, $0xb8;
	[tilespmem:$0x1C3C0] =	vst v63  }
0x1b8: {  	_ =	swait.ge [sflag:s30], $0x2800  }
0x1b9: {  	[sflag:s30] =	ssyncset.done $0x0  }
0x1ba: {  	[sflag:s30] =	ssyncadd.s32 $0xFFFFD800  }
0x1bb: {  	[tilespmem:s4], [sflag:$0x2] =	stream.indirect.gather [hbm4b:s0+s2], $0x80, s2, s2, $0xb8;
	[tilespmem:$0x1C3C0] =	vst v63  }
0x1bc: {  	_ =	swait.ge [sflag:s29], $0x2800  }
0x1bd: {  	[sflag:s29] =	ssyncset.done $0x0  }
0x1be: {  	[sflag:s29] =	ssyncadd.s32 $0xFFFFD800  }
0x1bf: {  	[spmem:s14] =	stream.indirect.scatter.add.f32 [tilespmem:s6], [sflag:$0x6], $0x80, s21, s2, $0xb8;
	[tilespmem:$0x1C3C0] =	vst v63  }
0x1c0: {  	_ =	swait.ge [sflag:s30], $0x2800  }
0x1c1: {  	[sflag:s30] =	ssyncset.done $0x0  }
0x1c2: {  	[sflag:s30] =	ssyncadd.s32 $0xFFFFD800  }
0x1c3: {  	[tilespmem:s6], [sflag:$0x3] =	stream.indirect.gather [hbm4b:s0+s2], $0x80, s5, s2, $0xb8;
	[tilespmem:$0x1C3C0] =	vst v63  }
.Ltmp3:
0x1c4: {  	s1 =	sadd.s32 s23, s13;
	(pc) =	sbr.rel .LBB2_2-.Ltmp3, $4  }
0x1c5: {  	s1 =	sadd.s32 $0x5A, s1  }
0x1c6: {  	[tilespmem:s12], [sflag:$0x4] =	stream.linear.gather [hbm4b:s1+s10], $0xF0, $0x38;
	[tilespmem:$0x1C3C0] =	vst v63  }
0x1c7: {  	s25 =	sadd.s32 s23, s15;
	s22 =	simm.s32 $0x2D0;
	s23 =	sadd.s32 $0x3C, s23  }
0x1c8: {  	[tilespmem:s22], [sflag:$0x4] =	stream.linear.gather [hbm4b:s25+s10], $0xF0, $0x38;
	[tilespmem:$0x1C3C0] =	vst v63  }
.LBB2_5:
0x1c9: {  	_ =	sfence.sel $0x180000  }
0x1ca: {  	[bflag:$0x0] =	sbarrier.arrive $0xFFFF  }
0x1cb: {  	_ =	strace $0x9000004A  }
0x1cc: {  	s0 =	stileid.u32;
	[bflag:$0x2] =	sbarrier.arrive $0xFFFF  }
0x1cd: {  	p0 =	sne.s32 s0, $0x0;
	s0 =	rddreg [dreg:$0x4]  }
0x1ce: {  	s0 =	sadd.s32 @!p0 $0x100000, s0  }
0x1cf: {  	[sflag:s0] =	ssyncadd.tile.s32 @!p0 $0x1;
	_ =	shalt  }
.Lfunc_end2:
_tile_overlayer_lowered:
.L_overlay_start_2:
0x1d0: {  	(tag) =	ssettag $0x2  }
0x1d1: {  	s0 =	rddreg [dreg:$0x0];
	s2 =	stileid.u32  }
0x1d2: {  	s1 =	rddreg [dreg:$0x1];
	p0 =	sne.s32 s2, $0x0  }
0x1d3: {  	s3 =	rddreg [dreg:$0x2];
	[bflag:$0x3] =	sbarrier.arrive $0xFFFF;
	s2 =	simm.s32 @!p0 $0x1C06  }
0x1d4: {  	[timem:s3], [sflag:s2] =	dma.local @!p0 [hbm:s0], s1  }
0x1d5: {  	s0 =	simm.s32 @!p0 $0x6  }
0x1d6: {  	_ =	swait.ge @!p0 [sflag:s0], s1  }
0x1d7: {  	s1 =	ssub.s32 @!p0 $0x0, s1;
	[sflag:s0] =	ssyncset.done @!p0 $0x0  }
0x1d8: {  	[sflag:s0] =	ssyncadd.s32 @!p0 s1  }
0x1d9: {  	[bflag:$0x3] =	sbarrier.arrive $0xFFFF  }
0x1da: {  	_ =	shalt  }

// kernel: kernel.8.cloned.1.call-start
scs
__scs_entry_jumppad:
0x0: {  	(pc) =	sbr.rel $0x88, $3  }
0x1: {  	(tag) =	ssettag $0x0;
	lr =	simm.s32 $0x1  }
0x2: {  	[smem:$0x3F95] =	sst lr;
	_ =	strace $0xD0000000  }
0x3: {  	_ = 	snop  }
0x4: {  	_ = 	snop  }
0x5: {  	_ = 	snop  }
0x6: {  	_ = 	snop  }
0x7: {  	_ = 	snop  }
__scs_overlays_trampoline_lowered:
0x8: {  	[smem:$0x3FA4] =	sst s0  }
0x9: {  	[smem:$0x3FA5] =	sst s1  }
0xa: {  	[smem:$0x3FA6] =	sst s2  }
0xb: {  	[smem:$0x3FA7] =	sst s3  }
0xc: {  	[smem:$0x3FA8] =	sst s4  }
0xd: {  	[smem:$0x3FA9] =	sst s5  }
0xe: {  	[smem:$0x3FAA] =	sst s6  }
0xf: {  	[smem:$0x3FAB] =	sst s7  }
0x10: {  	[smem:$0x3FAC] =	sst s8  }
0x11: {  	[smem:$0x3FAD] =	sst s9;
	s0 =	simm.s32 @!p0 $0x0  }
0x12: {  	s1 =	sld [smem:$0x3F93];
	s0 =	simm.s32 @p0 $0x1  }
0x13: {  	[smem:$0x3FAE] =	sst s0;
	s0 =	simm.s32 @!p1 $0x0  }
0x14: {  	s2 =	sld [smem:$0x3F92];
	s0 =	simm.s32 @p1 $0x1  }
0x15: {  	[smem:$0x3FAF] =	sst s0;
	s0 =	simm.s32 @!p2 $0x0  }
0x16: {  	s3 =	sld [smem:$0x3FDB];
	s0 =	simm.s32 @p2 $0x1  }
0x17: {  	s4 =	simm.s32 $0x1BF5;
	[smem:$0x3FB1] =	sst s0  }
0x18: {  	s0 =	sld [smem:$0x3F94];
	_ =	swait.ge [sflag:s4], $0x0  }
0x19: {  	s7 =	sld [smem:$0x3F95]  }
0x1a: {  	s8 =	sadd.s32 $0xFFFFE003, lr  }
0x1b: {  	s9 =	sadd.s32 $0xFFFFFEF7, lr;
	s5 =	simm.s32 $0xFFFFFFFF;
	p2 =	slt.u32 s8, $0xFFFFF086  }
0x1c: {  	p1 =	slt.u32 s9, $0xF7A;
	s5 =	simm.s32 @!p2 $0x0  }
0x1d: {  	s5 =	simm.s32 @p1 $0x1;
	p0 =	seq.s32 s7, s2  }
0x1e: {  	s7 =	smul.u32 @!p0 $0xF7A, s2;
	p2 =	seq.s32 @!p0 s5, $0x0  }
0x1f: {  	s9 =	smul.u32 $0xF7A, s1;
	s8 =	simm.s32 @!p0 $0x1BF5;
	p2 =	por !p2, p0  }
0x20: {  	[sflag:s8] =	ssyncset.s32 @!p0 $0xFFFFF086;
	s6 =	sadd.s32 @!p0 s3, s7;
	s7 =	simm.s32 @!p0 $0x108  }
0x21: {  	s3 =	sadd.s32 s3, s9;
	s6 =	sadd.s32 @!p0 $0x88, s6;
	s7 =	simm.s32 @p2 $0x1082  }
0x22: {  	[simem:s7], [sflag:s8] =	dma.local @!p0 [hbm:s6], $0xF7A  }
0x23: {  	s9 =	sor.u32 $0xD0000000, s2;
	s6 =	simm.s32 $0x108;
	_ =	swait.ge @!p0 [sflag:s8], $0x0  }
0x24: {  	s3 =	sadd.s32 $0x88, s3;
	s6 =	simm.s32 @!p1 $0x1082;
	[sflag:s4] =	ssyncset.s32 $0xFFFFF086  }
0x25: {  	[simem:s6], [sflag:s4] =	dma.local [hbm:s3], $0xF7A  }
0x26: {  	[smem:$0x3F95] =	sst s1;
	(tag) =	ssettag s2;
	_ =	strace s9  }
0x27: {  	s1 =	sld [smem:$0x3FA5]  }
0x28: {  	s2 =	sld [smem:$0x3FA6]  }
0x29: {  	s4 =	sld [smem:$0x3FA8]  }
0x2a: {  	p0 =	seq.s32 s5, $0x0;
	s5 =	sld [smem:$0x3FA9]  }
0x2b: {  	s6 =	sld [smem:$0x3FAA]  }
0x2c: {  	s7 =	sld [smem:$0x3FAB]  }
0x2d: {  	s3 =	simm.s32 $0x108;
	s8 =	sld [smem:$0x3FAC]  }
0x2e: {  	s3 =	simm.s32 @!p0 $0x1082;
	s9 =	sld [smem:$0x3FAD]  }
0x2f: {  	lr =	sadd.s32 s0, s3;
	s0 =	sld [smem:$0x3FA4]  }
0x30: {  	s3 =	sld [smem:$0x3FA7]  }
0x31: {  	[smem:$0x3FB0] =	sst s10  }
0x32: {  	s10 =	sld [smem:$0x3FAE];
	_ =	sdelay $0x3  }
0x33: {  	p0 =	seq.s32 s10, $0x1;
	s10 =	sld [smem:$0x3FB0];
	_ =	sdelay $0x3  }
0x34: {  	[smem:$0x3FB0] =	sst s10  }
0x35: {  	s10 =	sld [smem:$0x3FAF];
	_ =	sdelay $0x3  }
0x36: {  	p1 =	seq.s32 s10, $0x1;
	s10 =	sld [smem:$0x3FB0];
	_ =	sdelay $0x3  }
0x37: {  	[smem:$0x3FB0] =	sst s10  }
0x38: {  	s10 =	sld [smem:$0x3FB1]  }
0x39: {  	_ = 	snop;
	(pc) =	sbr.ind lr, $3  }
0x3a: {  	_ = 	snop  }
0x3b: {  	_ = 	snop  }
0x3c: {  	p2 =	seq.s32 s10, $0x1;
	s10 =	sld [smem:$0x3FB0]  }
0x3d: {  	_ =	shalt  }
0x3e: {  	_ =	shalt  }
0x3f: {  	_ =	shalt  }
0x40: {  	_ =	shalt  }
0x41: {  	_ =	shalt  }
0x42: {  	_ =	shalt  }
0x43: {  	_ =	shalt  }
0x44: {  	_ =	shalt  }
0x45: {  	_ =	shalt  }
0x46: {  	_ =	shalt  }
0x47: {  	_ =	shalt  }
0x48: {  	_ =	shalt  }
0x49: {  	_ =	shalt  }
0x4a: {  	_ =	shalt  }
0x4b: {  	_ =	shalt  }
0x4c: {  	_ =	shalt  }
0x4d: {  	_ =	shalt  }
0x4e: {  	_ =	shalt  }
0x4f: {  	_ =	shalt  }
0x50: {  	_ =	shalt  }
0x51: {  	_ =	shalt  }
0x52: {  	_ =	shalt  }
0x53: {  	_ =	shalt  }
0x54: {  	_ =	shalt  }
0x55: {  	_ =	shalt  }
0x56: {  	_ =	shalt  }
0x57: {  	_ =	shalt  }
0x58: {  	_ =	shalt  }
0x59: {  	_ =	shalt  }
0x5a: {  	_ =	shalt  }
0x5b: {  	_ =	shalt  }
0x5c: {  	_ =	shalt  }
0x5d: {  	_ =	shalt  }
0x5e: {  	_ =	shalt  }
0x5f: {  	_ =	shalt  }
0x60: {  	_ =	shalt  }
0x61: {  	_ =	shalt  }
0x62: {  	_ =	shalt  }
0x63: {  	_ =	shalt  }
0x64: {  	_ =	shalt  }
0x65: {  	_ =	shalt  }
0x66: {  	_ =	shalt  }
0x67: {  	_ =	shalt  }
0x68: {  	_ =	shalt  }
0x69: {  	_ =	shalt  }
0x6a: {  	_ =	shalt  }
0x6b: {  	_ =	shalt  }
0x6c: {  	_ =	shalt  }
0x6d: {  	_ =	shalt  }
0x6e: {  	_ =	shalt  }
0x6f: {  	_ =	shalt  }
0x70: {  	_ =	shalt  }
0x71: {  	_ =	shalt  }
0x72: {  	_ =	shalt  }
0x73: {  	_ =	shalt  }
0x74: {  	_ =	shalt  }
0x75: {  	_ =	shalt  }
0x76: {  	_ =	shalt  }
0x77: {  	_ =	shalt  }
0x78: {  	_ =	shalt  }
0x79: {  	_ =	shalt  }
0x7a: {  	_ =	shalt  }
0x7b: {  	_ =	shalt  }
0x7c: {  	_ =	shalt  }
0x7d: {  	_ =	shalt  }
0x7e: {  	_ =	shalt  }
0x7f: {  	_ =	shalt  }
0x80: {  	_ =	shalt  }
0x81: {  	_ =	shalt  }
0x82: {  	_ =	shalt  }
0x83: {  	_ =	shalt  }
0x84: {  	_ =	shalt  }
0x85: {  	_ =	shalt  }
0x86: {  	_ =	shalt  }
0x87: {  	_ =	shalt  }
.Lfunc_end0:
.L_simem_size_0:
called_computation_lowered:
.L_overlay_start_0:
0x88: {  	s2 =	sld [smem:$0x3FD9]  }
0x89: {  	s3 =	sld [smem:$0x3FFE];
	_ =	sdelay $0x1  }
0x8a: {  	s1 =	srdreg.scid  }
0x8b: {  	s0 =	sand.u32 $0x1, s1  }
0x8c: {  	s14 =	sshll.u32 s0, $0xA;
	s2 =	sadd.s32 s3, s2  }
0x8d: {  	s2 =	sadd.s32 s2, s14  }
0x8e: {  	[smem:$0x3FBC] =	sst s2  }
0x8f: {  	_ = 	snop  }
0x90: {  	s2 =	sld [smem:$0x3FD0];
	_ =	sdelay $0x2  }
0x91: {  	s4 =	simm.s32 $0xA;
	s5 =	simm.s32 $0x10;
	s15 =	sld [smem:$0x3FC9]  }
0x92: {  	[smem:s5], [sflag:s4] =	dma.local [hbm:s2], $0x1  }
0x93: {  	_ =	swait.eq [sflag:s4], $0x1  }
0x94: {  	[sflag:s4] =	ssyncset.done $0x0  }
0x95: {  	s16 =	sld [smem:$0x10];
	[sflag:s4] =	ssyncadd.s32 $0xFFFFFFFF  }
0x96: {  	s17 =	sld [smem:$0x11];
	(tm) =	ssettm $0x1  }
0x97: {  	s18 =	sld [smem:$0x3FFB];
	_ =	sdelay $0x3  }
0x98: {  	_ =	strace s18  }
0x99: {  	s5 =	sld [smem:$0x3FFC];
	_ =	sdelay $0x3  }
0x9a: {  	_ =	strace s5  }
0x9b: {  	s5 =	sld [smem:$0x3FFD];
	_ =	sdelay $0x3  }
0x9c: {  	_ =	strace s5  }
0x9d: {  	_ =	strace $0x8FFFFFFF  }
0x9e: {  	s19 =	sld [smem:$0x3FDB];
	_ =	sdelay $0x1  }
0x9f: {  	s6 =	simm.s32 $_scs_section_size  }
0xa0: {  	s7 =	simm.s32 $_size__tile_overlayer_lowered;
	s8 =	simm.s32 $_tile_overlayer_lowered  }
0xa1: {  	s22 =	simm.s32 $0x1BFF;
	s21 =	sshll.u32 s8, $0x1;
	s5 =	sadd.s32 s6, s19  }
0xa2: {  	s9 =	simm.s32 $0x0;
	s20 =	sshll.u32 s7, $0x1;
	s7 =	sadd.s32 s21, s5  }
0xa3: {  	[timem:s9], [sflag:s22] =	dma.local [hbm:s7], s20  }
0xa4: {  	_ =	swait.ge [sflag:s22], s20  }
0xa5: {  	s6 =	ssub.s32 $0x0, s20;
	[sflag:s22] =	ssyncset.done $0x0  }
0xa6: {  	[sflag:s22] =	ssyncadd.s32 s6;
	_ =	sdelay $0x1  }
0xa7: {  	s23 =	simm.s32 $0x1B8B  }
0xa8: {  	_ =	swait.ge [sflag:s23], $0x1  }
0xa9: {  	[sflag:s23] =	ssyncset.done $0x0  }
0xaa: {  	s25 =	simm.s32 $0x1B8E;
	s24 =	sld [smem:$0x3FFE];
	[sflag:s23] =	ssyncadd.s32 $0xFFFFFFFF  }
0xab: {  	s26 =	simm.s32 $execute0_lowered;
	[smem:$0x3FD2] =	sst s25  }
0xac: {  	s7 =	sshll.u32 s26, $0x1;
	_ =	strace $0x80000046;
	[dreg:$0x1] =	wrdreg $0xFFFFFFFF  }
0xad: {  	s28 =	simm.s32 $_size_execute0_lowered;
	s5 =	sadd.s32 s5, s7;
	[dreg:$0x0] =	wrdreg $0x0  }
0xae: {  	s7 =	sshll.u32 s28, $0x1;
	[dreg:$0x2] =	wrdreg s5  }
0xaf: {  	[dreg:$0x3] =	wrdreg s7  }
0xb0: {  	[dreg:$0x4] =	wrdreg $0xC0  }
0xb1: {  	_ =	task [dreg:s9], $0x5FFFF  }
0xb2: {  	[dreg:$0x1] =	wrdreg $0xFFFFFFFF  }
0xb3: {  	[dreg:$0x0] =	wrdreg $0x60  }
0xb4: {  	[dreg:$0x2] =	wrdreg s15  }
0xb5: {  	[dreg:$0x3] =	wrdreg s16  }
0xb6: {  	[dreg:$0x4] =	wrdreg s24  }
0xb7: {  	[dreg:$0x5] =	wrdreg s17  }
0xb8: {  	[dreg:$0x6] =	wrdreg $0x1C3C00  }
0xb9: {  	[dreg:$0x7] =	wrdreg $0x83C00  }
0xba: {  	[dreg:$0x8] =	wrdreg $0x9  }
0xbb: {  	_ =	task.clear_ibuf [dreg:s9], $0x9FFFF;
	_ =	strace $0x90000046  }
0xbc: {  	s29 =	simm.s32 $0x9;
	_ =	strace $0x80000048  }
0xbd: {  	_ =	swait.ge [sflag:s29], $0x1  }
0xbe: {  	[sflag:s29] =	ssyncadd.s32 $0xFFFFFFFF  }
0xbf: {  	_ =	strace $0x90000048  }
0xc0: {  	_ =	sfence  }
0xc1: {  	s30 =	sld [smem:$0x0];
	_ =	sdelay $0x2  }
0xc2: {  	s31 =	sshll.u32 s1, $0xD;
	s1 =	sshrl.u32 s1, $0x2  }
0xc3: {  	s3 =	sand.u32 $0x4000, s31;
	s1 =	sadd.s32 s1, s30  }
0xc4: {  	s0 =	sor.u32 s3, s0;
	s1 =	sshll.u32 s1, $0x11  }
0xc5: {  	s0 =	sor.u32 s1, s0  }
0xc6: {  	s0 =	sadd.s32 $0x8F2B, s0  }
0xc7: {  	[sflag:s0] =	ssyncadd.remote.s32 $0x1  }
0xc8: {  	_ =	sfence.sel $0xFFFF  }
0xc9: {  	[dreg:$0x0] =	wrdreg $0xFFFFFFFF;
	(pc) =	sbr.abs _section_cstart, $3  }
0xca: {  	[dreg:$0x1] =	wrdreg $0xFFFFFFFF  }
0xcb: {  	_ =	task.clear_ibuf [dreg:s9], $0x2FFFF;
	_ =	strace $0x9FFFFFFF  }
0xcc: {  	(tm) =	ssettm $0x7FFFFFFF  }
0xcd: {  	_ =	shalt  }
tec
execute0_lowered:
.L_overlay_start_1:
0x0: {  	(tag) =	ssettag $0x1  }
0x1: {  	s0 =	srdreg.scid;
	s28 =	stileid.u32  }
0x2: {  	s1 =	rddreg [dreg:$0x2];
	s10 =	sand.u32 $0x1, s0;
	s4 =	smul.u32 $0x280, s28  }
0x3: {  	s12 =	sadd.s32 $0x4200, s1;
	s0 =	ssub.s32 $0x2, s10;
	s2 =	sshll.u32 s10, $0x4  }
0x4: {  	s20 =	smul.u32 $0x140000, s10;
	s3 =	sshrl.u32 s0, $0x1;
	s2 =	sor.u32 s28, s2  }
0x5: {  	s13 =	sor.u32 $0x50, s4;
	s14 =	sadd.s32 $0xA0, s4;
	s15 =	sadd.s32 $0xF0, s4  }
0x6: {  	s16 =	sadd.s32 $0x140, s4;
	s17 =	sadd.s32 $0x190, s4;
	s18 =	sadd.s32 $0x1E0, s4  }
0x7: {  	s19 =	sadd.s32 $0x230, s4;
	s0 =	ssub.s32 s0, s3;
	s11 =	smul.u32 $0x2760, s2  }
0x8: {  	s2 =	smul.u32 $0x14000, s28;
	s3 =	sshll.u32 s13, $0x7;
	s4 =	sshll.u32 s14, $0x7  }
0x9: {  	s5 =	sshll.u32 s15, $0x7;
	s6 =	sshll.u32 s16, $0x7;
	s30 =	sshll.u32 s17, $0x7  }
0xa: {  	s14 =	sshll.u32 s14, $0x4;
	s15 =	sshll.u32 s15, $0x4;
	s16 =	sshll.u32 s16, $0x4  }
0xb: {  	s9 =	sadd.s32 s20, s3;
	s25 =	sadd.s32 s20, s4;
	s26 =	sadd.s32 s20, s5  }
0xc: {  	s22 =	sadd.s32 s20, s6;
	s8 =	sadd.s32 s2, s20;
	s9 =	sshrl.u32 s9, $0x3  }
0xd: {  	s22 =	sshrl.u32 s22, $0x3;
	s21 =	sshrl.u32 s8, $0x3;
	s9 =	sadd.s32 s12, s9  }
0xe: {  	s8 =	sshll.u32 s18, $0x7;
	s21 =	sadd.s32 s12, s21;
	[dreg:$0x8] =	wrdreg s9  }
0xf: {  	s9 =	sshrl.u32 s25, $0x3;
	s23 =	sadd.s32 s20, s8;
	[dreg:$0x7] =	wrdreg s21  }
0x10: {  	s21 =	sshrl.u32 s26, $0x3;
	s9 =	sadd.s32 s12, s9;
	s26 =	sshll.u32 s18, $0x4  }
0x11: {  	[dreg:$0x9] =	wrdreg s9;
	s7 =	sadd.s32 s12, s21;
	s21 =	sadd.s32 s12, s22  }
0x12: {  	s9 =	sshll.u32 s19, $0x7;
	s22 =	sadd.s32 s20, s30;
	[dreg:$0xa] =	wrdreg s7  }
0x13: {  	s19 =	sshll.u32 s19, $0x4;
	[dreg:$0xb] =	wrdreg s21;
	s21 =	sshrl.u32 s22, $0x3  }
0x14: {  	s22 =	sshrl.u32 s23, $0x3;
	s20 =	sadd.s32 s20, s9;
	s21 =	sadd.s32 s12, s21  }
0x15: {  	s24 =	sadd.s32 s12, s22;
	s20 =	sshrl.u32 s20, $0x3;
	s22 =	rddreg [dreg:$0x3]  }
0x16: {  	[dreg:$0xc] =	wrdreg s21;
	s12 =	sadd.s32 s12, s20;
	s20 =	smul.u32 $0x28000, s10  }
0x17: {  	[dreg:$0xe] =	wrdreg s12;
	s12 =	sshll.u32 s13, $0x4;
	s13 =	smul.u32 $0x2800, s28  }
0x18: {  	[dreg:$0xd] =	wrdreg s24;
	s21 =	sshll.u32 s17, $0x4;
	s7 =	sadd.s32 s20, s12  }
0x19: {  	s23 =	sadd.s32 s20, s14;
	s25 =	sadd.s32 s13, s20;
	s18 =	sshrl.u32 s7, $0x3  }
0x1a: {  	s24 =	sadd.s32 s20, s15;
	s17 =	sshrl.u32 s25, $0x3;
	s18 =	sadd.s32 s22, s18  }
0x1b: {  	s25 =	sshrl.u32 s24, $0x3;
	s24 =	sadd.s32 s20, s21;
	s17 =	sadd.s32 s22, s17  }
0x1c: {  	[dreg:$0xf] =	wrdreg s17;
	s17 =	sshrl.u32 s23, $0x3;
	s23 =	sadd.s32 s20, s16  }
0x1d: {  	[dreg:$0x10] =	wrdreg s18;
	s17 =	sadd.s32 s22, s17;
	s7 =	sshrl.u32 s23, $0x3  }
0x1e: {  	[dreg:$0x11] =	wrdreg s17;
	s17 =	sadd.s32 s22, s25;
	s23 =	sadd.s32 s22, s7  }
0x1f: {  	s25 =	sadd.s32 s20, s26;
	s20 =	sadd.s32 s20, s19;
	[dreg:$0x12] =	wrdreg s17  }
0x20: {  	[dreg:$0x13] =	wrdreg s23;
	s17 =	sshrl.u32 s24, $0x3;
	s18 =	sshrl.u32 s25, $0x3  }
0x21: {  	s25 =	sshrl.u32 s20, $0x3;
	s20 =	rddreg [dreg:$0x0];
	s17 =	sadd.s32 s22, s17  }
0x22: {  	s7 =	smul.u32 $0x27600, s10;
	s18 =	sadd.s32 s22, s18;
	[dreg:$0x14] =	wrdreg s17  }
0x23: {  	s10 =	smul.u32 $0x4EC0, s10;
	[dreg:$0x15] =	wrdreg s18  }
0x24: {  	s24 =	smul.u32 $0x2760, s28;
	s17 =	sadd.s32 s22, s25;
	s25 =	rddreg [dreg:$0x1]  }
0x25: {  	s11 =	sshrl.u32 s11, $0x3;
	s23 =	smul.u32 $0x4EC, s28;
	s22 =	rddreg [dreg:$0x4]  }
0x26: {  	s7 =	sadd.s32 s24, s7;
	[dreg:$0x16] =	wrdreg s17;
	s17 =	simm.s32 $0x0  }
0x27: {  	s10 =	sadd.s32 s10, s25;
	s29 =	sadd.s32 s25, s11;
	s24 =	sadd.s32 $0x4EED0, s7  }
0x28: {  	s7 =	sadd.s32 $0x4EDE0, s7;
	[smem:$0x7FF] =	sst s17;
	s18 =	sadd.s32 s23, s10  }
0x29: {  	s11 =	sshrl.u32 s7, $0x3;
	s23 =	rddreg [dreg:$0x5];
	s7 =	sadd.s32 $0x3A00, s1  }
0x2a: {  	s12 =	sadd.s32 s12, s22;
	_ =	strace $0x80000047;
	[dreg:$0x19] =	wrdreg s7  }
0x2b: {  	s0 =	smax.u32 s0, $0x1;
	s10 =	sshrl.u32 s24, $0x3;
	[dreg:$0x1c] =	wrdreg s12  }
0x2c: {  	s24 =	sadd.s32 s10, s25;
	[smem:$0x7F7] =	sst s0  }
0x2d: {  	s25 =	sadd.s32 s11, s25;
	s11 =	sadd.s32 $0x3C00, s1;
	[dreg:$0x17] =	wrdreg s29  }
0x2e: {  	s1 =	sadd.s32 $0x3800, s1;
	[dreg:$0x18] =	wrdreg s11  }
0x2f: {  	s7 =	sadd.s32 s16, s22;
	[dreg:$0x1a] =	wrdreg s1  }
0x30: {  	s10 =	sadd.s32 s21, s22;
	[dreg:$0x1f] =	wrdreg s7  }
0x31: {  	s2 =	sadd.s32 s2, s23;
	[smem:$0x7CE] =	sst s10  }
0x32: {  	s12 =	sadd.s32 s4, s23;
	[smem:$0x7CF] =	sst s2  }
0x33: {  	s16 =	sadd.s32 s8, s23;
	[smem:$0x7D1] =	sst s12  }
0x34: {  	s0 =	simm.s32 $0x0;
	[smem:$0x7D5] =	sst s16  }
0x35: {  	s11 =	sadd.s32 s13, s22;
	[smem:$0x7FB] =	sst s0  }
0x36: {  	s13 =	sadd.s32 s14, s22;
	[dreg:$0x1b] =	wrdreg s11  }
0x37: {  	s14 =	sadd.s32 s15, s22;
	s15 =	smul.u32 $0x50000, s28;
	[dreg:$0x1d] =	wrdreg s13  }
0x38: {  	s28 =	sadd.s32 s19, s22;
	s19 =	sadd.s32 s9, s23;
	[dreg:$0x1e] =	wrdreg s14  }
0x39: {  	s10 =	sadd.s32 s26, s22;
	[smem:$0x7D6] =	sst s19  }
0x3a: {  	[smem:$0x7FC] =	sst s10  }
0x3b: {  	s11 =	sadd.s32 s3, s23;
	[smem:$0x7FD] =	sst s28  }
0x3c: {  	s13 =	sadd.s32 s5, s23;
	[smem:$0x7D0] =	sst s11  }
0x3d: {  	s14 =	sadd.s32 s6, s23;
	s1 =	sshrl.u32 s15, $0x2;
	[smem:$0x7D2] =	sst s13  }
0x3e: {  	[smem:$0x7D3] =	sst s14;
	s15 =	sadd.s32 s30, s23;
	s1 =	sadd.s32 s1, s23  }
0x3f: {  	[smem:$0x7D4] =	sst s15;
	s21 =	sadd.s32 $0x800, s1  }
0x40: {  	s26 =	sadd.s32 $0x1000, s1;
	[smem:$0x7D7] =	sst s21  }
0x41: {  	s3 =	sadd.s32 $0x1800, s1;
	[smem:$0x7D8] =	sst s26  }
0x42: {  	s4 =	sadd.s32 $0x2000, s1;
	[smem:$0x7D9] =	sst s3  }
0x43: {  	s5 =	sadd.s32 $0x3000, s1;
	[smem:$0x7DA] =	sst s4  }
0x44: {  	s6 =	sadd.s32 $0x3800, s1;
	[smem:$0x7DB] =	sst s5  }
0x45: {  	s7 =	sadd.s32 $0x4000, s1;
	[smem:$0x7DC] =	sst s6  }
0x46: {  	s8 =	sadd.s32 $0x4800, s1;
	[smem:$0x7DD] =	sst s7  }
0x47: {  	s9 =	sadd.s32 $0x5800, s1;
	[smem:$0x7DE] =	sst s8  }
0x48: {  	s11 =	sadd.s32 $0x6000, s1;
	[smem:$0x7DF] =	sst s9  }
0x49: {  	s12 =	sadd.s32 $0x6800, s1;
	[smem:$0x7E0] =	sst s11  }
0x4a: {  	s13 =	sadd.s32 $0x7000, s1;
	[smem:$0x7E1] =	sst s12  }
0x4b: {  	s14 =	sadd.s32 $0x8000, s1;
	[smem:$0x7E2] =	sst s13  }
0x4c: {  	s15 =	sadd.s32 $0x8800, s1;
	[smem:$0x7E3] =	sst s14  }
0x4d: {  	s16 =	sadd.s32 $0x9000, s1;
	[smem:$0x7E4] =	sst s15  }
0x4e: {  	s19 =	sadd.s32 $0x9800, s1;
	[smem:$0x7E5] =	sst s16  }
0x4f: {  	[smem:$0x7E6] =	sst s19;
	s21 =	sadd.s32 $0xA800, s1  }
0x50: {  	s26 =	sadd.s32 $0xB000, s1;
	[smem:$0x7E7] =	sst s21  }
0x51: {  	s3 =	sadd.s32 $0xB800, s1;
	[smem:$0x7E8] =	sst s26  }
0x52: {  	s4 =	sadd.s32 $0xC000, s1;
	[smem:$0x7E9] =	sst s3  }
0x53: {  	s5 =	sadd.s32 $0xD000, s1;
	[smem:$0x7EA] =	sst s4  }
0x54: {  	s6 =	sadd.s32 $0xD800, s1;
	[smem:$0x7EB] =	sst s5  }
0x55: {  	s7 =	sadd.s32 $0xE000, s1;
	[smem:$0x7EC] =	sst s6  }
0x56: {  	s8 =	sadd.s32 $0xE800, s1;
	[smem:$0x7ED] =	sst s7  }
0x57: {  	s9 =	sadd.s32 $0xF800, s1;
	[smem:$0x7EE] =	sst s8  }
0x58: {  	s11 =	sadd.s32 $0x10000, s1;
	[smem:$0x7EF] =	sst s9  }
0x59: {  	s12 =	sadd.s32 $0x10800, s1;
	[smem:$0x7F0] =	sst s11  }
0x5a: {  	s13 =	sadd.s32 $0x11000, s1;
	[smem:$0x7F1] =	sst s12  }
0x5b: {  	s14 =	sadd.s32 $0x12000, s1;
	[smem:$0x7F2] =	sst s13  }
0x5c: {  	s15 =	sadd.s32 $0x12800, s1;
	[smem:$0x7F3] =	sst s14  }
0x5d: {  	s31 =	simm.s32 $0x7BC0;
	s16 =	sadd.s32 $0x13000, s1;
	[smem:$0x7F4] =	sst s15  }
0x5e: {  	s2 =	simm.s32 $0x6;
	s1 =	sadd.s32 $0x13800, s1;
	[smem:$0x7F5] =	sst s16  }
0x5f: {  	s30 =	simm.s32 $0x53C0;
	s19 =	sadd.s32 $0x9D80, s29;
	[smem:$0x7F6] =	sst s1  }
0x60: {  	[smem:$0x7F8] =	sst s19;
	s21 =	sadd.s32 $0x1E, s29;
	s26 =	sadd.s32 $0x9D9E, s29  }
0x61: {  	s29 =	simm.s32 $0x7;
	s13 =	simm.s32 $0x1E0;
	s19 =	simm.s32 $0xF0  }
0x62: {  	s14 =	simm.s32 $0x2D0;
	s15 =	simm.s32 $0x50;
	s16 =	simm.s32 $0x3C0  }
.Ltmp0:
0x63: {  	s7 =	simm.s32 $0x1F0C0;
	s1 =	simm.s32 $0x5;
	(pc) =	sbr.rel .LBB2_1-.Ltmp0, $4  }
0x64: {  	s3 =	simm.s32 $0x4;
	s4 =	simm.s32 $0x1;
	s5 =	simm.s32 $0x2  }
0x65: {  	s6 =	simm.s32 $0x230;
	s8 =	simm.s32 $0x3;
	s9 =	simm.s32 $0x280  }
0x66: {  	s11 =	simm.s32 $0x320;
	s12 =	simm.s32 $0x370;
	[smem:$0x7F9] =	sst s21  }
0x67: {  	[smem:$0x7FA] =	sst s26;
	s26 =	simm.s32 $0x2BC0;
	s21 =	simm.s32 $0x1EBC0  }
.LBB2_4:
0x68: {  	[bflag:$0x0] =	sbarrier.arrive $0xFFFF  }
0x69: {  	s0 =	sld [smem:$0x7CF];
	_ =	sdelay $0x2  }
0x6a: {  	[tilespmem:s16], [sflag:$0x7] =	stream.linear.gather [spmem:s0], $0x2800, $0x38;
	[tilespmem:$0x1F5C0] =	vst v63  }
0x6b: {  	_ =	swait.ge [sflag:s29], $0x2800  }
0x6c: {  	[sflag:s29] =	ssyncset.done $0x0;
	s7 =	rddreg [dreg:$0x7]  }
0x6d: {  	s10 =	sld [smem:$0x7D0];
	[sflag:s29] =	ssyncadd.s32 $0xFFFFD800  }
0x6e: {  	[hbm4b:s7+s17] =	stream.linear.scatter [tilespmem:s16], [sflag:$0x1], $0x2800, $0x38;
	[tilespmem:$0x1F5C0] =	vst v63  }
0x6f: {  	_ = 	snop  }
0x70: {  	[tilespmem:s26], [sflag:$0x7] =	stream.linear.gather [spmem:s10], $0x2800, $0x38;
	[tilespmem:$0x1F5C0] =	vst v63  }
0x71: {  	_ =	swait.ge [sflag:s29], $0x2800  }
0x72: {  	[sflag:s29] =	ssyncset.done $0x0;
	s7 =	rddreg [dreg:$0x8]  }
0x73: {  	s10 =	sld [smem:$0x7D1];
	[sflag:s29] =	ssyncadd.s32 $0xFFFFD800  }
0x74: {  	[hbm4b:s7+s17] =	stream.linear.scatter [tilespmem:s26], [sflag:$0x2], $0x2800, $0x38;
	[tilespmem:$0x1F5C0] =	vst v63  }
0x75: {  	_ = 	snop  }
0x76: {  	[tilespmem:s30], [sflag:$0x7] =	stream.linear.gather [spmem:s10], $0x2800, $0x38;
	[tilespmem:$0x1F5C0] =	vst v63  }
0x77: {  	_ =	swait.ge [sflag:s29], $0x2800  }
0x78: {  	[sflag:s29] =	ssyncset.done $0x0  }
0x79: {  	s7 =	rddreg [dreg:$0x9];
	[sflag:s29] =	ssyncadd.s32 $0xFFFFD800  }
0x7a: {  	[hbm4b:s7+s17] =	stream.linear.scatter [tilespmem:s30], [sflag:$0x3], $0x2800, $0x38;
	[tilespmem:$0x1F5C0] =	vst v63  }
0x7b: {  	_ =	swait.ge [sflag:s4], $0x2800  }
0x7c: {  	s10 =	sld [smem:$0x7D2]  }
0x7d: {  	[sflag:s4] =	ssyncset.done $0x0  }
0x7e: {  	[sflag:s4] =	ssyncadd.s32 $0xFFFFD800  }
0x7f: {  	[tilespmem:s16], [sflag:$0x7] =	stream.linear.gather [spmem:s10], $0x2800, $0x38;
	[tilespmem:$0x1F5C0] =	vst v63  }
0x80: {  	_ =	swait.ge [sflag:s29], $0x2800  }
0x81: {  	[sflag:s29] =	ssyncset.done $0x0  }
0x82: {  	s7 =	rddreg [dreg:$0xa];
	[sflag:s29] =	ssyncadd.s32 $0xFFFFD800  }
0x83: {  	[hbm4b:s7+s17] =	stream.linear.scatter [tilespmem:s16], [sflag:$0x1], $0x2800, $0x38;
	[tilespmem:$0x1F5C0] =	vst v63  }
0x84: {  	_ =	swait.ge [sflag:s5], $0x2800  }
0x85: {  	s10 =	sld [smem:$0x7D3]  }
0x86: {  	[sflag:s5] =	ssyncset.done $0x0  }
0x87: {  	[sflag:s5] =	ssyncadd.s32 $0xFFFFD800  }
0x88: {  	[tilespmem:s26], [sflag:$0x7] =	stream.linear.gather [spmem:s10], $0x2800, $0x38;
	[tilespmem:$0x1F5C0] =	vst v63  }
0x89: {  	_ =	swait.ge [sflag:s29], $0x2800  }
0x8a: {  	[sflag:s29] =	ssyncset.done $0x0  }
0x8b: {  	s7 =	rddreg [dreg:$0xb];
	[sflag:s29] =	ssyncadd.s32 $0xFFFFD800  }
0x8c: {  	[hbm4b:s7+s17] =	stream.linear.scatter [tilespmem:s26], [sflag:$0x2], $0x2800, $0x38;
	[tilespmem:$0x1F5C0] =	vst v63  }
0x8d: {  	_ =	swait.ge [sflag:s8], $0x2800  }
0x8e: {  	s10 =	sld [smem:$0x7D4]  }
0x8f: {  	[sflag:s8] =	ssyncset.done $0x0  }
0x90: {  	[sflag:s8] =	ssyncadd.s32 $0xFFFFD800  }
0x91: {  	[tilespmem:s30], [sflag:$0x7] =	stream.linear.gather [spmem:s10], $0x2800, $0x38;
	[tilespmem:$0x1F5C0] =	vst v63  }
0x92: {  	_ =	swait.ge [sflag:s29], $0x2800  }
0x93: {  	[sflag:s29] =	ssyncset.done $0x0  }
0x94: {  	s7 =	rddreg [dreg:$0xc];
	[sflag:s29] =	ssyncadd.s32 $0xFFFFD800  }
0x95: {  	[hbm4b:s7+s17] =	stream.linear.scatter [tilespmem:s30], [sflag:$0x3], $0x2800, $0x38;
	[tilespmem:$0x1F5C0] =	vst v63  }
0x96: {  	_ =	swait.ge [sflag:s4], $0x2800  }
0x97: {  	s10 =	sld [smem:$0x7D5]  }
0x98: {  	[sflag:s4] =	ssyncset.done $0x0  }
0x99: {  	[sflag:s4] =	ssyncadd.s32 $0xFFFFD800  }
0x9a: {  	[tilespmem:s16], [sflag:$0x7] =	stream.linear.gather [spmem:s10], $0x2800, $0x38;
	[tilespmem:$0x1F5C0] =	vst v63  }
0x9b: {  	_ =	swait.ge [sflag:s29], $0x2800  }
0x9c: {  	[sflag:s29] =	ssyncset.done $0x0  }
0x9d: {  	s7 =	rddreg [dreg:$0xd];
	[sflag:s29] =	ssyncadd.s32 $0xFFFFD800  }
0x9e: {  	[hbm4b:s7+s17] =	stream.linear.scatter [tilespmem:s16], [sflag:$0x1], $0x2800, $0x38;
	[tilespmem:$0x1F5C0] =	vst v63  }
0x9f: {  	_ =	swait.ge [sflag:s5], $0x2800  }
0xa0: {  	s10 =	sld [smem:$0x7D6]  }
0xa1: {  	[sflag:s5] =	ssyncset.done $0x0  }
0xa2: {  	[sflag:s5] =	ssyncadd.s32 $0xFFFFD800  }
0xa3: {  	[tilespmem:s26], [sflag:$0x7] =	stream.linear.gather [spmem:s10], $0x2800, $0x38;
	[tilespmem:$0x1F5C0] =	vst v63  }
0xa4: {  	_ =	swait.ge [sflag:s29], $0x2800  }
0xa5: {  	[sflag:s29] =	ssyncset.done $0x0  }
0xa6: {  	s7 =	rddreg [dreg:$0xe];
	[sflag:s29] =	ssyncadd.s32 $0xFFFFD800  }
0xa7: {  	[hbm4b:s7+s17] =	stream.linear.scatter [tilespmem:s26], [sflag:$0x2], $0x2800, $0x38;
	[tilespmem:$0x1F5C0] =	vst v63  }
0xa8: {  	s10 =	rddreg [dreg:$0x1b];
	s7 =	simm.s32 $0x1F0C0  }
0xa9: {  	[tilespmem:s7], [sflag:$0x7] =	stream.linear.gather [spmem:s10], $0x500, $0x38;
	[tilespmem:$0x1F5C0] =	vst v63  }
0xaa: {  	_ =	swait.ge [sflag:s29], $0x500  }
0xab: {  	[sflag:s29] =	ssyncset.done $0x0  }
0xac: {  	s10 =	rddreg [dreg:$0xf];
	[sflag:s29] =	ssyncadd.s32 $0xFFFFFB00  }
0xad: {  	[hbm4b:s10+s17] =	stream.linear.scatter [tilespmem:s7], [sflag:$0x6], $0x500, $0x38;
	[tilespmem:$0x1F5C0] =	vst v63  }
0xae: {  	s10 =	rddreg [dreg:$0x1c]  }
0xaf: {  	[tilespmem:s21], [sflag:$0x7] =	stream.linear.gather [spmem:s10], $0x500, $0x38;
	[tilespmem:$0x1F5C0] =	vst v63  }
0xb0: {  	_ =	swait.ge [sflag:s29], $0x500  }
0xb1: {  	[sflag:s29] =	ssyncset.done $0x0  }
0xb2: {  	s10 =	rddreg [dreg:$0x10];
	[sflag:s29] =	ssyncadd.s32 $0xFFFFFB00  }
0xb3: {  	[hbm4b:s10+s17] =	stream.linear.scatter [tilespmem:s21], [sflag:$0x5], $0x500, $0x38;
	[tilespmem:$0x1F5C0] =	vst v63  }
0xb4: {  	_ =	swait.ge [sflag:s2], $0x500  }
0xb5: {  	[sflag:s2] =	ssyncset.done $0x0  }
0xb6: {  	s10 =	rddreg [dreg:$0x1d];
	[sflag:s2] =	ssyncadd.s32 $0xFFFFFB00  }
0xb7: {  	[tilespmem:s7], [sflag:$0x7] =	stream.linear.gather [spmem:s10], $0x500, $0x38;
	[tilespmem:$0x1F5C0] =	vst v63  }
0xb8: {  	_ =	swait.ge [sflag:s29], $0x500  }
0xb9: {  	[sflag:s29] =	ssyncset.done $0x0  }
0xba: {  	s10 =	rddreg [dreg:$0x11];
	[sflag:s29] =	ssyncadd.s32 $0xFFFFFB00  }
0xbb: {  	[hbm4b:s10+s17] =	stream.linear.scatter [tilespmem:s7], [sflag:$0x6], $0x500, $0x38;
	[tilespmem:$0x1F5C0] =	vst v63  }
0xbc: {  	_ =	swait.ge [sflag:s1], $0x500  }
0xbd: {  	[sflag:s1] =	ssyncset.done $0x0  }
0xbe: {  	s10 =	rddreg [dreg:$0x1e];
	[sflag:s1] =	ssyncadd.s32 $0xFFFFFB00  }
0xbf: {  	[tilespmem:s21], [sflag:$0x7] =	stream.linear.gather [spmem:s10], $0x500, $0x38;
	[tilespmem:$0x1F5C0] =	vst v63  }
0xc0: {  	_ =	swait.ge [sflag:s29], $0x500  }
0xc1: {  	[sflag:s29] =	ssyncset.done $0x0  }
0xc2: {  	s10 =	rddreg [dreg:$0x12];
	[sflag:s29] =	ssyncadd.s32 $0xFFFFFB00  }
0xc3: {  	[hbm4b:s10+s17] =	stream.linear.scatter [tilespmem:s21], [sflag:$0x5], $0x500, $0x38;
	[tilespmem:$0x1F5C0] =	vst v63  }
0xc4: {  	_ =	swait.ge [sflag:s2], $0x500  }
0xc5: {  	[sflag:s2] =	ssyncset.done $0x0  }
0xc6: {  	s10 =	rddreg [dreg:$0x1f];
	[sflag:s2] =	ssyncadd.s32 $0xFFFFFB00  }
0xc7: {  	[tilespmem:s7], [sflag:$0x7] =	stream.linear.gather [spmem:s10], $0x500, $0x38;
	[tilespmem:$0x1F5C0] =	vst v63  }
0xc8: {  	_ =	swait.ge [sflag:s29], $0x500  }
0xc9: {  	[sflag:s29] =	ssyncset.done $0x0  }
0xca: {  	s10 =	rddreg [dreg:$0x13];
	[sflag:s29] =	ssyncadd.s32 $0xFFFFFB00  }
0xcb: {  	[hbm4b:s10+s17] =	stream.linear.scatter [tilespmem:s7], [sflag:$0x6], $0x500, $0x38;
	[tilespmem:$0x1F5C0] =	vst v63  }
0xcc: {  	_ =	swait.ge [sflag:s1], $0x500  }
0xcd: {  	s10 =	sld [smem:$0x7CE]  }
0xce: {  	[sflag:s1] =	ssyncset.done $0x0  }
0xcf: {  	[sflag:s1] =	ssyncadd.s32 $0xFFFFFB00  }
0xd0: {  	[tilespmem:s21], [sflag:$0x7] =	stream.linear.gather [spmem:s10], $0x500, $0x38;
	[tilespmem:$0x1F5C0] =	vst v63  }
0xd1: {  	_ =	swait.ge [sflag:s29], $0x500  }
0xd2: {  	[sflag:s29] =	ssyncset.done $0x0  }
0xd3: {  	s10 =	rddreg [dreg:$0x14];
	[sflag:s29] =	ssyncadd.s32 $0xFFFFFB00  }
0xd4: {  	[hbm4b:s10+s17] =	stream.linear.scatter [tilespmem:s21], [sflag:$0x5], $0x500, $0x38;
	[tilespmem:$0x1F5C0] =	vst v63  }
0xd5: {  	_ =	swait.ge [sflag:s2], $0x500  }
0xd6: {  	s10 =	sld [smem:$0x7FC]  }
0xd7: {  	[sflag:s2] =	ssyncset.done $0x0  }
0xd8: {  	[sflag:s2] =	ssyncadd.s32 $0xFFFFFB00  }
0xd9: {  	[tilespmem:s7], [sflag:$0x7] =	stream.linear.gather [spmem:s10], $0x500, $0x38;
	[tilespmem:$0x1F5C0] =	vst v63  }
0xda: {  	_ =	swait.ge [sflag:s29], $0x500  }
0xdb: {  	[sflag:s29] =	ssyncset.done $0x0  }
0xdc: {  	s0 =	rddreg [dreg:$0x15];
	[sflag:s29] =	ssyncadd.s32 $0xFFFFFB00  }
0xdd: {  	[hbm4b:s0+s17] =	stream.linear.scatter [tilespmem:s7], [sflag:$0x6], $0x500, $0x38;
	[tilespmem:$0x1F5C0] =	vst v63  }
0xde: {  	_ =	swait.ge [sflag:s1], $0x500  }
0xdf: {  	s28 =	sld [smem:$0x7FD]  }
0xe0: {  	[sflag:s1] =	ssyncset.done $0x0  }
0xe1: {  	[sflag:s1] =	ssyncadd.s32 $0xFFFFFB00  }
0xe2: {  	[tilespmem:s21], [sflag:$0x7] =	stream.linear.gather [spmem:s28], $0x500, $0x38;
	[tilespmem:$0x1F5C0] =	vst v63  }
0xe3: {  	_ =	swait.ge [sflag:s29], $0x500  }
0xe4: {  	[sflag:s29] =	ssyncset.done $0x0  }
0xe5: {  	s0 =	rddreg [dreg:$0x16];
	[sflag:s29] =	ssyncadd.s32 $0xFFFFFB00  }
0xe6: {  	[hbm4b:s0+s17] =	stream.linear.scatter [tilespmem:s21], [sflag:$0x5], $0x500, $0x38;
	[tilespmem:$0x1F5C0] =	vst v63  }
0xe7: {  	_ =	swait.ge [sflag:s2], $0x500  }
0xe8: {  	[sflag:s2] =	ssyncset.done $0x0  }
0xe9: {  	[sflag:s2] =	ssyncadd.s32 $0xFFFFFB00  }
0xea: {  	_ =	swait.ge [sflag:s1], $0x500  }
0xeb: {  	[sflag:s1] =	ssyncset.done $0x0  }
0xec: {  	[sflag:s1] =	ssyncadd.s32 $0xFFFFFB00  }
0xed: {  	_ =	swait.ge [sflag:s8], $0x2800  }
0xee: {  	[sflag:s8] =	ssyncset.done $0x0  }
0xef: {  	[sflag:s8] =	ssyncadd.s32 $0xFFFFD800  }
0xf0: {  	_ =	swait.ge [sflag:s4], $0x2800  }
0xf1: {  	[sflag:s4] =	ssyncset.done $0x0  }
0xf2: {  	[sflag:s4] =	ssyncadd.s32 $0xFFFFD800  }
0xf3: {  	_ =	swait.ge [sflag:s5], $0x2800  }
0xf4: {  	s0 =	sld [smem:$0x7FB];
	_ =	sdelay $0x2  }
0xf5: {  	s2 =	sadd.s32 $0x1, s0;
	s0 =	sld [smem:$0x7F7];
	_ =	sdelay $0x2  }
0xf6: {  	p0 =	sne.s32 s2, s0  }
.Ltmp1:
0xf7: {  	_ = 	snop;
	(pc) =	sbr.rel @!p0 .LBB2_5-.Ltmp1, $3  }
0xf8: {  	_ =	sdelay $0x1  }
0xf9: {  	[sflag:s5] =	ssyncset.done $0x0  }
0xfa: {  	[sflag:s5] =	ssyncadd.s32 $0xFFFFD800;
	[smem:$0x7FB] =	sst s2;
	s2 =	simm.s32 $0x6  }
.LBB2_1:
0xfb: {  	s0 =	rddreg [dreg:$0x17]  }
0xfc: {  	[tilespmem:s17], [sflag:$0x7] =	stream.linear.gather [hbm4b:s0+s17], $0xF0, $0x38;
	[tilespmem:$0x1F5C0] =	vst v63  }
0xfd: {  	_ =	swait.ge [sflag:s29], $0xF0  }
0xfe: {  	s0 =	sld [smem:$0x7F8]  }
0xff: {  	[sflag:s29] =	ssyncset.done $0x0  }
0x100: {  	[sflag:s29] =	ssyncadd.s32 $0xFFFFFF10  }
0x101: {  	[tilespmem:s13], [sflag:$0x7] =	stream.linear.gather [hbm4b:s0+s17], $0xF0, $0x38;
	[tilespmem:$0x1F5C0] =	vst v63  }
0x102: {  	_ =	swait.ge [sflag:s29], $0xF0  }
0x103: {  	s0 =	sld [smem:$0x7F9]  }
0x104: {  	[sflag:s29] =	ssyncset.done $0x0  }
0x105: {  	[sflag:s29] =	ssyncadd.s32 $0xFFFFFF10  }
0x106: {  	[tilespmem:s19], [sflag:$0x4] =	stream.linear.gather [hbm4b:s0+s17], $0xF0, $0x38;
	[tilespmem:$0x1F5C0] =	vst v63  }
0x107: {  	s0 =	sld [smem:$0x7FA];
	_ =	sdelay $0x2  }
0x108: {  	[tilespmem:s14], [sflag:$0x4] =	stream.linear.gather [hbm4b:s0+s17], $0xF0, $0x38;
	[tilespmem:$0x1F5C0] =	vst v63  }
0x109: {  	_ = 	snop  }
0x10a: {  	[tilespmem:s16], [sflag:$0x1] =	stream.indirect.gather [hbm4b:s20+s15], $0x80, s17, s15, $0xb8;
	[tilespmem:$0x1F5C0] =	vst v63  }
0x10b: {  	_ = 	snop  }
0x10c: {  	[tilespmem:s26], [sflag:$0x2] =	stream.indirect.gather [hbm4b:s20+s15], $0x80, s15, s15, $0xb8;
	[tilespmem:$0x1F5C0] =	vst v63  }
0x10d: {  	s0 =	simm.s32 $0xA0  }
0x10e: {  	[tilespmem:s30], [sflag:$0x3] =	stream.indirect.gather [hbm4b:s20+s15], $0x80, s0, s15, $0xb8;
	[tilespmem:$0x1F5C0] =	vst v63  }
0x10f: {  	s0 =	rddreg [dreg:$0x18]  }
0x110: {  	[tilespmem:s31], [sflag:$0x7] =	stream.linear.gather [hbm4b:s0+s17], $0x800, $0x38;
	[tilespmem:$0x1F5C0] =	vst v63  }
0x111: {  	_ =	swait.ge [sflag:s29], $0x800  }
0x112: {  	[sflag:s29] =	ssyncset.done $0x0  }
0x113: {  	s0 =	rddreg [dreg:$0x19];
	[sflag:s29] =	ssyncadd.s32 $0xFFFFF800  }
0x114: {  	[tilespmem:s21], [sflag:$0x7] =	stream.linear.gather [hbm4b:s0+s17], $0x500, $0x38;
	[tilespmem:$0x1F5C0] =	vst v63  }
0x115: {  	_ =	swait.ge [sflag:s29], $0x500  }
0x116: {  	[sflag:s29] =	ssyncset.done $0x0  }
0x117: {  	s0 =	rddreg [dreg:$0x1a];
	[sflag:s29] =	ssyncadd.s32 $0xFFFFFB00  }
0x118: {  	[tilespmem:s7], [sflag:$0x7] =	stream.linear.gather [hbm4b:s0+s17], $0x500, $0x38;
	[tilespmem:$0x1F5C0] =	vst v63  }
0x119: {  	_ =	swait.ge [sflag:s29], $0x500  }
0x11a: {  	[sflag:s29] =	ssyncset.done $0x0  }
0x11b: {  	s0 =	rddreg [dreg:$0x1b];
	[sflag:s29] =	ssyncadd.s32 $0xFFFFFB00  }
0x11c: {  	[spmem:s0] =	stream.linear.scatter [tilespmem:s7], [sflag:$0x6], $0x500, $0x38;
	[tilespmem:$0x1F5C0] =	vst v63  }
0x11d: {  	s0 =	rddreg [dreg:$0x1c]  }
0x11e: {  	[spmem:s0] =	stream.linear.scatter [tilespmem:s7], [sflag:$0x6], $0x500, $0x38;
	[tilespmem:$0x1F5C0] =	vst v63  }
0x11f: {  	s0 =	rddreg [dreg:$0x1d]  }
0x120: {  	[spmem:s0] =	stream.linear.scatter [tilespmem:s7], [sflag:$0x6], $0x500, $0x38;
	[tilespmem:$0x1F5C0] =	vst v63  }
0x121: {  	s0 =	rddreg [dreg:$0x1e]  }
0x122: {  	[spmem:s0] =	stream.linear.scatter [tilespmem:s7], [sflag:$0x6], $0x500, $0x38;
	[tilespmem:$0x1F5C0] =	vst v63  }
0x123: {  	s0 =	rddreg [dreg:$0x1f]  }
0x124: {  	[spmem:s0] =	stream.linear.scatter [tilespmem:s7], [sflag:$0x6], $0x500, $0x38;
	[tilespmem:$0x1F5C0] =	vst v63  }
0x125: {  	s0 =	sld [smem:$0x7CE];
	_ =	sdelay $0x2  }
0x126: {  	[spmem:s0] =	stream.linear.scatter [tilespmem:s7], [sflag:$0x6], $0x500, $0x38;
	[tilespmem:$0x1F5C0] =	vst v63  }
0x127: {  	_ = 	snop  }
0x128: {  	[spmem:s10] =	stream.linear.scatter [tilespmem:s7], [sflag:$0x6], $0x500, $0x38;
	[tilespmem:$0x1F5C0] =	vst v63  }
0x129: {  	_ = 	snop  }
0x12a: {  	[spmem:s28] =	stream.linear.scatter [tilespmem:s7], [sflag:$0x6], $0x500, $0x38;
	[tilespmem:$0x1F5C0] =	vst v63  }
0x12b: {  	s28 =	sld [smem:$0x7CF];
	_ =	sdelay $0x1  }
0x12c: {  	s7 =	sld [smem:$0x7D7]  }
0x12d: {  	[spmem:s28] =	stream.linear.scatter [tilespmem:s31], [sflag:$0x5], $0x800, $0x38;
	[tilespmem:$0x1F5C0] =	vst v63  }
0x12e: {  	s10 =	sld [smem:$0x7D8]  }
0x12f: {  	[spmem:s7] =	stream.linear.scatter [tilespmem:s31], [sflag:$0x5], $0x800, $0x38;
	[tilespmem:$0x1F5C0] =	vst v63  }
0x130: {  	s28 =	sld [smem:$0x7D9]  }
0x131: {  	[spmem:s10] =	stream.linear.scatter [tilespmem:s31], [sflag:$0x5], $0x800, $0x38;
	[tilespmem:$0x1F5C0] =	vst v63  }
0x132: {  	s7 =	sld [smem:$0x7DA]  }
0x133: {  	[spmem:s28] =	stream.linear.scatter [tilespmem:s31], [sflag:$0x5], $0x800, $0x38;
	[tilespmem:$0x1F5C0] =	vst v63  }
0x134: {  	s10 =	sld [smem:$0x7D0]  }
0x135: {  	[spmem:s7] =	stream.linear.scatter [tilespmem:s31], [sflag:$0x5], $0x800, $0x38;
	[tilespmem:$0x1F5C0] =	vst v63  }
0x136: {  	s28 =	sld [smem:$0x7DB]  }
0x137: {  	[spmem:s10] =	stream.linear.scatter [tilespmem:s31], [sflag:$0x5], $0x800, $0x38;
	[tilespmem:$0x1F5C0] =	vst v63  }
0x138: {  	s7 =	sld [smem:$0x7DC]  }
0x139: {  	[spmem:s28] =	stream.linear.scatter [tilespmem:s31], [sflag:$0x5], $0x800, $0x38;
	[tilespmem:$0x1F5C0] =	vst v63  }
0x13a: {  	_ = 	snop  }
0x13b: {  	[spmem:s7] =	stream.linear.scatter [tilespmem:s31], [sflag:$0x5], $0x800, $0x38;
	[tilespmem:$0x1F5C0] =	vst v63  }
0x13c: {  	_ =	swait.ge [sflag:s1], $0x800  }
0x13d: {  	[sflag:s1] =	ssyncset.done $0x0  }
0x13e: {  	[sflag:s1] =	ssyncadd.s32 $0xFFFFF800  }
0x13f: {  	_ =	swait.ge [sflag:s1], $0x800  }
0x140: {  	[sflag:s1] =	ssyncset.done $0x0  }
0x141: {  	[sflag:s1] =	ssyncadd.s32 $0xFFFFF800  }
0x142: {  	_ =	swait.ge [sflag:s1], $0x800  }
0x143: {  	[sflag:s1] =	ssyncset.done $0x0  }
0x144: {  	[sflag:s1] =	ssyncadd.s32 $0xFFFFF800  }
0x145: {  	_ =	swait.ge [sflag:s1], $0x800  }
0x146: {  	[sflag:s1] =	ssyncset.done $0x0  }
0x147: {  	[sflag:s1] =	ssyncadd.s32 $0xFFFFF800  }
0x148: {  	_ =	swait.ge [sflag:s1], $0x800  }
0x149: {  	[sflag:s1] =	ssyncset.done $0x0  }
0x14a: {  	[sflag:s1] =	ssyncadd.s32 $0xFFFFF800  }
0x14b: {  	_ =	swait.ge [sflag:s1], $0x800  }
0x14c: {  	[sflag:s1] =	ssyncset.done $0x0  }
0x14d: {  	[sflag:s1] =	ssyncadd.s32 $0xFFFFF800  }
0x14e: {  	_ =	swait.ge [sflag:s1], $0x800  }
0x14f: {  	[sflag:s1] =	ssyncset.done $0x0  }
0x150: {  	[sflag:s1] =	ssyncadd.s32 $0xFFFFF800  }
0x151: {  	_ =	swait.ge [sflag:s1], $0x800  }
0x152: {  	s10 =	sld [smem:$0x7DD]  }
0x153: {  	[sflag:s1] =	ssyncset.done $0x0  }
0x154: {  	s28 =	sld [smem:$0x7DE];
	[sflag:s1] =	ssyncadd.s32 $0xFFFFF800  }
0x155: {  	[spmem:s10] =	stream.linear.scatter [tilespmem:s31], [sflag:$0x5], $0x800, $0x38;
	[tilespmem:$0x1F5C0] =	vst v63  }
0x156: {  	s7 =	sld [smem:$0x7D1]  }
0x157: {  	[spmem:s28] =	stream.linear.scatter [tilespmem:s31], [sflag:$0x5], $0x800, $0x38;
	[tilespmem:$0x1F5C0] =	vst v63  }
0x158: {  	s10 =	sld [smem:$0x7DF]  }
0x159: {  	[spmem:s7] =	stream.linear.scatter [tilespmem:s31], [sflag:$0x5], $0x800, $0x38;
	[tilespmem:$0x1F5C0] =	vst v63  }
0x15a: {  	s28 =	sld [smem:$0x7E0]  }
0x15b: {  	[spmem:s10] =	stream.linear.scatter [tilespmem:s31], [sflag:$0x5], $0x800, $0x38;
	[tilespmem:$0x1F5C0] =	vst v63  }
0x15c: {  	s7 =	sld [smem:$0x7E1]  }
0x15d: {  	[spmem:s28] =	stream.linear.scatter [tilespmem:s31], [sflag:$0x5], $0x800, $0x38;
	[tilespmem:$0x1F5C0] =	vst v63  }
0x15e: {  	s10 =	sld [smem:$0x7E2]  }
0x15f: {  	[spmem:s7] =	stream.linear.scatter [tilespmem:s31], [sflag:$0x5], $0x800, $0x38;
	[tilespmem:$0x1F5C0] =	vst v63  }
0x160: {  	s28 =	sld [smem:$0x7D2]  }
0x161: {  	[spmem:s10] =	stream.linear.scatter [tilespmem:s31], [sflag:$0x5], $0x800, $0x38;
	[tilespmem:$0x1F5C0] =	vst v63  }
0x162: {  	_ = 	snop  }
0x163: {  	[spmem:s28] =	stream.linear.scatter [tilespmem:s31], [sflag:$0x5], $0x800, $0x38;
	[tilespmem:$0x1F5C0] =	vst v63  }
0x164: {  	_ =	swait.ge [sflag:s1], $0x800  }
0x165: {  	[sflag:s1] =	ssyncset.done $0x0  }
0x166: {  	[sflag:s1] =	ssyncadd.s32 $0xFFFFF800  }
0x167: {  	_ =	swait.ge [sflag:s1], $0x800  }
0x168: {  	[sflag:s1] =	ssyncset.done $0x0  }
0x169: {  	[sflag:s1] =	ssyncadd.s32 $0xFFFFF800  }
0x16a: {  	_ =	swait.ge [sflag:s1], $0x800  }
0x16b: {  	[sflag:s1] =	ssyncset.done $0x0  }
0x16c: {  	[sflag:s1] =	ssyncadd.s32 $0xFFFFF800  }
0x16d: {  	_ =	swait.ge [sflag:s1], $0x800  }
0x16e: {  	[sflag:s1] =	ssyncset.done $0x0  }
0x16f: {  	[sflag:s1] =	ssyncadd.s32 $0xFFFFF800  }
0x170: {  	_ =	swait.ge [sflag:s1], $0x800  }
0x171: {  	[sflag:s1] =	ssyncset.done $0x0  }
0x172: {  	[sflag:s1] =	ssyncadd.s32 $0xFFFFF800  }
0x173: {  	_ =	swait.ge [sflag:s1], $0x800  }
0x174: {  	[sflag:s1] =	ssyncset.done $0x0  }
0x175: {  	[sflag:s1] =	ssyncadd.s32 $0xFFFFF800  }
0x176: {  	_ =	swait.ge [sflag:s1], $0x800  }
0x177: {  	[sflag:s1] =	ssyncset.done $0x0  }
0x178: {  	[sflag:s1] =	ssyncadd.s32 $0xFFFFF800  }
0x179: {  	_ =	swait.ge [sflag:s1], $0x800  }
0x17a: {  	s7 =	sld [smem:$0x7E3]  }
0x17b: {  	[sflag:s1] =	ssyncset.done $0x0  }
0x17c: {  	s10 =	sld [smem:$0x7E4];
	[sflag:s1] =	ssyncadd.s32 $0xFFFFF800  }
0x17d: {  	[spmem:s7] =	stream.linear.scatter [tilespmem:s31], [sflag:$0x5], $0x800, $0x38;
	[tilespmem:$0x1F5C0] =	vst v63  }
0x17e: {  	s28 =	sld [smem:$0x7E5]  }
0x17f: {  	[spmem:s10] =	stream.linear.scatter [tilespmem:s31], [sflag:$0x5], $0x800, $0x38;
	[tilespmem:$0x1F5C0] =	vst v63  }
0x180: {  	s7 =	sld [smem:$0x7E6]  }
0x181: {  	[spmem:s28] =	stream.linear.scatter [tilespmem:s31], [sflag:$0x5], $0x800, $0x38;
	[tilespmem:$0x1F5C0] =	vst v63  }
0x182: {  	s10 =	sld [smem:$0x7D3]  }
0x183: {  	[spmem:s7] =	stream.linear.scatter [tilespmem:s31], [sflag:$0x5], $0x800, $0x38;
	[tilespmem:$0x1F5C0] =	vst v63  }
0x184: {  	s28 =	sld [smem:$0x7E7]  }
0x185: {  	[spmem:s10] =	stream.linear.scatter [tilespmem:s31], [sflag:$0x5], $0x800, $0x38;
	[tilespmem:$0x1F5C0] =	vst v63  }
0x186: {  	s7 =	sld [smem:$0x7E8]  }
0x187: {  	[spmem:s28] =	stream.linear.scatter [tilespmem:s31], [sflag:$0x5], $0x800, $0x38;
	[tilespmem:$0x1F5C0] =	vst v63  }
0x188: {  	s10 =	sld [smem:$0x7E9]  }
0x189: {  	[spmem:s7] =	stream.linear.scatter [tilespmem:s31], [sflag:$0x5], $0x800, $0x38;
	[tilespmem:$0x1F5C0] =	vst v63  }
0x18a: {  	_ = 	snop  }
0x18b: {  	[spmem:s10] =	stream.linear.scatter [tilespmem:s31], [sflag:$0x5], $0x800, $0x38;
	[tilespmem:$0x1F5C0] =	vst v63  }
0x18c: {  	_ =	swait.ge [sflag:s1], $0x800  }
0x18d: {  	[sflag:s1] =	ssyncset.done $0x0  }
0x18e: {  	[sflag:s1] =	ssyncadd.s32 $0xFFFFF800  }
0x18f: {  	_ =	swait.ge [sflag:s1], $0x800  }
0x190: {  	[sflag:s1] =	ssyncset.done $0x0  }
0x191: {  	[sflag:s1] =	ssyncadd.s32 $0xFFFFF800  }
0x192: {  	_ =	swait.ge [sflag:s1], $0x800  }
0x193: {  	[sflag:s1] =	ssyncset.done $0x0  }
0x194: {  	[sflag:s1] =	ssyncadd.s32 $0xFFFFF800  }
0x195: {  	_ =	swait.ge [sflag:s1], $0x800  }
0x196: {  	[sflag:s1] =	ssyncset.done $0x0  }
0x197: {  	[sflag:s1] =	ssyncadd.s32 $0xFFFFF800  }
0x198: {  	_ =	swait.ge [sflag:s1], $0x800  }
0x199: {  	[sflag:s1] =	ssyncset.done $0x0  }
0x19a: {  	[sflag:s1] =	ssyncadd.s32 $0xFFFFF800  }
0x19b: {  	_ =	swait.ge [sflag:s1], $0x800  }
0x19c: {  	[sflag:s1] =	ssyncset.done $0x0  }
0x19d: {  	[sflag:s1] =	ssyncadd.s32 $0xFFFFF800  }
0x19e: {  	_ =	swait.ge [sflag:s1], $0x800  }
0x19f: {  	[sflag:s1] =	ssyncset.done $0x0  }
0x1a0: {  	[sflag:s1] =	ssyncadd.s32 $0xFFFFF800  }
0x1a1: {  	_ =	swait.ge [sflag:s1], $0x800  }
0x1a2: {  	s28 =	sld [smem:$0x7EA]  }
0x1a3: {  	[sflag:s1] =	ssyncset.done $0x0  }
0x1a4: {  	s7 =	sld [smem:$0x7D4];
	[sflag:s1] =	ssyncadd.s32 $0xFFFFF800  }
0x1a5: {  	[spmem:s28] =	stream.linear.scatter [tilespmem:s31], [sflag:$0x5], $0x800, $0x38;
	[tilespmem:$0x1F5C0] =	vst v63  }
0x1a6: {  	s10 =	sld [smem:$0x7EB]  }
0x1a7: {  	[spmem:s7] =	stream.linear.scatter [tilespmem:s31], [sflag:$0x5], $0x800, $0x38;
	[tilespmem:$0x1F5C0] =	vst v63  }
0x1a8: {  	s28 =	sld [smem:$0x7EC]  }
0x1a9: {  	[spmem:s10] =	stream.linear.scatter [tilespmem:s31], [sflag:$0x5], $0x800, $0x38;
	[tilespmem:$0x1F5C0] =	vst v63  }
0x1aa: {  	s7 =	sld [smem:$0x7ED]  }
0x1ab: {  	[spmem:s28] =	stream.linear.scatter [tilespmem:s31], [sflag:$0x5], $0x800, $0x38;
	[tilespmem:$0x1F5C0] =	vst v63  }
0x1ac: {  	s10 =	sld [smem:$0x7EE]  }
0x1ad: {  	[spmem:s7] =	stream.linear.scatter [tilespmem:s31], [sflag:$0x5], $0x800, $0x38;
	[tilespmem:$0x1F5C0] =	vst v63  }
0x1ae: {  	s28 =	sld [smem:$0x7D5]  }
0x1af: {  	[spmem:s10] =	stream.linear.scatter [tilespmem:s31], [sflag:$0x5], $0x800, $0x38;
	[tilespmem:$0x1F5C0] =	vst v63  }
0x1b0: {  	s7 =	sld [smem:$0x7EF]  }
0x1b1: {  	[spmem:s28] =	stream.linear.scatter [tilespmem:s31], [sflag:$0x5], $0x800, $0x38;
	[tilespmem:$0x1F5C0] =	vst v63  }
0x1b2: {  	_ = 	snop  }
0x1b3: {  	[spmem:s7] =	stream.linear.scatter [tilespmem:s31], [sflag:$0x5], $0x800, $0x38;
	[tilespmem:$0x1F5C0] =	vst v63  }
0x1b4: {  	_ =	swait.ge [sflag:s1], $0x800  }
0x1b5: {  	[sflag:s1] =	ssyncset.done $0x0  }
0x1b6: {  	[sflag:s1] =	ssyncadd.s32 $0xFFFFF800  }
0x1b7: {  	_ =	swait.ge [sflag:s1], $0x800  }
0x1b8: {  	[sflag:s1] =	ssyncset.done $0x0  }
0x1b9: {  	[sflag:s1] =	ssyncadd.s32 $0xFFFFF800  }
0x1ba: {  	_ =	swait.ge [sflag:s1], $0x800  }
0x1bb: {  	[sflag:s1] =	ssyncset.done $0x0  }
0x1bc: {  	[sflag:s1] =	ssyncadd.s32 $0xFFFFF800  }
0x1bd: {  	_ =	swait.ge [sflag:s1], $0x800  }
0x1be: {  	[sflag:s1] =	ssyncset.done $0x0  }
0x1bf: {  	[sflag:s1] =	ssyncadd.s32 $0xFFFFF800  }
0x1c0: {  	_ =	swait.ge [sflag:s1], $0x800  }
0x1c1: {  	[sflag:s1] =	ssyncset.done $0x0  }
0x1c2: {  	[sflag:s1] =	ssyncadd.s32 $0xFFFFF800  }
0x1c3: {  	_ =	swait.ge [sflag:s1], $0x800  }
0x1c4: {  	[sflag:s1] =	ssyncset.done $0x0  }
0x1c5: {  	[sflag:s1] =	ssyncadd.s32 $0xFFFFF800  }
0x1c6: {  	_ =	swait.ge [sflag:s1], $0x800  }
0x1c7: {  	[sflag:s1] =	ssyncset.done $0x0  }
0x1c8: {  	[sflag:s1] =	ssyncadd.s32 $0xFFFFF800  }
0x1c9: {  	_ =	swait.ge [sflag:s1], $0x800  }
0x1ca: {  	s10 =	sld [smem:$0x7F0]  }
0x1cb: {  	[sflag:s1] =	ssyncset.done $0x0  }
0x1cc: {  	s28 =	sld [smem:$0x7F1];
	[sflag:s1] =	ssyncadd.s32 $0xFFFFF800  }
0x1cd: {  	[spmem:s10] =	stream.linear.scatter [tilespmem:s31], [sflag:$0x5], $0x800, $0x38;
	[tilespmem:$0x1F5C0] =	vst v63  }
0x1ce: {  	s7 =	sld [smem:$0x7F2]  }
0x1cf: {  	[spmem:s28] =	stream.linear.scatter [tilespmem:s31], [sflag:$0x5], $0x800, $0x38;
	[tilespmem:$0x1F5C0] =	vst v63  }
0x1d0: {  	s10 =	sld [smem:$0x7D6]  }
0x1d1: {  	[spmem:s7] =	stream.linear.scatter [tilespmem:s31], [sflag:$0x5], $0x800, $0x38;
	[tilespmem:$0x1F5C0] =	vst v63  }
0x1d2: {  	s28 =	sld [smem:$0x7F3]  }
0x1d3: {  	[spmem:s10] =	stream.linear.scatter [tilespmem:s31], [sflag:$0x5], $0x800, $0x38;
	[tilespmem:$0x1F5C0] =	vst v63  }
0x1d4: {  	s7 =	sld [smem:$0x7F4]  }
0x1d5: {  	[spmem:s28] =	stream.linear.scatter [tilespmem:s31], [sflag:$0x5], $0x800, $0x38;
	[tilespmem:$0x1F5C0] =	vst v63  }
0x1d6: {  	s10 =	sld [smem:$0x7F5]  }
0x1d7: {  	[spmem:s7] =	stream.linear.scatter [tilespmem:s31], [sflag:$0x5], $0x800, $0x38;
	[tilespmem:$0x1F5C0] =	vst v63  }
0x1d8: {  	s28 =	sld [smem:$0x7F6]  }
0x1d9: {  	[spmem:s10] =	stream.linear.scatter [tilespmem:s31], [sflag:$0x5], $0x800, $0x38;
	[tilespmem:$0x1F5C0] =	vst v63  }
0x1da: {  	_ = 	snop  }
0x1db: {  	[spmem:s28] =	stream.linear.scatter [tilespmem:s31], [sflag:$0x5], $0x800, $0x38;
	[tilespmem:$0x1F5C0] =	vst v63  }
0x1dc: {  	_ =	swait.ge [sflag:s1], $0x800  }
0x1dd: {  	[sflag:s1] =	ssyncset.done $0x0  }
0x1de: {  	[sflag:s1] =	ssyncadd.s32 $0xFFFFF800  }
0x1df: {  	_ =	swait.ge [sflag:s1], $0x800  }
0x1e0: {  	[sflag:s1] =	ssyncset.done $0x0  }
0x1e1: {  	[sflag:s1] =	ssyncadd.s32 $0xFFFFF800  }
0x1e2: {  	_ =	swait.ge [sflag:s1], $0x800  }
0x1e3: {  	[sflag:s1] =	ssyncset.done $0x0  }
0x1e4: {  	[sflag:s1] =	ssyncadd.s32 $0xFFFFF800  }
0x1e5: {  	_ =	swait.ge [sflag:s1], $0x800  }
0x1e6: {  	[sflag:s1] =	ssyncset.done $0x0  }
0x1e7: {  	[sflag:s1] =	ssyncadd.s32 $0xFFFFF800  }
0x1e8: {  	_ =	swait.ge [sflag:s1], $0x800  }
0x1e9: {  	[sflag:s1] =	ssyncset.done $0x0  }
0x1ea: {  	[sflag:s1] =	ssyncadd.s32 $0xFFFFF800  }
0x1eb: {  	_ =	swait.ge [sflag:s1], $0x800  }
0x1ec: {  	[sflag:s1] =	ssyncset.done $0x0  }
0x1ed: {  	[sflag:s1] =	ssyncadd.s32 $0xFFFFF800  }
0x1ee: {  	_ =	swait.ge [sflag:s1], $0x800  }
0x1ef: {  	[sflag:s1] =	ssyncset.done $0x0  }
0x1f0: {  	[sflag:s1] =	ssyncadd.s32 $0xFFFFF800  }
0x1f1: {  	_ =	swait.ge [sflag:s1], $0x800  }
0x1f2: {  	[sflag:s1] =	ssyncset.done $0x0  }
0x1f3: {  	[sflag:s1] =	ssyncadd.s32 $0xFFFFF800  }
0x1f4: {  	_ =	swait.ge [sflag:s2], $0x500  }
0x1f5: {  	[sflag:s2] =	ssyncset.done $0x0  }
0x1f6: {  	[sflag:s2] =	ssyncadd.s32 $0xFFFFFB00  }
0x1f7: {  	_ =	swait.ge [sflag:s2], $0x500  }
0x1f8: {  	[sflag:s2] =	ssyncset.done $0x0  }
0x1f9: {  	[sflag:s2] =	ssyncadd.s32 $0xFFFFFB00  }
0x1fa: {  	_ =	swait.ge [sflag:s2], $0x500  }
0x1fb: {  	[sflag:s2] =	ssyncset.done $0x0  }
0x1fc: {  	[sflag:s2] =	ssyncadd.s32 $0xFFFFFB00  }
0x1fd: {  	_ =	swait.ge [sflag:s2], $0x500  }
0x1fe: {  	[sflag:s2] =	ssyncset.done $0x0  }
0x1ff: {  	[sflag:s2] =	ssyncadd.s32 $0xFFFFFB00  }
0x200: {  	_ =	swait.ge [sflag:s2], $0x500  }
0x201: {  	[sflag:s2] =	ssyncset.done $0x0  }
0x202: {  	[sflag:s2] =	ssyncadd.s32 $0xFFFFFB00  }
0x203: {  	_ =	swait.ge [sflag:s2], $0x500  }
0x204: {  	[sflag:s2] =	ssyncset.done $0x0  }
0x205: {  	[sflag:s2] =	ssyncadd.s32 $0xFFFFFB00  }
0x206: {  	_ =	swait.ge [sflag:s2], $0x500  }
0x207: {  	[sflag:s2] =	ssyncset.done $0x0  }
0x208: {  	[sflag:s2] =	ssyncadd.s32 $0xFFFFFB00  }
0x209: {  	_ =	swait.ge [sflag:s2], $0x500  }
0x20a: {  	[sflag:s2] =	ssyncset.done $0x0  }
0x20b: {  	[sflag:s2] =	ssyncadd.s32 $0xFFFFFB00  }
0x20c: {  	s0 =	simm.s32 $0x0;
	[bflag:$0x0] =	sbarrier.arrive $0xFFFF  }
.LBB2_2:
0x20d: {  	_ =	swait.ge [sflag:s3], $0xF0  }
0x20e: {  	[sflag:s3] =	ssyncset.done $0x0  }
0x20f: {  	[sflag:s3] =	ssyncadd.s32 $0xFFFFFF10  }
0x210: {  	_ =	swait.ge [sflag:s3], $0xF0  }
0x211: {  	[sflag:s3] =	ssyncset.done $0x0  }
0x212: {  	[sflag:s3] =	ssyncadd.s32 $0xFFFFFF10  }
0x213: {  	_ =	swait.ge [sflag:s4], $0x2800  }
0x214: {  	[sflag:s4] =	ssyncset.done $0x0  }
0x215: {  	[sflag:s4] =	ssyncadd.s32 $0xFFFFD800  }
0x216: {  	[spmem:s23] =	stream.indirect.scatter.add.f32 [tilespmem:s16], [sflag:$0x7], $0x80, s13, s15, $0xb8;
	[tilespmem:$0x1F5C0] =	vst v63  }
0x217: {  	_ =	swait.ge [sflag:s29], $0x2800  }
0x218: {  	[sflag:s29] =	ssyncset.done $0x0  }
0x219: {  	[sflag:s29] =	ssyncadd.s32 $0xFFFFD800  }
0x21a: {  	[spmem:s22] =	stream.indirect.scatter.add.f32 [tilespmem:s21], [sflag:$0x7], $0x10, s13, s15, $0xb8;
	[tilespmem:$0x1F5C0] =	vst v63  }
0x21b: {  	_ =	swait.ge [sflag:s29], $0x500  }
0x21c: {  	[sflag:s29] =	ssyncset.done $0x0  }
0x21d: {  	[sflag:s29] =	ssyncadd.s32 $0xFFFFFB00  }
0x21e: {  	[tilespmem:s16], [sflag:$0x1] =	stream.indirect.gather [hbm4b:s20+s15], $0x80, s19, s15, $0xb8;
	[tilespmem:$0x1F5C0] =	vst v63  }
0x21f: {  	_ =	swait.ge [sflag:s5], $0x2800  }
0x220: {  	[sflag:s5] =	ssyncset.done $0x0  }
0x221: {  	[sflag:s5] =	ssyncadd.s32 $0xFFFFD800  }
0x222: {  	[spmem:s23] =	stream.indirect.scatter.add.f32 [tilespmem:s26], [sflag:$0x7], $0x80, s6, s15, $0xb8;
	[tilespmem:$0x1F5C0] =	vst v63  }
0x223: {  	_ =	swait.ge [sflag:s29], $0x2800  }
0x224: {  	[sflag:s29] =	ssyncset.done $0x0  }
0x225: {  	[sflag:s29] =	ssyncadd.s32 $0xFFFFD800  }
0x226: {  	[spmem:s22] =	stream.indirect.scatter.add.f32 [tilespmem:s21], [sflag:$0x7], $0x10, s6, s15, $0xb8;
	[tilespmem:$0x1F5C0] =	vst v63  }
0x227: {  	_ =	swait.ge [sflag:s29], $0x500  }
0x228: {  	[sflag:s29] =	ssyncset.done $0x0  }
0x229: {  	s7 =	simm.s32 $0x140;
	[sflag:s29] =	ssyncadd.s32 $0xFFFFFB00  }
0x22a: {  	[tilespmem:s26], [sflag:$0x2] =	stream.indirect.gather [hbm4b:s20+s15], $0x80, s7, s15, $0xb8;
	[tilespmem:$0x1F5C0] =	vst v63  }
0x22b: {  	_ =	swait.ge [sflag:s8], $0x2800  }
0x22c: {  	[sflag:s8] =	ssyncset.done $0x0  }
0x22d: {  	[sflag:s8] =	ssyncadd.s32 $0xFFFFD800  }
0x22e: {  	[spmem:s23] =	stream.indirect.scatter.add.f32 [tilespmem:s30], [sflag:$0x7], $0x80, s9, s15, $0xb8;
	[tilespmem:$0x1F5C0] =	vst v63  }
0x22f: {  	_ =	swait.ge [sflag:s29], $0x2800  }
0x230: {  	[sflag:s29] =	ssyncset.done $0x0  }
0x231: {  	[sflag:s29] =	ssyncadd.s32 $0xFFFFD800  }
0x232: {  	[spmem:s22] =	stream.indirect.scatter.add.f32 [tilespmem:s21], [sflag:$0x7], $0x10, s9, s15, $0xb8;
	[tilespmem:$0x1F5C0] =	vst v63  }
0x233: {  	_ =	swait.ge [sflag:s29], $0x500  }
0x234: {  	[sflag:s29] =	ssyncset.done $0x0  }
0x235: {  	s28 =	simm.s32 $0x190;
	p0 =	seq.s32 s0, $0x4B0;
	[sflag:s29] =	ssyncadd.s32 $0xFFFFFB00  }
0x236: {  	[tilespmem:s30], [sflag:$0x3] =	stream.indirect.gather [hbm4b:s20+s15], $0x80, s28, s15, $0xb8;
	[tilespmem:$0x1F5C0] =	vst v63  }
0x237: {  	s28 =	sadd.s32 @!p0 s0, s18  }
0x238: {  	s7 =	simm.s32 @!p0 $0x0;
	s28 =	sadd.s32 @!p0 $0x3C, s28  }
0x239: {  	[tilespmem:s7], [sflag:$0x4] =	stream.linear.gather @!p0 [hbm4b:s28+s7], $0xF0, $0x38;
	[tilespmem:$0x1F5C0] =	vst v63  }
0x23a: {  	s10 =	simm.s32 @!p0 $0x1E0;
	s28 =	sadd.s32 @!p0 s0, s25  }
0x23b: {  	[tilespmem:s10], [sflag:$0x4] =	stream.linear.gather @!p0 [hbm4b:s28+s7], $0xF0, $0x38;
	[tilespmem:$0x1F5C0] =	vst v63  }
0x23c: {  	s10 =	simm.s32 @!p0 $0x4  }
0x23d: {  	_ =	swait.ge @!p0 [sflag:s10], $0xF0  }
0x23e: {  	[sflag:s10] =	ssyncset.done @!p0 $0x0  }
0x23f: {  	[sflag:s10] =	ssyncadd.s32 @!p0 $0xFFFFFF10  }
0x240: {  	_ =	swait.ge @!p0 [sflag:s10], $0xF0  }
0x241: {  	[sflag:s10] =	ssyncset.done @!p0 $0x0  }
0x242: {  	[sflag:s10] =	ssyncadd.s32 @!p0 $0xFFFFFF10  }
0x243: {  	_ =	swait.ge [sflag:s4], $0x2800  }
0x244: {  	[sflag:s4] =	ssyncset.done $0x0  }
0x245: {  	[sflag:s4] =	ssyncadd.s32 $0xFFFFD800  }
0x246: {  	[spmem:s23] =	stream.indirect.scatter.add.f32 [tilespmem:s16], [sflag:$0x7], $0x80, s14, s15, $0xb8;
	[tilespmem:$0x1F5C0] =	vst v63  }
0x247: {  	_ =	swait.ge [sflag:s29], $0x2800  }
0x248: {  	[sflag:s29] =	ssyncset.done $0x0  }
0x249: {  	[sflag:s29] =	ssyncadd.s32 $0xFFFFD800  }
0x24a: {  	[spmem:s22] =	stream.indirect.scatter.add.f32 [tilespmem:s21], [sflag:$0x7], $0x10, s14, s15, $0xb8;
	[tilespmem:$0x1F5C0] =	vst v63  }
0x24b: {  	_ =	swait.ge [sflag:s29], $0x500  }
0x24c: {  	[sflag:s29] =	ssyncset.done $0x0  }
0x24d: {  	s28 =	simm.s32 @!p0 $0x3C0;
	s10 =	simm.s32 @!p0 $0x50;
	[sflag:s29] =	ssyncadd.s32 $0xFFFFFB00  }
0x24e: {  	[tilespmem:s28], [sflag:$0x1] =	stream.indirect.gather @!p0 [hbm4b:s20+s10], $0x80, s7, s10, $0xb8;
	[tilespmem:$0x1F5C0] =	vst v63  }
0x24f: {  	_ =	swait.ge [sflag:s5], $0x2800  }
0x250: {  	[sflag:s5] =	ssyncset.done $0x0  }
0x251: {  	[sflag:s5] =	ssyncadd.s32 $0xFFFFD800  }
0x252: {  	[spmem:s23] =	stream.indirect.scatter.add.f32 [tilespmem:s26], [sflag:$0x7], $0x80, s11, s15, $0xb8;
	[tilespmem:$0x1F5C0] =	vst v63  }
0x253: {  	_ =	swait.ge [sflag:s29], $0x2800  }
0x254: {  	[sflag:s29] =	ssyncset.done $0x0  }
0x255: {  	[sflag:s29] =	ssyncadd.s32 $0xFFFFD800  }
0x256: {  	[spmem:s22] =	stream.indirect.scatter.add.f32 [tilespmem:s21], [sflag:$0x7], $0x10, s11, s15, $0xb8;
	[tilespmem:$0x1F5C0] =	vst v63  }
0x257: {  	_ =	swait.ge [sflag:s29], $0x500  }
0x258: {  	[sflag:s29] =	ssyncset.done $0x0  }
0x259: {  	s7 =	simm.s32 @!p0 $0x2BC0;
	[sflag:s29] =	ssyncadd.s32 $0xFFFFFB00  }
0x25a: {  	[tilespmem:s7], [sflag:$0x2] =	stream.indirect.gather @!p0 [hbm4b:s20+s10], $0x80, s10, s10, $0xb8;
	[tilespmem:$0x1F5C0] =	vst v63  }
0x25b: {  	_ =	swait.ge [sflag:s8], $0x2800  }
0x25c: {  	[sflag:s8] =	ssyncset.done $0x0  }
0x25d: {  	[sflag:s8] =	ssyncadd.s32 $0xFFFFD800  }
0x25e: {  	[spmem:s23] =	stream.indirect.scatter.add.f32 [tilespmem:s30], [sflag:$0x7], $0x80, s12, s15, $0xb8;
	[tilespmem:$0x1F5C0] =	vst v63  }
0x25f: {  	_ =	swait.ge [sflag:s29], $0x2800  }
0x260: {  	[sflag:s29] =	ssyncset.done $0x0  }
.Ltmp2:
0x261: {  	[sflag:s29] =	ssyncadd.s32 $0xFFFFD800;
	(pc) =	sbr.rel @p0 .LBB2_4-.Ltmp2, $4  }
0x262: {  	[spmem:s22] =	stream.indirect.scatter.add.f32 [tilespmem:s21], [sflag:$0x7], $0x10, s12, s15, $0xb8;
	[tilespmem:$0x1F5C0] =	vst v63  }
0x263: {  	_ =	swait.ge [sflag:s29], $0x500  }
0x264: {  	[sflag:s29] =	ssyncset.done $0x0  }
0x265: {  	[sflag:s29] =	ssyncadd.s32 $0xFFFFFB00  }
0x266: {  	s7 =	simm.s32 $0xA0  }
0x267: {  	[tilespmem:s30], [sflag:$0x3] =	stream.indirect.gather [hbm4b:s20+s15], $0x80, s7, s15, $0xb8;
	[tilespmem:$0x1F5C0] =	vst v63  }
.Ltmp3:
0x268: {  	s10 =	sadd.s32 s0, s18;
	(pc) =	sbr.rel .LBB2_2-.Ltmp3, $4  }
0x269: {  	s7 =	sadd.s32 $0x5A, s10  }
0x26a: {  	[tilespmem:s19], [sflag:$0x4] =	stream.linear.gather [hbm4b:s7+s17], $0xF0, $0x38;
	[tilespmem:$0x1F5C0] =	vst v63  }
0x26b: {  	s28 =	sadd.s32 s0, s24;
	s0 =	sadd.s32 $0x3C, s0  }
0x26c: {  	[tilespmem:s14], [sflag:$0x4] =	stream.linear.gather [hbm4b:s28+s17], $0xF0, $0x38;
	[tilespmem:$0x1F5C0] =	vst v63  }
.LBB2_5:
0x26d: {  	_ =	sfence.sel $0x180000  }
0x26e: {  	[bflag:$0x0] =	sbarrier.arrive $0xFFFF  }
0x26f: {  	_ =	strace $0x90000047  }
0x270: {  	s0 =	stileid.u32;
	[bflag:$0x2] =	sbarrier.arrive $0xFFFF  }
0x271: {  	p0 =	sne.s32 s0, $0x0;
	s0 =	rddreg [dreg:$0x6]  }
0x272: {  	s0 =	sadd.s32 @!p0 $0x100000, s0  }
0x273: {  	[sflag:s0] =	ssyncadd.tile.s32 @!p0 $0x1;
	_ =	shalt  }
.Lfunc_end2:
_tile_overlayer_lowered:
.L_overlay_start_2:
0x274: {  	(tag) =	ssettag $0x2  }
0x275: {  	s0 =	rddreg [dreg:$0x0];
	s2 =	stileid.u32  }
0x276: {  	s1 =	rddreg [dreg:$0x1];
	p0 =	sne.s32 s2, $0x0  }
0x277: {  	s3 =	rddreg [dreg:$0x2];
	[bflag:$0x3] =	sbarrier.arrive $0xFFFF;
	s2 =	simm.s32 @!p0 $0x1C07  }
0x278: {  	[timem:s3], [sflag:s2] =	dma.local @!p0 [hbm:s0], s1  }
0x279: {  	s0 =	simm.s32 @!p0 $0x7  }
0x27a: {  	_ =	swait.ge @!p0 [sflag:s0], s1  }
0x27b: {  	s1 =	ssub.s32 @!p0 $0x0, s1;
	[sflag:s0] =	ssyncset.done @!p0 $0x0  }
0x27c: {  	[sflag:s0] =	ssyncadd.s32 @!p0 s1  }
0x27d: {  	[bflag:$0x3] =	sbarrier.arrive $0xFFFF  }
0x27e: {  	_ =	shalt  }

</sc_bundles>
